<compile_context>
chip_gen: v7x
topology: tpu7x:2x2x1
jax: 0.10.2.dev20260603
libtpu: 0.0.44.dev20260713+nightly
codegen_flags: <defaults>
</compile_context>

<pallas_src>
import dataclasses

import jax
import jax.numpy as jnp
from jax import lax
from jax.experimental import pallas as pl
from jax.experimental.pallas import tpu as pltpu
from jax.experimental.pallas import tpu_sc as plsc

B = 1024
C = 100000
L = 5
NC, NS = 2, 16
NW = NC * NS
RPW = B // NW
NG = RPW // 8
SCC = 52 * 128
NSCC = 15
CMAIN = NSCC * SCC
CTAIL = C - CMAIN


def _temp_kernel(ns_ref, lab_ref, labt_ref, invt_ref):
    lab = lab_ref[...]
    labt = labt_ref[...]
    s_col = jnp.zeros((B, 1), jnp.int32)
    s_row = jnp.zeros((1, B), jnp.int32)
    for i in range(L):
        for j in range(L):
            s_col += (lab[:, i:i + 1] == lab[:, j:j + 1]).astype(jnp.int32)
            s_row += (labt[i:i + 1, :] == labt[j:j + 1, :]).astype(jnp.int32)
    b_i = lax.broadcasted_iota(jnp.int32, (B, B), 0)
    b_j = lax.broadcasted_iota(jnp.int32, (B, B), 1)
    before = (s_row > s_col) | ((s_row == s_col) & (b_j < b_i))
    rank = jnp.sum(before.astype(jnp.int32), axis=1, keepdims=True)
    ns = ns_ref[0, 0]
    invt_ref[...] = jnp.where(rank < ns, 1.0, 0.5).astype(jnp.float32)


def _sc_lse_kernel(x_ref, lab_ref, invt_ref, s_out, g_out,
                   b0, b1, invt_v, labs_v, souv, gouv, s0, s1):
    wid = lax.axis_index("s") * NC + lax.axis_index("c")
    base_row = wid * RPW
    pltpu.sync_copy(invt_ref, invt_v)
    pltpu.sync_copy(lab_ref.at[pl.ds(base_row, RPW)], labs_v)
    iota16 = lax.broadcasted_iota(jnp.int32, (16,), 0)
    ntot = NG * NSCC
    zero = jnp.zeros((16,), jnp.float32)
    for k in range(RPW):
        souv[pl.ds(k * 16, 16)] = zero
        gouv[pl.ds(k * 16, 16)] = zero

    def chunk_src(j):
        return x_ref.at[pl.ds(base_row + (j // NSCC) * 8, 8),
                        pl.ds((j % NSCC) * SCC, SCC)]

    bufs = (b0, b1)
    sems = (s0, s1)
    for j0 in range(2):
        pltpu.make_async_copy(chunk_src(j0), bufs[j0], sems[j0]).start()

    def process(j, buf, sem):
        pltpu.make_async_copy(chunk_src(j), buf, sem).wait()
        g8 = j // NSCC
        c0 = (j % NSCC) * SCC
        for r8 in range(8):
            rloc = g8 * 8 + r8
            w = plsc.load_gather(
                invt_v, [jnp.full((16,), base_row + rloc, jnp.int32)])

            def inner(k, a, _r8=r8, _w=w):
                o = k * 128
                t = None
                for u in range(8):
                    v = buf[_r8, pl.ds(o + u * 16, 16)]
                    e = jnp.exp(v * _w)
                    t = e if t is None else t + e
                return a + t

            s_c = lax.fori_loop(0, SCC // 128, inner, zero)
            idx = rloc * 16 + iota16
            plsc.addupdate_scatter(souv, [idx], s_c)
            labs = plsc.load_gather(
                labs_v, [jnp.full((16,), rloc, jnp.int32),
                         jnp.minimum(iota16, L - 1)])
            local = labs - c0
            valid = (local >= 0) & (local < SCC) & (iota16 < L)
            cl = jnp.maximum(jnp.minimum(local, SCC - 1), 0)
            vals = plsc.load_gather(buf, [jnp.full((16,), r8, jnp.int32), cl])
            plsc.addupdate_scatter(gouv, [idx],
                                   jnp.where(valid, vals, zero))

        @pl.when(j + 2 < ntot)
        def _():
            pltpu.make_async_copy(chunk_src(j + 2), buf, sem).start()

    def pair(j2, _):
        for q in range(2):
            process(j2 * 2 + q, bufs[q], sems[q])
        return 0

    lax.fori_loop(0, ntot // 2, pair, 0)
    pltpu.sync_copy(souv, s_out.at[pl.ds(base_row * 16, RPW * 16)])
    pltpu.sync_copy(gouv, g_out.at[pl.ds(base_row * 16, RPW * 16)])


def _tail_kernel(x_ref, lab_ref, invt_ref, s_ref, g_ref):
    x = x_ref[...]
    lab = lab_ref[...]
    invt = invt_ref[...]
    s_ref[...] = jnp.sum(jnp.exp(x * invt), axis=1, keepdims=True)
    cols = CMAIN + lax.broadcasted_iota(jnp.int32, (B, CTAIL), 1)
    g = jnp.zeros((B, 1), jnp.float32)
    for l in range(L):
        m = cols == lab[:, l:l + 1]
        g = g + jnp.sum(jnp.where(m, x, 0.0), axis=1, keepdims=True)
    g_ref[...] = g


def _combine_kernel(scs_ref, scg_ref, st_ref, gt_ref, invt_ref, out_ref):
    s = jnp.sum(scs_ref[...], axis=1, keepdims=True) + st_ref[...]
    lse = jnp.log(s)
    g = (jnp.sum(scg_ref[...], axis=1, keepdims=True)
         + gt_ref[...]) * (1.0 / L)
    out_ref[...] = jnp.full(
        (1, 1), jnp.sum(lse - invt_ref[...] * g) * (1.0 / B), jnp.float32)


def kernel(outputs, labels, session_len, epoch):
    del session_len
    p = 5
    sample_percent = jnp.minimum(
        1.0, ((1 - 0.2 ** p) * epoch / 80 + 0.2 ** p) ** (1.0 / p))
    num_samples = jnp.floor(sample_percent * B).astype(jnp.int32)
    ns_arr = jnp.reshape(num_samples, (1, 1))

    invt = pl.pallas_call(
        _temp_kernel,
        in_specs=[
            pl.BlockSpec(memory_space=pltpu.SMEM),
            pl.BlockSpec(memory_space=pltpu.VMEM),
            pl.BlockSpec(memory_space=pltpu.VMEM),
        ],
        out_specs=pl.BlockSpec(memory_space=pltpu.VMEM),
        out_shape=jax.ShapeDtypeStruct((B, 1), jnp.float32),
    )(ns_arr, labels, labels.T)

    sc_params = pltpu.CompilerParams()
    if "needs_layout_passes" in pltpu.CompilerParams.__dataclass_fields__:
        sc_params = dataclasses.replace(sc_params, needs_layout_passes=False)
    scs, scg = pl.kernel(
        _sc_lse_kernel,
        out_type=(jax.ShapeDtypeStruct((B * 16,), jnp.float32),
                  jax.ShapeDtypeStruct((B * 16,), jnp.float32)),
        compiler_params=sc_params,
        mesh=plsc.VectorSubcoreMesh(
            core_axis_name="c", subcore_axis_name="s",
            num_cores=NC, num_subcores=NS),
        scratch_types=[
            pltpu.VMEM((8, SCC), jnp.float32),
            pltpu.VMEM((8, SCC), jnp.float32),
            pltpu.VMEM((B,), jnp.float32),
            pltpu.VMEM((RPW, L), jnp.int32),
            pltpu.VMEM((RPW * 16,), jnp.float32),
            pltpu.VMEM((RPW * 16,), jnp.float32),
            pltpu.SemaphoreType.DMA,
            pltpu.SemaphoreType.DMA,
        ],
    )(outputs, labels, invt[:, 0])

    x_tail = lax.slice(outputs, (0, CMAIN), (B, C))
    s_tail, g_tail = pl.pallas_call(
        _tail_kernel,
        in_specs=[pl.BlockSpec(memory_space=pltpu.VMEM)] * 3,
        out_specs=(pl.BlockSpec(memory_space=pltpu.VMEM),
                   pl.BlockSpec(memory_space=pltpu.VMEM)),
        out_shape=(jax.ShapeDtypeStruct((B, 1), jnp.float32),
                   jax.ShapeDtypeStruct((B, 1), jnp.float32)),
    )(x_tail, labels, invt)

    loss2d = pl.pallas_call(
        _combine_kernel,
        in_specs=[pl.BlockSpec(memory_space=pltpu.VMEM)] * 5,
        out_specs=pl.BlockSpec(memory_space=pltpu.VMEM),
        out_shape=jax.ShapeDtypeStruct((1, 1), jnp.float32),
    )(scs.reshape(B, 16), scg.reshape(B, 16), s_tail, g_tail, invt)
    return loss2d[0, 0]

# --- scband reference (transcript-rebuilt; emitter-appended) ---
"""Pipeline reference for scband-ce-loss-mt-31164282700296 (READ-ONLY COPY).

The authoritative reference and input builder live on the scoring server;
editing this copy changes nothing except your own understanding.
"""

import jax, jax.numpy as jnp
import numpy as np

BATCH = 1024
NUM_CLASSES = 100000
LABELS_PER_SAMPLE = 5


def labels_to_probs(labels, num_classes):
    # labels: int[B, L] -- dense representation of list-of-lists with L positives per sample
    B, L = labels.shape
    sample_indices = jnp.repeat(jnp.arange(B, dtype=jnp.int32), L)
    label_values = labels.reshape(-1).astype(jnp.int32)
    scales = jnp.full((B * L,), 1.0 / L, dtype=jnp.float32)
    linear_indices = sample_indices * num_classes + label_values
    flat_probs = jnp.zeros(B * num_classes, dtype=jnp.float32).at[linear_indices].add(scales)
    return flat_probs.reshape(B, num_classes)


def setup_inputs(seed: int = 0) -> dict:
    key = jax.random.key(seed)
    k1, k2 = jax.random.split(key)
    outputs = jax.random.normal(k1, (BATCH, NUM_CLASSES), dtype=jnp.float32)
    labels = jax.random.randint(k2, (BATCH, LABELS_PER_SAMPLE), 0, NUM_CLASSES, dtype=jnp.int32)
    return {"outputs": outputs, "labels": labels, "session_len": 50, "epoch": 10}


def reference(outputs, labels, session_len, epoch):
    B = outputs.shape[0]
    train_targets = labels_to_probs(labels, NUM_CLASSES)
    # cl = True branch (curriculum learning)
    target_entropy = -jnp.sum(train_targets * jnp.log(train_targets + 1e-10), axis=1)
    log_sm = jax.nn.log_softmax(outputs, axis=1)
    cross_entropy = -jnp.sum(train_targets * log_sm, axis=1)
    kl_divergence = cross_entropy - target_entropy  # computed as in original (unused downstream)
    sorted_indices = jnp.argsort(target_entropy)
    p = 5
    sample_percent = jnp.minimum(1.0, ((1 - 0.2 ** p) * epoch / 80 + 0.2 ** p) ** (1.0 / p))
    num_samples = jnp.floor(sample_percent * B).astype(jnp.int32)
    temperature = jnp.ones((B,), dtype=jnp.float32) * 2.0
    selected_values = jnp.where(jnp.arange(B) < num_samples, 1.0, 2.0).astype(jnp.float32)
    temperature = temperature.at[sorted_indices].set(selected_values)
    outputs_scaled = outputs / temperature[:, None]
    # nn.CrossEntropyLoss with soft (probability) targets, mean reduction
    loss = jnp.mean(-jnp.sum(train_targets * jax.nn.log_softmax(outputs_scaled, axis=1), axis=1))
    return loss

if __name__ == "__main__":
    import jax
    _d = setup_inputs()
    print(jax.jit(kernel)(*tuple(_d.values())))

</pallas_src>

<mosaic_0001>
#map = affine_map<(d0, d1) -> (0, 0)>
#map1 = affine_map<(d0, d1) -> (0)>
module attributes {stable_mosaic.version = 14 : i64} {
  func.func @_sc_lse_kernel(%arg0: i32, %arg1: i32, %arg2: memref<1024x100000xf32, #tpu.memory_space<hbm>>, %arg3: memref<1024x5xi32, #tpu.memory_space<hbm>>, %arg4: memref<1024xf32, #tpu.memory_space<hbm>>, %arg5: memref<16384xf32, #tpu.memory_space<hbm>>, %arg6: memref<16384xf32, #tpu.memory_space<hbm>>, %arg7: memref<8x6656xf32, #tpu.memory_space<vmem>>, %arg8: memref<8x6656xf32, #tpu.memory_space<vmem>>, %arg9: memref<1024xf32, #tpu.memory_space<vmem>>, %arg10: memref<32x5xi32, #tpu.memory_space<vmem>>, %arg11: memref<512xf32, #tpu.memory_space<vmem>>, %arg12: memref<512xf32, #tpu.memory_space<vmem>>, %arg13: memref<!tpu.dma_semaphore, #tpu.memory_space<semaphore_mem>>, %arg14: memref<!tpu.dma_semaphore, #tpu.memory_space<semaphore_mem>>) attributes {dimension_semantics = [#tpu.dimension_semantics<core_parallel>, #tpu.dimension_semantics<subcore_parallel>], iteration_bounds = array<i64: 2, 16>, scalar_prefetch = 0 : i64, scratch_operands = 8 : i64, tpu.core_type = #tpu.core_type<sc_vector_subcore>, window_params = [{transform_indices = #map}, {transform_indices = #map}, {transform_indices = #map1}, {transform_indices = #map1}, {transform_indices = #map1}]} {
    %mul3A = arith.constant 2 : i32
    %mul3A_0 = arith.muli %arg1, %mul3A : i32
    %add3A = arith.addi %mul3A_0, %arg0 : i32
    %mul3A_1 = arith.constant 32 : i32
    %mul3A_2 = arith.muli %add3A, %mul3A_1 : i32
    "tpu.region"() ({
      %run_scoped3A = tpu.sem_alloc : memref<!tpu.dma_semaphore, #tpu.memory_space<semaphore_mem>>
      tpu.enqueue_dma source(%arg4 : memref<1024xf32, #tpu.memory_space<hbm>>) target(%arg9 : memref<1024xf32, #tpu.memory_space<vmem>>) target_semaphore(%run_scoped3A : memref<!tpu.dma_semaphore, #tpu.memory_space<semaphore_mem>>)
      tpu.wait_dma2 semaphore(%run_scoped3A : memref<!tpu.dma_semaphore, #tpu.memory_space<semaphore_mem>>) src(%arg4 : memref<1024xf32, #tpu.memory_space<hbm>>) dst(%arg9 : memref<1024xf32, #tpu.memory_space<vmem>>)
      tpu.yield
    }) : () -> ()
    "tpu.region"() ({
      %run_scoped3A = tpu.sem_alloc : memref<!tpu.dma_semaphore, #tpu.memory_space<semaphore_mem>>
      %dma_start3A_152 = arith.constant 0 : i32
      %dma_start3A_153 = tpu.memref_slice %arg3[%mul3A_2, %dma_start3A_152] : memref<1024x5xi32, #tpu.memory_space<hbm>> -> memref<32x5xi32, #tpu.memory_space<hbm>>
      %dma_start3A_154 = arith.constant 0 : i32
      %dma_start3A_155 = tpu.memref_slice %arg3[%mul3A_2, %dma_start3A_154] : memref<1024x5xi32, #tpu.memory_space<hbm>> -> memref<32x5xi32, #tpu.memory_space<hbm>>
      tpu.enqueue_dma source(%dma_start3A_155 : memref<32x5xi32, #tpu.memory_space<hbm>>) target(%arg10 : memref<32x5xi32, #tpu.memory_space<vmem>>) target_semaphore(%run_scoped3A : memref<!tpu.dma_semaphore, #tpu.memory_space<semaphore_mem>>)
      %dma_wait3A = arith.constant 0 : i32
      %dma_wait3A_156 = tpu.memref_slice %arg3[%mul3A_2, %dma_wait3A] : memref<1024x5xi32, #tpu.memory_space<hbm>> -> memref<32x5xi32, #tpu.memory_space<hbm>>
      %dma_wait3A_157 = arith.constant 0 : i32
      %dma_wait3A_158 = tpu.memref_slice %arg3[%mul3A_2, %dma_wait3A_157] : memref<1024x5xi32, #tpu.memory_space<hbm>> -> memref<32x5xi32, #tpu.memory_space<hbm>>
      tpu.wait_dma2 semaphore(%run_scoped3A : memref<!tpu.dma_semaphore, #tpu.memory_space<semaphore_mem>>) src(%dma_wait3A_158 : memref<32x5xi32, #tpu.memory_space<hbm>>) dst(%arg10 : memref<32x5xi32, #tpu.memory_space<vmem>>)
      tpu.yield
    }) : () -> ()
    %iota3A = tpu.iota {dimensions = array<i32: 0>} : vector<16xi32>
    %broadcast_in_dim3A = arith.constant 0.000000e+00 : f32
    %broadcast_in_dim3A_3 = vector.broadcast %broadcast_in_dim3A : f32 to vector<16xf32>
    %swap3A = arith.constant 0 : index
    %swap3A_4 = tpu.vector_load %arg11[%swap3A] {strides = array<i32>} : memref<512xf32, #tpu.memory_space<vmem>>, vector<16xf32>,
    tpu.vector_store %arg11[%swap3A], %broadcast_in_dim3A_3 {strides = array<i32>} : memref<512xf32, #tpu.memory_space<vmem>>, vector<16xf32>,
    %swap3A_5 = arith.constant 0 : index
    %swap3A_6 = tpu.vector_load %arg12[%swap3A_5] {strides = array<i32>} : memref<512xf32, #tpu.memory_space<vmem>>, vector<16xf32>,
    tpu.vector_store %arg12[%swap3A_5], %broadcast_in_dim3A_3 {strides = array<i32>} : memref<512xf32, #tpu.memory_space<vmem>>, vector<16xf32>,
    %swap3A_7 = arith.constant 16 : index
    %swap3A_8 = tpu.vector_load %arg11[%swap3A_7] {strides = array<i32>} : memref<512xf32, #tpu.memory_space<vmem>>, vector<16xf32>,
    tpu.vector_store %arg11[%swap3A_7], %broadcast_in_dim3A_3 {strides = array<i32>} : memref<512xf32, #tpu.memory_space<vmem>>, vector<16xf32>,
    %swap3A_9 = arith.constant 16 : index
    %swap3A_10 = tpu.vector_load %arg12[%swap3A_9] {strides = array<i32>} : memref<512xf32, #tpu.memory_space<vmem>>, vector<16xf32>,
    tpu.vector_store %arg12[%swap3A_9], %broadcast_in_dim3A_3 {strides = array<i32>} : memref<512xf32, #tpu.memory_space<vmem>>, vector<16xf32>,
    %swap3A_11 = arith.constant 32 : index
    %swap3A_12 = tpu.vector_load %arg11[%swap3A_11] {strides = array<i32>} : memref<512xf32, #tpu.memory_space<vmem>>, vector<16xf32>,
    tpu.vector_store %arg11[%swap3A_11], %broadcast_in_dim3A_3 {strides = array<i32>} : memref<512xf32, #tpu.memory_space<vmem>>, vector<16xf32>,
    %swap3A_13 = arith.constant 32 : index
    %swap3A_14 = tpu.vector_load %arg12[%swap3A_13] {strides = array<i32>} : memref<512xf32, #tpu.memory_space<vmem>>, vector<16xf32>,
    tpu.vector_store %arg12[%swap3A_13], %broadcast_in_dim3A_3 {strides = array<i32>} : memref<512xf32, #tpu.memory_space<vmem>>, vector<16xf32>,
    %swap3A_15 = arith.constant 48 : index
    %swap3A_16 = tpu.vector_load %arg11[%swap3A_15] {strides = array<i32>} : memref<512xf32, #tpu.memory_space<vmem>>, vector<16xf32>,
    tpu.vector_store %arg11[%swap3A_15], %broadcast_in_dim3A_3 {strides = array<i32>} : memref<512xf32, #tpu.memory_space<vmem>>, vector<16xf32>,
    %swap3A_17 = arith.constant 48 : index
    %swap3A_18 = tpu.vector_load %arg12[%swap3A_17] {strides = array<i32>} : memref<512xf32, #tpu.memory_space<vmem>>, vector<16xf32>,
    tpu.vector_store %arg12[%swap3A_17], %broadcast_in_dim3A_3 {strides = array<i32>} : memref<512xf32, #tpu.memory_space<vmem>>, vector<16xf32>,
    %swap3A_19 = arith.constant 64 : index
    %swap3A_20 = tpu.vector_load %arg11[%swap3A_19] {strides = array<i32>} : memref<512xf32, #tpu.memory_space<vmem>>, vector<16xf32>,
    tpu.vector_store %arg11[%swap3A_19], %broadcast_in_dim3A_3 {strides = array<i32>} : memref<512xf32, #tpu.memory_space<vmem>>, vector<16xf32>,
    %swap3A_21 = arith.constant 64 : index
    %swap3A_22 = tpu.vector_load %arg12[%swap3A_21] {strides = array<i32>} : memref<512xf32, #tpu.memory_space<vmem>>, vector<16xf32>,
    tpu.vector_store %arg12[%swap3A_21], %broadcast_in_dim3A_3 {strides = array<i32>} : memref<512xf32, #tpu.memory_space<vmem>>, vector<16xf32>,
    %swap3A_23 = arith.constant 80 : index
    %swap3A_24 = tpu.vector_load %arg11[%swap3A_23] {strides = array<i32>} : memref<512xf32, #tpu.memory_space<vmem>>, vector<16xf32>,
    tpu.vector_store %arg11[%swap3A_23], %broadcast_in_dim3A_3 {strides = array<i32>} : memref<512xf32, #tpu.memory_space<vmem>>, vector<16xf32>,
    %swap3A_25 = arith.constant 80 : index
    %swap3A_26 = tpu.vector_load %arg12[%swap3A_25] {strides = array<i32>} : memref<512xf32, #tpu.memory_space<vmem>>, vector<16xf32>,
    tpu.vector_store %arg12[%swap3A_25], %broadcast_in_dim3A_3 {strides = array<i32>} : memref<512xf32, #tpu.memory_space<vmem>>, vector<16xf32>,
    %swap3A_27 = arith.constant 96 : index
    %swap3A_28 = tpu.vector_load %arg11[%swap3A_27] {strides = array<i32>} : memref<512xf32, #tpu.memory_space<vmem>>, vector<16xf32>,
    tpu.vector_store %arg11[%swap3A_27], %broadcast_in_dim3A_3 {strides = array<i32>} : memref<512xf32, #tpu.memory_space<vmem>>, vector<16xf32>,
    %swap3A_29 = arith.constant 96 : index
    %swap3A_30 = tpu.vector_load %arg12[%swap3A_29] {strides = array<i32>} : memref<512xf32, #tpu.memory_space<vmem>>, vector<16xf32>,
    tpu.vector_store %arg12[%swap3A_29], %broadcast_in_dim3A_3 {strides = array<i32>} : memref<512xf32, #tpu.memory_space<vmem>>, vector<16xf32>,
    %swap3A_31 = arith.constant 112 : index
    %swap3A_32 = tpu.vector_load %arg11[%swap3A_31] {strides = array<i32>} : memref<512xf32, #tpu.memory_space<vmem>>, vector<16xf32>,
    tpu.vector_store %arg11[%swap3A_31], %broadcast_in_dim3A_3 {strides = array<i32>} : memref<512xf32, #tpu.memory_space<vmem>>, vector<16xf32>,
    %swap3A_33 = arith.constant 112 : index
    %swap3A_34 = tpu.vector_load %arg12[%swap3A_33] {strides = array<i32>} : memref<512xf32, #tpu.memory_space<vmem>>, vector<16xf32>,
    tpu.vector_store %arg12[%swap3A_33], %broadcast_in_dim3A_3 {strides = array<i32>} : memref<512xf32, #tpu.memory_space<vmem>>, vector<16xf32>,
    %swap3A_35 = arith.constant 128 : index
    %swap3A_36 = tpu.vector_load %arg11[%swap3A_35] {strides = array<i32>} : memref<512xf32, #tpu.memory_space<vmem>>, vector<16xf32>,
    tpu.vector_store %arg11[%swap3A_35], %broadcast_in_dim3A_3 {strides = array<i32>} : memref<512xf32, #tpu.memory_space<vmem>>, vector<16xf32>,
    %swap3A_37 = arith.constant 128 : index
    %swap3A_38 = tpu.vector_load %arg12[%swap3A_37] {strides = array<i32>} : memref<512xf32, #tpu.memory_space<vmem>>, vector<16xf32>,
    tpu.vector_store %arg12[%swap3A_37], %broadcast_in_dim3A_3 {strides = array<i32>} : memref<512xf32, #tpu.memory_space<vmem>>, vector<16xf32>,
    %swap3A_39 = arith.constant 144 : index
    %swap3A_40 = tpu.vector_load %arg11[%swap3A_39] {strides = array<i32>} : memref<512xf32, #tpu.memory_space<vmem>>, vector<16xf32>,
    tpu.vector_store %arg11[%swap3A_39], %broadcast_in_dim3A_3 {strides = array<i32>} : memref<512xf32, #tpu.memory_space<vmem>>, vector<16xf32>,
    %swap3A_41 = arith.constant 144 : index
    %swap3A_42 = tpu.vector_load %arg12[%swap3A_41] {strides = array<i32>} : memref<512xf32, #tpu.memory_space<vmem>>, vector<16xf32>,
    tpu.vector_store %arg12[%swap3A_41], %broadcast_in_dim3A_3 {strides = array<i32>} : memref<512xf32, #tpu.memory_space<vmem>>, vector<16xf32>,
    %swap3A_43 = arith.constant 160 : index
    %swap3A_44 = tpu.vector_load %arg11[%swap3A_43] {strides = array<i32>} : memref<512xf32, #tpu.memory_space<vmem>>, vector<16xf32>,
    tpu.vector_store %arg11[%swap3A_43], %broadcast_in_dim3A_3 {strides = array<i32>} : memref<512xf32, #tpu.memory_space<vmem>>, vector<16xf32>,
    %swap3A_45 = arith.constant 160 : index
    %swap3A_46 = tpu.vector_load %arg12[%swap3A_45] {strides = array<i32>} : memref<512xf32, #tpu.memory_space<vmem>>, vector<16xf32>,
    tpu.vector_store %arg12[%swap3A_45], %broadcast_in_dim3A_3 {strides = array<i32>} : memref<512xf32, #tpu.memory_space<vmem>>, vector<16xf32>,
    %swap3A_47 = arith.constant 176 : index
    %swap3A_48 = tpu.vector_load %arg11[%swap3A_47] {strides = array<i32>} : memref<512xf32, #tpu.memory_space<vmem>>, vector<16xf32>,
    tpu.vector_store %arg11[%swap3A_47], %broadcast_in_dim3A_3 {strides = array<i32>} : memref<512xf32, #tpu.memory_space<vmem>>, vector<16xf32>,
    %swap3A_49 = arith.constant 176 : index
    %swap3A_50 = tpu.vector_load %arg12[%swap3A_49] {strides = array<i32>} : memref<512xf32, #tpu.memory_space<vmem>>, vector<16xf32>,
    tpu.vector_store %arg12[%swap3A_49], %broadcast_in_dim3A_3 {strides = array<i32>} : memref<512xf32, #tpu.memory_space<vmem>>, vector<16xf32>,
    %swap3A_51 = arith.constant 192 : index
    %swap3A_52 = tpu.vector_load %arg11[%swap3A_51] {strides = array<i32>} : memref<512xf32, #tpu.memory_space<vmem>>, vector<16xf32>,
    tpu.vector_store %arg11[%swap3A_51], %broadcast_in_dim3A_3 {strides = array<i32>} : memref<512xf32, #tpu.memory_space<vmem>>, vector<16xf32>,
    %swap3A_53 = arith.constant 192 : index
    %swap3A_54 = tpu.vector_load %arg12[%swap3A_53] {strides = array<i32>} : memref<512xf32, #tpu.memory_space<vmem>>, vector<16xf32>,
    tpu.vector_store %arg12[%swap3A_53], %broadcast_in_dim3A_3 {strides = array<i32>} : memref<512xf32, #tpu.memory_space<vmem>>, vector<16xf32>,
    %swap3A_55 = arith.constant 208 : index
    %swap3A_56 = tpu.vector_load %arg11[%swap3A_55] {strides = array<i32>} : memref<512xf32, #tpu.memory_space<vmem>>, vector<16xf32>,
    tpu.vector_store %arg11[%swap3A_55], %broadcast_in_dim3A_3 {strides = array<i32>} : memref<512xf32, #tpu.memory_space<vmem>>, vector<16xf32>,
    %swap3A_57 = arith.constant 208 : index
    %swap3A_58 = tpu.vector_load %arg12[%swap3A_57] {strides = array<i32>} : memref<512xf32, #tpu.memory_space<vmem>>, vector<16xf32>,
    tpu.vector_store %arg12[%swap3A_57], %broadcast_in_dim3A_3 {strides = array<i32>} : memref<512xf32, #tpu.memory_space<vmem>>, vector<16xf32>,
    %swap3A_59 = arith.constant 224 : index
    %swap3A_60 = tpu.vector_load %arg11[%swap3A_59] {strides = array<i32>} : memref<512xf32, #tpu.memory_space<vmem>>, vector<16xf32>,
    tpu.vector_store %arg11[%swap3A_59], %broadcast_in_dim3A_3 {strides = array<i32>} : memref<512xf32, #tpu.memory_space<vmem>>, vector<16xf32>,
    %swap3A_61 = arith.constant 224 : index
    %swap3A_62 = tpu.vector_load %arg12[%swap3A_61] {strides = array<i32>} : memref<512xf32, #tpu.memory_space<vmem>>, vector<16xf32>,
    tpu.vector_store %arg12[%swap3A_61], %broadcast_in_dim3A_3 {strides = array<i32>} : memref<512xf32, #tpu.memory_space<vmem>>, vector<16xf32>,
    %swap3A_63 = arith.constant 240 : index
    %swap3A_64 = tpu.vector_load %arg11[%swap3A_63] {strides = array<i32>} : memref<512xf32, #tpu.memory_space<vmem>>, vector<16xf32>,
    tpu.vector_store %arg11[%swap3A_63], %broadcast_in_dim3A_3 {strides = array<i32>} : memref<512xf32, #tpu.memory_space<vmem>>, vector<16xf32>,
    %swap3A_65 = arith.constant 240 : index
    %swap3A_66 = tpu.vector_load %arg12[%swap3A_65] {strides = array<i32>} : memref<512xf32, #tpu.memory_space<vmem>>, vector<16xf32>,
    tpu.vector_store %arg12[%swap3A_65], %broadcast_in_dim3A_3 {strides = array<i32>} : memref<512xf32, #tpu.memory_space<vmem>>, vector<16xf32>,
    %swap3A_67 = arith.constant 256 : index
    %swap3A_68 = tpu.vector_load %arg11[%swap3A_67] {strides = array<i32>} : memref<512xf32, #tpu.memory_space<vmem>>, vector<16xf32>,
    tpu.vector_store %arg11[%swap3A_67], %broadcast_in_dim3A_3 {strides = array<i32>} : memref<512xf32, #tpu.memory_space<vmem>>, vector<16xf32>,
    %swap3A_69 = arith.constant 256 : index
    %swap3A_70 = tpu.vector_load %arg12[%swap3A_69] {strides = array<i32>} : memref<512xf32, #tpu.memory_space<vmem>>, vector<16xf32>,
    tpu.vector_store %arg12[%swap3A_69], %broadcast_in_dim3A_3 {strides = array<i32>} : memref<512xf32, #tpu.memory_space<vmem>>, vector<16xf32>,
    %swap3A_71 = arith.constant 272 : index
    %swap3A_72 = tpu.vector_load %arg11[%swap3A_71] {strides = array<i32>} : memref<512xf32, #tpu.memory_space<vmem>>, vector<16xf32>,
    tpu.vector_store %arg11[%swap3A_71], %broadcast_in_dim3A_3 {strides = array<i32>} : memref<512xf32, #tpu.memory_space<vmem>>, vector<16xf32>,
    %swap3A_73 = arith.constant 272 : index
    %swap3A_74 = tpu.vector_load %arg12[%swap3A_73] {strides = array<i32>} : memref<512xf32, #tpu.memory_space<vmem>>, vector<16xf32>,
    tpu.vector_store %arg12[%swap3A_73], %broadcast_in_dim3A_3 {strides = array<i32>} : memref<512xf32, #tpu.memory_space<vmem>>, vector<16xf32>,
    %swap3A_75 = arith.constant 288 : index
    %swap3A_76 = tpu.vector_load %arg11[%swap3A_75] {strides = array<i32>} : memref<512xf32, #tpu.memory_space<vmem>>, vector<16xf32>,
    tpu.vector_store %arg11[%swap3A_75], %broadcast_in_dim3A_3 {strides = array<i32>} : memref<512xf32, #tpu.memory_space<vmem>>, vector<16xf32>,
    %swap3A_77 = arith.constant 288 : index
    %swap3A_78 = tpu.vector_load %arg12[%swap3A_77] {strides = array<i32>} : memref<512xf32, #tpu.memory_space<vmem>>, vector<16xf32>,
    tpu.vector_store %arg12[%swap3A_77], %broadcast_in_dim3A_3 {strides = array<i32>} : memref<512xf32, #tpu.memory_space<vmem>>, vector<16xf32>,
    %swap3A_79 = arith.constant 304 : index
    %swap3A_80 = tpu.vector_load %arg11[%swap3A_79] {strides = array<i32>} : memref<512xf32, #tpu.memory_space<vmem>>, vector<16xf32>,
    tpu.vector_store %arg11[%swap3A_79], %broadcast_in_dim3A_3 {strides = array<i32>} : memref<512xf32, #tpu.memory_space<vmem>>, vector<16xf32>,
    %swap3A_81 = arith.constant 304 : index
    %swap3A_82 = tpu.vector_load %arg12[%swap3A_81] {strides = array<i32>} : memref<512xf32, #tpu.memory_space<vmem>>, vector<16xf32>,
    tpu.vector_store %arg12[%swap3A_81], %broadcast_in_dim3A_3 {strides = array<i32>} : memref<512xf32, #tpu.memory_space<vmem>>, vector<16xf32>,
    %swap3A_83 = arith.constant 320 : index
    %swap3A_84 = tpu.vector_load %arg11[%swap3A_83] {strides = array<i32>} : memref<512xf32, #tpu.memory_space<vmem>>, vector<16xf32>,
    tpu.vector_store %arg11[%swap3A_83], %broadcast_in_dim3A_3 {strides = array<i32>} : memref<512xf32, #tpu.memory_space<vmem>>, vector<16xf32>,
    %swap3A_85 = arith.constant 320 : index
    %swap3A_86 = tpu.vector_load %arg12[%swap3A_85] {strides = array<i32>} : memref<512xf32, #tpu.memory_space<vmem>>, vector<16xf32>,
    tpu.vector_store %arg12[%swap3A_85], %broadcast_in_dim3A_3 {strides = array<i32>} : memref<512xf32, #tpu.memory_space<vmem>>, vector<16xf32>,
    %swap3A_87 = arith.constant 336 : index
    %swap3A_88 = tpu.vector_load %arg11[%swap3A_87] {strides = array<i32>} : memref<512xf32, #tpu.memory_space<vmem>>, vector<16xf32>,
    tpu.vector_store %arg11[%swap3A_87], %broadcast_in_dim3A_3 {strides = array<i32>} : memref<512xf32, #tpu.memory_space<vmem>>, vector<16xf32>,
    %swap3A_89 = arith.constant 336 : index
    %swap3A_90 = tpu.vector_load %arg12[%swap3A_89] {strides = array<i32>} : memref<512xf32, #tpu.memory_space<vmem>>, vector<16xf32>,
    tpu.vector_store %arg12[%swap3A_89], %broadcast_in_dim3A_3 {strides = array<i32>} : memref<512xf32, #tpu.memory_space<vmem>>, vector<16xf32>,
    %swap3A_91 = arith.constant 352 : index
    %swap3A_92 = tpu.vector_load %arg11[%swap3A_91] {strides = array<i32>} : memref<512xf32, #tpu.memory_space<vmem>>, vector<16xf32>,
    tpu.vector_store %arg11[%swap3A_91], %broadcast_in_dim3A_3 {strides = array<i32>} : memref<512xf32, #tpu.memory_space<vmem>>, vector<16xf32>,
    %swap3A_93 = arith.constant 352 : index
    %swap3A_94 = tpu.vector_load %arg12[%swap3A_93] {strides = array<i32>} : memref<512xf32, #tpu.memory_space<vmem>>, vector<16xf32>,
    tpu.vector_store %arg12[%swap3A_93], %broadcast_in_dim3A_3 {strides = array<i32>} : memref<512xf32, #tpu.memory_space<vmem>>, vector<16xf32>,
    %swap3A_95 = arith.constant 368 : index
    %swap3A_96 = tpu.vector_load %arg11[%swap3A_95] {strides = array<i32>} : memref<512xf32, #tpu.memory_space<vmem>>, vector<16xf32>,
    tpu.vector_store %arg11[%swap3A_95], %broadcast_in_dim3A_3 {strides = array<i32>} : memref<512xf32, #tpu.memory_space<vmem>>, vector<16xf32>,
    %swap3A_97 = arith.constant 368 : index
    %swap3A_98 = tpu.vector_load %arg12[%swap3A_97] {strides = array<i32>} : memref<512xf32, #tpu.memory_space<vmem>>, vector<16xf32>,
    tpu.vector_store %arg12[%swap3A_97], %broadcast_in_dim3A_3 {strides = array<i32>} : memref<512xf32, #tpu.memory_space<vmem>>, vector<16xf32>,
    %swap3A_99 = arith.constant 384 : index
    %swap3A_100 = tpu.vector_load %arg11[%swap3A_99] {strides = array<i32>} : memref<512xf32, #tpu.memory_space<vmem>>, vector<16xf32>,
    tpu.vector_store %arg11[%swap3A_99], %broadcast_in_dim3A_3 {strides = array<i32>} : memref<512xf32, #tpu.memory_space<vmem>>, vector<16xf32>,
    %swap3A_101 = arith.constant 384 : index
    %swap3A_102 = tpu.vector_load %arg12[%swap3A_101] {strides = array<i32>} : memref<512xf32, #tpu.memory_space<vmem>>, vector<16xf32>,
    tpu.vector_store %arg12[%swap3A_101], %broadcast_in_dim3A_3 {strides = array<i32>} : memref<512xf32, #tpu.memory_space<vmem>>, vector<16xf32>,
    %swap3A_103 = arith.constant 400 : index
    %swap3A_104 = tpu.vector_load %arg11[%swap3A_103] {strides = array<i32>} : memref<512xf32, #tpu.memory_space<vmem>>, vector<16xf32>,
    tpu.vector_store %arg11[%swap3A_103], %broadcast_in_dim3A_3 {strides = array<i32>} : memref<512xf32, #tpu.memory_space<vmem>>, vector<16xf32>,
    %swap3A_105 = arith.constant 400 : index
    %swap3A_106 = tpu.vector_load %arg12[%swap3A_105] {strides = array<i32>} : memref<512xf32, #tpu.memory_space<vmem>>, vector<16xf32>,
    tpu.vector_store %arg12[%swap3A_105], %broadcast_in_dim3A_3 {strides = array<i32>} : memref<512xf32, #tpu.memory_space<vmem>>, vector<16xf32>,
    %swap3A_107 = arith.constant 416 : index
    %swap3A_108 = tpu.vector_load %arg11[%swap3A_107] {strides = array<i32>} : memref<512xf32, #tpu.memory_space<vmem>>, vector<16xf32>,
    tpu.vector_store %arg11[%swap3A_107], %broadcast_in_dim3A_3 {strides = array<i32>} : memref<512xf32, #tpu.memory_space<vmem>>, vector<16xf32>,
    %swap3A_109 = arith.constant 416 : index
    %swap3A_110 = tpu.vector_load %arg12[%swap3A_109] {strides = array<i32>} : memref<512xf32, #tpu.memory_space<vmem>>, vector<16xf32>,
    tpu.vector_store %arg12[%swap3A_109], %broadcast_in_dim3A_3 {strides = array<i32>} : memref<512xf32, #tpu.memory_space<vmem>>, vector<16xf32>,
    %swap3A_111 = arith.constant 432 : index
    %swap3A_112 = tpu.vector_load %arg11[%swap3A_111] {strides = array<i32>} : memref<512xf32, #tpu.memory_space<vmem>>, vector<16xf32>,
    tpu.vector_store %arg11[%swap3A_111], %broadcast_in_dim3A_3 {strides = array<i32>} : memref<512xf32, #tpu.memory_space<vmem>>, vector<16xf32>,
    %swap3A_113 = arith.constant 432 : index
    %swap3A_114 = tpu.vector_load %arg12[%swap3A_113] {strides = array<i32>} : memref<512xf32, #tpu.memory_space<vmem>>, vector<16xf32>,
    tpu.vector_store %arg12[%swap3A_113], %broadcast_in_dim3A_3 {strides = array<i32>} : memref<512xf32, #tpu.memory_space<vmem>>, vector<16xf32>,
    %swap3A_115 = arith.constant 448 : index
    %swap3A_116 = tpu.vector_load %arg11[%swap3A_115] {strides = array<i32>} : memref<512xf32, #tpu.memory_space<vmem>>, vector<16xf32>,
    tpu.vector_store %arg11[%swap3A_115], %broadcast_in_dim3A_3 {strides = array<i32>} : memref<512xf32, #tpu.memory_space<vmem>>, vector<16xf32>,
    %swap3A_117 = arith.constant 448 : index
    %swap3A_118 = tpu.vector_load %arg12[%swap3A_117] {strides = array<i32>} : memref<512xf32, #tpu.memory_space<vmem>>, vector<16xf32>,
    tpu.vector_store %arg12[%swap3A_117], %broadcast_in_dim3A_3 {strides = array<i32>} : memref<512xf32, #tpu.memory_space<vmem>>, vector<16xf32>,
    %swap3A_119 = arith.constant 464 : index
    %swap3A_120 = tpu.vector_load %arg11[%swap3A_119] {strides = array<i32>} : memref<512xf32, #tpu.memory_space<vmem>>, vector<16xf32>,
    tpu.vector_store %arg11[%swap3A_119], %broadcast_in_dim3A_3 {strides = array<i32>} : memref<512xf32, #tpu.memory_space<vmem>>, vector<16xf32>,
    %swap3A_121 = arith.constant 464 : index
    %swap3A_122 = tpu.vector_load %arg12[%swap3A_121] {strides = array<i32>} : memref<512xf32, #tpu.memory_space<vmem>>, vector<16xf32>,
    tpu.vector_store %arg12[%swap3A_121], %broadcast_in_dim3A_3 {strides = array<i32>} : memref<512xf32, #tpu.memory_space<vmem>>, vector<16xf32>,
    %swap3A_123 = arith.constant 480 : index
    %swap3A_124 = tpu.vector_load %arg11[%swap3A_123] {strides = array<i32>} : memref<512xf32, #tpu.memory_space<vmem>>, vector<16xf32>,
    tpu.vector_store %arg11[%swap3A_123], %broadcast_in_dim3A_3 {strides = array<i32>} : memref<512xf32, #tpu.memory_space<vmem>>, vector<16xf32>,
    %swap3A_125 = arith.constant 480 : index
    %swap3A_126 = tpu.vector_load %arg12[%swap3A_125] {strides = array<i32>} : memref<512xf32, #tpu.memory_space<vmem>>, vector<16xf32>,
    tpu.vector_store %arg12[%swap3A_125], %broadcast_in_dim3A_3 {strides = array<i32>} : memref<512xf32, #tpu.memory_space<vmem>>, vector<16xf32>,
    %swap3A_127 = arith.constant 496 : index
    %swap3A_128 = tpu.vector_load %arg11[%swap3A_127] {strides = array<i32>} : memref<512xf32, #tpu.memory_space<vmem>>, vector<16xf32>,
    tpu.vector_store %arg11[%swap3A_127], %broadcast_in_dim3A_3 {strides = array<i32>} : memref<512xf32, #tpu.memory_space<vmem>>, vector<16xf32>,
    %swap3A_129 = arith.constant 496 : index
    %swap3A_130 = tpu.vector_load %arg12[%swap3A_129] {strides = array<i32>} : memref<512xf32, #tpu.memory_space<vmem>>, vector<16xf32>,
    tpu.vector_store %arg12[%swap3A_129], %broadcast_in_dim3A_3 {strides = array<i32>} : memref<512xf32, #tpu.memory_space<vmem>>, vector<16xf32>,
    %add3A_131 = arith.constant 0 : i32
    %add3A_132 = arith.addi %mul3A_2, %add3A_131 : i32
    %dma_start3A = arith.constant 0 : i32
    %dma_start3A_133 = tpu.memref_slice %arg2[%add3A_132, %dma_start3A] : memref<1024x100000xf32, #tpu.memory_space<hbm>> -> memref<8x6656xf32, #tpu.memory_space<hbm>>
    %dma_start3A_134 = arith.constant 0 : i32
    %dma_start3A_135 = tpu.memref_slice %arg2[%add3A_132, %dma_start3A_134] : memref<1024x100000xf32, #tpu.memory_space<hbm>> -> memref<8x6656xf32, #tpu.memory_space<hbm>>
    tpu.enqueue_dma source(%dma_start3A_135 : memref<8x6656xf32, #tpu.memory_space<hbm>>) target(%arg7 : memref<8x6656xf32, #tpu.memory_space<vmem>>) target_semaphore(%arg13 : memref<!tpu.dma_semaphore, #tpu.memory_space<semaphore_mem>>)
    %add3A_136 = arith.constant 0 : i32
    %add3A_137 = arith.addi %mul3A_2, %add3A_136 : i32
    %dma_start3A_138 = arith.constant 6656 : i32
    %dma_start3A_139 = tpu.memref_slice %arg2[%add3A_137, %dma_start3A_138] : memref<1024x100000xf32, #tpu.memory_space<hbm>> -> memref<8x6656xf32, #tpu.memory_space<hbm>>
    %dma_start3A_140 = arith.constant 6656 : i32
    %dma_start3A_141 = tpu.memref_slice %arg2[%add3A_137, %dma_start3A_140] : memref<1024x100000xf32, #tpu.memory_space<hbm>> -> memref<8x6656xf32, #tpu.memory_space<hbm>>
    tpu.enqueue_dma source(%dma_start3A_141 : memref<8x6656xf32, #tpu.memory_space<hbm>>) target(%arg8 : memref<8x6656xf32, #tpu.memory_space<vmem>>) target_semaphore(%arg14 : memref<!tpu.dma_semaphore, #tpu.memory_space<semaphore_mem>>)
    %scan3A = arith.constant 0 : i32
    %scan3A_142 = arith.constant 0 : i32
    %scan3A_143 = arith.constant 30 : i32
    %scan3A_144 = arith.addi %scan3A_142, %scan3A_143 : i32
    %scan3A_145 = arith.constant 1 : i32
    %scan3A_146 = scf.for %scan3A_152 = %scan3A_142 to %scan3A_144 step %scan3A_145 iter_args(%scan3A_153 = %scan3A) -> (i32)  : i32 {
      %mul3A_154 = arith.constant 2 : i32
      %mul3A_155 = arith.muli %scan3A_152, %mul3A_154 : i32
      %add3A_156 = arith.constant 0 : i32
      %add3A_157 = arith.addi %mul3A_155, %add3A_156 : i32
      %jit3A = arith.constant 15 : i32
      %div3A = arith.divsi %add3A_157, %jit3A : i32
      %sign3A = arith.constant 0 : i32
      %sign3A_158 = arith.cmpi sgt, %add3A_157, %sign3A : i32
      %sign3A_159 = arith.extui %sign3A_158 : i1 to i32
      %sign3A_160 = arith.constant 0 : i32
      %sign3A_161 = arith.cmpi slt, %add3A_157, %sign3A_160 : i32
      %sign3A_162 = arith.extui %sign3A_161 : i1 to i32
      %sign3A_163 = arith.subi %sign3A_159, %sign3A_162 : i32
      %sign3A_164 = arith.constant 0 : i32
      %sign3A_165 = arith.cmpi sgt, %jit3A, %sign3A_164 : i32
      %sign3A_166 = arith.extui %sign3A_165 : i1 to i32
      %sign3A_167 = arith.constant 0 : i32
      %sign3A_168 = arith.cmpi slt, %jit3A, %sign3A_167 : i32
      %sign3A_169 = arith.extui %sign3A_168 : i1 to i32
      %sign3A_170 = arith.subi %sign3A_166, %sign3A_169 : i32
      %ne3A = arith.cmpi ne, %sign3A_163, %sign3A_170 : i32
      %rem3A = arith.remsi %add3A_157, %jit3A : i32
      %ne3A_171 = arith.constant 0 : i32
      %ne3A_172 = arith.cmpi ne, %rem3A, %ne3A_171 : i32
      %and3A = arith.andi %ne3A, %ne3A_172 : i1
      %sub3A = arith.constant 1 : i32
      %sub3A_173 = arith.subi %div3A, %sub3A : i32
      %select_n3A = arith.select %and3A, %sub3A_173, %div3A : i32
      %mul3A_174 = arith.constant 8 : i32
      %mul3A_175 = arith.muli %select_n3A, %mul3A_174 : i32
      %add3A_176 = arith.addi %mul3A_2, %mul3A_175 : i32
      %jit3A_177 = arith.constant 15 : i32
      %eq3A = arith.constant 0 : i32
      %eq3A_178 = arith.cmpi eq, %jit3A_177, %eq3A : i32
      %jit3A_179 = arith.constant 1 : i32
      %select_n3A_180 = arith.select %eq3A_178, %jit3A_179, %jit3A_177 : i32
      %rem3A_181 = arith.remsi %add3A_157, %select_n3A_180 : i32
      %ne3A_182 = arith.constant 0 : i32
      %ne3A_183 = arith.cmpi ne, %rem3A_181, %ne3A_182 : i32
      %lt3A = arith.constant 0 : i32
      %lt3A_184 = arith.cmpi slt, %rem3A_181, %lt3A : i32
      %lt3A_185 = arith.constant 0 : i32
      %lt3A_186 = arith.cmpi slt, %select_n3A_180, %lt3A_185 : i32
      %ne3A_187 = arith.xori %lt3A_184, %lt3A_186 : i1
      %and3A_188 = arith.andi %ne3A_187, %ne3A_183 : i1
      %add3A_189 = arith.addi %rem3A_181, %select_n3A_180 : i32
      %select_n3A_190 = arith.select %and3A_188, %add3A_189, %rem3A_181 : i32
      %mul3A_191 = arith.constant 6656 : i32
      %mul3A_192 = arith.muli %select_n3A_190, %mul3A_191 : i32
      %dma_wait3A = tpu.memref_slice %arg2[%add3A_176, %mul3A_192] : memref<1024x100000xf32, #tpu.memory_space<hbm>> -> memref<8x6656xf32, #tpu.memory_space<hbm>>
      %dma_wait3A_193 = tpu.memref_slice %arg2[%add3A_176, %mul3A_192] : memref<1024x100000xf32, #tpu.memory_space<hbm>> -> memref<8x6656xf32, #tpu.memory_space<hbm>>
      tpu.wait_dma2 semaphore(%arg13 : memref<!tpu.dma_semaphore, #tpu.memory_space<semaphore_mem>>) src(%dma_wait3A_193 : memref<8x6656xf32, #tpu.memory_space<hbm>>) dst(%arg7 : memref<8x6656xf32, #tpu.memory_space<vmem>>)
      %jit3A_194 = arith.constant 15 : i32
      %div3A_195 = arith.divsi %add3A_157, %jit3A_194 : i32
      %sign3A_196 = arith.constant 0 : i32
      %sign3A_197 = arith.cmpi sgt, %add3A_157, %sign3A_196 : i32
      %sign3A_198 = arith.extui %sign3A_197 : i1 to i32
      %sign3A_199 = arith.constant 0 : i32
      %sign3A_200 = arith.cmpi slt, %add3A_157, %sign3A_199 : i32
      %sign3A_201 = arith.extui %sign3A_200 : i1 to i32
      %sign3A_202 = arith.subi %sign3A_198, %sign3A_201 : i32
      %sign3A_203 = arith.constant 0 : i32
      %sign3A_204 = arith.cmpi sgt, %jit3A_194, %sign3A_203 : i32
      %sign3A_205 = arith.extui %sign3A_204 : i1 to i32
      %sign3A_206 = arith.constant 0 : i32
      %sign3A_207 = arith.cmpi slt, %jit3A_194, %sign3A_206 : i32
      %sign3A_208 = arith.extui %sign3A_207 : i1 to i32
      %sign3A_209 = arith.subi %sign3A_205, %sign3A_208 : i32
      %ne3A_210 = arith.cmpi ne, %sign3A_202, %sign3A_209 : i32
      %rem3A_211 = arith.remsi %add3A_157, %jit3A_194 : i32
      %ne3A_212 = arith.constant 0 : i32
      %ne3A_213 = arith.cmpi ne, %rem3A_211, %ne3A_212 : i32
      %and3A_214 = arith.andi %ne3A_210, %ne3A_213 : i1
      %sub3A_215 = arith.constant 1 : i32
      %sub3A_216 = arith.subi %div3A_195, %sub3A_215 : i32
      %select_n3A_217 = arith.select %and3A_214, %sub3A_216, %div3A_195 : i32
      %jit3A_218 = arith.constant 15 : i32
      %eq3A_219 = arith.constant 0 : i32
      %eq3A_220 = arith.cmpi eq, %jit3A_218, %eq3A_219 : i32
      %jit3A_221 = arith.constant 1 : i32
      %select_n3A_222 = arith.select %eq3A_220, %jit3A_221, %jit3A_218 : i32
      %rem3A_223 = arith.remsi %add3A_157, %select_n3A_222 : i32
      %ne3A_224 = arith.constant 0 : i32
      %ne3A_225 = arith.cmpi ne, %rem3A_223, %ne3A_224 : i32
      %lt3A_226 = arith.constant 0 : i32
      %lt3A_227 = arith.cmpi slt, %rem3A_223, %lt3A_226 : i32
      %lt3A_228 = arith.constant 0 : i32
      %lt3A_229 = arith.cmpi slt, %select_n3A_222, %lt3A_228 : i32
      %ne3A_230 = arith.xori %lt3A_227, %lt3A_229 : i1
      %and3A_231 = arith.andi %ne3A_230, %ne3A_225 : i1
      %add3A_232 = arith.addi %rem3A_223, %select_n3A_222 : i32
      %select_n3A_233 = arith.select %and3A_231, %add3A_232, %rem3A_223 : i32
      %mul3A_234 = arith.constant 6656 : i32
      %mul3A_235 = arith.muli %select_n3A_233, %mul3A_234 : i32
      %mul3A_236 = arith.constant 8 : i32
      %mul3A_237 = arith.muli %select_n3A_217, %mul3A_236 : i32
      %add3A_238 = arith.constant 0 : i32
      %add3A_239 = arith.addi %mul3A_237, %add3A_238 : i32
      %add3A_240 = arith.addi %mul3A_2, %add3A_239 : i32
      %broadcast_in_dim3A_241 = vector.broadcast %add3A_240 : i32 to vector<16xi32>
      %gather3A = tpu.vector_load_idx %arg9[%broadcast_in_dim3A_241] : memref<1024xf32, #tpu.memory_space<vmem>>[vector<16xi32>], vector<16xf32>,
      %scan3A_242 = arith.constant 0 : i32
      %scan3A_243 = arith.constant 52 : i32
      %scan3A_244 = arith.addi %scan3A_242, %scan3A_243 : i32
      %scan3A_245 = arith.constant 1 : i32
      %scan3A_246 = scf.for %scan3A_1058 = %scan3A_242 to %scan3A_244 step %scan3A_245 iter_args(%scan3A_1059 = %broadcast_in_dim3A_3) -> (vector<16xf32>)  : i32 {
        %mul3A_1060 = arith.constant 128 : i32
        %mul3A_1061 = arith.muli %scan3A_1058, %mul3A_1060 : i32
        %add3A_1062 = arith.constant 0 : i32
        %add3A_1063 = arith.addi %mul3A_1061, %add3A_1062 : i32
        %get3A = arith.constant 0 : i32
        %get3A_1064 = arith.index_cast %get3A : i32 to index
        %get3A_1065 = arith.index_cast %add3A_1063 : i32 to index
        %get3A_1066 = tpu.vector_load %arg7[%get3A_1064, %get3A_1065] {strides = array<i32>} : memref<8x6656xf32, #tpu.memory_space<vmem>>, vector<16xf32>,
        %mul3A_1067 = arith.mulf %get3A_1066, %gather3A : vector<16xf32>
        %exp3A = math.exp %mul3A_1067 : vector<16xf32>
        %add3A_1068 = arith.constant 16 : i32
        %add3A_1069 = arith.addi %mul3A_1061, %add3A_1068 : i32
        %get3A_1070 = arith.constant 0 : i32
        %get3A_1071 = arith.index_cast %get3A_1070 : i32 to index
        %get3A_1072 = arith.index_cast %add3A_1069 : i32 to index
        %get3A_1073 = tpu.vector_load %arg7[%get3A_1071, %get3A_1072] {strides = array<i32>} : memref<8x6656xf32, #tpu.memory_space<vmem>>, vector<16xf32>,
        %mul3A_1074 = arith.mulf %get3A_1073, %gather3A : vector<16xf32>
        %exp3A_1075 = math.exp %mul3A_1074 : vector<16xf32>
        %add3A_1076 = arith.addf %exp3A, %exp3A_1075 : vector<16xf32>
        %add3A_1077 = arith.constant 32 : i32
        %add3A_1078 = arith.addi %mul3A_1061, %add3A_1077 : i32
        %get3A_1079 = arith.constant 0 : i32
        %get3A_1080 = arith.index_cast %get3A_1079 : i32 to index
        %get3A_1081 = arith.index_cast %add3A_1078 : i32 to index
        %get3A_1082 = tpu.vector_load %arg7[%get3A_1080, %get3A_1081] {strides = array<i32>} : memref<8x6656xf32, #tpu.memory_space<vmem>>, vector<16xf32>,
        %mul3A_1083 = arith.mulf %get3A_1082, %gather3A : vector<16xf32>
        %exp3A_1084 = math.exp %mul3A_1083 : vector<16xf32>
        %add3A_1085 = arith.addf %add3A_1076, %exp3A_1084 : vector<16xf32>
        %add3A_1086 = arith.constant 48 : i32
        %add3A_1087 = arith.addi %mul3A_1061, %add3A_1086 : i32
        %get3A_1088 = arith.constant 0 : i32
        %get3A_1089 = arith.index_cast %get3A_1088 : i32 to index
        %get3A_1090 = arith.index_cast %add3A_1087 : i32 to index
        %get3A_1091 = tpu.vector_load %arg7[%get3A_1089, %get3A_1090] {strides = array<i32>} : memref<8x6656xf32, #tpu.memory_space<vmem>>, vector<16xf32>,
        %mul3A_1092 = arith.mulf %get3A_1091, %gather3A : vector<16xf32>
        %exp3A_1093 = math.exp %mul3A_1092 : vector<16xf32>
        %add3A_1094 = arith.addf %add3A_1085, %exp3A_1093 : vector<16xf32>
        %add3A_1095 = arith.constant 64 : i32
        %add3A_1096 = arith.addi %mul3A_1061, %add3A_1095 : i32
        %get3A_1097 = arith.constant 0 : i32
        %get3A_1098 = arith.index_cast %get3A_1097 : i32 to index
        %get3A_1099 = arith.index_cast %add3A_1096 : i32 to index
        %get3A_1100 = tpu.vector_load %arg7[%get3A_1098, %get3A_1099] {strides = array<i32>} : memref<8x6656xf32, #tpu.memory_space<vmem>>, vector<16xf32>,
        %mul3A_1101 = arith.mulf %get3A_1100, %gather3A : vector<16xf32>
        %exp3A_1102 = math.exp %mul3A_1101 : vector<16xf32>
        %add3A_1103 = arith.addf %add3A_1094, %exp3A_1102 : vector<16xf32>
        %add3A_1104 = arith.constant 80 : i32
        %add3A_1105 = arith.addi %mul3A_1061, %add3A_1104 : i32
        %get3A_1106 = arith.constant 0 : i32
        %get3A_1107 = arith.index_cast %get3A_1106 : i32 to index
        %get3A_1108 = arith.index_cast %add3A_1105 : i32 to index
        %get3A_1109 = tpu.vector_load %arg7[%get3A_1107, %get3A_1108] {strides = array<i32>} : memref<8x6656xf32, #tpu.memory_space<vmem>>, vector<16xf32>,
        %mul3A_1110 = arith.mulf %get3A_1109, %gather3A : vector<16xf32>
        %exp3A_1111 = math.exp %mul3A_1110 : vector<16xf32>
        %add3A_1112 = arith.addf %add3A_1103, %exp3A_1111 : vector<16xf32>
        %add3A_1113 = arith.constant 96 : i32
        %add3A_1114 = arith.addi %mul3A_1061, %add3A_1113 : i32
        %get3A_1115 = arith.constant 0 : i32
        %get3A_1116 = arith.index_cast %get3A_1115 : i32 to index
        %get3A_1117 = arith.index_cast %add3A_1114 : i32 to index
        %get3A_1118 = tpu.vector_load %arg7[%get3A_1116, %get3A_1117] {strides = array<i32>} : memref<8x6656xf32, #tpu.memory_space<vmem>>, vector<16xf32>,
        %mul3A_1119 = arith.mulf %get3A_1118, %gather3A : vector<16xf32>
        %exp3A_1120 = math.exp %mul3A_1119 : vector<16xf32>
        %add3A_1121 = arith.addf %add3A_1112, %exp3A_1120 : vector<16xf32>
        %add3A_1122 = arith.constant 112 : i32
        %add3A_1123 = arith.addi %mul3A_1061, %add3A_1122 : i32
        %get3A_1124 = arith.constant 0 : i32
        %get3A_1125 = arith.index_cast %get3A_1124 : i32 to index
        %get3A_1126 = arith.index_cast %add3A_1123 : i32 to index
        %get3A_1127 = tpu.vector_load %arg7[%get3A_1125, %get3A_1126] {strides = array<i32>} : memref<8x6656xf32, #tpu.memory_space<vmem>>, vector<16xf32>,
        %mul3A_1128 = arith.mulf %get3A_1127, %gather3A : vector<16xf32>
        %exp3A_1129 = math.exp %mul3A_1128 : vector<16xf32>
        %add3A_1130 = arith.addf %add3A_1121, %exp3A_1129 : vector<16xf32>
        %add3A_1131 = arith.addf %scan3A_1059, %add3A_1130 : vector<16xf32>
        scf.yield %add3A_1131 : vector<16xf32>
      }
      %scan3A_247 = arith.constant 52 : i32
      %mul3A_248 = arith.constant 16 : i32
      %mul3A_249 = arith.muli %add3A_239, %mul3A_248 : i32
      %add3A_250 = vector.broadcast %mul3A_249 : i32 to vector<16xi32>
      %add3A_251 = arith.addi %add3A_250, %iota3A : vector<16xi32>
      tpu.vector_store_idx %arg11[%add3A_251], %scan3A_246 {add = true} : memref<512xf32, #tpu.memory_space<vmem>>[vector<16xi32>], vector<16xf32>,
      %broadcast_in_dim3A_252 = vector.broadcast %add3A_239 : i32 to vector<16xi32>
      %min3A = arith.constant 4 : i32
      %min3A_253 = vector.broadcast %min3A : i32 to vector<16xi32>
      %min3A_254 = arith.minsi %iota3A, %min3A_253 : vector<16xi32>
      %gather3A_255 = tpu.vector_load_idx %arg10[%broadcast_in_dim3A_252, %min3A_254] : memref<32x5xi32, #tpu.memory_space<vmem>>[vector<16xi32>, vector<16xi32>], vector<16xi32>,
      %sub3A_256 = vector.broadcast %mul3A_235 : i32 to vector<16xi32>
      %sub3A_257 = arith.subi %gather3A_255, %sub3A_256 : vector<16xi32>
      %ge3A = arith.constant 0 : i32
      %ge3A_258 = vector.broadcast %ge3A : i32 to vector<16xi32>
      %ge3A_259 = arith.cmpi sge, %sub3A_257, %ge3A_258 : vector<16xi32>
      %lt3A_260 = arith.constant 6656 : i32
      %lt3A_261 = vector.broadcast %lt3A_260 : i32 to vector<16xi32>
      %lt3A_262 = arith.cmpi slt, %sub3A_257, %lt3A_261 : vector<16xi32>
      %and3A_263 = arith.andi %ge3A_259, %lt3A_262 : vector<16xi1>
      %lt3A_264 = arith.constant 5 : i32
      %lt3A_265 = vector.broadcast %lt3A_264 : i32 to vector<16xi32>
      %lt3A_266 = arith.cmpi slt, %iota3A, %lt3A_265 : vector<16xi32>
      %and3A_267 = arith.andi %and3A_263, %lt3A_266 : vector<16xi1>
      %min3A_268 = arith.constant 6655 : i32
      %min3A_269 = vector.broadcast %min3A_268 : i32 to vector<16xi32>
      %min3A_270 = arith.minsi %sub3A_257, %min3A_269 : vector<16xi32>
      %max3A = arith.constant 0 : i32
      %max3A_271 = vector.broadcast %max3A : i32 to vector<16xi32>
      %max3A_272 = arith.maxsi %min3A_270, %max3A_271 : vector<16xi32>
      %broadcast_in_dim3A_273 = arith.constant 0 : i32
      %broadcast_in_dim3A_274 = vector.broadcast %broadcast_in_dim3A_273 : i32 to vector<16xi32>
      %gather3A_275 = tpu.vector_load_idx %arg7[%broadcast_in_dim3A_274, %max3A_272] : memref<8x6656xf32, #tpu.memory_space<vmem>>[vector<16xi32>, vector<16xi32>], vector<16xf32>,
      %select_n3A_276 = arith.select %and3A_267, %gather3A_275, %broadcast_in_dim3A_3 : vector<16xi1>, vector<16xf32>
      tpu.vector_store_idx %arg12[%add3A_251], %select_n3A_276 {add = true} : memref<512xf32, #tpu.memory_space<vmem>>[vector<16xi32>], vector<16xf32>,
      %mul3A_277 = arith.constant 8 : i32
      %mul3A_278 = arith.muli %select_n3A_217, %mul3A_277 : i32
      %add3A_279 = arith.constant 1 : i32
      %add3A_280 = arith.addi %mul3A_278, %add3A_279 : i32
      %add3A_281 = arith.addi %mul3A_2, %add3A_280 : i32
      %broadcast_in_dim3A_282 = vector.broadcast %add3A_281 : i32 to vector<16xi32>
      %gather3A_283 = tpu.vector_load_idx %arg9[%broadcast_in_dim3A_282] : memref<1024xf32, #tpu.memory_space<vmem>>[vector<16xi32>], vector<16xf32>,
      %scan3A_284 = arith.constant 0 : i32
      %scan3A_285 = arith.constant 52 : i32
      %scan3A_286 = arith.addi %scan3A_284, %scan3A_285 : i32
      %scan3A_287 = arith.constant 1 : i32
      %scan3A_288 = scf.for %scan3A_1058 = %scan3A_284 to %scan3A_286 step %scan3A_287 iter_args(%scan3A_1059 = %broadcast_in_dim3A_3) -> (vector<16xf32>)  : i32 {
        %mul3A_1060 = arith.constant 128 : i32
        %mul3A_1061 = arith.muli %scan3A_1058, %mul3A_1060 : i32
        %add3A_1062 = arith.constant 0 : i32
        %add3A_1063 = arith.addi %mul3A_1061, %add3A_1062 : i32
        %get3A = arith.constant 1 : i32
        %get3A_1064 = arith.index_cast %get3A : i32 to index
        %get3A_1065 = arith.index_cast %add3A_1063 : i32 to index
        %get3A_1066 = tpu.vector_load %arg7[%get3A_1064, %get3A_1065] {strides = array<i32>} : memref<8x6656xf32, #tpu.memory_space<vmem>>, vector<16xf32>,
        %mul3A_1067 = arith.mulf %get3A_1066, %gather3A_283 : vector<16xf32>
        %exp3A = math.exp %mul3A_1067 : vector<16xf32>
        %add3A_1068 = arith.constant 16 : i32
        %add3A_1069 = arith.addi %mul3A_1061, %add3A_1068 : i32
        %get3A_1070 = arith.constant 1 : i32
        %get3A_1071 = arith.index_cast %get3A_1070 : i32 to index
        %get3A_1072 = arith.index_cast %add3A_1069 : i32 to index
        %get3A_1073 = tpu.vector_load %arg7[%get3A_1071, %get3A_1072] {strides = array<i32>} : memref<8x6656xf32, #tpu.memory_space<vmem>>, vector<16xf32>,
        %mul3A_1074 = arith.mulf %get3A_1073, %gather3A_283 : vector<16xf32>
        %exp3A_1075 = math.exp %mul3A_1074 : vector<16xf32>
        %add3A_1076 = arith.addf %exp3A, %exp3A_1075 : vector<16xf32>
        %add3A_1077 = arith.constant 32 : i32
        %add3A_1078 = arith.addi %mul3A_1061, %add3A_1077 : i32
        %get3A_1079 = arith.constant 1 : i32
        %get3A_1080 = arith.index_cast %get3A_1079 : i32 to index
        %get3A_1081 = arith.index_cast %add3A_1078 : i32 to index
        %get3A_1082 = tpu.vector_load %arg7[%get3A_1080, %get3A_1081] {strides = array<i32>} : memref<8x6656xf32, #tpu.memory_space<vmem>>, vector<16xf32>,
        %mul3A_1083 = arith.mulf %get3A_1082, %gather3A_283 : vector<16xf32>
        %exp3A_1084 = math.exp %mul3A_1083 : vector<16xf32>
        %add3A_1085 = arith.addf %add3A_1076, %exp3A_1084 : vector<16xf32>
        %add3A_1086 = arith.constant 48 : i32
        %add3A_1087 = arith.addi %mul3A_1061, %add3A_1086 : i32
        %get3A_1088 = arith.constant 1 : i32
        %get3A_1089 = arith.index_cast %get3A_1088 : i32 to index
        %get3A_1090 = arith.index_cast %add3A_1087 : i32 to index
        %get3A_1091 = tpu.vector_load %arg7[%get3A_1089, %get3A_1090] {strides = array<i32>} : memref<8x6656xf32, #tpu.memory_space<vmem>>, vector<16xf32>,
        %mul3A_1092 = arith.mulf %get3A_1091, %gather3A_283 : vector<16xf32>
        %exp3A_1093 = math.exp %mul3A_1092 : vector<16xf32>
        %add3A_1094 = arith.addf %add3A_1085, %exp3A_1093 : vector<16xf32>
        %add3A_1095 = arith.constant 64 : i32
        %add3A_1096 = arith.addi %mul3A_1061, %add3A_1095 : i32
        %get3A_1097 = arith.constant 1 : i32
        %get3A_1098 = arith.index_cast %get3A_1097 : i32 to index
        %get3A_1099 = arith.index_cast %add3A_1096 : i32 to index
        %get3A_1100 = tpu.vector_load %arg7[%get3A_1098, %get3A_1099] {strides = array<i32>} : memref<8x6656xf32, #tpu.memory_space<vmem>>, vector<16xf32>,
        %mul3A_1101 = arith.mulf %get3A_1100, %gather3A_283 : vector<16xf32>
        %exp3A_1102 = math.exp %mul3A_1101 : vector<16xf32>
        %add3A_1103 = arith.addf %add3A_1094, %exp3A_1102 : vector<16xf32>
        %add3A_1104 = arith.constant 80 : i32
        %add3A_1105 = arith.addi %mul3A_1061, %add3A_1104 : i32
        %get3A_1106 = arith.constant 1 : i32
        %get3A_1107 = arith.index_cast %get3A_1106 : i32 to index
        %get3A_1108 = arith.index_cast %add3A_1105 : i32 to index
        %get3A_1109 = tpu.vector_load %arg7[%get3A_1107, %get3A_1108] {strides = array<i32>} : memref<8x6656xf32, #tpu.memory_space<vmem>>, vector<16xf32>,
        %mul3A_1110 = arith.mulf %get3A_1109, %gather3A_283 : vector<16xf32>
        %exp3A_1111 = math.exp %mul3A_1110 : vector<16xf32>
        %add3A_1112 = arith.addf %add3A_1103, %exp3A_1111 : vector<16xf32>
        %add3A_1113 = arith.constant 96 : i32
        %add3A_1114 = arith.addi %mul3A_1061, %add3A_1113 : i32
        %get3A_1115 = arith.constant 1 : i32
        %get3A_1116 = arith.index_cast %get3A_1115 : i32 to index
        %get3A_1117 = arith.index_cast %add3A_1114 : i32 to index
        %get3A_1118 = tpu.vector_load %arg7[%get3A_1116, %get3A_1117] {strides = array<i32>} : memref<8x6656xf32, #tpu.memory_space<vmem>>, vector<16xf32>,
        %mul3A_1119 = arith.mulf %get3A_1118, %gather3A_283 : vector<16xf32>
        %exp3A_1120 = math.exp %mul3A_1119 : vector<16xf32>
        %add3A_1121 = arith.addf %add3A_1112, %exp3A_1120 : vector<16xf32>
        %add3A_1122 = arith.constant 112 : i32
        %add3A_1123 = arith.addi %mul3A_1061, %add3A_1122 : i32
        %get3A_1124 = arith.constant 1 : i32
        %get3A_1125 = arith.index_cast %get3A_1124 : i32 to index
        %get3A_1126 = arith.index_cast %add3A_1123 : i32 to index
        %get3A_1127 = tpu.vector_load %arg7[%get3A_1125, %get3A_1126] {strides = array<i32>} : memref<8x6656xf32, #tpu.memory_space<vmem>>, vector<16xf32>,
        %mul3A_1128 = arith.mulf %get3A_1127, %gather3A_283 : vector<16xf32>
        %exp3A_1129 = math.exp %mul3A_1128 : vector<16xf32>
        %add3A_1130 = arith.addf %add3A_1121, %exp3A_1129 : vector<16xf32>
        %add3A_1131 = arith.addf %scan3A_1059, %add3A_1130 : vector<16xf32>
        scf.yield %add3A_1131 : vector<16xf32>
      }
      %scan3A_289 = arith.constant 52 : i32
      %mul3A_290 = arith.constant 16 : i32
      %mul3A_291 = arith.muli %add3A_280, %mul3A_290 : i32
      %add3A_292 = vector.broadcast %mul3A_291 : i32 to vector<16xi32>
      %add3A_293 = arith.addi %add3A_292, %iota3A : vector<16xi32>
      tpu.vector_store_idx %arg11[%add3A_293], %scan3A_288 {add = true} : memref<512xf32, #tpu.memory_space<vmem>>[vector<16xi32>], vector<16xf32>,
      %broadcast_in_dim3A_294 = vector.broadcast %add3A_280 : i32 to vector<16xi32>
      %min3A_295 = arith.constant 4 : i32
      %min3A_296 = vector.broadcast %min3A_295 : i32 to vector<16xi32>
      %min3A_297 = arith.minsi %iota3A, %min3A_296 : vector<16xi32>
      %gather3A_298 = tpu.vector_load_idx %arg10[%broadcast_in_dim3A_294, %min3A_297] : memref<32x5xi32, #tpu.memory_space<vmem>>[vector<16xi32>, vector<16xi32>], vector<16xi32>,
      %sub3A_299 = vector.broadcast %mul3A_235 : i32 to vector<16xi32>
      %sub3A_300 = arith.subi %gather3A_298, %sub3A_299 : vector<16xi32>
      %ge3A_301 = arith.constant 0 : i32
      %ge3A_302 = vector.broadcast %ge3A_301 : i32 to vector<16xi32>
      %ge3A_303 = arith.cmpi sge, %sub3A_300, %ge3A_302 : vector<16xi32>
      %lt3A_304 = arith.constant 6656 : i32
      %lt3A_305 = vector.broadcast %lt3A_304 : i32 to vector<16xi32>
      %lt3A_306 = arith.cmpi slt, %sub3A_300, %lt3A_305 : vector<16xi32>
      %and3A_307 = arith.andi %ge3A_303, %lt3A_306 : vector<16xi1>
      %lt3A_308 = arith.constant 5 : i32
      %lt3A_309 = vector.broadcast %lt3A_308 : i32 to vector<16xi32>
      %lt3A_310 = arith.cmpi slt, %iota3A, %lt3A_309 : vector<16xi32>
      %and3A_311 = arith.andi %and3A_307, %lt3A_310 : vector<16xi1>
      %min3A_312 = arith.constant 6655 : i32
      %min3A_313 = vector.broadcast %min3A_312 : i32 to vector<16xi32>
      %min3A_314 = arith.minsi %sub3A_300, %min3A_313 : vector<16xi32>
      %max3A_315 = arith.constant 0 : i32
      %max3A_316 = vector.broadcast %max3A_315 : i32 to vector<16xi32>
      %max3A_317 = arith.maxsi %min3A_314, %max3A_316 : vector<16xi32>
      %broadcast_in_dim3A_318 = arith.constant 1 : i32
      %broadcast_in_dim3A_319 = vector.broadcast %broadcast_in_dim3A_318 : i32 to vector<16xi32>
      %gather3A_320 = tpu.vector_load_idx %arg7[%broadcast_in_dim3A_319, %max3A_317] : memref<8x6656xf32, #tpu.memory_space<vmem>>[vector<16xi32>, vector<16xi32>], vector<16xf32>,
      %select_n3A_321 = arith.select %and3A_311, %gather3A_320, %broadcast_in_dim3A_3 : vector<16xi1>, vector<16xf32>
      tpu.vector_store_idx %arg12[%add3A_293], %select_n3A_321 {add = true} : memref<512xf32, #tpu.memory_space<vmem>>[vector<16xi32>], vector<16xf32>,
      %mul3A_322 = arith.constant 8 : i32
      %mul3A_323 = arith.muli %select_n3A_217, %mul3A_322 : i32
      %add3A_324 = arith.constant 2 : i32
      %add3A_325 = arith.addi %mul3A_323, %add3A_324 : i32
      %add3A_326 = arith.addi %mul3A_2, %add3A_325 : i32
      %broadcast_in_dim3A_327 = vector.broadcast %add3A_326 : i32 to vector<16xi32>
      %gather3A_328 = tpu.vector_load_idx %arg9[%broadcast_in_dim3A_327] : memref<1024xf32, #tpu.memory_space<vmem>>[vector<16xi32>], vector<16xf32>,
      %scan3A_329 = arith.constant 0 : i32
      %scan3A_330 = arith.constant 52 : i32
      %scan3A_331 = arith.addi %scan3A_329, %scan3A_330 : i32
      %scan3A_332 = arith.constant 1 : i32
      %scan3A_333 = scf.for %scan3A_1058 = %scan3A_329 to %scan3A_331 step %scan3A_332 iter_args(%scan3A_1059 = %broadcast_in_dim3A_3) -> (vector<16xf32>)  : i32 {
        %mul3A_1060 = arith.constant 128 : i32
        %mul3A_1061 = arith.muli %scan3A_1058, %mul3A_1060 : i32
        %add3A_1062 = arith.constant 0 : i32
        %add3A_1063 = arith.addi %mul3A_1061, %add3A_1062 : i32
        %get3A = arith.constant 2 : i32
        %get3A_1064 = arith.index_cast %get3A : i32 to index
        %get3A_1065 = arith.index_cast %add3A_1063 : i32 to index
        %get3A_1066 = tpu.vector_load %arg7[%get3A_1064, %get3A_1065] {strides = array<i32>} : memref<8x6656xf32, #tpu.memory_space<vmem>>, vector<16xf32>,
        %mul3A_1067 = arith.mulf %get3A_1066, %gather3A_328 : vector<16xf32>
        %exp3A = math.exp %mul3A_1067 : vector<16xf32>
        %add3A_1068 = arith.constant 16 : i32
        %add3A_1069 = arith.addi %mul3A_1061, %add3A_1068 : i32
        %get3A_1070 = arith.constant 2 : i32
        %get3A_1071 = arith.index_cast %get3A_1070 : i32 to index
        %get3A_1072 = arith.index_cast %add3A_1069 : i32 to index
        %get3A_1073 = tpu.vector_load %arg7[%get3A_1071, %get3A_1072] {strides = array<i32>} : memref<8x6656xf32, #tpu.memory_space<vmem>>, vector<16xf32>,
        %mul3A_1074 = arith.mulf %get3A_1073, %gather3A_328 : vector<16xf32>
        %exp3A_1075 = math.exp %mul3A_1074 : vector<16xf32>
        %add3A_1076 = arith.addf %exp3A, %exp3A_1075 : vector<16xf32>
        %add3A_1077 = arith.constant 32 : i32
        %add3A_1078 = arith.addi %mul3A_1061, %add3A_1077 : i32
        %get3A_1079 = arith.constant 2 : i32
        %get3A_1080 = arith.index_cast %get3A_1079 : i32 to index
        %get3A_1081 = arith.index_cast %add3A_1078 : i32 to index
        %get3A_1082 = tpu.vector_load %arg7[%get3A_1080, %get3A_1081] {strides = array<i32>} : memref<8x6656xf32, #tpu.memory_space<vmem>>, vector<16xf32>,
        %mul3A_1083 = arith.mulf %get3A_1082, %gather3A_328 : vector<16xf32>
        %exp3A_1084 = math.exp %mul3A_1083 : vector<16xf32>
        %add3A_1085 = arith.addf %add3A_1076, %exp3A_1084 : vector<16xf32>
        %add3A_1086 = arith.constant 48 : i32
        %add3A_1087 = arith.addi %mul3A_1061, %add3A_1086 : i32
        %get3A_1088 = arith.constant 2 : i32
        %get3A_1089 = arith.index_cast %get3A_1088 : i32 to index
        %get3A_1090 = arith.index_cast %add3A_1087 : i32 to index
        %get3A_1091 = tpu.vector_load %arg7[%get3A_1089, %get3A_1090] {strides = array<i32>} : memref<8x6656xf32, #tpu.memory_space<vmem>>, vector<16xf32>,
        %mul3A_1092 = arith.mulf %get3A_1091, %gather3A_328 : vector<16xf32>
        %exp3A_1093 = math.exp %mul3A_1092 : vector<16xf32>
        %add3A_1094 = arith.addf %add3A_1085, %exp3A_1093 : vector<16xf32>
        %add3A_1095 = arith.constant 64 : i32
        %add3A_1096 = arith.addi %mul3A_1061, %add3A_1095 : i32
        %get3A_1097 = arith.constant 2 : i32
        %get3A_1098 = arith.index_cast %get3A_1097 : i32 to index
        %get3A_1099 = arith.index_cast %add3A_1096 : i32 to index
        %get3A_1100 = tpu.vector_load %arg7[%get3A_1098, %get3A_1099] {strides = array<i32>} : memref<8x6656xf32, #tpu.memory_space<vmem>>, vector<16xf32>,
        %mul3A_1101 = arith.mulf %get3A_1100, %gather3A_328 : vector<16xf32>
        %exp3A_1102 = math.exp %mul3A_1101 : vector<16xf32>
        %add3A_1103 = arith.addf %add3A_1094, %exp3A_1102 : vector<16xf32>
        %add3A_1104 = arith.constant 80 : i32
        %add3A_1105 = arith.addi %mul3A_1061, %add3A_1104 : i32
        %get3A_1106 = arith.constant 2 : i32
        %get3A_1107 = arith.index_cast %get3A_1106 : i32 to index
        %get3A_1108 = arith.index_cast %add3A_1105 : i32 to index
        %get3A_1109 = tpu.vector_load %arg7[%get3A_1107, %get3A_1108] {strides = array<i32>} : memref<8x6656xf32, #tpu.memory_space<vmem>>, vector<16xf32>,
        %mul3A_1110 = arith.mulf %get3A_1109, %gather3A_328 : vector<16xf32>
        %exp3A_1111 = math.exp %mul3A_1110 : vector<16xf32>
        %add3A_1112 = arith.addf %add3A_1103, %exp3A_1111 : vector<16xf32>
        %add3A_1113 = arith.constant 96 : i32
        %add3A_1114 = arith.addi %mul3A_1061, %add3A_1113 : i32
        %get3A_1115 = arith.constant 2 : i32
        %get3A_1116 = arith.index_cast %get3A_1115 : i32 to index
        %get3A_1117 = arith.index_cast %add3A_1114 : i32 to index
        %get3A_1118 = tpu.vector_load %arg7[%get3A_1116, %get3A_1117] {strides = array<i32>} : memref<8x6656xf32, #tpu.memory_space<vmem>>, vector<16xf32>,
        %mul3A_1119 = arith.mulf %get3A_1118, %gather3A_328 : vector<16xf32>
        %exp3A_1120 = math.exp %mul3A_1119 : vector<16xf32>
        %add3A_1121 = arith.addf %add3A_1112, %exp3A_1120 : vector<16xf32>
        %add3A_1122 = arith.constant 112 : i32
        %add3A_1123 = arith.addi %mul3A_1061, %add3A_1122 : i32
        %get3A_1124 = arith.constant 2 : i32
        %get3A_1125 = arith.index_cast %get3A_1124 : i32 to index
        %get3A_1126 = arith.index_cast %add3A_1123 : i32 to index
        %get3A_1127 = tpu.vector_load %arg7[%get3A_1125, %get3A_1126] {strides = array<i32>} : memref<8x6656xf32, #tpu.memory_space<vmem>>, vector<16xf32>,
        %mul3A_1128 = arith.mulf %get3A_1127, %gather3A_328 : vector<16xf32>
        %exp3A_1129 = math.exp %mul3A_1128 : vector<16xf32>
        %add3A_1130 = arith.addf %add3A_1121, %exp3A_1129 : vector<16xf32>
        %add3A_1131 = arith.addf %scan3A_1059, %add3A_1130 : vector<16xf32>
        scf.yield %add3A_1131 : vector<16xf32>
      }
      %scan3A_334 = arith.constant 52 : i32
      %mul3A_335 = arith.constant 16 : i32
      %mul3A_336 = arith.muli %add3A_325, %mul3A_335 : i32
      %add3A_337 = vector.broadcast %mul3A_336 : i32 to vector<16xi32>
      %add3A_338 = arith.addi %add3A_337, %iota3A : vector<16xi32>
      tpu.vector_store_idx %arg11[%add3A_338], %scan3A_333 {add = true} : memref<512xf32, #tpu.memory_space<vmem>>[vector<16xi32>], vector<16xf32>,
      %broadcast_in_dim3A_339 = vector.broadcast %add3A_325 : i32 to vector<16xi32>
      %min3A_340 = arith.constant 4 : i32
      %min3A_341 = vector.broadcast %min3A_340 : i32 to vector<16xi32>
      %min3A_342 = arith.minsi %iota3A, %min3A_341 : vector<16xi32>
      %gather3A_343 = tpu.vector_load_idx %arg10[%broadcast_in_dim3A_339, %min3A_342] : memref<32x5xi32, #tpu.memory_space<vmem>>[vector<16xi32>, vector<16xi32>], vector<16xi32>,
      %sub3A_344 = vector.broadcast %mul3A_235 : i32 to vector<16xi32>
      %sub3A_345 = arith.subi %gather3A_343, %sub3A_344 : vector<16xi32>
      %ge3A_346 = arith.constant 0 : i32
      %ge3A_347 = vector.broadcast %ge3A_346 : i32 to vector<16xi32>
      %ge3A_348 = arith.cmpi sge, %sub3A_345, %ge3A_347 : vector<16xi32>
      %lt3A_349 = arith.constant 6656 : i32
      %lt3A_350 = vector.broadcast %lt3A_349 : i32 to vector<16xi32>
      %lt3A_351 = arith.cmpi slt, %sub3A_345, %lt3A_350 : vector<16xi32>
      %and3A_352 = arith.andi %ge3A_348, %lt3A_351 : vector<16xi1>
      %lt3A_353 = arith.constant 5 : i32
      %lt3A_354 = vector.broadcast %lt3A_353 : i32 to vector<16xi32>
      %lt3A_355 = arith.cmpi slt, %iota3A, %lt3A_354 : vector<16xi32>
      %and3A_356 = arith.andi %and3A_352, %lt3A_355 : vector<16xi1>
      %min3A_357 = arith.constant 6655 : i32
      %min3A_358 = vector.broadcast %min3A_357 : i32 to vector<16xi32>
      %min3A_359 = arith.minsi %sub3A_345, %min3A_358 : vector<16xi32>
      %max3A_360 = arith.constant 0 : i32
      %max3A_361 = vector.broadcast %max3A_360 : i32 to vector<16xi32>
      %max3A_362 = arith.maxsi %min3A_359, %max3A_361 : vector<16xi32>
      %broadcast_in_dim3A_363 = arith.constant 2 : i32
      %broadcast_in_dim3A_364 = vector.broadcast %broadcast_in_dim3A_363 : i32 to vector<16xi32>
      %gather3A_365 = tpu.vector_load_idx %arg7[%broadcast_in_dim3A_364, %max3A_362] : memref<8x6656xf32, #tpu.memory_space<vmem>>[vector<16xi32>, vector<16xi32>], vector<16xf32>,
      %select_n3A_366 = arith.select %and3A_356, %gather3A_365, %broadcast_in_dim3A_3 : vector<16xi1>, vector<16xf32>
      tpu.vector_store_idx %arg12[%add3A_338], %select_n3A_366 {add = true} : memref<512xf32, #tpu.memory_space<vmem>>[vector<16xi32>], vector<16xf32>,
      %mul3A_367 = arith.constant 8 : i32
      %mul3A_368 = arith.muli %select_n3A_217, %mul3A_367 : i32
      %add3A_369 = arith.constant 3 : i32
      %add3A_370 = arith.addi %mul3A_368, %add3A_369 : i32
      %add3A_371 = arith.addi %mul3A_2, %add3A_370 : i32
      %broadcast_in_dim3A_372 = vector.broadcast %add3A_371 : i32 to vector<16xi32>
      %gather3A_373 = tpu.vector_load_idx %arg9[%broadcast_in_dim3A_372] : memref<1024xf32, #tpu.memory_space<vmem>>[vector<16xi32>], vector<16xf32>,
      %scan3A_374 = arith.constant 0 : i32
      %scan3A_375 = arith.constant 52 : i32
      %scan3A_376 = arith.addi %scan3A_374, %scan3A_375 : i32
      %scan3A_377 = arith.constant 1 : i32
      %scan3A_378 = scf.for %scan3A_1058 = %scan3A_374 to %scan3A_376 step %scan3A_377 iter_args(%scan3A_1059 = %broadcast_in_dim3A_3) -> (vector<16xf32>)  : i32 {
        %mul3A_1060 = arith.constant 128 : i32
        %mul3A_1061 = arith.muli %scan3A_1058, %mul3A_1060 : i32
        %add3A_1062 = arith.constant 0 : i32
        %add3A_1063 = arith.addi %mul3A_1061, %add3A_1062 : i32
        %get3A = arith.constant 3 : i32
        %get3A_1064 = arith.index_cast %get3A : i32 to index
        %get3A_1065 = arith.index_cast %add3A_1063 : i32 to index
        %get3A_1066 = tpu.vector_load %arg7[%get3A_1064, %get3A_1065] {strides = array<i32>} : memref<8x6656xf32, #tpu.memory_space<vmem>>, vector<16xf32>,
        %mul3A_1067 = arith.mulf %get3A_1066, %gather3A_373 : vector<16xf32>
        %exp3A = math.exp %mul3A_1067 : vector<16xf32>
        %add3A_1068 = arith.constant 16 : i32
        %add3A_1069 = arith.addi %mul3A_1061, %add3A_1068 : i32
        %get3A_1070 = arith.constant 3 : i32
        %get3A_1071 = arith.index_cast %get3A_1070 : i32 to index
        %get3A_1072 = arith.index_cast %add3A_1069 : i32 to index
        %get3A_1073 = tpu.vector_load %arg7[%get3A_1071, %get3A_1072] {strides = array<i32>} : memref<8x6656xf32, #tpu.memory_space<vmem>>, vector<16xf32>,
        %mul3A_1074 = arith.mulf %get3A_1073, %gather3A_373 : vector<16xf32>
        %exp3A_1075 = math.exp %mul3A_1074 : vector<16xf32>
        %add3A_1076 = arith.addf %exp3A, %exp3A_1075 : vector<16xf32>
        %add3A_1077 = arith.constant 32 : i32
        %add3A_1078 = arith.addi %mul3A_1061, %add3A_1077 : i32
        %get3A_1079 = arith.constant 3 : i32
        %get3A_1080 = arith.index_cast %get3A_1079 : i32 to index
        %get3A_1081 = arith.index_cast %add3A_1078 : i32 to index
        %get3A_1082 = tpu.vector_load %arg7[%get3A_1080, %get3A_1081] {strides = array<i32>} : memref<8x6656xf32, #tpu.memory_space<vmem>>, vector<16xf32>,
        %mul3A_1083 = arith.mulf %get3A_1082, %gather3A_373 : vector<16xf32>
        %exp3A_1084 = math.exp %mul3A_1083 : vector<16xf32>
        %add3A_1085 = arith.addf %add3A_1076, %exp3A_1084 : vector<16xf32>
        %add3A_1086 = arith.constant 48 : i32
        %add3A_1087 = arith.addi %mul3A_1061, %add3A_1086 : i32
        %get3A_1088 = arith.constant 3 : i32
        %get3A_1089 = arith.index_cast %get3A_1088 : i32 to index
        %get3A_1090 = arith.index_cast %add3A_1087 : i32 to index
        %get3A_1091 = tpu.vector_load %arg7[%get3A_1089, %get3A_1090] {strides = array<i32>} : memref<8x6656xf32, #tpu.memory_space<vmem>>, vector<16xf32>,
        %mul3A_1092 = arith.mulf %get3A_1091, %gather3A_373 : vector<16xf32>
        %exp3A_1093 = math.exp %mul3A_1092 : vector<16xf32>
        %add3A_1094 = arith.addf %add3A_1085, %exp3A_1093 : vector<16xf32>
        %add3A_1095 = arith.constant 64 : i32
        %add3A_1096 = arith.addi %mul3A_1061, %add3A_1095 : i32
        %get3A_1097 = arith.constant 3 : i32
        %get3A_1098 = arith.index_cast %get3A_1097 : i32 to index
        %get3A_1099 = arith.index_cast %add3A_1096 : i32 to index
        %get3A_1100 = tpu.vector_load %arg7[%get3A_1098, %get3A_1099] {strides = array<i32>} : memref<8x6656xf32, #tpu.memory_space<vmem>>, vector<16xf32>,
        %mul3A_1101 = arith.mulf %get3A_1100, %gather3A_373 : vector<16xf32>
        %exp3A_1102 = math.exp %mul3A_1101 : vector<16xf32>
        %add3A_1103 = arith.addf %add3A_1094, %exp3A_1102 : vector<16xf32>
        %add3A_1104 = arith.constant 80 : i32
        %add3A_1105 = arith.addi %mul3A_1061, %add3A_1104 : i32
        %get3A_1106 = arith.constant 3 : i32
        %get3A_1107 = arith.index_cast %get3A_1106 : i32 to index
        %get3A_1108 = arith.index_cast %add3A_1105 : i32 to index
        %get3A_1109 = tpu.vector_load %arg7[%get3A_1107, %get3A_1108] {strides = array<i32>} : memref<8x6656xf32, #tpu.memory_space<vmem>>, vector<16xf32>,
        %mul3A_1110 = arith.mulf %get3A_1109, %gather3A_373 : vector<16xf32>
        %exp3A_1111 = math.exp %mul3A_1110 : vector<16xf32>
        %add3A_1112 = arith.addf %add3A_1103, %exp3A_1111 : vector<16xf32>
        %add3A_1113 = arith.constant 96 : i32
        %add3A_1114 = arith.addi %mul3A_1061, %add3A_1113 : i32
        %get3A_1115 = arith.constant 3 : i32
        %get3A_1116 = arith.index_cast %get3A_1115 : i32 to index
        %get3A_1117 = arith.index_cast %add3A_1114 : i32 to index
        %get3A_1118 = tpu.vector_load %arg7[%get3A_1116, %get3A_1117] {strides = array<i32>} : memref<8x6656xf32, #tpu.memory_space<vmem>>, vector<16xf32>,
        %mul3A_1119 = arith.mulf %get3A_1118, %gather3A_373 : vector<16xf32>
        %exp3A_1120 = math.exp %mul3A_1119 : vector<16xf32>
        %add3A_1121 = arith.addf %add3A_1112, %exp3A_1120 : vector<16xf32>
        %add3A_1122 = arith.constant 112 : i32
        %add3A_1123 = arith.addi %mul3A_1061, %add3A_1122 : i32
        %get3A_1124 = arith.constant 3 : i32
        %get3A_1125 = arith.index_cast %get3A_1124 : i32 to index
        %get3A_1126 = arith.index_cast %add3A_1123 : i32 to index
        %get3A_1127 = tpu.vector_load %arg7[%get3A_1125, %get3A_1126] {strides = array<i32>} : memref<8x6656xf32, #tpu.memory_space<vmem>>, vector<16xf32>,
        %mul3A_1128 = arith.mulf %get3A_1127, %gather3A_373 : vector<16xf32>
        %exp3A_1129 = math.exp %mul3A_1128 : vector<16xf32>
        %add3A_1130 = arith.addf %add3A_1121, %exp3A_1129 : vector<16xf32>
        %add3A_1131 = arith.addf %scan3A_1059, %add3A_1130 : vector<16xf32>
        scf.yield %add3A_1131 : vector<16xf32>
      }
      %scan3A_379 = arith.constant 52 : i32
      %mul3A_380 = arith.constant 16 : i32
      %mul3A_381 = arith.muli %add3A_370, %mul3A_380 : i32
      %add3A_382 = vector.broadcast %mul3A_381 : i32 to vector<16xi32>
      %add3A_383 = arith.addi %add3A_382, %iota3A : vector<16xi32>
      tpu.vector_store_idx %arg11[%add3A_383], %scan3A_378 {add = true} : memref<512xf32, #tpu.memory_space<vmem>>[vector<16xi32>], vector<16xf32>,
      %broadcast_in_dim3A_384 = vector.broadcast %add3A_370 : i32 to vector<16xi32>
      %min3A_385 = arith.constant 4 : i32
      %min3A_386 = vector.broadcast %min3A_385 : i32 to vector<16xi32>
      %min3A_387 = arith.minsi %iota3A, %min3A_386 : vector<16xi32>
      %gather3A_388 = tpu.vector_load_idx %arg10[%broadcast_in_dim3A_384, %min3A_387] : memref<32x5xi32, #tpu.memory_space<vmem>>[vector<16xi32>, vector<16xi32>], vector<16xi32>,
      %sub3A_389 = vector.broadcast %mul3A_235 : i32 to vector<16xi32>
      %sub3A_390 = arith.subi %gather3A_388, %sub3A_389 : vector<16xi32>
      %ge3A_391 = arith.constant 0 : i32
      %ge3A_392 = vector.broadcast %ge3A_391 : i32 to vector<16xi32>
      %ge3A_393 = arith.cmpi sge, %sub3A_390, %ge3A_392 : vector<16xi32>
      %lt3A_394 = arith.constant 6656 : i32
      %lt3A_395 = vector.broadcast %lt3A_394 : i32 to vector<16xi32>
      %lt3A_396 = arith.cmpi slt, %sub3A_390, %lt3A_395 : vector<16xi32>
      %and3A_397 = arith.andi %ge3A_393, %lt3A_396 : vector<16xi1>
      %lt3A_398 = arith.constant 5 : i32
      %lt3A_399 = vector.broadcast %lt3A_398 : i32 to vector<16xi32>
      %lt3A_400 = arith.cmpi slt, %iota3A, %lt3A_399 : vector<16xi32>
      %and3A_401 = arith.andi %and3A_397, %lt3A_400 : vector<16xi1>
      %min3A_402 = arith.constant 6655 : i32
      %min3A_403 = vector.broadcast %min3A_402 : i32 to vector<16xi32>
      %min3A_404 = arith.minsi %sub3A_390, %min3A_403 : vector<16xi32>
      %max3A_405 = arith.constant 0 : i32
      %max3A_406 = vector.broadcast %max3A_405 : i32 to vector<16xi32>
      %max3A_407 = arith.maxsi %min3A_404, %max3A_406 : vector<16xi32>
      %broadcast_in_dim3A_408 = arith.constant 3 : i32
      %broadcast_in_dim3A_409 = vector.broadcast %broadcast_in_dim3A_408 : i32 to vector<16xi32>
      %gather3A_410 = tpu.vector_load_idx %arg7[%broadcast_in_dim3A_409, %max3A_407] : memref<8x6656xf32, #tpu.memory_space<vmem>>[vector<16xi32>, vector<16xi32>], vector<16xf32>,
      %select_n3A_411 = arith.select %and3A_401, %gather3A_410, %broadcast_in_dim3A_3 : vector<16xi1>, vector<16xf32>
      tpu.vector_store_idx %arg12[%add3A_383], %select_n3A_411 {add = true} : memref<512xf32, #tpu.memory_space<vmem>>[vector<16xi32>], vector<16xf32>,
      %mul3A_412 = arith.constant 8 : i32
      %mul3A_413 = arith.muli %select_n3A_217, %mul3A_412 : i32
      %add3A_414 = arith.constant 4 : i32
      %add3A_415 = arith.addi %mul3A_413, %add3A_414 : i32
      %add3A_416 = arith.addi %mul3A_2, %add3A_415 : i32
      %broadcast_in_dim3A_417 = vector.broadcast %add3A_416 : i32 to vector<16xi32>
      %gather3A_418 = tpu.vector_load_idx %arg9[%broadcast_in_dim3A_417] : memref<1024xf32, #tpu.memory_space<vmem>>[vector<16xi32>], vector<16xf32>,
      %scan3A_419 = arith.constant 0 : i32
      %scan3A_420 = arith.constant 52 : i32
      %scan3A_421 = arith.addi %scan3A_419, %scan3A_420 : i32
      %scan3A_422 = arith.constant 1 : i32
      %scan3A_423 = scf.for %scan3A_1058 = %scan3A_419 to %scan3A_421 step %scan3A_422 iter_args(%scan3A_1059 = %broadcast_in_dim3A_3) -> (vector<16xf32>)  : i32 {
        %mul3A_1060 = arith.constant 128 : i32
        %mul3A_1061 = arith.muli %scan3A_1058, %mul3A_1060 : i32
        %add3A_1062 = arith.constant 0 : i32
        %add3A_1063 = arith.addi %mul3A_1061, %add3A_1062 : i32
        %get3A = arith.constant 4 : i32
        %get3A_1064 = arith.index_cast %get3A : i32 to index
        %get3A_1065 = arith.index_cast %add3A_1063 : i32 to index
        %get3A_1066 = tpu.vector_load %arg7[%get3A_1064, %get3A_1065] {strides = array<i32>} : memref<8x6656xf32, #tpu.memory_space<vmem>>, vector<16xf32>,
        %mul3A_1067 = arith.mulf %get3A_1066, %gather3A_418 : vector<16xf32>
        %exp3A = math.exp %mul3A_1067 : vector<16xf32>
        %add3A_1068 = arith.constant 16 : i32
        %add3A_1069 = arith.addi %mul3A_1061, %add3A_1068 : i32
        %get3A_1070 = arith.constant 4 : i32
        %get3A_1071 = arith.index_cast %get3A_1070 : i32 to index
        %get3A_1072 = arith.index_cast %add3A_1069 : i32 to index
        %get3A_1073 = tpu.vector_load %arg7[%get3A_1071, %get3A_1072] {strides = array<i32>} : memref<8x6656xf32, #tpu.memory_space<vmem>>, vector<16xf32>,
        %mul3A_1074 = arith.mulf %get3A_1073, %gather3A_418 : vector<16xf32>
        %exp3A_1075 = math.exp %mul3A_1074 : vector<16xf32>
        %add3A_1076 = arith.addf %exp3A, %exp3A_1075 : vector<16xf32>
        %add3A_1077 = arith.constant 32 : i32
        %add3A_1078 = arith.addi %mul3A_1061, %add3A_1077 : i32
        %get3A_1079 = arith.constant 4 : i32
        %get3A_1080 = arith.index_cast %get3A_1079 : i32 to index
        %get3A_1081 = arith.index_cast %add3A_1078 : i32 to index
        %get3A_1082 = tpu.vector_load %arg7[%get3A_1080, %get3A_1081] {strides = array<i32>} : memref<8x6656xf32, #tpu.memory_space<vmem>>, vector<16xf32>,
        %mul3A_1083 = arith.mulf %get3A_1082, %gather3A_418 : vector<16xf32>
        %exp3A_1084 = math.exp %mul3A_1083 : vector<16xf32>
        %add3A_1085 = arith.addf %add3A_1076, %exp3A_1084 : vector<16xf32>
        %add3A_1086 = arith.constant 48 : i32
        %add3A_1087 = arith.addi %mul3A_1061, %add3A_1086 : i32
        %get3A_1088 = arith.constant 4 : i32
        %get3A_1089 = arith.index_cast %get3A_1088 : i32 to index
        %get3A_1090 = arith.index_cast %add3A_1087 : i32 to index
        %get3A_1091 = tpu.vector_load %arg7[%get3A_1089, %get3A_1090] {strides = array<i32>} : memref<8x6656xf32, #tpu.memory_space<vmem>>, vector<16xf32>,
        %mul3A_1092 = arith.mulf %get3A_1091, %gather3A_418 : vector<16xf32>
        %exp3A_1093 = math.exp %mul3A_1092 : vector<16xf32>
        %add3A_1094 = arith.addf %add3A_1085, %exp3A_1093 : vector<16xf32>
        %add3A_1095 = arith.constant 64 : i32
        %add3A_1096 = arith.addi %mul3A_1061, %add3A_1095 : i32
        %get3A_1097 = arith.constant 4 : i32
        %get3A_1098 = arith.index_cast %get3A_1097 : i32 to index
        %get3A_1099 = arith.index_cast %add3A_1096 : i32 to index
        %get3A_1100 = tpu.vector_load %arg7[%get3A_1098, %get3A_1099] {strides = array<i32>} : memref<8x6656xf32, #tpu.memory_space<vmem>>, vector<16xf32>,
        %mul3A_1101 = arith.mulf %get3A_1100, %gather3A_418 : vector<16xf32>
        %exp3A_1102 = math.exp %mul3A_1101 : vector<16xf32>
        %add3A_1103 = arith.addf %add3A_1094, %exp3A_1102 : vector<16xf32>
        %add3A_1104 = arith.constant 80 : i32
        %add3A_1105 = arith.addi %mul3A_1061, %add3A_1104 : i32
        %get3A_1106 = arith.constant 4 : i32
        %get3A_1107 = arith.index_cast %get3A_1106 : i32 to index
        %get3A_1108 = arith.index_cast %add3A_1105 : i32 to index
        %get3A_1109 = tpu.vector_load %arg7[%get3A_1107, %get3A_1108] {strides = array<i32>} : memref<8x6656xf32, #tpu.memory_space<vmem>>, vector<16xf32>,
        %mul3A_1110 = arith.mulf %get3A_1109, %gather3A_418 : vector<16xf32>
        %exp3A_1111 = math.exp %mul3A_1110 : vector<16xf32>
        %add3A_1112 = arith.addf %add3A_1103, %exp3A_1111 : vector<16xf32>
        %add3A_1113 = arith.constant 96 : i32
        %add3A_1114 = arith.addi %mul3A_1061, %add3A_1113 : i32
        %get3A_1115 = arith.constant 4 : i32
        %get3A_1116 = arith.index_cast %get3A_1115 : i32 to index
        %get3A_1117 = arith.index_cast %add3A_1114 : i32 to index
        %get3A_1118 = tpu.vector_load %arg7[%get3A_1116, %get3A_1117] {strides = array<i32>} : memref<8x6656xf32, #tpu.memory_space<vmem>>, vector<16xf32>,
        %mul3A_1119 = arith.mulf %get3A_1118, %gather3A_418 : vector<16xf32>
        %exp3A_1120 = math.exp %mul3A_1119 : vector<16xf32>
        %add3A_1121 = arith.addf %add3A_1112, %exp3A_1120 : vector<16xf32>
        %add3A_1122 = arith.constant 112 : i32
        %add3A_1123 = arith.addi %mul3A_1061, %add3A_1122 : i32
        %get3A_1124 = arith.constant 4 : i32
        %get3A_1125 = arith.index_cast %get3A_1124 : i32 to index
        %get3A_1126 = arith.index_cast %add3A_1123 : i32 to index
        %get3A_1127 = tpu.vector_load %arg7[%get3A_1125, %get3A_1126] {strides = array<i32>} : memref<8x6656xf32, #tpu.memory_space<vmem>>, vector<16xf32>,
        %mul3A_1128 = arith.mulf %get3A_1127, %gather3A_418 : vector<16xf32>
        %exp3A_1129 = math.exp %mul3A_1128 : vector<16xf32>
        %add3A_1130 = arith.addf %add3A_1121, %exp3A_1129 : vector<16xf32>
        %add3A_1131 = arith.addf %scan3A_1059, %add3A_1130 : vector<16xf32>
        scf.yield %add3A_1131 : vector<16xf32>
      }
      %scan3A_424 = arith.constant 52 : i32
      %mul3A_425 = arith.constant 16 : i32
      %mul3A_426 = arith.muli %add3A_415, %mul3A_425 : i32
      %add3A_427 = vector.broadcast %mul3A_426 : i32 to vector<16xi32>
      %add3A_428 = arith.addi %add3A_427, %iota3A : vector<16xi32>
      tpu.vector_store_idx %arg11[%add3A_428], %scan3A_423 {add = true} : memref<512xf32, #tpu.memory_space<vmem>>[vector<16xi32>], vector<16xf32>,
      %broadcast_in_dim3A_429 = vector.broadcast %add3A_415 : i32 to vector<16xi32>
      %min3A_430 = arith.constant 4 : i32
      %min3A_431 = vector.broadcast %min3A_430 : i32 to vector<16xi32>
      %min3A_432 = arith.minsi %iota3A, %min3A_431 : vector<16xi32>
      %gather3A_433 = tpu.vector_load_idx %arg10[%broadcast_in_dim3A_429, %min3A_432] : memref<32x5xi32, #tpu.memory_space<vmem>>[vector<16xi32>, vector<16xi32>], vector<16xi32>,
      %sub3A_434 = vector.broadcast %mul3A_235 : i32 to vector<16xi32>
      %sub3A_435 = arith.subi %gather3A_433, %sub3A_434 : vector<16xi32>
      %ge3A_436 = arith.constant 0 : i32
      %ge3A_437 = vector.broadcast %ge3A_436 : i32 to vector<16xi32>
      %ge3A_438 = arith.cmpi sge, %sub3A_435, %ge3A_437 : vector<16xi32>
      %lt3A_439 = arith.constant 6656 : i32
      %lt3A_440 = vector.broadcast %lt3A_439 : i32 to vector<16xi32>
      %lt3A_441 = arith.cmpi slt, %sub3A_435, %lt3A_440 : vector<16xi32>
      %and3A_442 = arith.andi %ge3A_438, %lt3A_441 : vector<16xi1>
      %lt3A_443 = arith.constant 5 : i32
      %lt3A_444 = vector.broadcast %lt3A_443 : i32 to vector<16xi32>
      %lt3A_445 = arith.cmpi slt, %iota3A, %lt3A_444 : vector<16xi32>
      %and3A_446 = arith.andi %and3A_442, %lt3A_445 : vector<16xi1>
      %min3A_447 = arith.constant 6655 : i32
      %min3A_448 = vector.broadcast %min3A_447 : i32 to vector<16xi32>
      %min3A_449 = arith.minsi %sub3A_435, %min3A_448 : vector<16xi32>
      %max3A_450 = arith.constant 0 : i32
      %max3A_451 = vector.broadcast %max3A_450 : i32 to vector<16xi32>
      %max3A_452 = arith.maxsi %min3A_449, %max3A_451 : vector<16xi32>
      %broadcast_in_dim3A_453 = arith.constant 4 : i32
      %broadcast_in_dim3A_454 = vector.broadcast %broadcast_in_dim3A_453 : i32 to vector<16xi32>
      %gather3A_455 = tpu.vector_load_idx %arg7[%broadcast_in_dim3A_454, %max3A_452] : memref<8x6656xf32, #tpu.memory_space<vmem>>[vector<16xi32>, vector<16xi32>], vector<16xf32>,
      %select_n3A_456 = arith.select %and3A_446, %gather3A_455, %broadcast_in_dim3A_3 : vector<16xi1>, vector<16xf32>
      tpu.vector_store_idx %arg12[%add3A_428], %select_n3A_456 {add = true} : memref<512xf32, #tpu.memory_space<vmem>>[vector<16xi32>], vector<16xf32>,
      %mul3A_457 = arith.constant 8 : i32
      %mul3A_458 = arith.muli %select_n3A_217, %mul3A_457 : i32
      %add3A_459 = arith.constant 5 : i32
      %add3A_460 = arith.addi %mul3A_458, %add3A_459 : i32
      %add3A_461 = arith.addi %mul3A_2, %add3A_460 : i32
      %broadcast_in_dim3A_462 = vector.broadcast %add3A_461 : i32 to vector<16xi32>
      %gather3A_463 = tpu.vector_load_idx %arg9[%broadcast_in_dim3A_462] : memref<1024xf32, #tpu.memory_space<vmem>>[vector<16xi32>], vector<16xf32>,
      %scan3A_464 = arith.constant 0 : i32
      %scan3A_465 = arith.constant 52 : i32
      %scan3A_466 = arith.addi %scan3A_464, %scan3A_465 : i32
      %scan3A_467 = arith.constant 1 : i32
      %scan3A_468 = scf.for %scan3A_1058 = %scan3A_464 to %scan3A_466 step %scan3A_467 iter_args(%scan3A_1059 = %broadcast_in_dim3A_3) -> (vector<16xf32>)  : i32 {
        %mul3A_1060 = arith.constant 128 : i32
        %mul3A_1061 = arith.muli %scan3A_1058, %mul3A_1060 : i32
        %add3A_1062 = arith.constant 0 : i32
        %add3A_1063 = arith.addi %mul3A_1061, %add3A_1062 : i32
        %get3A = arith.constant 5 : i32
        %get3A_1064 = arith.index_cast %get3A : i32 to index
        %get3A_1065 = arith.index_cast %add3A_1063 : i32 to index
        %get3A_1066 = tpu.vector_load %arg7[%get3A_1064, %get3A_1065] {strides = array<i32>} : memref<8x6656xf32, #tpu.memory_space<vmem>>, vector<16xf32>,
        %mul3A_1067 = arith.mulf %get3A_1066, %gather3A_463 : vector<16xf32>
        %exp3A = math.exp %mul3A_1067 : vector<16xf32>
        %add3A_1068 = arith.constant 16 : i32
        %add3A_1069 = arith.addi %mul3A_1061, %add3A_1068 : i32
        %get3A_1070 = arith.constant 5 : i32
        %get3A_1071 = arith.index_cast %get3A_1070 : i32 to index
        %get3A_1072 = arith.index_cast %add3A_1069 : i32 to index
        %get3A_1073 = tpu.vector_load %arg7[%get3A_1071, %get3A_1072] {strides = array<i32>} : memref<8x6656xf32, #tpu.memory_space<vmem>>, vector<16xf32>,
        %mul3A_1074 = arith.mulf %get3A_1073, %gather3A_463 : vector<16xf32>
        %exp3A_1075 = math.exp %mul3A_1074 : vector<16xf32>
        %add3A_1076 = arith.addf %exp3A, %exp3A_1075 : vector<16xf32>
        %add3A_1077 = arith.constant 32 : i32
        %add3A_1078 = arith.addi %mul3A_1061, %add3A_1077 : i32
        %get3A_1079 = arith.constant 5 : i32
        %get3A_1080 = arith.index_cast %get3A_1079 : i32 to index
        %get3A_1081 = arith.index_cast %add3A_1078 : i32 to index
        %get3A_1082 = tpu.vector_load %arg7[%get3A_1080, %get3A_1081] {strides = array<i32>} : memref<8x6656xf32, #tpu.memory_space<vmem>>, vector<16xf32>,
        %mul3A_1083 = arith.mulf %get3A_1082, %gather3A_463 : vector<16xf32>
        %exp3A_1084 = math.exp %mul3A_1083 : vector<16xf32>
        %add3A_1085 = arith.addf %add3A_1076, %exp3A_1084 : vector<16xf32>
        %add3A_1086 = arith.constant 48 : i32
        %add3A_1087 = arith.addi %mul3A_1061, %add3A_1086 : i32
        %get3A_1088 = arith.constant 5 : i32
        %get3A_1089 = arith.index_cast %get3A_1088 : i32 to index
        %get3A_1090 = arith.index_cast %add3A_1087 : i32 to index
        %get3A_1091 = tpu.vector_load %arg7[%get3A_1089, %get3A_1090] {strides = array<i32>} : memref<8x6656xf32, #tpu.memory_space<vmem>>, vector<16xf32>,
        %mul3A_1092 = arith.mulf %get3A_1091, %gather3A_463 : vector<16xf32>
        %exp3A_1093 = math.exp %mul3A_1092 : vector<16xf32>
        %add3A_1094 = arith.addf %add3A_1085, %exp3A_1093 : vector<16xf32>
        %add3A_1095 = arith.constant 64 : i32
        %add3A_1096 = arith.addi %mul3A_1061, %add3A_1095 : i32
        %get3A_1097 = arith.constant 5 : i32
        %get3A_1098 = arith.index_cast %get3A_1097 : i32 to index
        %get3A_1099 = arith.index_cast %add3A_1096 : i32 to index
        %get3A_1100 = tpu.vector_load %arg7[%get3A_1098, %get3A_1099] {strides = array<i32>} : memref<8x6656xf32, #tpu.memory_space<vmem>>, vector<16xf32>,
        %mul3A_1101 = arith.mulf %get3A_1100, %gather3A_463 : vector<16xf32>
        %exp3A_1102 = math.exp %mul3A_1101 : vector<16xf32>
        %add3A_1103 = arith.addf %add3A_1094, %exp3A_1102 : vector<16xf32>
        %add3A_1104 = arith.constant 80 : i32
        %add3A_1105 = arith.addi %mul3A_1061, %add3A_1104 : i32
        %get3A_1106 = arith.constant 5 : i32
        %get3A_1107 = arith.index_cast %get3A_1106 : i32 to index
        %get3A_1108 = arith.index_cast %add3A_1105 : i32 to index
        %get3A_1109 = tpu.vector_load %arg7[%get3A_1107, %get3A_1108] {strides = array<i32>} : memref<8x6656xf32, #tpu.memory_space<vmem>>, vector<16xf32>,
        %mul3A_1110 = arith.mulf %get3A_1109, %gather3A_463 : vector<16xf32>
        %exp3A_1111 = math.exp %mul3A_1110 : vector<16xf32>
        %add3A_1112 = arith.addf %add3A_1103, %exp3A_1111 : vector<16xf32>
        %add3A_1113 = arith.constant 96 : i32
        %add3A_1114 = arith.addi %mul3A_1061, %add3A_1113 : i32
        %get3A_1115 = arith.constant 5 : i32
        %get3A_1116 = arith.index_cast %get3A_1115 : i32 to index
        %get3A_1117 = arith.index_cast %add3A_1114 : i32 to index
        %get3A_1118 = tpu.vector_load %arg7[%get3A_1116, %get3A_1117] {strides = array<i32>} : memref<8x6656xf32, #tpu.memory_space<vmem>>, vector<16xf32>,
        %mul3A_1119 = arith.mulf %get3A_1118, %gather3A_463 : vector<16xf32>
        %exp3A_1120 = math.exp %mul3A_1119 : vector<16xf32>
        %add3A_1121 = arith.addf %add3A_1112, %exp3A_1120 : vector<16xf32>
        %add3A_1122 = arith.constant 112 : i32
        %add3A_1123 = arith.addi %mul3A_1061, %add3A_1122 : i32
        %get3A_1124 = arith.constant 5 : i32
        %get3A_1125 = arith.index_cast %get3A_1124 : i32 to index
        %get3A_1126 = arith.index_cast %add3A_1123 : i32 to index
        %get3A_1127 = tpu.vector_load %arg7[%get3A_1125, %get3A_1126] {strides = array<i32>} : memref<8x6656xf32, #tpu.memory_space<vmem>>, vector<16xf32>,
        %mul3A_1128 = arith.mulf %get3A_1127, %gather3A_463 : vector<16xf32>
        %exp3A_1129 = math.exp %mul3A_1128 : vector<16xf32>
        %add3A_1130 = arith.addf %add3A_1121, %exp3A_1129 : vector<16xf32>
        %add3A_1131 = arith.addf %scan3A_1059, %add3A_1130 : vector<16xf32>
        scf.yield %add3A_1131 : vector<16xf32>
      }
      %scan3A_469 = arith.constant 52 : i32
      %mul3A_470 = arith.constant 16 : i32
      %mul3A_471 = arith.muli %add3A_460, %mul3A_470 : i32
      %add3A_472 = vector.broadcast %mul3A_471 : i32 to vector<16xi32>
      %add3A_473 = arith.addi %add3A_472, %iota3A : vector<16xi32>
      tpu.vector_store_idx %arg11[%add3A_473], %scan3A_468 {add = true} : memref<512xf32, #tpu.memory_space<vmem>>[vector<16xi32>], vector<16xf32>,
      %broadcast_in_dim3A_474 = vector.broadcast %add3A_460 : i32 to vector<16xi32>
      %min3A_475 = arith.constant 4 : i32
      %min3A_476 = vector.broadcast %min3A_475 : i32 to vector<16xi32>
      %min3A_477 = arith.minsi %iota3A, %min3A_476 : vector<16xi32>
      %gather3A_478 = tpu.vector_load_idx %arg10[%broadcast_in_dim3A_474, %min3A_477] : memref<32x5xi32, #tpu.memory_space<vmem>>[vector<16xi32>, vector<16xi32>], vector<16xi32>,
      %sub3A_479 = vector.broadcast %mul3A_235 : i32 to vector<16xi32>
      %sub3A_480 = arith.subi %gather3A_478, %sub3A_479 : vector<16xi32>
      %ge3A_481 = arith.constant 0 : i32
      %ge3A_482 = vector.broadcast %ge3A_481 : i32 to vector<16xi32>
      %ge3A_483 = arith.cmpi sge, %sub3A_480, %ge3A_482 : vector<16xi32>
      %lt3A_484 = arith.constant 6656 : i32
      %lt3A_485 = vector.broadcast %lt3A_484 : i32 to vector<16xi32>
      %lt3A_486 = arith.cmpi slt, %sub3A_480, %lt3A_485 : vector<16xi32>
      %and3A_487 = arith.andi %ge3A_483, %lt3A_486 : vector<16xi1>
      %lt3A_488 = arith.constant 5 : i32
      %lt3A_489 = vector.broadcast %lt3A_488 : i32 to vector<16xi32>
      %lt3A_490 = arith.cmpi slt, %iota3A, %lt3A_489 : vector<16xi32>
      %and3A_491 = arith.andi %and3A_487, %lt3A_490 : vector<16xi1>
      %min3A_492 = arith.constant 6655 : i32
      %min3A_493 = vector.broadcast %min3A_492 : i32 to vector<16xi32>
      %min3A_494 = arith.minsi %sub3A_480, %min3A_493 : vector<16xi32>
      %max3A_495 = arith.constant 0 : i32
      %max3A_496 = vector.broadcast %max3A_495 : i32 to vector<16xi32>
      %max3A_497 = arith.maxsi %min3A_494, %max3A_496 : vector<16xi32>
      %broadcast_in_dim3A_498 = arith.constant 5 : i32
      %broadcast_in_dim3A_499 = vector.broadcast %broadcast_in_dim3A_498 : i32 to vector<16xi32>
      %gather3A_500 = tpu.vector_load_idx %arg7[%broadcast_in_dim3A_499, %max3A_497] : memref<8x6656xf32, #tpu.memory_space<vmem>>[vector<16xi32>, vector<16xi32>], vector<16xf32>,
      %select_n3A_501 = arith.select %and3A_491, %gather3A_500, %broadcast_in_dim3A_3 : vector<16xi1>, vector<16xf32>
      tpu.vector_store_idx %arg12[%add3A_473], %select_n3A_501 {add = true} : memref<512xf32, #tpu.memory_space<vmem>>[vector<16xi32>], vector<16xf32>,
      %mul3A_502 = arith.constant 8 : i32
      %mul3A_503 = arith.muli %select_n3A_217, %mul3A_502 : i32
      %add3A_504 = arith.constant 6 : i32
      %add3A_505 = arith.addi %mul3A_503, %add3A_504 : i32
      %add3A_506 = arith.addi %mul3A_2, %add3A_505 : i32
      %broadcast_in_dim3A_507 = vector.broadcast %add3A_506 : i32 to vector<16xi32>
      %gather3A_508 = tpu.vector_load_idx %arg9[%broadcast_in_dim3A_507] : memref<1024xf32, #tpu.memory_space<vmem>>[vector<16xi32>], vector<16xf32>,
      %scan3A_509 = arith.constant 0 : i32
      %scan3A_510 = arith.constant 52 : i32
      %scan3A_511 = arith.addi %scan3A_509, %scan3A_510 : i32
      %scan3A_512 = arith.constant 1 : i32
      %scan3A_513 = scf.for %scan3A_1058 = %scan3A_509 to %scan3A_511 step %scan3A_512 iter_args(%scan3A_1059 = %broadcast_in_dim3A_3) -> (vector<16xf32>)  : i32 {
        %mul3A_1060 = arith.constant 128 : i32
        %mul3A_1061 = arith.muli %scan3A_1058, %mul3A_1060 : i32
        %add3A_1062 = arith.constant 0 : i32
        %add3A_1063 = arith.addi %mul3A_1061, %add3A_1062 : i32
        %get3A = arith.constant 6 : i32
        %get3A_1064 = arith.index_cast %get3A : i32 to index
        %get3A_1065 = arith.index_cast %add3A_1063 : i32 to index
        %get3A_1066 = tpu.vector_load %arg7[%get3A_1064, %get3A_1065] {strides = array<i32>} : memref<8x6656xf32, #tpu.memory_space<vmem>>, vector<16xf32>,
        %mul3A_1067 = arith.mulf %get3A_1066, %gather3A_508 : vector<16xf32>
        %exp3A = math.exp %mul3A_1067 : vector<16xf32>
        %add3A_1068 = arith.constant 16 : i32
        %add3A_1069 = arith.addi %mul3A_1061, %add3A_1068 : i32
        %get3A_1070 = arith.constant 6 : i32
        %get3A_1071 = arith.index_cast %get3A_1070 : i32 to index
        %get3A_1072 = arith.index_cast %add3A_1069 : i32 to index
        %get3A_1073 = tpu.vector_load %arg7[%get3A_1071, %get3A_1072] {strides = array<i32>} : memref<8x6656xf32, #tpu.memory_space<vmem>>, vector<16xf32>,
        %mul3A_1074 = arith.mulf %get3A_1073, %gather3A_508 : vector<16xf32>
        %exp3A_1075 = math.exp %mul3A_1074 : vector<16xf32>
        %add3A_1076 = arith.addf %exp3A, %exp3A_1075 : vector<16xf32>
        %add3A_1077 = arith.constant 32 : i32
        %add3A_1078 = arith.addi %mul3A_1061, %add3A_1077 : i32
        %get3A_1079 = arith.constant 6 : i32
        %get3A_1080 = arith.index_cast %get3A_1079 : i32 to index
        %get3A_1081 = arith.index_cast %add3A_1078 : i32 to index
        %get3A_1082 = tpu.vector_load %arg7[%get3A_1080, %get3A_1081] {strides = array<i32>} : memref<8x6656xf32, #tpu.memory_space<vmem>>, vector<16xf32>,
        %mul3A_1083 = arith.mulf %get3A_1082, %gather3A_508 : vector<16xf32>
        %exp3A_1084 = math.exp %mul3A_1083 : vector<16xf32>
        %add3A_1085 = arith.addf %add3A_1076, %exp3A_1084 : vector<16xf32>
        %add3A_1086 = arith.constant 48 : i32
        %add3A_1087 = arith.addi %mul3A_1061, %add3A_1086 : i32
        %get3A_1088 = arith.constant 6 : i32
        %get3A_1089 = arith.index_cast %get3A_1088 : i32 to index
        %get3A_1090 = arith.index_cast %add3A_1087 : i32 to index
        %get3A_1091 = tpu.vector_load %arg7[%get3A_1089, %get3A_1090] {strides = array<i32>} : memref<8x6656xf32, #tpu.memory_space<vmem>>, vector<16xf32>,
        %mul3A_1092 = arith.mulf %get3A_1091, %gather3A_508 : vector<16xf32>
        %exp3A_1093 = math.exp %mul3A_1092 : vector<16xf32>
        %add3A_1094 = arith.addf %add3A_1085, %exp3A_1093 : vector<16xf32>
        %add3A_1095 = arith.constant 64 : i32
        %add3A_1096 = arith.addi %mul3A_1061, %add3A_1095 : i32
        %get3A_1097 = arith.constant 6 : i32
        %get3A_1098 = arith.index_cast %get3A_1097 : i32 to index
        %get3A_1099 = arith.index_cast %add3A_1096 : i32 to index
        %get3A_1100 = tpu.vector_load %arg7[%get3A_1098, %get3A_1099] {strides = array<i32>} : memref<8x6656xf32, #tpu.memory_space<vmem>>, vector<16xf32>,
        %mul3A_1101 = arith.mulf %get3A_1100, %gather3A_508 : vector<16xf32>
        %exp3A_1102 = math.exp %mul3A_1101 : vector<16xf32>
        %add3A_1103 = arith.addf %add3A_1094, %exp3A_1102 : vector<16xf32>
        %add3A_1104 = arith.constant 80 : i32
        %add3A_1105 = arith.addi %mul3A_1061, %add3A_1104 : i32
        %get3A_1106 = arith.constant 6 : i32
        %get3A_1107 = arith.index_cast %get3A_1106 : i32 to index
        %get3A_1108 = arith.index_cast %add3A_1105 : i32 to index
        %get3A_1109 = tpu.vector_load %arg7[%get3A_1107, %get3A_1108] {strides = array<i32>} : memref<8x6656xf32, #tpu.memory_space<vmem>>, vector<16xf32>,
        %mul3A_1110 = arith.mulf %get3A_1109, %gather3A_508 : vector<16xf32>
        %exp3A_1111 = math.exp %mul3A_1110 : vector<16xf32>
        %add3A_1112 = arith.addf %add3A_1103, %exp3A_1111 : vector<16xf32>
        %add3A_1113 = arith.constant 96 : i32
        %add3A_1114 = arith.addi %mul3A_1061, %add3A_1113 : i32
        %get3A_1115 = arith.constant 6 : i32
        %get3A_1116 = arith.index_cast %get3A_1115 : i32 to index
        %get3A_1117 = arith.index_cast %add3A_1114 : i32 to index
        %get3A_1118 = tpu.vector_load %arg7[%get3A_1116, %get3A_1117] {strides = array<i32>} : memref<8x6656xf32, #tpu.memory_space<vmem>>, vector<16xf32>,
        %mul3A_1119 = arith.mulf %get3A_1118, %gather3A_508 : vector<16xf32>
        %exp3A_1120 = math.exp %mul3A_1119 : vector<16xf32>
        %add3A_1121 = arith.addf %add3A_1112, %exp3A_1120 : vector<16xf32>
        %add3A_1122 = arith.constant 112 : i32
        %add3A_1123 = arith.addi %mul3A_1061, %add3A_1122 : i32
        %get3A_1124 = arith.constant 6 : i32
        %get3A_1125 = arith.index_cast %get3A_1124 : i32 to index
        %get3A_1126 = arith.index_cast %add3A_1123 : i32 to index
        %get3A_1127 = tpu.vector_load %arg7[%get3A_1125, %get3A_1126] {strides = array<i32>} : memref<8x6656xf32, #tpu.memory_space<vmem>>, vector<16xf32>,
        %mul3A_1128 = arith.mulf %get3A_1127, %gather3A_508 : vector<16xf32>
        %exp3A_1129 = math.exp %mul3A_1128 : vector<16xf32>
        %add3A_1130 = arith.addf %add3A_1121, %exp3A_1129 : vector<16xf32>
        %add3A_1131 = arith.addf %scan3A_1059, %add3A_1130 : vector<16xf32>
        scf.yield %add3A_1131 : vector<16xf32>
      }
      %scan3A_514 = arith.constant 52 : i32
      %mul3A_515 = arith.constant 16 : i32
      %mul3A_516 = arith.muli %add3A_505, %mul3A_515 : i32
      %add3A_517 = vector.broadcast %mul3A_516 : i32 to vector<16xi32>
      %add3A_518 = arith.addi %add3A_517, %iota3A : vector<16xi32>
      tpu.vector_store_idx %arg11[%add3A_518], %scan3A_513 {add = true} : memref<512xf32, #tpu.memory_space<vmem>>[vector<16xi32>], vector<16xf32>,
      %broadcast_in_dim3A_519 = vector.broadcast %add3A_505 : i32 to vector<16xi32>
      %min3A_520 = arith.constant 4 : i32
      %min3A_521 = vector.broadcast %min3A_520 : i32 to vector<16xi32>
      %min3A_522 = arith.minsi %iota3A, %min3A_521 : vector<16xi32>
      %gather3A_523 = tpu.vector_load_idx %arg10[%broadcast_in_dim3A_519, %min3A_522] : memref<32x5xi32, #tpu.memory_space<vmem>>[vector<16xi32>, vector<16xi32>], vector<16xi32>,
      %sub3A_524 = vector.broadcast %mul3A_235 : i32 to vector<16xi32>
      %sub3A_525 = arith.subi %gather3A_523, %sub3A_524 : vector<16xi32>
      %ge3A_526 = arith.constant 0 : i32
      %ge3A_527 = vector.broadcast %ge3A_526 : i32 to vector<16xi32>
      %ge3A_528 = arith.cmpi sge, %sub3A_525, %ge3A_527 : vector<16xi32>
      %lt3A_529 = arith.constant 6656 : i32
      %lt3A_530 = vector.broadcast %lt3A_529 : i32 to vector<16xi32>
      %lt3A_531 = arith.cmpi slt, %sub3A_525, %lt3A_530 : vector<16xi32>
      %and3A_532 = arith.andi %ge3A_528, %lt3A_531 : vector<16xi1>
      %lt3A_533 = arith.constant 5 : i32
      %lt3A_534 = vector.broadcast %lt3A_533 : i32 to vector<16xi32>
      %lt3A_535 = arith.cmpi slt, %iota3A, %lt3A_534 : vector<16xi32>
      %and3A_536 = arith.andi %and3A_532, %lt3A_535 : vector<16xi1>
      %min3A_537 = arith.constant 6655 : i32
      %min3A_538 = vector.broadcast %min3A_537 : i32 to vector<16xi32>
      %min3A_539 = arith.minsi %sub3A_525, %min3A_538 : vector<16xi32>
      %max3A_540 = arith.constant 0 : i32
      %max3A_541 = vector.broadcast %max3A_540 : i32 to vector<16xi32>
      %max3A_542 = arith.maxsi %min3A_539, %max3A_541 : vector<16xi32>
      %broadcast_in_dim3A_543 = arith.constant 6 : i32
      %broadcast_in_dim3A_544 = vector.broadcast %broadcast_in_dim3A_543 : i32 to vector<16xi32>
      %gather3A_545 = tpu.vector_load_idx %arg7[%broadcast_in_dim3A_544, %max3A_542] : memref<8x6656xf32, #tpu.memory_space<vmem>>[vector<16xi32>, vector<16xi32>], vector<16xf32>,
      %select_n3A_546 = arith.select %and3A_536, %gather3A_545, %broadcast_in_dim3A_3 : vector<16xi1>, vector<16xf32>
      tpu.vector_store_idx %arg12[%add3A_518], %select_n3A_546 {add = true} : memref<512xf32, #tpu.memory_space<vmem>>[vector<16xi32>], vector<16xf32>,
      %mul3A_547 = arith.constant 8 : i32
      %mul3A_548 = arith.muli %select_n3A_217, %mul3A_547 : i32
      %add3A_549 = arith.constant 7 : i32
      %add3A_550 = arith.addi %mul3A_548, %add3A_549 : i32
      %add3A_551 = arith.addi %mul3A_2, %add3A_550 : i32
      %broadcast_in_dim3A_552 = vector.broadcast %add3A_551 : i32 to vector<16xi32>
      %gather3A_553 = tpu.vector_load_idx %arg9[%broadcast_in_dim3A_552] : memref<1024xf32, #tpu.memory_space<vmem>>[vector<16xi32>], vector<16xf32>,
      %scan3A_554 = arith.constant 0 : i32
      %scan3A_555 = arith.constant 52 : i32
      %scan3A_556 = arith.addi %scan3A_554, %scan3A_555 : i32
      %scan3A_557 = arith.constant 1 : i32
      %scan3A_558 = scf.for %scan3A_1058 = %scan3A_554 to %scan3A_556 step %scan3A_557 iter_args(%scan3A_1059 = %broadcast_in_dim3A_3) -> (vector<16xf32>)  : i32 {
        %mul3A_1060 = arith.constant 128 : i32
        %mul3A_1061 = arith.muli %scan3A_1058, %mul3A_1060 : i32
        %add3A_1062 = arith.constant 0 : i32
        %add3A_1063 = arith.addi %mul3A_1061, %add3A_1062 : i32
        %get3A = arith.constant 7 : i32
        %get3A_1064 = arith.index_cast %get3A : i32 to index
        %get3A_1065 = arith.index_cast %add3A_1063 : i32 to index
        %get3A_1066 = tpu.vector_load %arg7[%get3A_1064, %get3A_1065] {strides = array<i32>} : memref<8x6656xf32, #tpu.memory_space<vmem>>, vector<16xf32>,
        %mul3A_1067 = arith.mulf %get3A_1066, %gather3A_553 : vector<16xf32>
        %exp3A = math.exp %mul3A_1067 : vector<16xf32>
        %add3A_1068 = arith.constant 16 : i32
        %add3A_1069 = arith.addi %mul3A_1061, %add3A_1068 : i32
        %get3A_1070 = arith.constant 7 : i32
        %get3A_1071 = arith.index_cast %get3A_1070 : i32 to index
        %get3A_1072 = arith.index_cast %add3A_1069 : i32 to index
        %get3A_1073 = tpu.vector_load %arg7[%get3A_1071, %get3A_1072] {strides = array<i32>} : memref<8x6656xf32, #tpu.memory_space<vmem>>, vector<16xf32>,
        %mul3A_1074 = arith.mulf %get3A_1073, %gather3A_553 : vector<16xf32>
        %exp3A_1075 = math.exp %mul3A_1074 : vector<16xf32>
        %add3A_1076 = arith.addf %exp3A, %exp3A_1075 : vector<16xf32>
        %add3A_1077 = arith.constant 32 : i32
        %add3A_1078 = arith.addi %mul3A_1061, %add3A_1077 : i32
        %get3A_1079 = arith.constant 7 : i32
        %get3A_1080 = arith.index_cast %get3A_1079 : i32 to index
        %get3A_1081 = arith.index_cast %add3A_1078 : i32 to index
        %get3A_1082 = tpu.vector_load %arg7[%get3A_1080, %get3A_1081] {strides = array<i32>} : memref<8x6656xf32, #tpu.memory_space<vmem>>, vector<16xf32>,
        %mul3A_1083 = arith.mulf %get3A_1082, %gather3A_553 : vector<16xf32>
        %exp3A_1084 = math.exp %mul3A_1083 : vector<16xf32>
        %add3A_1085 = arith.addf %add3A_1076, %exp3A_1084 : vector<16xf32>
        %add3A_1086 = arith.constant 48 : i32
        %add3A_1087 = arith.addi %mul3A_1061, %add3A_1086 : i32
        %get3A_1088 = arith.constant 7 : i32
        %get3A_1089 = arith.index_cast %get3A_1088 : i32 to index
        %get3A_1090 = arith.index_cast %add3A_1087 : i32 to index
        %get3A_1091 = tpu.vector_load %arg7[%get3A_1089, %get3A_1090] {strides = array<i32>} : memref<8x6656xf32, #tpu.memory_space<vmem>>, vector<16xf32>,
        %mul3A_1092 = arith.mulf %get3A_1091, %gather3A_553 : vector<16xf32>
        %exp3A_1093 = math.exp %mul3A_1092 : vector<16xf32>
        %add3A_1094 = arith.addf %add3A_1085, %exp3A_1093 : vector<16xf32>
        %add3A_1095 = arith.constant 64 : i32
        %add3A_1096 = arith.addi %mul3A_1061, %add3A_1095 : i32
        %get3A_1097 = arith.constant 7 : i32
        %get3A_1098 = arith.index_cast %get3A_1097 : i32 to index
        %get3A_1099 = arith.index_cast %add3A_1096 : i32 to index
        %get3A_1100 = tpu.vector_load %arg7[%get3A_1098, %get3A_1099] {strides = array<i32>} : memref<8x6656xf32, #tpu.memory_space<vmem>>, vector<16xf32>,
        %mul3A_1101 = arith.mulf %get3A_1100, %gather3A_553 : vector<16xf32>
        %exp3A_1102 = math.exp %mul3A_1101 : vector<16xf32>
        %add3A_1103 = arith.addf %add3A_1094, %exp3A_1102 : vector<16xf32>
        %add3A_1104 = arith.constant 80 : i32
        %add3A_1105 = arith.addi %mul3A_1061, %add3A_1104 : i32
        %get3A_1106 = arith.constant 7 : i32
        %get3A_1107 = arith.index_cast %get3A_1106 : i32 to index
        %get3A_1108 = arith.index_cast %add3A_1105 : i32 to index
        %get3A_1109 = tpu.vector_load %arg7[%get3A_1107, %get3A_1108] {strides = array<i32>} : memref<8x6656xf32, #tpu.memory_space<vmem>>, vector<16xf32>,
        %mul3A_1110 = arith.mulf %get3A_1109, %gather3A_553 : vector<16xf32>
        %exp3A_1111 = math.exp %mul3A_1110 : vector<16xf32>
        %add3A_1112 = arith.addf %add3A_1103, %exp3A_1111 : vector<16xf32>
        %add3A_1113 = arith.constant 96 : i32
        %add3A_1114 = arith.addi %mul3A_1061, %add3A_1113 : i32
        %get3A_1115 = arith.constant 7 : i32
        %get3A_1116 = arith.index_cast %get3A_1115 : i32 to index
        %get3A_1117 = arith.index_cast %add3A_1114 : i32 to index
        %get3A_1118 = tpu.vector_load %arg7[%get3A_1116, %get3A_1117] {strides = array<i32>} : memref<8x6656xf32, #tpu.memory_space<vmem>>, vector<16xf32>,
        %mul3A_1119 = arith.mulf %get3A_1118, %gather3A_553 : vector<16xf32>
        %exp3A_1120 = math.exp %mul3A_1119 : vector<16xf32>
        %add3A_1121 = arith.addf %add3A_1112, %exp3A_1120 : vector<16xf32>
        %add3A_1122 = arith.constant 112 : i32
        %add3A_1123 = arith.addi %mul3A_1061, %add3A_1122 : i32
        %get3A_1124 = arith.constant 7 : i32
        %get3A_1125 = arith.index_cast %get3A_1124 : i32 to index
        %get3A_1126 = arith.index_cast %add3A_1123 : i32 to index
        %get3A_1127 = tpu.vector_load %arg7[%get3A_1125, %get3A_1126] {strides = array<i32>} : memref<8x6656xf32, #tpu.memory_space<vmem>>, vector<16xf32>,
        %mul3A_1128 = arith.mulf %get3A_1127, %gather3A_553 : vector<16xf32>
        %exp3A_1129 = math.exp %mul3A_1128 : vector<16xf32>
        %add3A_1130 = arith.addf %add3A_1121, %exp3A_1129 : vector<16xf32>
        %add3A_1131 = arith.addf %scan3A_1059, %add3A_1130 : vector<16xf32>
        scf.yield %add3A_1131 : vector<16xf32>
      }
      %scan3A_559 = arith.constant 52 : i32
      %mul3A_560 = arith.constant 16 : i32
      %mul3A_561 = arith.muli %add3A_550, %mul3A_560 : i32
      %add3A_562 = vector.broadcast %mul3A_561 : i32 to vector<16xi32>
      %add3A_563 = arith.addi %add3A_562, %iota3A : vector<16xi32>
      tpu.vector_store_idx %arg11[%add3A_563], %scan3A_558 {add = true} : memref<512xf32, #tpu.memory_space<vmem>>[vector<16xi32>], vector<16xf32>,
      %broadcast_in_dim3A_564 = vector.broadcast %add3A_550 : i32 to vector<16xi32>
      %min3A_565 = arith.constant 4 : i32
      %min3A_566 = vector.broadcast %min3A_565 : i32 to vector<16xi32>
      %min3A_567 = arith.minsi %iota3A, %min3A_566 : vector<16xi32>
      %gather3A_568 = tpu.vector_load_idx %arg10[%broadcast_in_dim3A_564, %min3A_567] : memref<32x5xi32, #tpu.memory_space<vmem>>[vector<16xi32>, vector<16xi32>], vector<16xi32>,
      %sub3A_569 = vector.broadcast %mul3A_235 : i32 to vector<16xi32>
      %sub3A_570 = arith.subi %gather3A_568, %sub3A_569 : vector<16xi32>
      %ge3A_571 = arith.constant 0 : i32
      %ge3A_572 = vector.broadcast %ge3A_571 : i32 to vector<16xi32>
      %ge3A_573 = arith.cmpi sge, %sub3A_570, %ge3A_572 : vector<16xi32>
      %lt3A_574 = arith.constant 6656 : i32
      %lt3A_575 = vector.broadcast %lt3A_574 : i32 to vector<16xi32>
      %lt3A_576 = arith.cmpi slt, %sub3A_570, %lt3A_575 : vector<16xi32>
      %and3A_577 = arith.andi %ge3A_573, %lt3A_576 : vector<16xi1>
      %lt3A_578 = arith.constant 5 : i32
      %lt3A_579 = vector.broadcast %lt3A_578 : i32 to vector<16xi32>
      %lt3A_580 = arith.cmpi slt, %iota3A, %lt3A_579 : vector<16xi32>
      %and3A_581 = arith.andi %and3A_577, %lt3A_580 : vector<16xi1>
      %min3A_582 = arith.constant 6655 : i32
      %min3A_583 = vector.broadcast %min3A_582 : i32 to vector<16xi32>
      %min3A_584 = arith.minsi %sub3A_570, %min3A_583 : vector<16xi32>
      %max3A_585 = arith.constant 0 : i32
      %max3A_586 = vector.broadcast %max3A_585 : i32 to vector<16xi32>
      %max3A_587 = arith.maxsi %min3A_584, %max3A_586 : vector<16xi32>
      %broadcast_in_dim3A_588 = arith.constant 7 : i32
      %broadcast_in_dim3A_589 = vector.broadcast %broadcast_in_dim3A_588 : i32 to vector<16xi32>
      %gather3A_590 = tpu.vector_load_idx %arg7[%broadcast_in_dim3A_589, %max3A_587] : memref<8x6656xf32, #tpu.memory_space<vmem>>[vector<16xi32>, vector<16xi32>], vector<16xf32>,
      %select_n3A_591 = arith.select %and3A_581, %gather3A_590, %broadcast_in_dim3A_3 : vector<16xi1>, vector<16xf32>
      tpu.vector_store_idx %arg12[%add3A_563], %select_n3A_591 {add = true} : memref<512xf32, #tpu.memory_space<vmem>>[vector<16xi32>], vector<16xf32>,
      %add3A_592 = arith.constant 2 : i32
      %add3A_593 = arith.addi %add3A_157, %add3A_592 : i32
      %lt3A_594 = arith.constant 60 : i32
      %lt3A_595 = arith.cmpi slt, %add3A_593, %lt3A_594 : i32
      %convert_element_type3A = arith.extui %lt3A_595 : i1 to i32
      %cond3A = arith.constant 0 : i32
      %cond3A_596 = arith.cmpi ne, %convert_element_type3A, %cond3A : i32
      scf.if %cond3A_596 {
        %add3A_1058 = arith.constant 2 : i32
        %add3A_1059 = arith.addi %add3A_157, %add3A_1058 : i32
        %jit3A_1060 = arith.constant 15 : i32
        %div3A_1061 = arith.divsi %add3A_1059, %jit3A_1060 : i32
        %sign3A_1062 = arith.constant 0 : i32
        %sign3A_1063 = arith.cmpi sgt, %add3A_1059, %sign3A_1062 : i32
        %sign3A_1064 = arith.extui %sign3A_1063 : i1 to i32
        %sign3A_1065 = arith.constant 0 : i32
        %sign3A_1066 = arith.cmpi slt, %add3A_1059, %sign3A_1065 : i32
        %sign3A_1067 = arith.extui %sign3A_1066 : i1 to i32
        %sign3A_1068 = arith.subi %sign3A_1064, %sign3A_1067 : i32
        %sign3A_1069 = arith.constant 0 : i32
        %sign3A_1070 = arith.cmpi sgt, %jit3A_1060, %sign3A_1069 : i32
        %sign3A_1071 = arith.extui %sign3A_1070 : i1 to i32
        %sign3A_1072 = arith.constant 0 : i32
        %sign3A_1073 = arith.cmpi slt, %jit3A_1060, %sign3A_1072 : i32
        %sign3A_1074 = arith.extui %sign3A_1073 : i1 to i32
        %sign3A_1075 = arith.subi %sign3A_1071, %sign3A_1074 : i32
        %ne3A_1076 = arith.cmpi ne, %sign3A_1068, %sign3A_1075 : i32
        %rem3A_1077 = arith.remsi %add3A_1059, %jit3A_1060 : i32
        %ne3A_1078 = arith.constant 0 : i32
        %ne3A_1079 = arith.cmpi ne, %rem3A_1077, %ne3A_1078 : i32
        %and3A_1080 = arith.andi %ne3A_1076, %ne3A_1079 : i1
        %sub3A_1081 = arith.constant 1 : i32
        %sub3A_1082 = arith.subi %div3A_1061, %sub3A_1081 : i32
        %select_n3A_1083 = arith.select %and3A_1080, %sub3A_1082, %div3A_1061 : i32
        %mul3A_1084 = arith.constant 8 : i32
        %mul3A_1085 = arith.muli %select_n3A_1083, %mul3A_1084 : i32
        %add3A_1086 = arith.addi %mul3A_2, %mul3A_1085 : i32
        %jit3A_1087 = arith.constant 15 : i32
        %eq3A_1088 = arith.constant 0 : i32
        %eq3A_1089 = arith.cmpi eq, %jit3A_1087, %eq3A_1088 : i32
        %jit3A_1090 = arith.constant 1 : i32
        %select_n3A_1091 = arith.select %eq3A_1089, %jit3A_1090, %jit3A_1087 : i32
        %rem3A_1092 = arith.remsi %add3A_1059, %select_n3A_1091 : i32
        %ne3A_1093 = arith.constant 0 : i32
        %ne3A_1094 = arith.cmpi ne, %rem3A_1092, %ne3A_1093 : i32
        %lt3A_1095 = arith.constant 0 : i32
        %lt3A_1096 = arith.cmpi slt, %rem3A_1092, %lt3A_1095 : i32
        %lt3A_1097 = arith.constant 0 : i32
        %lt3A_1098 = arith.cmpi slt, %select_n3A_1091, %lt3A_1097 : i32
        %ne3A_1099 = arith.xori %lt3A_1096, %lt3A_1098 : i1
        %and3A_1100 = arith.andi %ne3A_1099, %ne3A_1094 : i1
        %add3A_1101 = arith.addi %rem3A_1092, %select_n3A_1091 : i32
        %select_n3A_1102 = arith.select %and3A_1100, %add3A_1101, %rem3A_1092 : i32
        %mul3A_1103 = arith.constant 6656 : i32
        %mul3A_1104 = arith.muli %select_n3A_1102, %mul3A_1103 : i32
        %dma_start3A_1105 = tpu.memref_slice %arg2[%add3A_1086, %mul3A_1104] : memref<1024x100000xf32, #tpu.memory_space<hbm>> -> memref<8x6656xf32, #tpu.memory_space<hbm>>
        %dma_start3A_1106 = tpu.memref_slice %arg2[%add3A_1086, %mul3A_1104] : memref<1024x100000xf32, #tpu.memory_space<hbm>> -> memref<8x6656xf32, #tpu.memory_space<hbm>>
        tpu.enqueue_dma source(%dma_start3A_1106 : memref<8x6656xf32, #tpu.memory_space<hbm>>) target(%arg7 : memref<8x6656xf32, #tpu.memory_space<vmem>>) target_semaphore(%arg13 : memref<!tpu.dma_semaphore, #tpu.memory_space<semaphore_mem>>)
      } else {
      }
      %mul3A_597 = arith.constant 2 : i32
      %mul3A_598 = arith.muli %scan3A_152, %mul3A_597 : i32
      %add3A_599 = arith.constant 1 : i32
      %add3A_600 = arith.addi %mul3A_598, %add3A_599 : i32
      %jit3A_601 = arith.constant 15 : i32
      %div3A_602 = arith.divsi %add3A_600, %jit3A_601 : i32
      %sign3A_603 = arith.constant 0 : i32
      %sign3A_604 = arith.cmpi sgt, %add3A_600, %sign3A_603 : i32
      %sign3A_605 = arith.extui %sign3A_604 : i1 to i32
      %sign3A_606 = arith.constant 0 : i32
      %sign3A_607 = arith.cmpi slt, %add3A_600, %sign3A_606 : i32
      %sign3A_608 = arith.extui %sign3A_607 : i1 to i32
      %sign3A_609 = arith.subi %sign3A_605, %sign3A_608 : i32
      %sign3A_610 = arith.constant 0 : i32
      %sign3A_611 = arith.cmpi sgt, %jit3A_601, %sign3A_610 : i32
      %sign3A_612 = arith.extui %sign3A_611 : i1 to i32
      %sign3A_613 = arith.constant 0 : i32
      %sign3A_614 = arith.cmpi slt, %jit3A_601, %sign3A_613 : i32
      %sign3A_615 = arith.extui %sign3A_614 : i1 to i32
      %sign3A_616 = arith.subi %sign3A_612, %sign3A_615 : i32
      %ne3A_617 = arith.cmpi ne, %sign3A_609, %sign3A_616 : i32
      %rem3A_618 = arith.remsi %add3A_600, %jit3A_601 : i32
      %ne3A_619 = arith.constant 0 : i32
      %ne3A_620 = arith.cmpi ne, %rem3A_618, %ne3A_619 : i32
      %and3A_621 = arith.andi %ne3A_617, %ne3A_620 : i1
      %sub3A_622 = arith.constant 1 : i32
      %sub3A_623 = arith.subi %div3A_602, %sub3A_622 : i32
      %select_n3A_624 = arith.select %and3A_621, %sub3A_623, %div3A_602 : i32
      %mul3A_625 = arith.constant 8 : i32
      %mul3A_626 = arith.muli %select_n3A_624, %mul3A_625 : i32
      %add3A_627 = arith.addi %mul3A_2, %mul3A_626 : i32
      %jit3A_628 = arith.constant 15 : i32
      %eq3A_629 = arith.constant 0 : i32
      %eq3A_630 = arith.cmpi eq, %jit3A_628, %eq3A_629 : i32
      %jit3A_631 = arith.constant 1 : i32
      %select_n3A_632 = arith.select %eq3A_630, %jit3A_631, %jit3A_628 : i32
      %rem3A_633 = arith.remsi %add3A_600, %select_n3A_632 : i32
      %ne3A_634 = arith.constant 0 : i32
      %ne3A_635 = arith.cmpi ne, %rem3A_633, %ne3A_634 : i32
      %lt3A_636 = arith.constant 0 : i32
      %lt3A_637 = arith.cmpi slt, %rem3A_633, %lt3A_636 : i32
      %lt3A_638 = arith.constant 0 : i32
      %lt3A_639 = arith.cmpi slt, %select_n3A_632, %lt3A_638 : i32
      %ne3A_640 = arith.xori %lt3A_637, %lt3A_639 : i1
      %and3A_641 = arith.andi %ne3A_640, %ne3A_635 : i1
      %add3A_642 = arith.addi %rem3A_633, %select_n3A_632 : i32
      %select_n3A_643 = arith.select %and3A_641, %add3A_642, %rem3A_633 : i32
      %mul3A_644 = arith.constant 6656 : i32
      %mul3A_645 = arith.muli %select_n3A_643, %mul3A_644 : i32
      %dma_wait3A_646 = tpu.memref_slice %arg2[%add3A_627, %mul3A_645] : memref<1024x100000xf32, #tpu.memory_space<hbm>> -> memref<8x6656xf32, #tpu.memory_space<hbm>>
      %dma_wait3A_647 = tpu.memref_slice %arg2[%add3A_627, %mul3A_645] : memref<1024x100000xf32, #tpu.memory_space<hbm>> -> memref<8x6656xf32, #tpu.memory_space<hbm>>
      tpu.wait_dma2 semaphore(%arg14 : memref<!tpu.dma_semaphore, #tpu.memory_space<semaphore_mem>>) src(%dma_wait3A_647 : memref<8x6656xf32, #tpu.memory_space<hbm>>) dst(%arg8 : memref<8x6656xf32, #tpu.memory_space<vmem>>)
      %jit3A_648 = arith.constant 15 : i32
      %div3A_649 = arith.divsi %add3A_600, %jit3A_648 : i32
      %sign3A_650 = arith.constant 0 : i32
      %sign3A_651 = arith.cmpi sgt, %add3A_600, %sign3A_650 : i32
      %sign3A_652 = arith.extui %sign3A_651 : i1 to i32
      %sign3A_653 = arith.constant 0 : i32
      %sign3A_654 = arith.cmpi slt, %add3A_600, %sign3A_653 : i32
      %sign3A_655 = arith.extui %sign3A_654 : i1 to i32
      %sign3A_656 = arith.subi %sign3A_652, %sign3A_655 : i32
      %sign3A_657 = arith.constant 0 : i32
      %sign3A_658 = arith.cmpi sgt, %jit3A_648, %sign3A_657 : i32
      %sign3A_659 = arith.extui %sign3A_658 : i1 to i32
      %sign3A_660 = arith.constant 0 : i32
      %sign3A_661 = arith.cmpi slt, %jit3A_648, %sign3A_660 : i32
      %sign3A_662 = arith.extui %sign3A_661 : i1 to i32
      %sign3A_663 = arith.subi %sign3A_659, %sign3A_662 : i32
      %ne3A_664 = arith.cmpi ne, %sign3A_656, %sign3A_663 : i32
      %rem3A_665 = arith.remsi %add3A_600, %jit3A_648 : i32
      %ne3A_666 = arith.constant 0 : i32
      %ne3A_667 = arith.cmpi ne, %rem3A_665, %ne3A_666 : i32
      %and3A_668 = arith.andi %ne3A_664, %ne3A_667 : i1
      %sub3A_669 = arith.constant 1 : i32
      %sub3A_670 = arith.subi %div3A_649, %sub3A_669 : i32
      %select_n3A_671 = arith.select %and3A_668, %sub3A_670, %div3A_649 : i32
      %jit3A_672 = arith.constant 15 : i32
      %eq3A_673 = arith.constant 0 : i32
      %eq3A_674 = arith.cmpi eq, %jit3A_672, %eq3A_673 : i32
      %jit3A_675 = arith.constant 1 : i32
      %select_n3A_676 = arith.select %eq3A_674, %jit3A_675, %jit3A_672 : i32
      %rem3A_677 = arith.remsi %add3A_600, %select_n3A_676 : i32
      %ne3A_678 = arith.constant 0 : i32
      %ne3A_679 = arith.cmpi ne, %rem3A_677, %ne3A_678 : i32
      %lt3A_680 = arith.constant 0 : i32
      %lt3A_681 = arith.cmpi slt, %rem3A_677, %lt3A_680 : i32
      %lt3A_682 = arith.constant 0 : i32
      %lt3A_683 = arith.cmpi slt, %select_n3A_676, %lt3A_682 : i32
      %ne3A_684 = arith.xori %lt3A_681, %lt3A_683 : i1
      %and3A_685 = arith.andi %ne3A_684, %ne3A_679 : i1
      %add3A_686 = arith.addi %rem3A_677, %select_n3A_676 : i32
      %select_n3A_687 = arith.select %and3A_685, %add3A_686, %rem3A_677 : i32
      %mul3A_688 = arith.constant 6656 : i32
      %mul3A_689 = arith.muli %select_n3A_687, %mul3A_688 : i32
      %mul3A_690 = arith.constant 8 : i32
      %mul3A_691 = arith.muli %select_n3A_671, %mul3A_690 : i32
      %add3A_692 = arith.constant 0 : i32
      %add3A_693 = arith.addi %mul3A_691, %add3A_692 : i32
      %add3A_694 = arith.addi %mul3A_2, %add3A_693 : i32
      %broadcast_in_dim3A_695 = vector.broadcast %add3A_694 : i32 to vector<16xi32>
      %gather3A_696 = tpu.vector_load_idx %arg9[%broadcast_in_dim3A_695] : memref<1024xf32, #tpu.memory_space<vmem>>[vector<16xi32>], vector<16xf32>,
      %scan3A_697 = arith.constant 0 : i32
      %scan3A_698 = arith.constant 52 : i32
      %scan3A_699 = arith.addi %scan3A_697, %scan3A_698 : i32
      %scan3A_700 = arith.constant 1 : i32
      %scan3A_701 = scf.for %scan3A_1058 = %scan3A_697 to %scan3A_699 step %scan3A_700 iter_args(%scan3A_1059 = %broadcast_in_dim3A_3) -> (vector<16xf32>)  : i32 {
        %mul3A_1060 = arith.constant 128 : i32
        %mul3A_1061 = arith.muli %scan3A_1058, %mul3A_1060 : i32
        %add3A_1062 = arith.constant 0 : i32
        %add3A_1063 = arith.addi %mul3A_1061, %add3A_1062 : i32
        %get3A = arith.constant 0 : i32
        %get3A_1064 = arith.index_cast %get3A : i32 to index
        %get3A_1065 = arith.index_cast %add3A_1063 : i32 to index
        %get3A_1066 = tpu.vector_load %arg8[%get3A_1064, %get3A_1065] {strides = array<i32>} : memref<8x6656xf32, #tpu.memory_space<vmem>>, vector<16xf32>,
        %mul3A_1067 = arith.mulf %get3A_1066, %gather3A_696 : vector<16xf32>
        %exp3A = math.exp %mul3A_1067 : vector<16xf32>
        %add3A_1068 = arith.constant 16 : i32
        %add3A_1069 = arith.addi %mul3A_1061, %add3A_1068 : i32
        %get3A_1070 = arith.constant 0 : i32
        %get3A_1071 = arith.index_cast %get3A_1070 : i32 to index
        %get3A_1072 = arith.index_cast %add3A_1069 : i32 to index
        %get3A_1073 = tpu.vector_load %arg8[%get3A_1071, %get3A_1072] {strides = array<i32>} : memref<8x6656xf32, #tpu.memory_space<vmem>>, vector<16xf32>,
        %mul3A_1074 = arith.mulf %get3A_1073, %gather3A_696 : vector<16xf32>
        %exp3A_1075 = math.exp %mul3A_1074 : vector<16xf32>
        %add3A_1076 = arith.addf %exp3A, %exp3A_1075 : vector<16xf32>
        %add3A_1077 = arith.constant 32 : i32
        %add3A_1078 = arith.addi %mul3A_1061, %add3A_1077 : i32
        %get3A_1079 = arith.constant 0 : i32
        %get3A_1080 = arith.index_cast %get3A_1079 : i32 to index
        %get3A_1081 = arith.index_cast %add3A_1078 : i32 to index
        %get3A_1082 = tpu.vector_load %arg8[%get3A_1080, %get3A_1081] {strides = array<i32>} : memref<8x6656xf32, #tpu.memory_space<vmem>>, vector<16xf32>,
        %mul3A_1083 = arith.mulf %get3A_1082, %gather3A_696 : vector<16xf32>
        %exp3A_1084 = math.exp %mul3A_1083 : vector<16xf32>
        %add3A_1085 = arith.addf %add3A_1076, %exp3A_1084 : vector<16xf32>
        %add3A_1086 = arith.constant 48 : i32
        %add3A_1087 = arith.addi %mul3A_1061, %add3A_1086 : i32
        %get3A_1088 = arith.constant 0 : i32
        %get3A_1089 = arith.index_cast %get3A_1088 : i32 to index
        %get3A_1090 = arith.index_cast %add3A_1087 : i32 to index
        %get3A_1091 = tpu.vector_load %arg8[%get3A_1089, %get3A_1090] {strides = array<i32>} : memref<8x6656xf32, #tpu.memory_space<vmem>>, vector<16xf32>,
        %mul3A_1092 = arith.mulf %get3A_1091, %gather3A_696 : vector<16xf32>
        %exp3A_1093 = math.exp %mul3A_1092 : vector<16xf32>
        %add3A_1094 = arith.addf %add3A_1085, %exp3A_1093 : vector<16xf32>
        %add3A_1095 = arith.constant 64 : i32
        %add3A_1096 = arith.addi %mul3A_1061, %add3A_1095 : i32
        %get3A_1097 = arith.constant 0 : i32
        %get3A_1098 = arith.index_cast %get3A_1097 : i32 to index
        %get3A_1099 = arith.index_cast %add3A_1096 : i32 to index
        %get3A_1100 = tpu.vector_load %arg8[%get3A_1098, %get3A_1099] {strides = array<i32>} : memref<8x6656xf32, #tpu.memory_space<vmem>>, vector<16xf32>,
        %mul3A_1101 = arith.mulf %get3A_1100, %gather3A_696 : vector<16xf32>
        %exp3A_1102 = math.exp %mul3A_1101 : vector<16xf32>
        %add3A_1103 = arith.addf %add3A_1094, %exp3A_1102 : vector<16xf32>
        %add3A_1104 = arith.constant 80 : i32
        %add3A_1105 = arith.addi %mul3A_1061, %add3A_1104 : i32
        %get3A_1106 = arith.constant 0 : i32
        %get3A_1107 = arith.index_cast %get3A_1106 : i32 to index
        %get3A_1108 = arith.index_cast %add3A_1105 : i32 to index
        %get3A_1109 = tpu.vector_load %arg8[%get3A_1107, %get3A_1108] {strides = array<i32>} : memref<8x6656xf32, #tpu.memory_space<vmem>>, vector<16xf32>,
        %mul3A_1110 = arith.mulf %get3A_1109, %gather3A_696 : vector<16xf32>
        %exp3A_1111 = math.exp %mul3A_1110 : vector<16xf32>
        %add3A_1112 = arith.addf %add3A_1103, %exp3A_1111 : vector<16xf32>
        %add3A_1113 = arith.constant 96 : i32
        %add3A_1114 = arith.addi %mul3A_1061, %add3A_1113 : i32
        %get3A_1115 = arith.constant 0 : i32
        %get3A_1116 = arith.index_cast %get3A_1115 : i32 to index
        %get3A_1117 = arith.index_cast %add3A_1114 : i32 to index
        %get3A_1118 = tpu.vector_load %arg8[%get3A_1116, %get3A_1117] {strides = array<i32>} : memref<8x6656xf32, #tpu.memory_space<vmem>>, vector<16xf32>,
        %mul3A_1119 = arith.mulf %get3A_1118, %gather3A_696 : vector<16xf32>
        %exp3A_1120 = math.exp %mul3A_1119 : vector<16xf32>
        %add3A_1121 = arith.addf %add3A_1112, %exp3A_1120 : vector<16xf32>
        %add3A_1122 = arith.constant 112 : i32
        %add3A_1123 = arith.addi %mul3A_1061, %add3A_1122 : i32
        %get3A_1124 = arith.constant 0 : i32
        %get3A_1125 = arith.index_cast %get3A_1124 : i32 to index
        %get3A_1126 = arith.index_cast %add3A_1123 : i32 to index
        %get3A_1127 = tpu.vector_load %arg8[%get3A_1125, %get3A_1126] {strides = array<i32>} : memref<8x6656xf32, #tpu.memory_space<vmem>>, vector<16xf32>,
        %mul3A_1128 = arith.mulf %get3A_1127, %gather3A_696 : vector<16xf32>
        %exp3A_1129 = math.exp %mul3A_1128 : vector<16xf32>
        %add3A_1130 = arith.addf %add3A_1121, %exp3A_1129 : vector<16xf32>
        %add3A_1131 = arith.addf %scan3A_1059, %add3A_1130 : vector<16xf32>
        scf.yield %add3A_1131 : vector<16xf32>
      }
      %scan3A_702 = arith.constant 52 : i32
      %mul3A_703 = arith.constant 16 : i32
      %mul3A_704 = arith.muli %add3A_693, %mul3A_703 : i32
      %add3A_705 = vector.broadcast %mul3A_704 : i32 to vector<16xi32>
      %add3A_706 = arith.addi %add3A_705, %iota3A : vector<16xi32>
      tpu.vector_store_idx %arg11[%add3A_706], %scan3A_701 {add = true} : memref<512xf32, #tpu.memory_space<vmem>>[vector<16xi32>], vector<16xf32>,
      %broadcast_in_dim3A_707 = vector.broadcast %add3A_693 : i32 to vector<16xi32>
      %min3A_708 = arith.constant 4 : i32
      %min3A_709 = vector.broadcast %min3A_708 : i32 to vector<16xi32>
      %min3A_710 = arith.minsi %iota3A, %min3A_709 : vector<16xi32>
      %gather3A_711 = tpu.vector_load_idx %arg10[%broadcast_in_dim3A_707, %min3A_710] : memref<32x5xi32, #tpu.memory_space<vmem>>[vector<16xi32>, vector<16xi32>], vector<16xi32>,
      %sub3A_712 = vector.broadcast %mul3A_689 : i32 to vector<16xi32>
      %sub3A_713 = arith.subi %gather3A_711, %sub3A_712 : vector<16xi32>
      %ge3A_714 = arith.constant 0 : i32
      %ge3A_715 = vector.broadcast %ge3A_714 : i32 to vector<16xi32>
      %ge3A_716 = arith.cmpi sge, %sub3A_713, %ge3A_715 : vector<16xi32>
      %lt3A_717 = arith.constant 6656 : i32
      %lt3A_718 = vector.broadcast %lt3A_717 : i32 to vector<16xi32>
      %lt3A_719 = arith.cmpi slt, %sub3A_713, %lt3A_718 : vector<16xi32>
      %and3A_720 = arith.andi %ge3A_716, %lt3A_719 : vector<16xi1>
      %lt3A_721 = arith.constant 5 : i32
      %lt3A_722 = vector.broadcast %lt3A_721 : i32 to vector<16xi32>
      %lt3A_723 = arith.cmpi slt, %iota3A, %lt3A_722 : vector<16xi32>
      %and3A_724 = arith.andi %and3A_720, %lt3A_723 : vector<16xi1>
      %min3A_725 = arith.constant 6655 : i32
      %min3A_726 = vector.broadcast %min3A_725 : i32 to vector<16xi32>
      %min3A_727 = arith.minsi %sub3A_713, %min3A_726 : vector<16xi32>
      %max3A_728 = arith.constant 0 : i32
      %max3A_729 = vector.broadcast %max3A_728 : i32 to vector<16xi32>
      %max3A_730 = arith.maxsi %min3A_727, %max3A_729 : vector<16xi32>
      %broadcast_in_dim3A_731 = arith.constant 0 : i32
      %broadcast_in_dim3A_732 = vector.broadcast %broadcast_in_dim3A_731 : i32 to vector<16xi32>
      %gather3A_733 = tpu.vector_load_idx %arg8[%broadcast_in_dim3A_732, %max3A_730] : memref<8x6656xf32, #tpu.memory_space<vmem>>[vector<16xi32>, vector<16xi32>], vector<16xf32>,
      %select_n3A_734 = arith.select %and3A_724, %gather3A_733, %broadcast_in_dim3A_3 : vector<16xi1>, vector<16xf32>
      tpu.vector_store_idx %arg12[%add3A_706], %select_n3A_734 {add = true} : memref<512xf32, #tpu.memory_space<vmem>>[vector<16xi32>], vector<16xf32>,
      %mul3A_735 = arith.constant 8 : i32
      %mul3A_736 = arith.muli %select_n3A_671, %mul3A_735 : i32
      %add3A_737 = arith.constant 1 : i32
      %add3A_738 = arith.addi %mul3A_736, %add3A_737 : i32
      %add3A_739 = arith.addi %mul3A_2, %add3A_738 : i32
      %broadcast_in_dim3A_740 = vector.broadcast %add3A_739 : i32 to vector<16xi32>
      %gather3A_741 = tpu.vector_load_idx %arg9[%broadcast_in_dim3A_740] : memref<1024xf32, #tpu.memory_space<vmem>>[vector<16xi32>], vector<16xf32>,
      %scan3A_742 = arith.constant 0 : i32
      %scan3A_743 = arith.constant 52 : i32
      %scan3A_744 = arith.addi %scan3A_742, %scan3A_743 : i32
      %scan3A_745 = arith.constant 1 : i32
      %scan3A_746 = scf.for %scan3A_1058 = %scan3A_742 to %scan3A_744 step %scan3A_745 iter_args(%scan3A_1059 = %broadcast_in_dim3A_3) -> (vector<16xf32>)  : i32 {
        %mul3A_1060 = arith.constant 128 : i32
        %mul3A_1061 = arith.muli %scan3A_1058, %mul3A_1060 : i32
        %add3A_1062 = arith.constant 0 : i32
        %add3A_1063 = arith.addi %mul3A_1061, %add3A_1062 : i32
        %get3A = arith.constant 1 : i32
        %get3A_1064 = arith.index_cast %get3A : i32 to index
        %get3A_1065 = arith.index_cast %add3A_1063 : i32 to index
        %get3A_1066 = tpu.vector_load %arg8[%get3A_1064, %get3A_1065] {strides = array<i32>} : memref<8x6656xf32, #tpu.memory_space<vmem>>, vector<16xf32>,
        %mul3A_1067 = arith.mulf %get3A_1066, %gather3A_741 : vector<16xf32>
        %exp3A = math.exp %mul3A_1067 : vector<16xf32>
        %add3A_1068 = arith.constant 16 : i32
        %add3A_1069 = arith.addi %mul3A_1061, %add3A_1068 : i32
        %get3A_1070 = arith.constant 1 : i32
        %get3A_1071 = arith.index_cast %get3A_1070 : i32 to index
        %get3A_1072 = arith.index_cast %add3A_1069 : i32 to index
        %get3A_1073 = tpu.vector_load %arg8[%get3A_1071, %get3A_1072] {strides = array<i32>} : memref<8x6656xf32, #tpu.memory_space<vmem>>, vector<16xf32>,
        %mul3A_1074 = arith.mulf %get3A_1073, %gather3A_741 : vector<16xf32>
        %exp3A_1075 = math.exp %mul3A_1074 : vector<16xf32>
        %add3A_1076 = arith.addf %exp3A, %exp3A_1075 : vector<16xf32>
        %add3A_1077 = arith.constant 32 : i32
        %add3A_1078 = arith.addi %mul3A_1061, %add3A_1077 : i32
        %get3A_1079 = arith.constant 1 : i32
        %get3A_1080 = arith.index_cast %get3A_1079 : i32 to index
        %get3A_1081 = arith.index_cast %add3A_1078 : i32 to index
        %get3A_1082 = tpu.vector_load %arg8[%get3A_1080, %get3A_1081] {strides = array<i32>} : memref<8x6656xf32, #tpu.memory_space<vmem>>, vector<16xf32>,
        %mul3A_1083 = arith.mulf %get3A_1082, %gather3A_741 : vector<16xf32>
        %exp3A_1084 = math.exp %mul3A_1083 : vector<16xf32>
        %add3A_1085 = arith.addf %add3A_1076, %exp3A_1084 : vector<16xf32>
        %add3A_1086 = arith.constant 48 : i32
        %add3A_1087 = arith.addi %mul3A_1061, %add3A_1086 : i32
        %get3A_1088 = arith.constant 1 : i32
        %get3A_1089 = arith.index_cast %get3A_1088 : i32 to index
        %get3A_1090 = arith.index_cast %add3A_1087 : i32 to index
        %get3A_1091 = tpu.vector_load %arg8[%get3A_1089, %get3A_1090] {strides = array<i32>} : memref<8x6656xf32, #tpu.memory_space<vmem>>, vector<16xf32>,
        %mul3A_1092 = arith.mulf %get3A_1091, %gather3A_741 : vector<16xf32>
        %exp3A_1093 = math.exp %mul3A_1092 : vector<16xf32>
        %add3A_1094 = arith.addf %add3A_1085, %exp3A_1093 : vector<16xf32>
        %add3A_1095 = arith.constant 64 : i32
        %add3A_1096 = arith.addi %mul3A_1061, %add3A_1095 : i32
        %get3A_1097 = arith.constant 1 : i32
        %get3A_1098 = arith.index_cast %get3A_1097 : i32 to index
        %get3A_1099 = arith.index_cast %add3A_1096 : i32 to index
        %get3A_1100 = tpu.vector_load %arg8[%get3A_1098, %get3A_1099] {strides = array<i32>} : memref<8x6656xf32, #tpu.memory_space<vmem>>, vector<16xf32>,
        %mul3A_1101 = arith.mulf %get3A_1100, %gather3A_741 : vector<16xf32>
        %exp3A_1102 = math.exp %mul3A_1101 : vector<16xf32>
        %add3A_1103 = arith.addf %add3A_1094, %exp3A_1102 : vector<16xf32>
        %add3A_1104 = arith.constant 80 : i32
        %add3A_1105 = arith.addi %mul3A_1061, %add3A_1104 : i32
        %get3A_1106 = arith.constant 1 : i32
        %get3A_1107 = arith.index_cast %get3A_1106 : i32 to index
        %get3A_1108 = arith.index_cast %add3A_1105 : i32 to index
        %get3A_1109 = tpu.vector_load %arg8[%get3A_1107, %get3A_1108] {strides = array<i32>} : memref<8x6656xf32, #tpu.memory_space<vmem>>, vector<16xf32>,
        %mul3A_1110 = arith.mulf %get3A_1109, %gather3A_741 : vector<16xf32>
        %exp3A_1111 = math.exp %mul3A_1110 : vector<16xf32>
        %add3A_1112 = arith.addf %add3A_1103, %exp3A_1111 : vector<16xf32>
        %add3A_1113 = arith.constant 96 : i32
        %add3A_1114 = arith.addi %mul3A_1061, %add3A_1113 : i32
        %get3A_1115 = arith.constant 1 : i32
        %get3A_1116 = arith.index_cast %get3A_1115 : i32 to index
        %get3A_1117 = arith.index_cast %add3A_1114 : i32 to index
        %get3A_1118 = tpu.vector_load %arg8[%get3A_1116, %get3A_1117] {strides = array<i32>} : memref<8x6656xf32, #tpu.memory_space<vmem>>, vector<16xf32>,
        %mul3A_1119 = arith.mulf %get3A_1118, %gather3A_741 : vector<16xf32>
        %exp3A_1120 = math.exp %mul3A_1119 : vector<16xf32>
        %add3A_1121 = arith.addf %add3A_1112, %exp3A_1120 : vector<16xf32>
        %add3A_1122 = arith.constant 112 : i32
        %add3A_1123 = arith.addi %mul3A_1061, %add3A_1122 : i32
        %get3A_1124 = arith.constant 1 : i32
        %get3A_1125 = arith.index_cast %get3A_1124 : i32 to index
        %get3A_1126 = arith.index_cast %add3A_1123 : i32 to index
        %get3A_1127 = tpu.vector_load %arg8[%get3A_1125, %get3A_1126] {strides = array<i32>} : memref<8x6656xf32, #tpu.memory_space<vmem>>, vector<16xf32>,
        %mul3A_1128 = arith.mulf %get3A_1127, %gather3A_741 : vector<16xf32>
        %exp3A_1129 = math.exp %mul3A_1128 : vector<16xf32>
        %add3A_1130 = arith.addf %add3A_1121, %exp3A_1129 : vector<16xf32>
        %add3A_1131 = arith.addf %scan3A_1059, %add3A_1130 : vector<16xf32>
        scf.yield %add3A_1131 : vector<16xf32>
      }
      %scan3A_747 = arith.constant 52 : i32
      %mul3A_748 = arith.constant 16 : i32
      %mul3A_749 = arith.muli %add3A_738, %mul3A_748 : i32
      %add3A_750 = vector.broadcast %mul3A_749 : i32 to vector<16xi32>
      %add3A_751 = arith.addi %add3A_750, %iota3A : vector<16xi32>
      tpu.vector_store_idx %arg11[%add3A_751], %scan3A_746 {add = true} : memref<512xf32, #tpu.memory_space<vmem>>[vector<16xi32>], vector<16xf32>,
      %broadcast_in_dim3A_752 = vector.broadcast %add3A_738 : i32 to vector<16xi32>
      %min3A_753 = arith.constant 4 : i32
      %min3A_754 = vector.broadcast %min3A_753 : i32 to vector<16xi32>
      %min3A_755 = arith.minsi %iota3A, %min3A_754 : vector<16xi32>
      %gather3A_756 = tpu.vector_load_idx %arg10[%broadcast_in_dim3A_752, %min3A_755] : memref<32x5xi32, #tpu.memory_space<vmem>>[vector<16xi32>, vector<16xi32>], vector<16xi32>,
      %sub3A_757 = vector.broadcast %mul3A_689 : i32 to vector<16xi32>
      %sub3A_758 = arith.subi %gather3A_756, %sub3A_757 : vector<16xi32>
      %ge3A_759 = arith.constant 0 : i32
      %ge3A_760 = vector.broadcast %ge3A_759 : i32 to vector<16xi32>
      %ge3A_761 = arith.cmpi sge, %sub3A_758, %ge3A_760 : vector<16xi32>
      %lt3A_762 = arith.constant 6656 : i32
      %lt3A_763 = vector.broadcast %lt3A_762 : i32 to vector<16xi32>
      %lt3A_764 = arith.cmpi slt, %sub3A_758, %lt3A_763 : vector<16xi32>
      %and3A_765 = arith.andi %ge3A_761, %lt3A_764 : vector<16xi1>
      %lt3A_766 = arith.constant 5 : i32
      %lt3A_767 = vector.broadcast %lt3A_766 : i32 to vector<16xi32>
      %lt3A_768 = arith.cmpi slt, %iota3A, %lt3A_767 : vector<16xi32>
      %and3A_769 = arith.andi %and3A_765, %lt3A_768 : vector<16xi1>
      %min3A_770 = arith.constant 6655 : i32
      %min3A_771 = vector.broadcast %min3A_770 : i32 to vector<16xi32>
      %min3A_772 = arith.minsi %sub3A_758, %min3A_771 : vector<16xi32>
      %max3A_773 = arith.constant 0 : i32
      %max3A_774 = vector.broadcast %max3A_773 : i32 to vector<16xi32>
      %max3A_775 = arith.maxsi %min3A_772, %max3A_774 : vector<16xi32>
      %broadcast_in_dim3A_776 = arith.constant 1 : i32
      %broadcast_in_dim3A_777 = vector.broadcast %broadcast_in_dim3A_776 : i32 to vector<16xi32>
      %gather3A_778 = tpu.vector_load_idx %arg8[%broadcast_in_dim3A_777, %max3A_775] : memref<8x6656xf32, #tpu.memory_space<vmem>>[vector<16xi32>, vector<16xi32>], vector<16xf32>,
      %select_n3A_779 = arith.select %and3A_769, %gather3A_778, %broadcast_in_dim3A_3 : vector<16xi1>, vector<16xf32>
      tpu.vector_store_idx %arg12[%add3A_751], %select_n3A_779 {add = true} : memref<512xf32, #tpu.memory_space<vmem>>[vector<16xi32>], vector<16xf32>,
      %mul3A_780 = arith.constant 8 : i32
      %mul3A_781 = arith.muli %select_n3A_671, %mul3A_780 : i32
      %add3A_782 = arith.constant 2 : i32
      %add3A_783 = arith.addi %mul3A_781, %add3A_782 : i32
      %add3A_784 = arith.addi %mul3A_2, %add3A_783 : i32
      %broadcast_in_dim3A_785 = vector.broadcast %add3A_784 : i32 to vector<16xi32>
      %gather3A_786 = tpu.vector_load_idx %arg9[%broadcast_in_dim3A_785] : memref<1024xf32, #tpu.memory_space<vmem>>[vector<16xi32>], vector<16xf32>,
      %scan3A_787 = arith.constant 0 : i32
      %scan3A_788 = arith.constant 52 : i32
      %scan3A_789 = arith.addi %scan3A_787, %scan3A_788 : i32
      %scan3A_790 = arith.constant 1 : i32
      %scan3A_791 = scf.for %scan3A_1058 = %scan3A_787 to %scan3A_789 step %scan3A_790 iter_args(%scan3A_1059 = %broadcast_in_dim3A_3) -> (vector<16xf32>)  : i32 {
        %mul3A_1060 = arith.constant 128 : i32
        %mul3A_1061 = arith.muli %scan3A_1058, %mul3A_1060 : i32
        %add3A_1062 = arith.constant 0 : i32
        %add3A_1063 = arith.addi %mul3A_1061, %add3A_1062 : i32
        %get3A = arith.constant 2 : i32
        %get3A_1064 = arith.index_cast %get3A : i32 to index
        %get3A_1065 = arith.index_cast %add3A_1063 : i32 to index
        %get3A_1066 = tpu.vector_load %arg8[%get3A_1064, %get3A_1065] {strides = array<i32>} : memref<8x6656xf32, #tpu.memory_space<vmem>>, vector<16xf32>,
        %mul3A_1067 = arith.mulf %get3A_1066, %gather3A_786 : vector<16xf32>
        %exp3A = math.exp %mul3A_1067 : vector<16xf32>
        %add3A_1068 = arith.constant 16 : i32
        %add3A_1069 = arith.addi %mul3A_1061, %add3A_1068 : i32
        %get3A_1070 = arith.constant 2 : i32
        %get3A_1071 = arith.index_cast %get3A_1070 : i32 to index
        %get3A_1072 = arith.index_cast %add3A_1069 : i32 to index
        %get3A_1073 = tpu.vector_load %arg8[%get3A_1071, %get3A_1072] {strides = array<i32>} : memref<8x6656xf32, #tpu.memory_space<vmem>>, vector<16xf32>,
        %mul3A_1074 = arith.mulf %get3A_1073, %gather3A_786 : vector<16xf32>
        %exp3A_1075 = math.exp %mul3A_1074 : vector<16xf32>
        %add3A_1076 = arith.addf %exp3A, %exp3A_1075 : vector<16xf32>
        %add3A_1077 = arith.constant 32 : i32
        %add3A_1078 = arith.addi %mul3A_1061, %add3A_1077 : i32
        %get3A_1079 = arith.constant 2 : i32
        %get3A_1080 = arith.index_cast %get3A_1079 : i32 to index
        %get3A_1081 = arith.index_cast %add3A_1078 : i32 to index
        %get3A_1082 = tpu.vector_load %arg8[%get3A_1080, %get3A_1081] {strides = array<i32>} : memref<8x6656xf32, #tpu.memory_space<vmem>>, vector<16xf32>,
        %mul3A_1083 = arith.mulf %get3A_1082, %gather3A_786 : vector<16xf32>
        %exp3A_1084 = math.exp %mul3A_1083 : vector<16xf32>
        %add3A_1085 = arith.addf %add3A_1076, %exp3A_1084 : vector<16xf32>
        %add3A_1086 = arith.constant 48 : i32
        %add3A_1087 = arith.addi %mul3A_1061, %add3A_1086 : i32
        %get3A_1088 = arith.constant 2 : i32
        %get3A_1089 = arith.index_cast %get3A_1088 : i32 to index
        %get3A_1090 = arith.index_cast %add3A_1087 : i32 to index
        %get3A_1091 = tpu.vector_load %arg8[%get3A_1089, %get3A_1090] {strides = array<i32>} : memref<8x6656xf32, #tpu.memory_space<vmem>>, vector<16xf32>,
        %mul3A_1092 = arith.mulf %get3A_1091, %gather3A_786 : vector<16xf32>
        %exp3A_1093 = math.exp %mul3A_1092 : vector<16xf32>
        %add3A_1094 = arith.addf %add3A_1085, %exp3A_1093 : vector<16xf32>
        %add3A_1095 = arith.constant 64 : i32
        %add3A_1096 = arith.addi %mul3A_1061, %add3A_1095 : i32
        %get3A_1097 = arith.constant 2 : i32
        %get3A_1098 = arith.index_cast %get3A_1097 : i32 to index
        %get3A_1099 = arith.index_cast %add3A_1096 : i32 to index
        %get3A_1100 = tpu.vector_load %arg8[%get3A_1098, %get3A_1099] {strides = array<i32>} : memref<8x6656xf32, #tpu.memory_space<vmem>>, vector<16xf32>,
        %mul3A_1101 = arith.mulf %get3A_1100, %gather3A_786 : vector<16xf32>
        %exp3A_1102 = math.exp %mul3A_1101 : vector<16xf32>
        %add3A_1103 = arith.addf %add3A_1094, %exp3A_1102 : vector<16xf32>
        %add3A_1104 = arith.constant 80 : i32
        %add3A_1105 = arith.addi %mul3A_1061, %add3A_1104 : i32
        %get3A_1106 = arith.constant 2 : i32
        %get3A_1107 = arith.index_cast %get3A_1106 : i32 to index
        %get3A_1108 = arith.index_cast %add3A_1105 : i32 to index
        %get3A_1109 = tpu.vector_load %arg8[%get3A_1107, %get3A_1108] {strides = array<i32>} : memref<8x6656xf32, #tpu.memory_space<vmem>>, vector<16xf32>,
        %mul3A_1110 = arith.mulf %get3A_1109, %gather3A_786 : vector<16xf32>
        %exp3A_1111 = math.exp %mul3A_1110 : vector<16xf32>
        %add3A_1112 = arith.addf %add3A_1103, %exp3A_1111 : vector<16xf32>
        %add3A_1113 = arith.constant 96 : i32
        %add3A_1114 = arith.addi %mul3A_1061, %add3A_1113 : i32
        %get3A_1115 = arith.constant 2 : i32
        %get3A_1116 = arith.index_cast %get3A_1115 : i32 to index
        %get3A_1117 = arith.index_cast %add3A_1114 : i32 to index
        %get3A_1118 = tpu.vector_load %arg8[%get3A_1116, %get3A_1117] {strides = array<i32>} : memref<8x6656xf32, #tpu.memory_space<vmem>>, vector<16xf32>,
        %mul3A_1119 = arith.mulf %get3A_1118, %gather3A_786 : vector<16xf32>
        %exp3A_1120 = math.exp %mul3A_1119 : vector<16xf32>
        %add3A_1121 = arith.addf %add3A_1112, %exp3A_1120 : vector<16xf32>
        %add3A_1122 = arith.constant 112 : i32
        %add3A_1123 = arith.addi %mul3A_1061, %add3A_1122 : i32
        %get3A_1124 = arith.constant 2 : i32
        %get3A_1125 = arith.index_cast %get3A_1124 : i32 to index
        %get3A_1126 = arith.index_cast %add3A_1123 : i32 to index
        %get3A_1127 = tpu.vector_load %arg8[%get3A_1125, %get3A_1126] {strides = array<i32>} : memref<8x6656xf32, #tpu.memory_space<vmem>>, vector<16xf32>,
        %mul3A_1128 = arith.mulf %get3A_1127, %gather3A_786 : vector<16xf32>
        %exp3A_1129 = math.exp %mul3A_1128 : vector<16xf32>
        %add3A_1130 = arith.addf %add3A_1121, %exp3A_1129 : vector<16xf32>
        %add3A_1131 = arith.addf %scan3A_1059, %add3A_1130 : vector<16xf32>
        scf.yield %add3A_1131 : vector<16xf32>
      }
      %scan3A_792 = arith.constant 52 : i32
      %mul3A_793 = arith.constant 16 : i32
      %mul3A_794 = arith.muli %add3A_783, %mul3A_793 : i32
      %add3A_795 = vector.broadcast %mul3A_794 : i32 to vector<16xi32>
      %add3A_796 = arith.addi %add3A_795, %iota3A : vector<16xi32>
      tpu.vector_store_idx %arg11[%add3A_796], %scan3A_791 {add = true} : memref<512xf32, #tpu.memory_space<vmem>>[vector<16xi32>], vector<16xf32>,
      %broadcast_in_dim3A_797 = vector.broadcast %add3A_783 : i32 to vector<16xi32>
      %min3A_798 = arith.constant 4 : i32
      %min3A_799 = vector.broadcast %min3A_798 : i32 to vector<16xi32>
      %min3A_800 = arith.minsi %iota3A, %min3A_799 : vector<16xi32>
      %gather3A_801 = tpu.vector_load_idx %arg10[%broadcast_in_dim3A_797, %min3A_800] : memref<32x5xi32, #tpu.memory_space<vmem>>[vector<16xi32>, vector<16xi32>], vector<16xi32>,
      %sub3A_802 = vector.broadcast %mul3A_689 : i32 to vector<16xi32>
      %sub3A_803 = arith.subi %gather3A_801, %sub3A_802 : vector<16xi32>
      %ge3A_804 = arith.constant 0 : i32
      %ge3A_805 = vector.broadcast %ge3A_804 : i32 to vector<16xi32>
      %ge3A_806 = arith.cmpi sge, %sub3A_803, %ge3A_805 : vector<16xi32>
      %lt3A_807 = arith.constant 6656 : i32
      %lt3A_808 = vector.broadcast %lt3A_807 : i32 to vector<16xi32>
      %lt3A_809 = arith.cmpi slt, %sub3A_803, %lt3A_808 : vector<16xi32>
      %and3A_810 = arith.andi %ge3A_806, %lt3A_809 : vector<16xi1>
      %lt3A_811 = arith.constant 5 : i32
      %lt3A_812 = vector.broadcast %lt3A_811 : i32 to vector<16xi32>
      %lt3A_813 = arith.cmpi slt, %iota3A, %lt3A_812 : vector<16xi32>
      %and3A_814 = arith.andi %and3A_810, %lt3A_813 : vector<16xi1>
      %min3A_815 = arith.constant 6655 : i32
      %min3A_816 = vector.broadcast %min3A_815 : i32 to vector<16xi32>
      %min3A_817 = arith.minsi %sub3A_803, %min3A_816 : vector<16xi32>
      %max3A_818 = arith.constant 0 : i32
      %max3A_819 = vector.broadcast %max3A_818 : i32 to vector<16xi32>
      %max3A_820 = arith.maxsi %min3A_817, %max3A_819 : vector<16xi32>
      %broadcast_in_dim3A_821 = arith.constant 2 : i32
      %broadcast_in_dim3A_822 = vector.broadcast %broadcast_in_dim3A_821 : i32 to vector<16xi32>
      %gather3A_823 = tpu.vector_load_idx %arg8[%broadcast_in_dim3A_822, %max3A_820] : memref<8x6656xf32, #tpu.memory_space<vmem>>[vector<16xi32>, vector<16xi32>], vector<16xf32>,
      %select_n3A_824 = arith.select %and3A_814, %gather3A_823, %broadcast_in_dim3A_3 : vector<16xi1>, vector<16xf32>
      tpu.vector_store_idx %arg12[%add3A_796], %select_n3A_824 {add = true} : memref<512xf32, #tpu.memory_space<vmem>>[vector<16xi32>], vector<16xf32>,
      %mul3A_825 = arith.constant 8 : i32
      %mul3A_826 = arith.muli %select_n3A_671, %mul3A_825 : i32
      %add3A_827 = arith.constant 3 : i32
      %add3A_828 = arith.addi %mul3A_826, %add3A_827 : i32
      %add3A_829 = arith.addi %mul3A_2, %add3A_828 : i32
      %broadcast_in_dim3A_830 = vector.broadcast %add3A_829 : i32 to vector<16xi32>
      %gather3A_831 = tpu.vector_load_idx %arg9[%broadcast_in_dim3A_830] : memref<1024xf32, #tpu.memory_space<vmem>>[vector<16xi32>], vector<16xf32>,
      %scan3A_832 = arith.constant 0 : i32
      %scan3A_833 = arith.constant 52 : i32
      %scan3A_834 = arith.addi %scan3A_832, %scan3A_833 : i32
      %scan3A_835 = arith.constant 1 : i32
      %scan3A_836 = scf.for %scan3A_1058 = %scan3A_832 to %scan3A_834 step %scan3A_835 iter_args(%scan3A_1059 = %broadcast_in_dim3A_3) -> (vector<16xf32>)  : i32 {
        %mul3A_1060 = arith.constant 128 : i32
        %mul3A_1061 = arith.muli %scan3A_1058, %mul3A_1060 : i32
        %add3A_1062 = arith.constant 0 : i32
        %add3A_1063 = arith.addi %mul3A_1061, %add3A_1062 : i32
        %get3A = arith.constant 3 : i32
        %get3A_1064 = arith.index_cast %get3A : i32 to index
        %get3A_1065 = arith.index_cast %add3A_1063 : i32 to index
        %get3A_1066 = tpu.vector_load %arg8[%get3A_1064, %get3A_1065] {strides = array<i32>} : memref<8x6656xf32, #tpu.memory_space<vmem>>, vector<16xf32>,
        %mul3A_1067 = arith.mulf %get3A_1066, %gather3A_831 : vector<16xf32>
        %exp3A = math.exp %mul3A_1067 : vector<16xf32>
        %add3A_1068 = arith.constant 16 : i32
        %add3A_1069 = arith.addi %mul3A_1061, %add3A_1068 : i32
        %get3A_1070 = arith.constant 3 : i32
        %get3A_1071 = arith.index_cast %get3A_1070 : i32 to index
        %get3A_1072 = arith.index_cast %add3A_1069 : i32 to index
        %get3A_1073 = tpu.vector_load %arg8[%get3A_1071, %get3A_1072] {strides = array<i32>} : memref<8x6656xf32, #tpu.memory_space<vmem>>, vector<16xf32>,
        %mul3A_1074 = arith.mulf %get3A_1073, %gather3A_831 : vector<16xf32>
        %exp3A_1075 = math.exp %mul3A_1074 : vector<16xf32>
        %add3A_1076 = arith.addf %exp3A, %exp3A_1075 : vector<16xf32>
        %add3A_1077 = arith.constant 32 : i32
        %add3A_1078 = arith.addi %mul3A_1061, %add3A_1077 : i32
        %get3A_1079 = arith.constant 3 : i32
        %get3A_1080 = arith.index_cast %get3A_1079 : i32 to index
        %get3A_1081 = arith.index_cast %add3A_1078 : i32 to index
        %get3A_1082 = tpu.vector_load %arg8[%get3A_1080, %get3A_1081] {strides = array<i32>} : memref<8x6656xf32, #tpu.memory_space<vmem>>, vector<16xf32>,
        %mul3A_1083 = arith.mulf %get3A_1082, %gather3A_831 : vector<16xf32>
        %exp3A_1084 = math.exp %mul3A_1083 : vector<16xf32>
        %add3A_1085 = arith.addf %add3A_1076, %exp3A_1084 : vector<16xf32>
        %add3A_1086 = arith.constant 48 : i32
        %add3A_1087 = arith.addi %mul3A_1061, %add3A_1086 : i32
        %get3A_1088 = arith.constant 3 : i32
        %get3A_1089 = arith.index_cast %get3A_1088 : i32 to index
        %get3A_1090 = arith.index_cast %add3A_1087 : i32 to index
        %get3A_1091 = tpu.vector_load %arg8[%get3A_1089, %get3A_1090] {strides = array<i32>} : memref<8x6656xf32, #tpu.memory_space<vmem>>, vector<16xf32>,
        %mul3A_1092 = arith.mulf %get3A_1091, %gather3A_831 : vector<16xf32>
        %exp3A_1093 = math.exp %mul3A_1092 : vector<16xf32>
        %add3A_1094 = arith.addf %add3A_1085, %exp3A_1093 : vector<16xf32>
        %add3A_1095 = arith.constant 64 : i32
        %add3A_1096 = arith.addi %mul3A_1061, %add3A_1095 : i32
        %get3A_1097 = arith.constant 3 : i32
        %get3A_1098 = arith.index_cast %get3A_1097 : i32 to index
        %get3A_1099 = arith.index_cast %add3A_1096 : i32 to index
        %get3A_1100 = tpu.vector_load %arg8[%get3A_1098, %get3A_1099] {strides = array<i32>} : memref<8x6656xf32, #tpu.memory_space<vmem>>, vector<16xf32>,
        %mul3A_1101 = arith.mulf %get3A_1100, %gather3A_831 : vector<16xf32>
        %exp3A_1102 = math.exp %mul3A_1101 : vector<16xf32>
        %add3A_1103 = arith.addf %add3A_1094, %exp3A_1102 : vector<16xf32>
        %add3A_1104 = arith.constant 80 : i32
        %add3A_1105 = arith.addi %mul3A_1061, %add3A_1104 : i32
        %get3A_1106 = arith.constant 3 : i32
        %get3A_1107 = arith.index_cast %get3A_1106 : i32 to index
        %get3A_1108 = arith.index_cast %add3A_1105 : i32 to index
        %get3A_1109 = tpu.vector_load %arg8[%get3A_1107, %get3A_1108] {strides = array<i32>} : memref<8x6656xf32, #tpu.memory_space<vmem>>, vector<16xf32>,
        %mul3A_1110 = arith.mulf %get3A_1109, %gather3A_831 : vector<16xf32>
        %exp3A_1111 = math.exp %mul3A_1110 : vector<16xf32>
        %add3A_1112 = arith.addf %add3A_1103, %exp3A_1111 : vector<16xf32>
        %add3A_1113 = arith.constant 96 : i32
        %add3A_1114 = arith.addi %mul3A_1061, %add3A_1113 : i32
        %get3A_1115 = arith.constant 3 : i32
        %get3A_1116 = arith.index_cast %get3A_1115 : i32 to index
        %get3A_1117 = arith.index_cast %add3A_1114 : i32 to index
        %get3A_1118 = tpu.vector_load %arg8[%get3A_1116, %get3A_1117] {strides = array<i32>} : memref<8x6656xf32, #tpu.memory_space<vmem>>, vector<16xf32>,
        %mul3A_1119 = arith.mulf %get3A_1118, %gather3A_831 : vector<16xf32>
        %exp3A_1120 = math.exp %mul3A_1119 : vector<16xf32>
        %add3A_1121 = arith.addf %add3A_1112, %exp3A_1120 : vector<16xf32>
        %add3A_1122 = arith.constant 112 : i32
        %add3A_1123 = arith.addi %mul3A_1061, %add3A_1122 : i32
        %get3A_1124 = arith.constant 3 : i32
        %get3A_1125 = arith.index_cast %get3A_1124 : i32 to index
        %get3A_1126 = arith.index_cast %add3A_1123 : i32 to index
        %get3A_1127 = tpu.vector_load %arg8[%get3A_1125, %get3A_1126] {strides = array<i32>} : memref<8x6656xf32, #tpu.memory_space<vmem>>, vector<16xf32>,
        %mul3A_1128 = arith.mulf %get3A_1127, %gather3A_831 : vector<16xf32>
        %exp3A_1129 = math.exp %mul3A_1128 : vector<16xf32>
        %add3A_1130 = arith.addf %add3A_1121, %exp3A_1129 : vector<16xf32>
        %add3A_1131 = arith.addf %scan3A_1059, %add3A_1130 : vector<16xf32>
        scf.yield %add3A_1131 : vector<16xf32>
      }
      %scan3A_837 = arith.constant 52 : i32
      %mul3A_838 = arith.constant 16 : i32
      %mul3A_839 = arith.muli %add3A_828, %mul3A_838 : i32
      %add3A_840 = vector.broadcast %mul3A_839 : i32 to vector<16xi32>
      %add3A_841 = arith.addi %add3A_840, %iota3A : vector<16xi32>
      tpu.vector_store_idx %arg11[%add3A_841], %scan3A_836 {add = true} : memref<512xf32, #tpu.memory_space<vmem>>[vector<16xi32>], vector<16xf32>,
      %broadcast_in_dim3A_842 = vector.broadcast %add3A_828 : i32 to vector<16xi32>
      %min3A_843 = arith.constant 4 : i32
      %min3A_844 = vector.broadcast %min3A_843 : i32 to vector<16xi32>
      %min3A_845 = arith.minsi %iota3A, %min3A_844 : vector<16xi32>
      %gather3A_846 = tpu.vector_load_idx %arg10[%broadcast_in_dim3A_842, %min3A_845] : memref<32x5xi32, #tpu.memory_space<vmem>>[vector<16xi32>, vector<16xi32>], vector<16xi32>,
      %sub3A_847 = vector.broadcast %mul3A_689 : i32 to vector<16xi32>
      %sub3A_848 = arith.subi %gather3A_846, %sub3A_847 : vector<16xi32>
      %ge3A_849 = arith.constant 0 : i32
      %ge3A_850 = vector.broadcast %ge3A_849 : i32 to vector<16xi32>
      %ge3A_851 = arith.cmpi sge, %sub3A_848, %ge3A_850 : vector<16xi32>
      %lt3A_852 = arith.constant 6656 : i32
      %lt3A_853 = vector.broadcast %lt3A_852 : i32 to vector<16xi32>
      %lt3A_854 = arith.cmpi slt, %sub3A_848, %lt3A_853 : vector<16xi32>
      %and3A_855 = arith.andi %ge3A_851, %lt3A_854 : vector<16xi1>
      %lt3A_856 = arith.constant 5 : i32
      %lt3A_857 = vector.broadcast %lt3A_856 : i32 to vector<16xi32>
      %lt3A_858 = arith.cmpi slt, %iota3A, %lt3A_857 : vector<16xi32>
      %and3A_859 = arith.andi %and3A_855, %lt3A_858 : vector<16xi1>
      %min3A_860 = arith.constant 6655 : i32
      %min3A_861 = vector.broadcast %min3A_860 : i32 to vector<16xi32>
      %min3A_862 = arith.minsi %sub3A_848, %min3A_861 : vector<16xi32>
      %max3A_863 = arith.constant 0 : i32
      %max3A_864 = vector.broadcast %max3A_863 : i32 to vector<16xi32>
      %max3A_865 = arith.maxsi %min3A_862, %max3A_864 : vector<16xi32>
      %broadcast_in_dim3A_866 = arith.constant 3 : i32
      %broadcast_in_dim3A_867 = vector.broadcast %broadcast_in_dim3A_866 : i32 to vector<16xi32>
      %gather3A_868 = tpu.vector_load_idx %arg8[%broadcast_in_dim3A_867, %max3A_865] : memref<8x6656xf32, #tpu.memory_space<vmem>>[vector<16xi32>, vector<16xi32>], vector<16xf32>,
      %select_n3A_869 = arith.select %and3A_859, %gather3A_868, %broadcast_in_dim3A_3 : vector<16xi1>, vector<16xf32>
      tpu.vector_store_idx %arg12[%add3A_841], %select_n3A_869 {add = true} : memref<512xf32, #tpu.memory_space<vmem>>[vector<16xi32>], vector<16xf32>,
      %mul3A_870 = arith.constant 8 : i32
      %mul3A_871 = arith.muli %select_n3A_671, %mul3A_870 : i32
      %add3A_872 = arith.constant 4 : i32
      %add3A_873 = arith.addi %mul3A_871, %add3A_872 : i32
      %add3A_874 = arith.addi %mul3A_2, %add3A_873 : i32
      %broadcast_in_dim3A_875 = vector.broadcast %add3A_874 : i32 to vector<16xi32>
      %gather3A_876 = tpu.vector_load_idx %arg9[%broadcast_in_dim3A_875] : memref<1024xf32, #tpu.memory_space<vmem>>[vector<16xi32>], vector<16xf32>,
      %scan3A_877 = arith.constant 0 : i32
      %scan3A_878 = arith.constant 52 : i32
      %scan3A_879 = arith.addi %scan3A_877, %scan3A_878 : i32
      %scan3A_880 = arith.constant 1 : i32
      %scan3A_881 = scf.for %scan3A_1058 = %scan3A_877 to %scan3A_879 step %scan3A_880 iter_args(%scan3A_1059 = %broadcast_in_dim3A_3) -> (vector<16xf32>)  : i32 {
        %mul3A_1060 = arith.constant 128 : i32
        %mul3A_1061 = arith.muli %scan3A_1058, %mul3A_1060 : i32
        %add3A_1062 = arith.constant 0 : i32
        %add3A_1063 = arith.addi %mul3A_1061, %add3A_1062 : i32
        %get3A = arith.constant 4 : i32
        %get3A_1064 = arith.index_cast %get3A : i32 to index
        %get3A_1065 = arith.index_cast %add3A_1063 : i32 to index
        %get3A_1066 = tpu.vector_load %arg8[%get3A_1064, %get3A_1065] {strides = array<i32>} : memref<8x6656xf32, #tpu.memory_space<vmem>>, vector<16xf32>,
        %mul3A_1067 = arith.mulf %get3A_1066, %gather3A_876 : vector<16xf32>
        %exp3A = math.exp %mul3A_1067 : vector<16xf32>
        %add3A_1068 = arith.constant 16 : i32
        %add3A_1069 = arith.addi %mul3A_1061, %add3A_1068 : i32
        %get3A_1070 = arith.constant 4 : i32
        %get3A_1071 = arith.index_cast %get3A_1070 : i32 to index
        %get3A_1072 = arith.index_cast %add3A_1069 : i32 to index
        %get3A_1073 = tpu.vector_load %arg8[%get3A_1071, %get3A_1072] {strides = array<i32>} : memref<8x6656xf32, #tpu.memory_space<vmem>>, vector<16xf32>,
        %mul3A_1074 = arith.mulf %get3A_1073, %gather3A_876 : vector<16xf32>
        %exp3A_1075 = math.exp %mul3A_1074 : vector<16xf32>
        %add3A_1076 = arith.addf %exp3A, %exp3A_1075 : vector<16xf32>
        %add3A_1077 = arith.constant 32 : i32
        %add3A_1078 = arith.addi %mul3A_1061, %add3A_1077 : i32
        %get3A_1079 = arith.constant 4 : i32
        %get3A_1080 = arith.index_cast %get3A_1079 : i32 to index
        %get3A_1081 = arith.index_cast %add3A_1078 : i32 to index
        %get3A_1082 = tpu.vector_load %arg8[%get3A_1080, %get3A_1081] {strides = array<i32>} : memref<8x6656xf32, #tpu.memory_space<vmem>>, vector<16xf32>,
        %mul3A_1083 = arith.mulf %get3A_1082, %gather3A_876 : vector<16xf32>
        %exp3A_1084 = math.exp %mul3A_1083 : vector<16xf32>
        %add3A_1085 = arith.addf %add3A_1076, %exp3A_1084 : vector<16xf32>
        %add3A_1086 = arith.constant 48 : i32
        %add3A_1087 = arith.addi %mul3A_1061, %add3A_1086 : i32
        %get3A_1088 = arith.constant 4 : i32
        %get3A_1089 = arith.index_cast %get3A_1088 : i32 to index
        %get3A_1090 = arith.index_cast %add3A_1087 : i32 to index
        %get3A_1091 = tpu.vector_load %arg8[%get3A_1089, %get3A_1090] {strides = array<i32>} : memref<8x6656xf32, #tpu.memory_space<vmem>>, vector<16xf32>,
        %mul3A_1092 = arith.mulf %get3A_1091, %gather3A_876 : vector<16xf32>
        %exp3A_1093 = math.exp %mul3A_1092 : vector<16xf32>
        %add3A_1094 = arith.addf %add3A_1085, %exp3A_1093 : vector<16xf32>
        %add3A_1095 = arith.constant 64 : i32
        %add3A_1096 = arith.addi %mul3A_1061, %add3A_1095 : i32
        %get3A_1097 = arith.constant 4 : i32
        %get3A_1098 = arith.index_cast %get3A_1097 : i32 to index
        %get3A_1099 = arith.index_cast %add3A_1096 : i32 to index
        %get3A_1100 = tpu.vector_load %arg8[%get3A_1098, %get3A_1099] {strides = array<i32>} : memref<8x6656xf32, #tpu.memory_space<vmem>>, vector<16xf32>,
        %mul3A_1101 = arith.mulf %get3A_1100, %gather3A_876 : vector<16xf32>
        %exp3A_1102 = math.exp %mul3A_1101 : vector<16xf32>
        %add3A_1103 = arith.addf %add3A_1094, %exp3A_1102 : vector<16xf32>
        %add3A_1104 = arith.constant 80 : i32
        %add3A_1105 = arith.addi %mul3A_1061, %add3A_1104 : i32
        %get3A_1106 = arith.constant 4 : i32
        %get3A_1107 = arith.index_cast %get3A_1106 : i32 to index
        %get3A_1108 = arith.index_cast %add3A_1105 : i32 to index
        %get3A_1109 = tpu.vector_load %arg8[%get3A_1107, %get3A_1108] {strides = array<i32>} : memref<8x6656xf32, #tpu.memory_space<vmem>>, vector<16xf32>,
        %mul3A_1110 = arith.mulf %get3A_1109, %gather3A_876 : vector<16xf32>
        %exp3A_1111 = math.exp %mul3A_1110 : vector<16xf32>
        %add3A_1112 = arith.addf %add3A_1103, %exp3A_1111 : vector<16xf32>
        %add3A_1113 = arith.constant 96 : i32
        %add3A_1114 = arith.addi %mul3A_1061, %add3A_1113 : i32
        %get3A_1115 = arith.constant 4 : i32
        %get3A_1116 = arith.index_cast %get3A_1115 : i32 to index
        %get3A_1117 = arith.index_cast %add3A_1114 : i32 to index
        %get3A_1118 = tpu.vector_load %arg8[%get3A_1116, %get3A_1117] {strides = array<i32>} : memref<8x6656xf32, #tpu.memory_space<vmem>>, vector<16xf32>,
        %mul3A_1119 = arith.mulf %get3A_1118, %gather3A_876 : vector<16xf32>
        %exp3A_1120 = math.exp %mul3A_1119 : vector<16xf32>
        %add3A_1121 = arith.addf %add3A_1112, %exp3A_1120 : vector<16xf32>
        %add3A_1122 = arith.constant 112 : i32
        %add3A_1123 = arith.addi %mul3A_1061, %add3A_1122 : i32
        %get3A_1124 = arith.constant 4 : i32
        %get3A_1125 = arith.index_cast %get3A_1124 : i32 to index
        %get3A_1126 = arith.index_cast %add3A_1123 : i32 to index
        %get3A_1127 = tpu.vector_load %arg8[%get3A_1125, %get3A_1126] {strides = array<i32>} : memref<8x6656xf32, #tpu.memory_space<vmem>>, vector<16xf32>,
        %mul3A_1128 = arith.mulf %get3A_1127, %gather3A_876 : vector<16xf32>
        %exp3A_1129 = math.exp %mul3A_1128 : vector<16xf32>
        %add3A_1130 = arith.addf %add3A_1121, %exp3A_1129 : vector<16xf32>
        %add3A_1131 = arith.addf %scan3A_1059, %add3A_1130 : vector<16xf32>
        scf.yield %add3A_1131 : vector<16xf32>
      }
      %scan3A_882 = arith.constant 52 : i32
      %mul3A_883 = arith.constant 16 : i32
      %mul3A_884 = arith.muli %add3A_873, %mul3A_883 : i32
      %add3A_885 = vector.broadcast %mul3A_884 : i32 to vector<16xi32>
      %add3A_886 = arith.addi %add3A_885, %iota3A : vector<16xi32>
      tpu.vector_store_idx %arg11[%add3A_886], %scan3A_881 {add = true} : memref<512xf32, #tpu.memory_space<vmem>>[vector<16xi32>], vector<16xf32>,
      %broadcast_in_dim3A_887 = vector.broadcast %add3A_873 : i32 to vector<16xi32>
      %min3A_888 = arith.constant 4 : i32
      %min3A_889 = vector.broadcast %min3A_888 : i32 to vector<16xi32>
      %min3A_890 = arith.minsi %iota3A, %min3A_889 : vector<16xi32>
      %gather3A_891 = tpu.vector_load_idx %arg10[%broadcast_in_dim3A_887, %min3A_890] : memref<32x5xi32, #tpu.memory_space<vmem>>[vector<16xi32>, vector<16xi32>], vector<16xi32>,
      %sub3A_892 = vector.broadcast %mul3A_689 : i32 to vector<16xi32>
      %sub3A_893 = arith.subi %gather3A_891, %sub3A_892 : vector<16xi32>
      %ge3A_894 = arith.constant 0 : i32
      %ge3A_895 = vector.broadcast %ge3A_894 : i32 to vector<16xi32>
      %ge3A_896 = arith.cmpi sge, %sub3A_893, %ge3A_895 : vector<16xi32>
      %lt3A_897 = arith.constant 6656 : i32
      %lt3A_898 = vector.broadcast %lt3A_897 : i32 to vector<16xi32>
      %lt3A_899 = arith.cmpi slt, %sub3A_893, %lt3A_898 : vector<16xi32>
      %and3A_900 = arith.andi %ge3A_896, %lt3A_899 : vector<16xi1>
      %lt3A_901 = arith.constant 5 : i32
      %lt3A_902 = vector.broadcast %lt3A_901 : i32 to vector<16xi32>
      %lt3A_903 = arith.cmpi slt, %iota3A, %lt3A_902 : vector<16xi32>
      %and3A_904 = arith.andi %and3A_900, %lt3A_903 : vector<16xi1>
      %min3A_905 = arith.constant 6655 : i32
      %min3A_906 = vector.broadcast %min3A_905 : i32 to vector<16xi32>
      %min3A_907 = arith.minsi %sub3A_893, %min3A_906 : vector<16xi32>
      %max3A_908 = arith.constant 0 : i32
      %max3A_909 = vector.broadcast %max3A_908 : i32 to vector<16xi32>
      %max3A_910 = arith.maxsi %min3A_907, %max3A_909 : vector<16xi32>
      %broadcast_in_dim3A_911 = arith.constant 4 : i32
      %broadcast_in_dim3A_912 = vector.broadcast %broadcast_in_dim3A_911 : i32 to vector<16xi32>
      %gather3A_913 = tpu.vector_load_idx %arg8[%broadcast_in_dim3A_912, %max3A_910] : memref<8x6656xf32, #tpu.memory_space<vmem>>[vector<16xi32>, vector<16xi32>], vector<16xf32>,
      %select_n3A_914 = arith.select %and3A_904, %gather3A_913, %broadcast_in_dim3A_3 : vector<16xi1>, vector<16xf32>
      tpu.vector_store_idx %arg12[%add3A_886], %select_n3A_914 {add = true} : memref<512xf32, #tpu.memory_space<vmem>>[vector<16xi32>], vector<16xf32>,
      %mul3A_915 = arith.constant 8 : i32
      %mul3A_916 = arith.muli %select_n3A_671, %mul3A_915 : i32
      %add3A_917 = arith.constant 5 : i32
      %add3A_918 = arith.addi %mul3A_916, %add3A_917 : i32
      %add3A_919 = arith.addi %mul3A_2, %add3A_918 : i32
      %broadcast_in_dim3A_920 = vector.broadcast %add3A_919 : i32 to vector<16xi32>
      %gather3A_921 = tpu.vector_load_idx %arg9[%broadcast_in_dim3A_920] : memref<1024xf32, #tpu.memory_space<vmem>>[vector<16xi32>], vector<16xf32>,
      %scan3A_922 = arith.constant 0 : i32
      %scan3A_923 = arith.constant 52 : i32
      %scan3A_924 = arith.addi %scan3A_922, %scan3A_923 : i32
      %scan3A_925 = arith.constant 1 : i32
      %scan3A_926 = scf.for %scan3A_1058 = %scan3A_922 to %scan3A_924 step %scan3A_925 iter_args(%scan3A_1059 = %broadcast_in_dim3A_3) -> (vector<16xf32>)  : i32 {
        %mul3A_1060 = arith.constant 128 : i32
        %mul3A_1061 = arith.muli %scan3A_1058, %mul3A_1060 : i32
        %add3A_1062 = arith.constant 0 : i32
        %add3A_1063 = arith.addi %mul3A_1061, %add3A_1062 : i32
        %get3A = arith.constant 5 : i32
        %get3A_1064 = arith.index_cast %get3A : i32 to index
        %get3A_1065 = arith.index_cast %add3A_1063 : i32 to index
        %get3A_1066 = tpu.vector_load %arg8[%get3A_1064, %get3A_1065] {strides = array<i32>} : memref<8x6656xf32, #tpu.memory_space<vmem>>, vector<16xf32>,
        %mul3A_1067 = arith.mulf %get3A_1066, %gather3A_921 : vector<16xf32>
        %exp3A = math.exp %mul3A_1067 : vector<16xf32>
        %add3A_1068 = arith.constant 16 : i32
        %add3A_1069 = arith.addi %mul3A_1061, %add3A_1068 : i32
        %get3A_1070 = arith.constant 5 : i32
        %get3A_1071 = arith.index_cast %get3A_1070 : i32 to index
        %get3A_1072 = arith.index_cast %add3A_1069 : i32 to index
        %get3A_1073 = tpu.vector_load %arg8[%get3A_1071, %get3A_1072] {strides = array<i32>} : memref<8x6656xf32, #tpu.memory_space<vmem>>, vector<16xf32>,
        %mul3A_1074 = arith.mulf %get3A_1073, %gather3A_921 : vector<16xf32>
        %exp3A_1075 = math.exp %mul3A_1074 : vector<16xf32>
        %add3A_1076 = arith.addf %exp3A, %exp3A_1075 : vector<16xf32>
        %add3A_1077 = arith.constant 32 : i32
        %add3A_1078 = arith.addi %mul3A_1061, %add3A_1077 : i32
        %get3A_1079 = arith.constant 5 : i32
        %get3A_1080 = arith.index_cast %get3A_1079 : i32 to index
        %get3A_1081 = arith.index_cast %add3A_1078 : i32 to index
        %get3A_1082 = tpu.vector_load %arg8[%get3A_1080, %get3A_1081] {strides = array<i32>} : memref<8x6656xf32, #tpu.memory_space<vmem>>, vector<16xf32>,
        %mul3A_1083 = arith.mulf %get3A_1082, %gather3A_921 : vector<16xf32>
        %exp3A_1084 = math.exp %mul3A_1083 : vector<16xf32>
        %add3A_1085 = arith.addf %add3A_1076, %exp3A_1084 : vector<16xf32>
        %add3A_1086 = arith.constant 48 : i32
        %add3A_1087 = arith.addi %mul3A_1061, %add3A_1086 : i32
        %get3A_1088 = arith.constant 5 : i32
        %get3A_1089 = arith.index_cast %get3A_1088 : i32 to index
        %get3A_1090 = arith.index_cast %add3A_1087 : i32 to index
        %get3A_1091 = tpu.vector_load %arg8[%get3A_1089, %get3A_1090] {strides = array<i32>} : memref<8x6656xf32, #tpu.memory_space<vmem>>, vector<16xf32>,
        %mul3A_1092 = arith.mulf %get3A_1091, %gather3A_921 : vector<16xf32>
        %exp3A_1093 = math.exp %mul3A_1092 : vector<16xf32>
        %add3A_1094 = arith.addf %add3A_1085, %exp3A_1093 : vector<16xf32>
        %add3A_1095 = arith.constant 64 : i32
        %add3A_1096 = arith.addi %mul3A_1061, %add3A_1095 : i32
        %get3A_1097 = arith.constant 5 : i32
        %get3A_1098 = arith.index_cast %get3A_1097 : i32 to index
        %get3A_1099 = arith.index_cast %add3A_1096 : i32 to index
        %get3A_1100 = tpu.vector_load %arg8[%get3A_1098, %get3A_1099] {strides = array<i32>} : memref<8x6656xf32, #tpu.memory_space<vmem>>, vector<16xf32>,
        %mul3A_1101 = arith.mulf %get3A_1100, %gather3A_921 : vector<16xf32>
        %exp3A_1102 = math.exp %mul3A_1101 : vector<16xf32>
        %add3A_1103 = arith.addf %add3A_1094, %exp3A_1102 : vector<16xf32>
        %add3A_1104 = arith.constant 80 : i32
        %add3A_1105 = arith.addi %mul3A_1061, %add3A_1104 : i32
        %get3A_1106 = arith.constant 5 : i32
        %get3A_1107 = arith.index_cast %get3A_1106 : i32 to index
        %get3A_1108 = arith.index_cast %add3A_1105 : i32 to index
        %get3A_1109 = tpu.vector_load %arg8[%get3A_1107, %get3A_1108] {strides = array<i32>} : memref<8x6656xf32, #tpu.memory_space<vmem>>, vector<16xf32>,
        %mul3A_1110 = arith.mulf %get3A_1109, %gather3A_921 : vector<16xf32>
        %exp3A_1111 = math.exp %mul3A_1110 : vector<16xf32>
        %add3A_1112 = arith.addf %add3A_1103, %exp3A_1111 : vector<16xf32>
        %add3A_1113 = arith.constant 96 : i32
        %add3A_1114 = arith.addi %mul3A_1061, %add3A_1113 : i32
        %get3A_1115 = arith.constant 5 : i32
        %get3A_1116 = arith.index_cast %get3A_1115 : i32 to index
        %get3A_1117 = arith.index_cast %add3A_1114 : i32 to index
        %get3A_1118 = tpu.vector_load %arg8[%get3A_1116, %get3A_1117] {strides = array<i32>} : memref<8x6656xf32, #tpu.memory_space<vmem>>, vector<16xf32>,
        %mul3A_1119 = arith.mulf %get3A_1118, %gather3A_921 : vector<16xf32>
        %exp3A_1120 = math.exp %mul3A_1119 : vector<16xf32>
        %add3A_1121 = arith.addf %add3A_1112, %exp3A_1120 : vector<16xf32>
        %add3A_1122 = arith.constant 112 : i32
        %add3A_1123 = arith.addi %mul3A_1061, %add3A_1122 : i32
        %get3A_1124 = arith.constant 5 : i32
        %get3A_1125 = arith.index_cast %get3A_1124 : i32 to index
        %get3A_1126 = arith.index_cast %add3A_1123 : i32 to index
        %get3A_1127 = tpu.vector_load %arg8[%get3A_1125, %get3A_1126] {strides = array<i32>} : memref<8x6656xf32, #tpu.memory_space<vmem>>, vector<16xf32>,
        %mul3A_1128 = arith.mulf %get3A_1127, %gather3A_921 : vector<16xf32>
        %exp3A_1129 = math.exp %mul3A_1128 : vector<16xf32>
        %add3A_1130 = arith.addf %add3A_1121, %exp3A_1129 : vector<16xf32>
        %add3A_1131 = arith.addf %scan3A_1059, %add3A_1130 : vector<16xf32>
        scf.yield %add3A_1131 : vector<16xf32>
      }
      %scan3A_927 = arith.constant 52 : i32
      %mul3A_928 = arith.constant 16 : i32
      %mul3A_929 = arith.muli %add3A_918, %mul3A_928 : i32
      %add3A_930 = vector.broadcast %mul3A_929 : i32 to vector<16xi32>
      %add3A_931 = arith.addi %add3A_930, %iota3A : vector<16xi32>
      tpu.vector_store_idx %arg11[%add3A_931], %scan3A_926 {add = true} : memref<512xf32, #tpu.memory_space<vmem>>[vector<16xi32>], vector<16xf32>,
      %broadcast_in_dim3A_932 = vector.broadcast %add3A_918 : i32 to vector<16xi32>
      %min3A_933 = arith.constant 4 : i32
      %min3A_934 = vector.broadcast %min3A_933 : i32 to vector<16xi32>
      %min3A_935 = arith.minsi %iota3A, %min3A_934 : vector<16xi32>
      %gather3A_936 = tpu.vector_load_idx %arg10[%broadcast_in_dim3A_932, %min3A_935] : memref<32x5xi32, #tpu.memory_space<vmem>>[vector<16xi32>, vector<16xi32>], vector<16xi32>,
      %sub3A_937 = vector.broadcast %mul3A_689 : i32 to vector<16xi32>
      %sub3A_938 = arith.subi %gather3A_936, %sub3A_937 : vector<16xi32>
      %ge3A_939 = arith.constant 0 : i32
      %ge3A_940 = vector.broadcast %ge3A_939 : i32 to vector<16xi32>
      %ge3A_941 = arith.cmpi sge, %sub3A_938, %ge3A_940 : vector<16xi32>
      %lt3A_942 = arith.constant 6656 : i32
      %lt3A_943 = vector.broadcast %lt3A_942 : i32 to vector<16xi32>
      %lt3A_944 = arith.cmpi slt, %sub3A_938, %lt3A_943 : vector<16xi32>
      %and3A_945 = arith.andi %ge3A_941, %lt3A_944 : vector<16xi1>
      %lt3A_946 = arith.constant 5 : i32
      %lt3A_947 = vector.broadcast %lt3A_946 : i32 to vector<16xi32>
      %lt3A_948 = arith.cmpi slt, %iota3A, %lt3A_947 : vector<16xi32>
      %and3A_949 = arith.andi %and3A_945, %lt3A_948 : vector<16xi1>
      %min3A_950 = arith.constant 6655 : i32
      %min3A_951 = vector.broadcast %min3A_950 : i32 to vector<16xi32>
      %min3A_952 = arith.minsi %sub3A_938, %min3A_951 : vector<16xi32>
      %max3A_953 = arith.constant 0 : i32
      %max3A_954 = vector.broadcast %max3A_953 : i32 to vector<16xi32>
      %max3A_955 = arith.maxsi %min3A_952, %max3A_954 : vector<16xi32>
      %broadcast_in_dim3A_956 = arith.constant 5 : i32
      %broadcast_in_dim3A_957 = vector.broadcast %broadcast_in_dim3A_956 : i32 to vector<16xi32>
      %gather3A_958 = tpu.vector_load_idx %arg8[%broadcast_in_dim3A_957, %max3A_955] : memref<8x6656xf32, #tpu.memory_space<vmem>>[vector<16xi32>, vector<16xi32>], vector<16xf32>,
      %select_n3A_959 = arith.select %and3A_949, %gather3A_958, %broadcast_in_dim3A_3 : vector<16xi1>, vector<16xf32>
      tpu.vector_store_idx %arg12[%add3A_931], %select_n3A_959 {add = true} : memref<512xf32, #tpu.memory_space<vmem>>[vector<16xi32>], vector<16xf32>,
      %mul3A_960 = arith.constant 8 : i32
      %mul3A_961 = arith.muli %select_n3A_671, %mul3A_960 : i32
      %add3A_962 = arith.constant 6 : i32
      %add3A_963 = arith.addi %mul3A_961, %add3A_962 : i32
      %add3A_964 = arith.addi %mul3A_2, %add3A_963 : i32
      %broadcast_in_dim3A_965 = vector.broadcast %add3A_964 : i32 to vector<16xi32>
      %gather3A_966 = tpu.vector_load_idx %arg9[%broadcast_in_dim3A_965] : memref<1024xf32, #tpu.memory_space<vmem>>[vector<16xi32>], vector<16xf32>,
      %scan3A_967 = arith.constant 0 : i32
      %scan3A_968 = arith.constant 52 : i32
      %scan3A_969 = arith.addi %scan3A_967, %scan3A_968 : i32
      %scan3A_970 = arith.constant 1 : i32
      %scan3A_971 = scf.for %scan3A_1058 = %scan3A_967 to %scan3A_969 step %scan3A_970 iter_args(%scan3A_1059 = %broadcast_in_dim3A_3) -> (vector<16xf32>)  : i32 {
        %mul3A_1060 = arith.constant 128 : i32
        %mul3A_1061 = arith.muli %scan3A_1058, %mul3A_1060 : i32
        %add3A_1062 = arith.constant 0 : i32
        %add3A_1063 = arith.addi %mul3A_1061, %add3A_1062 : i32
        %get3A = arith.constant 6 : i32
        %get3A_1064 = arith.index_cast %get3A : i32 to index
        %get3A_1065 = arith.index_cast %add3A_1063 : i32 to index
        %get3A_1066 = tpu.vector_load %arg8[%get3A_1064, %get3A_1065] {strides = array<i32>} : memref<8x6656xf32, #tpu.memory_space<vmem>>, vector<16xf32>,
        %mul3A_1067 = arith.mulf %get3A_1066, %gather3A_966 : vector<16xf32>
        %exp3A = math.exp %mul3A_1067 : vector<16xf32>
        %add3A_1068 = arith.constant 16 : i32
        %add3A_1069 = arith.addi %mul3A_1061, %add3A_1068 : i32
        %get3A_1070 = arith.constant 6 : i32
        %get3A_1071 = arith.index_cast %get3A_1070 : i32 to index
        %get3A_1072 = arith.index_cast %add3A_1069 : i32 to index
        %get3A_1073 = tpu.vector_load %arg8[%get3A_1071, %get3A_1072] {strides = array<i32>} : memref<8x6656xf32, #tpu.memory_space<vmem>>, vector<16xf32>,
        %mul3A_1074 = arith.mulf %get3A_1073, %gather3A_966 : vector<16xf32>
        %exp3A_1075 = math.exp %mul3A_1074 : vector<16xf32>
        %add3A_1076 = arith.addf %exp3A, %exp3A_1075 : vector<16xf32>
        %add3A_1077 = arith.constant 32 : i32
        %add3A_1078 = arith.addi %mul3A_1061, %add3A_1077 : i32
        %get3A_1079 = arith.constant 6 : i32
        %get3A_1080 = arith.index_cast %get3A_1079 : i32 to index
        %get3A_1081 = arith.index_cast %add3A_1078 : i32 to index
        %get3A_1082 = tpu.vector_load %arg8[%get3A_1080, %get3A_1081] {strides = array<i32>} : memref<8x6656xf32, #tpu.memory_space<vmem>>, vector<16xf32>,
        %mul3A_1083 = arith.mulf %get3A_1082, %gather3A_966 : vector<16xf32>
        %exp3A_1084 = math.exp %mul3A_1083 : vector<16xf32>
        %add3A_1085 = arith.addf %add3A_1076, %exp3A_1084 : vector<16xf32>
        %add3A_1086 = arith.constant 48 : i32
        %add3A_1087 = arith.addi %mul3A_1061, %add3A_1086 : i32
        %get3A_1088 = arith.constant 6 : i32
        %get3A_1089 = arith.index_cast %get3A_1088 : i32 to index
        %get3A_1090 = arith.index_cast %add3A_1087 : i32 to index
        %get3A_1091 = tpu.vector_load %arg8[%get3A_1089, %get3A_1090] {strides = array<i32>} : memref<8x6656xf32, #tpu.memory_space<vmem>>, vector<16xf32>,
        %mul3A_1092 = arith.mulf %get3A_1091, %gather3A_966 : vector<16xf32>
        %exp3A_1093 = math.exp %mul3A_1092 : vector<16xf32>
        %add3A_1094 = arith.addf %add3A_1085, %exp3A_1093 : vector<16xf32>
        %add3A_1095 = arith.constant 64 : i32
        %add3A_1096 = arith.addi %mul3A_1061, %add3A_1095 : i32
        %get3A_1097 = arith.constant 6 : i32
        %get3A_1098 = arith.index_cast %get3A_1097 : i32 to index
        %get3A_1099 = arith.index_cast %add3A_1096 : i32 to index
        %get3A_1100 = tpu.vector_load %arg8[%get3A_1098, %get3A_1099] {strides = array<i32>} : memref<8x6656xf32, #tpu.memory_space<vmem>>, vector<16xf32>,
        %mul3A_1101 = arith.mulf %get3A_1100, %gather3A_966 : vector<16xf32>
        %exp3A_1102 = math.exp %mul3A_1101 : vector<16xf32>
        %add3A_1103 = arith.addf %add3A_1094, %exp3A_1102 : vector<16xf32>
        %add3A_1104 = arith.constant 80 : i32
        %add3A_1105 = arith.addi %mul3A_1061, %add3A_1104 : i32
        %get3A_1106 = arith.constant 6 : i32
        %get3A_1107 = arith.index_cast %get3A_1106 : i32 to index
        %get3A_1108 = arith.index_cast %add3A_1105 : i32 to index
        %get3A_1109 = tpu.vector_load %arg8[%get3A_1107, %get3A_1108] {strides = array<i32>} : memref<8x6656xf32, #tpu.memory_space<vmem>>, vector<16xf32>,
        %mul3A_1110 = arith.mulf %get3A_1109, %gather3A_966 : vector<16xf32>
        %exp3A_1111 = math.exp %mul3A_1110 : vector<16xf32>
        %add3A_1112 = arith.addf %add3A_1103, %exp3A_1111 : vector<16xf32>
        %add3A_1113 = arith.constant 96 : i32
        %add3A_1114 = arith.addi %mul3A_1061, %add3A_1113 : i32
        %get3A_1115 = arith.constant 6 : i32
        %get3A_1116 = arith.index_cast %get3A_1115 : i32 to index
        %get3A_1117 = arith.index_cast %add3A_1114 : i32 to index
        %get3A_1118 = tpu.vector_load %arg8[%get3A_1116, %get3A_1117] {strides = array<i32>} : memref<8x6656xf32, #tpu.memory_space<vmem>>, vector<16xf32>,
        %mul3A_1119 = arith.mulf %get3A_1118, %gather3A_966 : vector<16xf32>
        %exp3A_1120 = math.exp %mul3A_1119 : vector<16xf32>
        %add3A_1121 = arith.addf %add3A_1112, %exp3A_1120 : vector<16xf32>
        %add3A_1122 = arith.constant 112 : i32
        %add3A_1123 = arith.addi %mul3A_1061, %add3A_1122 : i32
        %get3A_1124 = arith.constant 6 : i32
        %get3A_1125 = arith.index_cast %get3A_1124 : i32 to index
        %get3A_1126 = arith.index_cast %add3A_1123 : i32 to index
        %get3A_1127 = tpu.vector_load %arg8[%get3A_1125, %get3A_1126] {strides = array<i32>} : memref<8x6656xf32, #tpu.memory_space<vmem>>, vector<16xf32>,
        %mul3A_1128 = arith.mulf %get3A_1127, %gather3A_966 : vector<16xf32>
        %exp3A_1129 = math.exp %mul3A_1128 : vector<16xf32>
        %add3A_1130 = arith.addf %add3A_1121, %exp3A_1129 : vector<16xf32>
        %add3A_1131 = arith.addf %scan3A_1059, %add3A_1130 : vector<16xf32>
        scf.yield %add3A_1131 : vector<16xf32>
      }
      %scan3A_972 = arith.constant 52 : i32
      %mul3A_973 = arith.constant 16 : i32
      %mul3A_974 = arith.muli %add3A_963, %mul3A_973 : i32
      %add3A_975 = vector.broadcast %mul3A_974 : i32 to vector<16xi32>
      %add3A_976 = arith.addi %add3A_975, %iota3A : vector<16xi32>
      tpu.vector_store_idx %arg11[%add3A_976], %scan3A_971 {add = true} : memref<512xf32, #tpu.memory_space<vmem>>[vector<16xi32>], vector<16xf32>,
      %broadcast_in_dim3A_977 = vector.broadcast %add3A_963 : i32 to vector<16xi32>
      %min3A_978 = arith.constant 4 : i32
      %min3A_979 = vector.broadcast %min3A_978 : i32 to vector<16xi32>
      %min3A_980 = arith.minsi %iota3A, %min3A_979 : vector<16xi32>
      %gather3A_981 = tpu.vector_load_idx %arg10[%broadcast_in_dim3A_977, %min3A_980] : memref<32x5xi32, #tpu.memory_space<vmem>>[vector<16xi32>, vector<16xi32>], vector<16xi32>,
      %sub3A_982 = vector.broadcast %mul3A_689 : i32 to vector<16xi32>
      %sub3A_983 = arith.subi %gather3A_981, %sub3A_982 : vector<16xi32>
      %ge3A_984 = arith.constant 0 : i32
      %ge3A_985 = vector.broadcast %ge3A_984 : i32 to vector<16xi32>
      %ge3A_986 = arith.cmpi sge, %sub3A_983, %ge3A_985 : vector<16xi32>
      %lt3A_987 = arith.constant 6656 : i32
      %lt3A_988 = vector.broadcast %lt3A_987 : i32 to vector<16xi32>
      %lt3A_989 = arith.cmpi slt, %sub3A_983, %lt3A_988 : vector<16xi32>
      %and3A_990 = arith.andi %ge3A_986, %lt3A_989 : vector<16xi1>
      %lt3A_991 = arith.constant 5 : i32
      %lt3A_992 = vector.broadcast %lt3A_991 : i32 to vector<16xi32>
      %lt3A_993 = arith.cmpi slt, %iota3A, %lt3A_992 : vector<16xi32>
      %and3A_994 = arith.andi %and3A_990, %lt3A_993 : vector<16xi1>
      %min3A_995 = arith.constant 6655 : i32
      %min3A_996 = vector.broadcast %min3A_995 : i32 to vector<16xi32>
      %min3A_997 = arith.minsi %sub3A_983, %min3A_996 : vector<16xi32>
      %max3A_998 = arith.constant 0 : i32
      %max3A_999 = vector.broadcast %max3A_998 : i32 to vector<16xi32>
      %max3A_1000 = arith.maxsi %min3A_997, %max3A_999 : vector<16xi32>
      %broadcast_in_dim3A_1001 = arith.constant 6 : i32
      %broadcast_in_dim3A_1002 = vector.broadcast %broadcast_in_dim3A_1001 : i32 to vector<16xi32>
      %gather3A_1003 = tpu.vector_load_idx %arg8[%broadcast_in_dim3A_1002, %max3A_1000] : memref<8x6656xf32, #tpu.memory_space<vmem>>[vector<16xi32>, vector<16xi32>], vector<16xf32>,
      %select_n3A_1004 = arith.select %and3A_994, %gather3A_1003, %broadcast_in_dim3A_3 : vector<16xi1>, vector<16xf32>
      tpu.vector_store_idx %arg12[%add3A_976], %select_n3A_1004 {add = true} : memref<512xf32, #tpu.memory_space<vmem>>[vector<16xi32>], vector<16xf32>,
      %mul3A_1005 = arith.constant 8 : i32
      %mul3A_1006 = arith.muli %select_n3A_671, %mul3A_1005 : i32
      %add3A_1007 = arith.constant 7 : i32
      %add3A_1008 = arith.addi %mul3A_1006, %add3A_1007 : i32
      %add3A_1009 = arith.addi %mul3A_2, %add3A_1008 : i32
      %broadcast_in_dim3A_1010 = vector.broadcast %add3A_1009 : i32 to vector<16xi32>
      %gather3A_1011 = tpu.vector_load_idx %arg9[%broadcast_in_dim3A_1010] : memref<1024xf32, #tpu.memory_space<vmem>>[vector<16xi32>], vector<16xf32>,
      %scan3A_1012 = arith.constant 0 : i32
      %scan3A_1013 = arith.constant 52 : i32
      %scan3A_1014 = arith.addi %scan3A_1012, %scan3A_1013 : i32
      %scan3A_1015 = arith.constant 1 : i32
      %scan3A_1016 = scf.for %scan3A_1058 = %scan3A_1012 to %scan3A_1014 step %scan3A_1015 iter_args(%scan3A_1059 = %broadcast_in_dim3A_3) -> (vector<16xf32>)  : i32 {
        %mul3A_1060 = arith.constant 128 : i32
        %mul3A_1061 = arith.muli %scan3A_1058, %mul3A_1060 : i32
        %add3A_1062 = arith.constant 0 : i32
        %add3A_1063 = arith.addi %mul3A_1061, %add3A_1062 : i32
        %get3A = arith.constant 7 : i32
        %get3A_1064 = arith.index_cast %get3A : i32 to index
        %get3A_1065 = arith.index_cast %add3A_1063 : i32 to index
        %get3A_1066 = tpu.vector_load %arg8[%get3A_1064, %get3A_1065] {strides = array<i32>} : memref<8x6656xf32, #tpu.memory_space<vmem>>, vector<16xf32>,
        %mul3A_1067 = arith.mulf %get3A_1066, %gather3A_1011 : vector<16xf32>
        %exp3A = math.exp %mul3A_1067 : vector<16xf32>
        %add3A_1068 = arith.constant 16 : i32
        %add3A_1069 = arith.addi %mul3A_1061, %add3A_1068 : i32
        %get3A_1070 = arith.constant 7 : i32
        %get3A_1071 = arith.index_cast %get3A_1070 : i32 to index
        %get3A_1072 = arith.index_cast %add3A_1069 : i32 to index
        %get3A_1073 = tpu.vector_load %arg8[%get3A_1071, %get3A_1072] {strides = array<i32>} : memref<8x6656xf32, #tpu.memory_space<vmem>>, vector<16xf32>,
        %mul3A_1074 = arith.mulf %get3A_1073, %gather3A_1011 : vector<16xf32>
        %exp3A_1075 = math.exp %mul3A_1074 : vector<16xf32>
        %add3A_1076 = arith.addf %exp3A, %exp3A_1075 : vector<16xf32>
        %add3A_1077 = arith.constant 32 : i32
        %add3A_1078 = arith.addi %mul3A_1061, %add3A_1077 : i32
        %get3A_1079 = arith.constant 7 : i32
        %get3A_1080 = arith.index_cast %get3A_1079 : i32 to index
        %get3A_1081 = arith.index_cast %add3A_1078 : i32 to index
        %get3A_1082 = tpu.vector_load %arg8[%get3A_1080, %get3A_1081] {strides = array<i32>} : memref<8x6656xf32, #tpu.memory_space<vmem>>, vector<16xf32>,
        %mul3A_1083 = arith.mulf %get3A_1082, %gather3A_1011 : vector<16xf32>
        %exp3A_1084 = math.exp %mul3A_1083 : vector<16xf32>
        %add3A_1085 = arith.addf %add3A_1076, %exp3A_1084 : vector<16xf32>
        %add3A_1086 = arith.constant 48 : i32
        %add3A_1087 = arith.addi %mul3A_1061, %add3A_1086 : i32
        %get3A_1088 = arith.constant 7 : i32
        %get3A_1089 = arith.index_cast %get3A_1088 : i32 to index
        %get3A_1090 = arith.index_cast %add3A_1087 : i32 to index
        %get3A_1091 = tpu.vector_load %arg8[%get3A_1089, %get3A_1090] {strides = array<i32>} : memref<8x6656xf32, #tpu.memory_space<vmem>>, vector<16xf32>,
        %mul3A_1092 = arith.mulf %get3A_1091, %gather3A_1011 : vector<16xf32>
        %exp3A_1093 = math.exp %mul3A_1092 : vector<16xf32>
        %add3A_1094 = arith.addf %add3A_1085, %exp3A_1093 : vector<16xf32>
        %add3A_1095 = arith.constant 64 : i32
        %add3A_1096 = arith.addi %mul3A_1061, %add3A_1095 : i32
        %get3A_1097 = arith.constant 7 : i32
        %get3A_1098 = arith.index_cast %get3A_1097 : i32 to index
        %get3A_1099 = arith.index_cast %add3A_1096 : i32 to index
        %get3A_1100 = tpu.vector_load %arg8[%get3A_1098, %get3A_1099] {strides = array<i32>} : memref<8x6656xf32, #tpu.memory_space<vmem>>, vector<16xf32>,
        %mul3A_1101 = arith.mulf %get3A_1100, %gather3A_1011 : vector<16xf32>
        %exp3A_1102 = math.exp %mul3A_1101 : vector<16xf32>
        %add3A_1103 = arith.addf %add3A_1094, %exp3A_1102 : vector<16xf32>
        %add3A_1104 = arith.constant 80 : i32
        %add3A_1105 = arith.addi %mul3A_1061, %add3A_1104 : i32
        %get3A_1106 = arith.constant 7 : i32
        %get3A_1107 = arith.index_cast %get3A_1106 : i32 to index
        %get3A_1108 = arith.index_cast %add3A_1105 : i32 to index
        %get3A_1109 = tpu.vector_load %arg8[%get3A_1107, %get3A_1108] {strides = array<i32>} : memref<8x6656xf32, #tpu.memory_space<vmem>>, vector<16xf32>,
        %mul3A_1110 = arith.mulf %get3A_1109, %gather3A_1011 : vector<16xf32>
        %exp3A_1111 = math.exp %mul3A_1110 : vector<16xf32>
        %add3A_1112 = arith.addf %add3A_1103, %exp3A_1111 : vector<16xf32>
        %add3A_1113 = arith.constant 96 : i32
        %add3A_1114 = arith.addi %mul3A_1061, %add3A_1113 : i32
        %get3A_1115 = arith.constant 7 : i32
        %get3A_1116 = arith.index_cast %get3A_1115 : i32 to index
        %get3A_1117 = arith.index_cast %add3A_1114 : i32 to index
        %get3A_1118 = tpu.vector_load %arg8[%get3A_1116, %get3A_1117] {strides = array<i32>} : memref<8x6656xf32, #tpu.memory_space<vmem>>, vector<16xf32>,
        %mul3A_1119 = arith.mulf %get3A_1118, %gather3A_1011 : vector<16xf32>
        %exp3A_1120 = math.exp %mul3A_1119 : vector<16xf32>
        %add3A_1121 = arith.addf %add3A_1112, %exp3A_1120 : vector<16xf32>
        %add3A_1122 = arith.constant 112 : i32
        %add3A_1123 = arith.addi %mul3A_1061, %add3A_1122 : i32
        %get3A_1124 = arith.constant 7 : i32
        %get3A_1125 = arith.index_cast %get3A_1124 : i32 to index
        %get3A_1126 = arith.index_cast %add3A_1123 : i32 to index
        %get3A_1127 = tpu.vector_load %arg8[%get3A_1125, %get3A_1126] {strides = array<i32>} : memref<8x6656xf32, #tpu.memory_space<vmem>>, vector<16xf32>,
        %mul3A_1128 = arith.mulf %get3A_1127, %gather3A_1011 : vector<16xf32>
        %exp3A_1129 = math.exp %mul3A_1128 : vector<16xf32>
        %add3A_1130 = arith.addf %add3A_1121, %exp3A_1129 : vector<16xf32>
        %add3A_1131 = arith.addf %scan3A_1059, %add3A_1130 : vector<16xf32>
        scf.yield %add3A_1131 : vector<16xf32>
      }
      %scan3A_1017 = arith.constant 52 : i32
      %mul3A_1018 = arith.constant 16 : i32
      %mul3A_1019 = arith.muli %add3A_1008, %mul3A_1018 : i32
      %add3A_1020 = vector.broadcast %mul3A_1019 : i32 to vector<16xi32>
      %add3A_1021 = arith.addi %add3A_1020, %iota3A : vector<16xi32>
      tpu.vector_store_idx %arg11[%add3A_1021], %scan3A_1016 {add = true} : memref<512xf32, #tpu.memory_space<vmem>>[vector<16xi32>], vector<16xf32>,
      %broadcast_in_dim3A_1022 = vector.broadcast %add3A_1008 : i32 to vector<16xi32>
      %min3A_1023 = arith.constant 4 : i32
      %min3A_1024 = vector.broadcast %min3A_1023 : i32 to vector<16xi32>
      %min3A_1025 = arith.minsi %iota3A, %min3A_1024 : vector<16xi32>
      %gather3A_1026 = tpu.vector_load_idx %arg10[%broadcast_in_dim3A_1022, %min3A_1025] : memref<32x5xi32, #tpu.memory_space<vmem>>[vector<16xi32>, vector<16xi32>], vector<16xi32>,
      %sub3A_1027 = vector.broadcast %mul3A_689 : i32 to vector<16xi32>
      %sub3A_1028 = arith.subi %gather3A_1026, %sub3A_1027 : vector<16xi32>
      %ge3A_1029 = arith.constant 0 : i32
      %ge3A_1030 = vector.broadcast %ge3A_1029 : i32 to vector<16xi32>
      %ge3A_1031 = arith.cmpi sge, %sub3A_1028, %ge3A_1030 : vector<16xi32>
      %lt3A_1032 = arith.constant 6656 : i32
      %lt3A_1033 = vector.broadcast %lt3A_1032 : i32 to vector<16xi32>
      %lt3A_1034 = arith.cmpi slt, %sub3A_1028, %lt3A_1033 : vector<16xi32>
      %and3A_1035 = arith.andi %ge3A_1031, %lt3A_1034 : vector<16xi1>
      %lt3A_1036 = arith.constant 5 : i32
      %lt3A_1037 = vector.broadcast %lt3A_1036 : i32 to vector<16xi32>
      %lt3A_1038 = arith.cmpi slt, %iota3A, %lt3A_1037 : vector<16xi32>
      %and3A_1039 = arith.andi %and3A_1035, %lt3A_1038 : vector<16xi1>
      %min3A_1040 = arith.constant 6655 : i32
      %min3A_1041 = vector.broadcast %min3A_1040 : i32 to vector<16xi32>
      %min3A_1042 = arith.minsi %sub3A_1028, %min3A_1041 : vector<16xi32>
      %max3A_1043 = arith.constant 0 : i32
      %max3A_1044 = vector.broadcast %max3A_1043 : i32 to vector<16xi32>
      %max3A_1045 = arith.maxsi %min3A_1042, %max3A_1044 : vector<16xi32>
      %broadcast_in_dim3A_1046 = arith.constant 7 : i32
      %broadcast_in_dim3A_1047 = vector.broadcast %broadcast_in_dim3A_1046 : i32 to vector<16xi32>
      %gather3A_1048 = tpu.vector_load_idx %arg8[%broadcast_in_dim3A_1047, %max3A_1045] : memref<8x6656xf32, #tpu.memory_space<vmem>>[vector<16xi32>, vector<16xi32>], vector<16xf32>,
      %select_n3A_1049 = arith.select %and3A_1039, %gather3A_1048, %broadcast_in_dim3A_3 : vector<16xi1>, vector<16xf32>
      tpu.vector_store_idx %arg12[%add3A_1021], %select_n3A_1049 {add = true} : memref<512xf32, #tpu.memory_space<vmem>>[vector<16xi32>], vector<16xf32>,
      %add3A_1050 = arith.constant 2 : i32
      %add3A_1051 = arith.addi %add3A_600, %add3A_1050 : i32
      %lt3A_1052 = arith.constant 60 : i32
      %lt3A_1053 = arith.cmpi slt, %add3A_1051, %lt3A_1052 : i32
      %convert_element_type3A_1054 = arith.extui %lt3A_1053 : i1 to i32
      %cond3A_1055 = arith.constant 0 : i32
      %cond3A_1056 = arith.cmpi ne, %convert_element_type3A_1054, %cond3A_1055 : i32
      scf.if %cond3A_1056 {
        %add3A_1058 = arith.constant 2 : i32
        %add3A_1059 = arith.addi %add3A_600, %add3A_1058 : i32
        %jit3A_1060 = arith.constant 15 : i32
        %div3A_1061 = arith.divsi %add3A_1059, %jit3A_1060 : i32
        %sign3A_1062 = arith.constant 0 : i32
        %sign3A_1063 = arith.cmpi sgt, %add3A_1059, %sign3A_1062 : i32
        %sign3A_1064 = arith.extui %sign3A_1063 : i1 to i32
        %sign3A_1065 = arith.constant 0 : i32
        %sign3A_1066 = arith.cmpi slt, %add3A_1059, %sign3A_1065 : i32
        %sign3A_1067 = arith.extui %sign3A_1066 : i1 to i32
        %sign3A_1068 = arith.subi %sign3A_1064, %sign3A_1067 : i32
        %sign3A_1069 = arith.constant 0 : i32
        %sign3A_1070 = arith.cmpi sgt, %jit3A_1060, %sign3A_1069 : i32
        %sign3A_1071 = arith.extui %sign3A_1070 : i1 to i32
        %sign3A_1072 = arith.constant 0 : i32
        %sign3A_1073 = arith.cmpi slt, %jit3A_1060, %sign3A_1072 : i32
        %sign3A_1074 = arith.extui %sign3A_1073 : i1 to i32
        %sign3A_1075 = arith.subi %sign3A_1071, %sign3A_1074 : i32
        %ne3A_1076 = arith.cmpi ne, %sign3A_1068, %sign3A_1075 : i32
        %rem3A_1077 = arith.remsi %add3A_1059, %jit3A_1060 : i32
        %ne3A_1078 = arith.constant 0 : i32
        %ne3A_1079 = arith.cmpi ne, %rem3A_1077, %ne3A_1078 : i32
        %and3A_1080 = arith.andi %ne3A_1076, %ne3A_1079 : i1
        %sub3A_1081 = arith.constant 1 : i32
        %sub3A_1082 = arith.subi %div3A_1061, %sub3A_1081 : i32
        %select_n3A_1083 = arith.select %and3A_1080, %sub3A_1082, %div3A_1061 : i32
        %mul3A_1084 = arith.constant 8 : i32
        %mul3A_1085 = arith.muli %select_n3A_1083, %mul3A_1084 : i32
        %add3A_1086 = arith.addi %mul3A_2, %mul3A_1085 : i32
        %jit3A_1087 = arith.constant 15 : i32
        %eq3A_1088 = arith.constant 0 : i32
        %eq3A_1089 = arith.cmpi eq, %jit3A_1087, %eq3A_1088 : i32
        %jit3A_1090 = arith.constant 1 : i32
        %select_n3A_1091 = arith.select %eq3A_1089, %jit3A_1090, %jit3A_1087 : i32
        %rem3A_1092 = arith.remsi %add3A_1059, %select_n3A_1091 : i32
        %ne3A_1093 = arith.constant 0 : i32
        %ne3A_1094 = arith.cmpi ne, %rem3A_1092, %ne3A_1093 : i32
        %lt3A_1095 = arith.constant 0 : i32
        %lt3A_1096 = arith.cmpi slt, %rem3A_1092, %lt3A_1095 : i32
        %lt3A_1097 = arith.constant 0 : i32
        %lt3A_1098 = arith.cmpi slt, %select_n3A_1091, %lt3A_1097 : i32
        %ne3A_1099 = arith.xori %lt3A_1096, %lt3A_1098 : i1
        %and3A_1100 = arith.andi %ne3A_1099, %ne3A_1094 : i1
        %add3A_1101 = arith.addi %rem3A_1092, %select_n3A_1091 : i32
        %select_n3A_1102 = arith.select %and3A_1100, %add3A_1101, %rem3A_1092 : i32
        %mul3A_1103 = arith.constant 6656 : i32
        %mul3A_1104 = arith.muli %select_n3A_1102, %mul3A_1103 : i32
        %dma_start3A_1105 = tpu.memref_slice %arg2[%add3A_1086, %mul3A_1104] : memref<1024x100000xf32, #tpu.memory_space<hbm>> -> memref<8x6656xf32, #tpu.memory_space<hbm>>
        %dma_start3A_1106 = tpu.memref_slice %arg2[%add3A_1086, %mul3A_1104] : memref<1024x100000xf32, #tpu.memory_space<hbm>> -> memref<8x6656xf32, #tpu.memory_space<hbm>>
        tpu.enqueue_dma source(%dma_start3A_1106 : memref<8x6656xf32, #tpu.memory_space<hbm>>) target(%arg8 : memref<8x6656xf32, #tpu.memory_space<vmem>>) target_semaphore(%arg14 : memref<!tpu.dma_semaphore, #tpu.memory_space<semaphore_mem>>)
      } else {
      }
      %scan3A_1057 = arith.constant 0 : i32
      scf.yield %scan3A_1057 : i32
    }
    %scan3A_147 = arith.constant 30 : i32
    %mul3A_148 = arith.constant 16 : i32
    %mul3A_149 = arith.muli %mul3A_2, %mul3A_148 : i32
    "tpu.region"() ({
      %run_scoped3A = tpu.sem_alloc : memref<!tpu.dma_semaphore, #tpu.memory_space<semaphore_mem>>
      %dma_start3A_152 = tpu.memref_slice %arg5[%mul3A_149] : memref<16384xf32, #tpu.memory_space<hbm>> -> memref<512xf32, #tpu.memory_space<hbm>>
      %dma_start3A_153 = tpu.memref_slice %arg5[%mul3A_149] : memref<16384xf32, #tpu.memory_space<hbm>> -> memref<512xf32, #tpu.memory_space<hbm>>
      tpu.enqueue_dma source(%arg11 : memref<512xf32, #tpu.memory_space<vmem>>) target(%dma_start3A_153 : memref<512xf32, #tpu.memory_space<hbm>>) target_semaphore(%run_scoped3A : memref<!tpu.dma_semaphore, #tpu.memory_space<semaphore_mem>>)
      %dma_wait3A = tpu.memref_slice %arg5[%mul3A_149] : memref<16384xf32, #tpu.memory_space<hbm>> -> memref<512xf32, #tpu.memory_space<hbm>>
      %dma_wait3A_154 = tpu.memref_slice %arg5[%mul3A_149] : memref<16384xf32, #tpu.memory_space<hbm>> -> memref<512xf32, #tpu.memory_space<hbm>>
      tpu.wait_dma2 semaphore(%run_scoped3A : memref<!tpu.dma_semaphore, #tpu.memory_space<semaphore_mem>>) src(%arg11 : memref<512xf32, #tpu.memory_space<vmem>>) dst(%dma_wait3A_154 : memref<512xf32, #tpu.memory_space<hbm>>)
      tpu.yield
    }) : () -> ()
    %mul3A_150 = arith.constant 16 : i32
    %mul3A_151 = arith.muli %mul3A_2, %mul3A_150 : i32
    "tpu.region"() ({
      %run_scoped3A = tpu.sem_alloc : memref<!tpu.dma_semaphore, #tpu.memory_space<semaphore_mem>>
      %dma_start3A_152 = tpu.memref_slice %arg6[%mul3A_151] : memref<16384xf32, #tpu.memory_space<hbm>> -> memref<512xf32, #tpu.memory_space<hbm>>
      %dma_start3A_153 = tpu.memref_slice %arg6[%mul3A_151] : memref<16384xf32, #tpu.memory_space<hbm>> -> memref<512xf32, #tpu.memory_space<hbm>>
      tpu.enqueue_dma source(%arg12 : memref<512xf32, #tpu.memory_space<vmem>>) target(%dma_start3A_153 : memref<512xf32, #tpu.memory_space<hbm>>) target_semaphore(%run_scoped3A : memref<!tpu.dma_semaphore, #tpu.memory_space<semaphore_mem>>)
      %dma_wait3A = tpu.memref_slice %arg6[%mul3A_151] : memref<16384xf32, #tpu.memory_space<hbm>> -> memref<512xf32, #tpu.memory_space<hbm>>
      %dma_wait3A_154 = tpu.memref_slice %arg6[%mul3A_151] : memref<16384xf32, #tpu.memory_space<hbm>> -> memref<512xf32, #tpu.memory_space<hbm>>
      tpu.wait_dma2 semaphore(%run_scoped3A : memref<!tpu.dma_semaphore, #tpu.memory_space<semaphore_mem>>) src(%arg12 : memref<512xf32, #tpu.memory_space<vmem>>) dst(%dma_wait3A_154 : memref<512xf32, #tpu.memory_space<hbm>>)
      tpu.yield
    }) : () -> ()
    return
  }
}

module attributes {stable_mosaic.version = 14 : i64} {
  func.func @_temp_kernel(%arg0: memref<1x1xi32, #tpu.memory_space<smem>>, %arg1: memref<1024x5xi32, #tpu.memory_space<vmem>>, %arg2: memref<5x1024xi32, #tpu.memory_space<vmem>>, %arg3: memref<1024x1xf32, #tpu.memory_space<vmem>>) attributes {dimension_semantics = [], scalar_prefetch = 0 : i64, scratch_operands = 0 : i64, tpu.core_type = #tpu.core_type<tc>} {
    %get3A = arith.constant 0 : index
    %get3A_0 = arith.constant 0 : index
    %get3A_1 = vector.load %arg1[%get3A, %get3A_0] : memref<1024x5xi32, #tpu.memory_space<vmem>>, vector<1024x5xi32>
    %get3A_2 = arith.constant 0 : index
    %get3A_3 = arith.constant 0 : index
    %get3A_4 = vector.load %arg2[%get3A_2, %get3A_3] : memref<5x1024xi32, #tpu.memory_space<vmem>>, vector<5x1024xi32>
    %broadcast_in_dim3A = arith.constant 0 : i32
    %broadcast_in_dim3A_5 = vector.broadcast %broadcast_in_dim3A : i32 to vector<1024x1xi32>
    %broadcast_in_dim3A_6 = arith.constant 0 : i32
    %broadcast_in_dim3A_7 = vector.broadcast %broadcast_in_dim3A_6 : i32 to vector<1x1024xi32>
    %slice3A = vector.extract_strided_slice %get3A_1 {offsets = [0, 0], sizes = [1024, 1], strides = [1, 1]} : vector<1024x5xi32> to vector<1024x1xi32>
    %slice3A_8 = vector.extract_strided_slice %get3A_1 {offsets = [0, 0], sizes = [1024, 1], strides = [1, 1]} : vector<1024x5xi32> to vector<1024x1xi32>
    %eq3A = arith.cmpi eq, %slice3A, %slice3A_8 : vector<1024x1xi32>
    %convert_element_type3A = arith.extui %eq3A : vector<1024x1xi1> to vector<1024x1xi32>
    %add3A = arith.addi %broadcast_in_dim3A_5, %convert_element_type3A : vector<1024x1xi32>
    %slice3A_9 = vector.extract_strided_slice %get3A_4 {offsets = [0, 0], sizes = [1, 1024], strides = [1, 1]} : vector<5x1024xi32> to vector<1x1024xi32>
    %slice3A_10 = vector.extract_strided_slice %get3A_4 {offsets = [0, 0], sizes = [1, 1024], strides = [1, 1]} : vector<5x1024xi32> to vector<1x1024xi32>
    %eq3A_11 = arith.cmpi eq, %slice3A_9, %slice3A_10 : vector<1x1024xi32>
    %convert_element_type3A_12 = arith.extui %eq3A_11 : vector<1x1024xi1> to vector<1x1024xi32>
    %add3A_13 = arith.addi %broadcast_in_dim3A_7, %convert_element_type3A_12 : vector<1x1024xi32>
    %slice3A_14 = vector.extract_strided_slice %get3A_1 {offsets = [0, 0], sizes = [1024, 1], strides = [1, 1]} : vector<1024x5xi32> to vector<1024x1xi32>
    %slice3A_15 = vector.extract_strided_slice %get3A_1 {offsets = [0, 1], sizes = [1024, 1], strides = [1, 1]} : vector<1024x5xi32> to vector<1024x1xi32>
    %eq3A_16 = arith.cmpi eq, %slice3A_14, %slice3A_15 : vector<1024x1xi32>
    %convert_element_type3A_17 = arith.extui %eq3A_16 : vector<1024x1xi1> to vector<1024x1xi32>
    %add3A_18 = arith.addi %add3A, %convert_element_type3A_17 : vector<1024x1xi32>
    %slice3A_19 = vector.extract_strided_slice %get3A_4 {offsets = [0, 0], sizes = [1, 1024], strides = [1, 1]} : vector<5x1024xi32> to vector<1x1024xi32>
    %slice3A_20 = vector.extract_strided_slice %get3A_4 {offsets = [1, 0], sizes = [1, 1024], strides = [1, 1]} : vector<5x1024xi32> to vector<1x1024xi32>
    %eq3A_21 = arith.cmpi eq, %slice3A_19, %slice3A_20 : vector<1x1024xi32>
    %convert_element_type3A_22 = arith.extui %eq3A_21 : vector<1x1024xi1> to vector<1x1024xi32>
    %add3A_23 = arith.addi %add3A_13, %convert_element_type3A_22 : vector<1x1024xi32>
    %slice3A_24 = vector.extract_strided_slice %get3A_1 {offsets = [0, 0], sizes = [1024, 1], strides = [1, 1]} : vector<1024x5xi32> to vector<1024x1xi32>
    %slice3A_25 = vector.extract_strided_slice %get3A_1 {offsets = [0, 2], sizes = [1024, 1], strides = [1, 1]} : vector<1024x5xi32> to vector<1024x1xi32>
    %eq3A_26 = arith.cmpi eq, %slice3A_24, %slice3A_25 : vector<1024x1xi32>
    %convert_element_type3A_27 = arith.extui %eq3A_26 : vector<1024x1xi1> to vector<1024x1xi32>
    %add3A_28 = arith.addi %add3A_18, %convert_element_type3A_27 : vector<1024x1xi32>
    %slice3A_29 = vector.extract_strided_slice %get3A_4 {offsets = [0, 0], sizes = [1, 1024], strides = [1, 1]} : vector<5x1024xi32> to vector<1x1024xi32>
    %slice3A_30 = vector.extract_strided_slice %get3A_4 {offsets = [2, 0], sizes = [1, 1024], strides = [1, 1]} : vector<5x1024xi32> to vector<1x1024xi32>
    %eq3A_31 = arith.cmpi eq, %slice3A_29, %slice3A_30 : vector<1x1024xi32>
    %convert_element_type3A_32 = arith.extui %eq3A_31 : vector<1x1024xi1> to vector<1x1024xi32>
    %add3A_33 = arith.addi %add3A_23, %convert_element_type3A_32 : vector<1x1024xi32>
    %slice3A_34 = vector.extract_strided_slice %get3A_1 {offsets = [0, 0], sizes = [1024, 1], strides = [1, 1]} : vector<1024x5xi32> to vector<1024x1xi32>
    %slice3A_35 = vector.extract_strided_slice %get3A_1 {offsets = [0, 3], sizes = [1024, 1], strides = [1, 1]} : vector<1024x5xi32> to vector<1024x1xi32>
    %eq3A_36 = arith.cmpi eq, %slice3A_34, %slice3A_35 : vector<1024x1xi32>
    %convert_element_type3A_37 = arith.extui %eq3A_36 : vector<1024x1xi1> to vector<1024x1xi32>
    %add3A_38 = arith.addi %add3A_28, %convert_element_type3A_37 : vector<1024x1xi32>
    %slice3A_39 = vector.extract_strided_slice %get3A_4 {offsets = [0, 0], sizes = [1, 1024], strides = [1, 1]} : vector<5x1024xi32> to vector<1x1024xi32>
    %slice3A_40 = vector.extract_strided_slice %get3A_4 {offsets = [3, 0], sizes = [1, 1024], strides = [1, 1]} : vector<5x1024xi32> to vector<1x1024xi32>
    %eq3A_41 = arith.cmpi eq, %slice3A_39, %slice3A_40 : vector<1x1024xi32>
    %convert_element_type3A_42 = arith.extui %eq3A_41 : vector<1x1024xi1> to vector<1x1024xi32>
    %add3A_43 = arith.addi %add3A_33, %convert_element_type3A_42 : vector<1x1024xi32>
    %slice3A_44 = vector.extract_strided_slice %get3A_1 {offsets = [0, 0], sizes = [1024, 1], strides = [1, 1]} : vector<1024x5xi32> to vector<1024x1xi32>
    %slice3A_45 = vector.extract_strided_slice %get3A_1 {offsets = [0, 4], sizes = [1024, 1], strides = [1, 1]} : vector<1024x5xi32> to vector<1024x1xi32>
    %eq3A_46 = arith.cmpi eq, %slice3A_44, %slice3A_45 : vector<1024x1xi32>
    %convert_element_type3A_47 = arith.extui %eq3A_46 : vector<1024x1xi1> to vector<1024x1xi32>
    %add3A_48 = arith.addi %add3A_38, %convert_element_type3A_47 : vector<1024x1xi32>
    %slice3A_49 = vector.extract_strided_slice %get3A_4 {offsets = [0, 0], sizes = [1, 1024], strides = [1, 1]} : vector<5x1024xi32> to vector<1x1024xi32>
    %slice3A_50 = vector.extract_strided_slice %get3A_4 {offsets = [4, 0], sizes = [1, 1024], strides = [1, 1]} : vector<5x1024xi32> to vector<1x1024xi32>
    %eq3A_51 = arith.cmpi eq, %slice3A_49, %slice3A_50 : vector<1x1024xi32>
    %convert_element_type3A_52 = arith.extui %eq3A_51 : vector<1x1024xi1> to vector<1x1024xi32>
    %add3A_53 = arith.addi %add3A_43, %convert_element_type3A_52 : vector<1x1024xi32>
    %slice3A_54 = vector.extract_strided_slice %get3A_1 {offsets = [0, 1], sizes = [1024, 1], strides = [1, 1]} : vector<1024x5xi32> to vector<1024x1xi32>
    %slice3A_55 = vector.extract_strided_slice %get3A_1 {offsets = [0, 0], sizes = [1024, 1], strides = [1, 1]} : vector<1024x5xi32> to vector<1024x1xi32>
    %eq3A_56 = arith.cmpi eq, %slice3A_54, %slice3A_55 : vector<1024x1xi32>
    %convert_element_type3A_57 = arith.extui %eq3A_56 : vector<1024x1xi1> to vector<1024x1xi32>
    %add3A_58 = arith.addi %add3A_48, %convert_element_type3A_57 : vector<1024x1xi32>
    %slice3A_59 = vector.extract_strided_slice %get3A_4 {offsets = [1, 0], sizes = [1, 1024], strides = [1, 1]} : vector<5x1024xi32> to vector<1x1024xi32>
    %slice3A_60 = vector.extract_strided_slice %get3A_4 {offsets = [0, 0], sizes = [1, 1024], strides = [1, 1]} : vector<5x1024xi32> to vector<1x1024xi32>
    %eq3A_61 = arith.cmpi eq, %slice3A_59, %slice3A_60 : vector<1x1024xi32>
    %convert_element_type3A_62 = arith.extui %eq3A_61 : vector<1x1024xi1> to vector<1x1024xi32>
    %add3A_63 = arith.addi %add3A_53, %convert_element_type3A_62 : vector<1x1024xi32>
    %slice3A_64 = vector.extract_strided_slice %get3A_1 {offsets = [0, 1], sizes = [1024, 1], strides = [1, 1]} : vector<1024x5xi32> to vector<1024x1xi32>
    %slice3A_65 = vector.extract_strided_slice %get3A_1 {offsets = [0, 1], sizes = [1024, 1], strides = [1, 1]} : vector<1024x5xi32> to vector<1024x1xi32>
    %eq3A_66 = arith.cmpi eq, %slice3A_64, %slice3A_65 : vector<1024x1xi32>
    %convert_element_type3A_67 = arith.extui %eq3A_66 : vector<1024x1xi1> to vector<1024x1xi32>
    %add3A_68 = arith.addi %add3A_58, %convert_element_type3A_67 : vector<1024x1xi32>
    %slice3A_69 = vector.extract_strided_slice %get3A_4 {offsets = [1, 0], sizes = [1, 1024], strides = [1, 1]} : vector<5x1024xi32> to vector<1x1024xi32>
    %slice3A_70 = vector.extract_strided_slice %get3A_4 {offsets = [1, 0], sizes = [1, 1024], strides = [1, 1]} : vector<5x1024xi32> to vector<1x1024xi32>
    %eq3A_71 = arith.cmpi eq, %slice3A_69, %slice3A_70 : vector<1x1024xi32>
    %convert_element_type3A_72 = arith.extui %eq3A_71 : vector<1x1024xi1> to vector<1x1024xi32>
    %add3A_73 = arith.addi %add3A_63, %convert_element_type3A_72 : vector<1x1024xi32>
    %slice3A_74 = vector.extract_strided_slice %get3A_1 {offsets = [0, 1], sizes = [1024, 1], strides = [1, 1]} : vector<1024x5xi32> to vector<1024x1xi32>
    %slice3A_75 = vector.extract_strided_slice %get3A_1 {offsets = [0, 2], sizes = [1024, 1], strides = [1, 1]} : vector<1024x5xi32> to vector<1024x1xi32>
    %eq3A_76 = arith.cmpi eq, %slice3A_74, %slice3A_75 : vector<1024x1xi32>
    %convert_element_type3A_77 = arith.extui %eq3A_76 : vector<1024x1xi1> to vector<1024x1xi32>
    %add3A_78 = arith.addi %add3A_68, %convert_element_type3A_77 : vector<1024x1xi32>
    %slice3A_79 = vector.extract_strided_slice %get3A_4 {offsets = [1, 0], sizes = [1, 1024], strides = [1, 1]} : vector<5x1024xi32> to vector<1x1024xi32>
    %slice3A_80 = vector.extract_strided_slice %get3A_4 {offsets = [2, 0], sizes = [1, 1024], strides = [1, 1]} : vector<5x1024xi32> to vector<1x1024xi32>
    %eq3A_81 = arith.cmpi eq, %slice3A_79, %slice3A_80 : vector<1x1024xi32>
    %convert_element_type3A_82 = arith.extui %eq3A_81 : vector<1x1024xi1> to vector<1x1024xi32>
    %add3A_83 = arith.addi %add3A_73, %convert_element_type3A_82 : vector<1x1024xi32>
    %slice3A_84 = vector.extract_strided_slice %get3A_1 {offsets = [0, 1], sizes = [1024, 1], strides = [1, 1]} : vector<1024x5xi32> to vector<1024x1xi32>
    %slice3A_85 = vector.extract_strided_slice %get3A_1 {offsets = [0, 3], sizes = [1024, 1], strides = [1, 1]} : vector<1024x5xi32> to vector<1024x1xi32>
    %eq3A_86 = arith.cmpi eq, %slice3A_84, %slice3A_85 : vector<1024x1xi32>
    %convert_element_type3A_87 = arith.extui %eq3A_86 : vector<1024x1xi1> to vector<1024x1xi32>
    %add3A_88 = arith.addi %add3A_78, %convert_element_type3A_87 : vector<1024x1xi32>
    %slice3A_89 = vector.extract_strided_slice %get3A_4 {offsets = [1, 0], sizes = [1, 1024], strides = [1, 1]} : vector<5x1024xi32> to vector<1x1024xi32>
    %slice3A_90 = vector.extract_strided_slice %get3A_4 {offsets = [3, 0], sizes = [1, 1024], strides = [1, 1]} : vector<5x1024xi32> to vector<1x1024xi32>
    %eq3A_91 = arith.cmpi eq, %slice3A_89, %slice3A_90 : vector<1x1024xi32>
    %convert_element_type3A_92 = arith.extui %eq3A_91 : vector<1x1024xi1> to vector<1x1024xi32>
    %add3A_93 = arith.addi %add3A_83, %convert_element_type3A_92 : vector<1x1024xi32>
    %slice3A_94 = vector.extract_strided_slice %get3A_1 {offsets = [0, 1], sizes = [1024, 1], strides = [1, 1]} : vector<1024x5xi32> to vector<1024x1xi32>
    %slice3A_95 = vector.extract_strided_slice %get3A_1 {offsets = [0, 4], sizes = [1024, 1], strides = [1, 1]} : vector<1024x5xi32> to vector<1024x1xi32>
    %eq3A_96 = arith.cmpi eq, %slice3A_94, %slice3A_95 : vector<1024x1xi32>
    %convert_element_type3A_97 = arith.extui %eq3A_96 : vector<1024x1xi1> to vector<1024x1xi32>
    %add3A_98 = arith.addi %add3A_88, %convert_element_type3A_97 : vector<1024x1xi32>
    %slice3A_99 = vector.extract_strided_slice %get3A_4 {offsets = [1, 0], sizes = [1, 1024], strides = [1, 1]} : vector<5x1024xi32> to vector<1x1024xi32>
    %slice3A_100 = vector.extract_strided_slice %get3A_4 {offsets = [4, 0], sizes = [1, 1024], strides = [1, 1]} : vector<5x1024xi32> to vector<1x1024xi32>
    %eq3A_101 = arith.cmpi eq, %slice3A_99, %slice3A_100 : vector<1x1024xi32>
    %convert_element_type3A_102 = arith.extui %eq3A_101 : vector<1x1024xi1> to vector<1x1024xi32>
    %add3A_103 = arith.addi %add3A_93, %convert_element_type3A_102 : vector<1x1024xi32>
    %slice3A_104 = vector.extract_strided_slice %get3A_1 {offsets = [0, 2], sizes = [1024, 1], strides = [1, 1]} : vector<1024x5xi32> to vector<1024x1xi32>
    %slice3A_105 = vector.extract_strided_slice %get3A_1 {offsets = [0, 0], sizes = [1024, 1], strides = [1, 1]} : vector<1024x5xi32> to vector<1024x1xi32>
    %eq3A_106 = arith.cmpi eq, %slice3A_104, %slice3A_105 : vector<1024x1xi32>
    %convert_element_type3A_107 = arith.extui %eq3A_106 : vector<1024x1xi1> to vector<1024x1xi32>
    %add3A_108 = arith.addi %add3A_98, %convert_element_type3A_107 : vector<1024x1xi32>
    %slice3A_109 = vector.extract_strided_slice %get3A_4 {offsets = [2, 0], sizes = [1, 1024], strides = [1, 1]} : vector<5x1024xi32> to vector<1x1024xi32>
    %slice3A_110 = vector.extract_strided_slice %get3A_4 {offsets = [0, 0], sizes = [1, 1024], strides = [1, 1]} : vector<5x1024xi32> to vector<1x1024xi32>
    %eq3A_111 = arith.cmpi eq, %slice3A_109, %slice3A_110 : vector<1x1024xi32>
    %convert_element_type3A_112 = arith.extui %eq3A_111 : vector<1x1024xi1> to vector<1x1024xi32>
    %add3A_113 = arith.addi %add3A_103, %convert_element_type3A_112 : vector<1x1024xi32>
    %slice3A_114 = vector.extract_strided_slice %get3A_1 {offsets = [0, 2], sizes = [1024, 1], strides = [1, 1]} : vector<1024x5xi32> to vector<1024x1xi32>
    %slice3A_115 = vector.extract_strided_slice %get3A_1 {offsets = [0, 1], sizes = [1024, 1], strides = [1, 1]} : vector<1024x5xi32> to vector<1024x1xi32>
    %eq3A_116 = arith.cmpi eq, %slice3A_114, %slice3A_115 : vector<1024x1xi32>
    %convert_element_type3A_117 = arith.extui %eq3A_116 : vector<1024x1xi1> to vector<1024x1xi32>
    %add3A_118 = arith.addi %add3A_108, %convert_element_type3A_117 : vector<1024x1xi32>
    %slice3A_119 = vector.extract_strided_slice %get3A_4 {offsets = [2, 0], sizes = [1, 1024], strides = [1, 1]} : vector<5x1024xi32> to vector<1x1024xi32>
    %slice3A_120 = vector.extract_strided_slice %get3A_4 {offsets = [1, 0], sizes = [1, 1024], strides = [1, 1]} : vector<5x1024xi32> to vector<1x1024xi32>
    %eq3A_121 = arith.cmpi eq, %slice3A_119, %slice3A_120 : vector<1x1024xi32>
    %convert_element_type3A_122 = arith.extui %eq3A_121 : vector<1x1024xi1> to vector<1x1024xi32>
    %add3A_123 = arith.addi %add3A_113, %convert_element_type3A_122 : vector<1x1024xi32>
    %slice3A_124 = vector.extract_strided_slice %get3A_1 {offsets = [0, 2], sizes = [1024, 1], strides = [1, 1]} : vector<1024x5xi32> to vector<1024x1xi32>
    %slice3A_125 = vector.extract_strided_slice %get3A_1 {offsets = [0, 2], sizes = [1024, 1], strides = [1, 1]} : vector<1024x5xi32> to vector<1024x1xi32>
    %eq3A_126 = arith.cmpi eq, %slice3A_124, %slice3A_125 : vector<1024x1xi32>
    %convert_element_type3A_127 = arith.extui %eq3A_126 : vector<1024x1xi1> to vector<1024x1xi32>
    %add3A_128 = arith.addi %add3A_118, %convert_element_type3A_127 : vector<1024x1xi32>
    %slice3A_129 = vector.extract_strided_slice %get3A_4 {offsets = [2, 0], sizes = [1, 1024], strides = [1, 1]} : vector<5x1024xi32> to vector<1x1024xi32>
    %slice3A_130 = vector.extract_strided_slice %get3A_4 {offsets = [2, 0], sizes = [1, 1024], strides = [1, 1]} : vector<5x1024xi32> to vector<1x1024xi32>
    %eq3A_131 = arith.cmpi eq, %slice3A_129, %slice3A_130 : vector<1x1024xi32>
    %convert_element_type3A_132 = arith.extui %eq3A_131 : vector<1x1024xi1> to vector<1x1024xi32>
    %add3A_133 = arith.addi %add3A_123, %convert_element_type3A_132 : vector<1x1024xi32>
    %slice3A_134 = vector.extract_strided_slice %get3A_1 {offsets = [0, 2], sizes = [1024, 1], strides = [1, 1]} : vector<1024x5xi32> to vector<1024x1xi32>
    %slice3A_135 = vector.extract_strided_slice %get3A_1 {offsets = [0, 3], sizes = [1024, 1], strides = [1, 1]} : vector<1024x5xi32> to vector<1024x1xi32>
    %eq3A_136 = arith.cmpi eq, %slice3A_134, %slice3A_135 : vector<1024x1xi32>
    %convert_element_type3A_137 = arith.extui %eq3A_136 : vector<1024x1xi1> to vector<1024x1xi32>
    %add3A_138 = arith.addi %add3A_128, %convert_element_type3A_137 : vector<1024x1xi32>
    %slice3A_139 = vector.extract_strided_slice %get3A_4 {offsets = [2, 0], sizes = [1, 1024], strides = [1, 1]} : vector<5x1024xi32> to vector<1x1024xi32>
    %slice3A_140 = vector.extract_strided_slice %get3A_4 {offsets = [3, 0], sizes = [1, 1024], strides = [1, 1]} : vector<5x1024xi32> to vector<1x1024xi32>
    %eq3A_141 = arith.cmpi eq, %slice3A_139, %slice3A_140 : vector<1x1024xi32>
    %convert_element_type3A_142 = arith.extui %eq3A_141 : vector<1x1024xi1> to vector<1x1024xi32>
    %add3A_143 = arith.addi %add3A_133, %convert_element_type3A_142 : vector<1x1024xi32>
    %slice3A_144 = vector.extract_strided_slice %get3A_1 {offsets = [0, 2], sizes = [1024, 1], strides = [1, 1]} : vector<1024x5xi32> to vector<1024x1xi32>
    %slice3A_145 = vector.extract_strided_slice %get3A_1 {offsets = [0, 4], sizes = [1024, 1], strides = [1, 1]} : vector<1024x5xi32> to vector<1024x1xi32>
    %eq3A_146 = arith.cmpi eq, %slice3A_144, %slice3A_145 : vector<1024x1xi32>
    %convert_element_type3A_147 = arith.extui %eq3A_146 : vector<1024x1xi1> to vector<1024x1xi32>
    %add3A_148 = arith.addi %add3A_138, %convert_element_type3A_147 : vector<1024x1xi32>
    %slice3A_149 = vector.extract_strided_slice %get3A_4 {offsets = [2, 0], sizes = [1, 1024], strides = [1, 1]} : vector<5x1024xi32> to vector<1x1024xi32>
    %slice3A_150 = vector.extract_strided_slice %get3A_4 {offsets = [4, 0], sizes = [1, 1024], strides = [1, 1]} : vector<5x1024xi32> to vector<1x1024xi32>
    %eq3A_151 = arith.cmpi eq, %slice3A_149, %slice3A_150 : vector<1x1024xi32>
    %convert_element_type3A_152 = arith.extui %eq3A_151 : vector<1x1024xi1> to vector<1x1024xi32>
    %add3A_153 = arith.addi %add3A_143, %convert_element_type3A_152 : vector<1x1024xi32>
    %slice3A_154 = vector.extract_strided_slice %get3A_1 {offsets = [0, 3], sizes = [1024, 1], strides = [1, 1]} : vector<1024x5xi32> to vector<1024x1xi32>
    %slice3A_155 = vector.extract_strided_slice %get3A_1 {offsets = [0, 0], sizes = [1024, 1], strides = [1, 1]} : vector<1024x5xi32> to vector<1024x1xi32>
    %eq3A_156 = arith.cmpi eq, %slice3A_154, %slice3A_155 : vector<1024x1xi32>
    %convert_element_type3A_157 = arith.extui %eq3A_156 : vector<1024x1xi1> to vector<1024x1xi32>
    %add3A_158 = arith.addi %add3A_148, %convert_element_type3A_157 : vector<1024x1xi32>
    %slice3A_159 = vector.extract_strided_slice %get3A_4 {offsets = [3, 0], sizes = [1, 1024], strides = [1, 1]} : vector<5x1024xi32> to vector<1x1024xi32>
    %slice3A_160 = vector.extract_strided_slice %get3A_4 {offsets = [0, 0], sizes = [1, 1024], strides = [1, 1]} : vector<5x1024xi32> to vector<1x1024xi32>
    %eq3A_161 = arith.cmpi eq, %slice3A_159, %slice3A_160 : vector<1x1024xi32>
    %convert_element_type3A_162 = arith.extui %eq3A_161 : vector<1x1024xi1> to vector<1x1024xi32>
    %add3A_163 = arith.addi %add3A_153, %convert_element_type3A_162 : vector<1x1024xi32>
    %slice3A_164 = vector.extract_strided_slice %get3A_1 {offsets = [0, 3], sizes = [1024, 1], strides = [1, 1]} : vector<1024x5xi32> to vector<1024x1xi32>
    %slice3A_165 = vector.extract_strided_slice %get3A_1 {offsets = [0, 1], sizes = [1024, 1], strides = [1, 1]} : vector<1024x5xi32> to vector<1024x1xi32>
    %eq3A_166 = arith.cmpi eq, %slice3A_164, %slice3A_165 : vector<1024x1xi32>
    %convert_element_type3A_167 = arith.extui %eq3A_166 : vector<1024x1xi1> to vector<1024x1xi32>
    %add3A_168 = arith.addi %add3A_158, %convert_element_type3A_167 : vector<1024x1xi32>
    %slice3A_169 = vector.extract_strided_slice %get3A_4 {offsets = [3, 0], sizes = [1, 1024], strides = [1, 1]} : vector<5x1024xi32> to vector<1x1024xi32>
    %slice3A_170 = vector.extract_strided_slice %get3A_4 {offsets = [1, 0], sizes = [1, 1024], strides = [1, 1]} : vector<5x1024xi32> to vector<1x1024xi32>
    %eq3A_171 = arith.cmpi eq, %slice3A_169, %slice3A_170 : vector<1x1024xi32>
    %convert_element_type3A_172 = arith.extui %eq3A_171 : vector<1x1024xi1> to vector<1x1024xi32>
    %add3A_173 = arith.addi %add3A_163, %convert_element_type3A_172 : vector<1x1024xi32>
    %slice3A_174 = vector.extract_strided_slice %get3A_1 {offsets = [0, 3], sizes = [1024, 1], strides = [1, 1]} : vector<1024x5xi32> to vector<1024x1xi32>
    %slice3A_175 = vector.extract_strided_slice %get3A_1 {offsets = [0, 2], sizes = [1024, 1], strides = [1, 1]} : vector<1024x5xi32> to vector<1024x1xi32>
    %eq3A_176 = arith.cmpi eq, %slice3A_174, %slice3A_175 : vector<1024x1xi32>
    %convert_element_type3A_177 = arith.extui %eq3A_176 : vector<1024x1xi1> to vector<1024x1xi32>
    %add3A_178 = arith.addi %add3A_168, %convert_element_type3A_177 : vector<1024x1xi32>
    %slice3A_179 = vector.extract_strided_slice %get3A_4 {offsets = [3, 0], sizes = [1, 1024], strides = [1, 1]} : vector<5x1024xi32> to vector<1x1024xi32>
    %slice3A_180 = vector.extract_strided_slice %get3A_4 {offsets = [2, 0], sizes = [1, 1024], strides = [1, 1]} : vector<5x1024xi32> to vector<1x1024xi32>
    %eq3A_181 = arith.cmpi eq, %slice3A_179, %slice3A_180 : vector<1x1024xi32>
    %convert_element_type3A_182 = arith.extui %eq3A_181 : vector<1x1024xi1> to vector<1x1024xi32>
    %add3A_183 = arith.addi %add3A_173, %convert_element_type3A_182 : vector<1x1024xi32>
    %slice3A_184 = vector.extract_strided_slice %get3A_1 {offsets = [0, 3], sizes = [1024, 1], strides = [1, 1]} : vector<1024x5xi32> to vector<1024x1xi32>
    %slice3A_185 = vector.extract_strided_slice %get3A_1 {offsets = [0, 3], sizes = [1024, 1], strides = [1, 1]} : vector<1024x5xi32> to vector<1024x1xi32>
    %eq3A_186 = arith.cmpi eq, %slice3A_184, %slice3A_185 : vector<1024x1xi32>
    %convert_element_type3A_187 = arith.extui %eq3A_186 : vector<1024x1xi1> to vector<1024x1xi32>
    %add3A_188 = arith.addi %add3A_178, %convert_element_type3A_187 : vector<1024x1xi32>
    %slice3A_189 = vector.extract_strided_slice %get3A_4 {offsets = [3, 0], sizes = [1, 1024], strides = [1, 1]} : vector<5x1024xi32> to vector<1x1024xi32>
    %slice3A_190 = vector.extract_strided_slice %get3A_4 {offsets = [3, 0], sizes = [1, 1024], strides = [1, 1]} : vector<5x1024xi32> to vector<1x1024xi32>
    %eq3A_191 = arith.cmpi eq, %slice3A_189, %slice3A_190 : vector<1x1024xi32>
    %convert_element_type3A_192 = arith.extui %eq3A_191 : vector<1x1024xi1> to vector<1x1024xi32>
    %add3A_193 = arith.addi %add3A_183, %convert_element_type3A_192 : vector<1x1024xi32>
    %slice3A_194 = vector.extract_strided_slice %get3A_1 {offsets = [0, 3], sizes = [1024, 1], strides = [1, 1]} : vector<1024x5xi32> to vector<1024x1xi32>
    %slice3A_195 = vector.extract_strided_slice %get3A_1 {offsets = [0, 4], sizes = [1024, 1], strides = [1, 1]} : vector<1024x5xi32> to vector<1024x1xi32>
    %eq3A_196 = arith.cmpi eq, %slice3A_194, %slice3A_195 : vector<1024x1xi32>
    %convert_element_type3A_197 = arith.extui %eq3A_196 : vector<1024x1xi1> to vector<1024x1xi32>
    %add3A_198 = arith.addi %add3A_188, %convert_element_type3A_197 : vector<1024x1xi32>
    %slice3A_199 = vector.extract_strided_slice %get3A_4 {offsets = [3, 0], sizes = [1, 1024], strides = [1, 1]} : vector<5x1024xi32> to vector<1x1024xi32>
    %slice3A_200 = vector.extract_strided_slice %get3A_4 {offsets = [4, 0], sizes = [1, 1024], strides = [1, 1]} : vector<5x1024xi32> to vector<1x1024xi32>
    %eq3A_201 = arith.cmpi eq, %slice3A_199, %slice3A_200 : vector<1x1024xi32>
    %convert_element_type3A_202 = arith.extui %eq3A_201 : vector<1x1024xi1> to vector<1x1024xi32>
    %add3A_203 = arith.addi %add3A_193, %convert_element_type3A_202 : vector<1x1024xi32>
    %slice3A_204 = vector.extract_strided_slice %get3A_1 {offsets = [0, 4], sizes = [1024, 1], strides = [1, 1]} : vector<1024x5xi32> to vector<1024x1xi32>
    %slice3A_205 = vector.extract_strided_slice %get3A_1 {offsets = [0, 0], sizes = [1024, 1], strides = [1, 1]} : vector<1024x5xi32> to vector<1024x1xi32>
    %eq3A_206 = arith.cmpi eq, %slice3A_204, %slice3A_205 : vector<1024x1xi32>
    %convert_element_type3A_207 = arith.extui %eq3A_206 : vector<1024x1xi1> to vector<1024x1xi32>
    %add3A_208 = arith.addi %add3A_198, %convert_element_type3A_207 : vector<1024x1xi32>
    %slice3A_209 = vector.extract_strided_slice %get3A_4 {offsets = [4, 0], sizes = [1, 1024], strides = [1, 1]} : vector<5x1024xi32> to vector<1x1024xi32>
    %slice3A_210 = vector.extract_strided_slice %get3A_4 {offsets = [0, 0], sizes = [1, 1024], strides = [1, 1]} : vector<5x1024xi32> to vector<1x1024xi32>
    %eq3A_211 = arith.cmpi eq, %slice3A_209, %slice3A_210 : vector<1x1024xi32>
    %convert_element_type3A_212 = arith.extui %eq3A_211 : vector<1x1024xi1> to vector<1x1024xi32>
    %add3A_213 = arith.addi %add3A_203, %convert_element_type3A_212 : vector<1x1024xi32>
    %slice3A_214 = vector.extract_strided_slice %get3A_1 {offsets = [0, 4], sizes = [1024, 1], strides = [1, 1]} : vector<1024x5xi32> to vector<1024x1xi32>
    %slice3A_215 = vector.extract_strided_slice %get3A_1 {offsets = [0, 1], sizes = [1024, 1], strides = [1, 1]} : vector<1024x5xi32> to vector<1024x1xi32>
    %eq3A_216 = arith.cmpi eq, %slice3A_214, %slice3A_215 : vector<1024x1xi32>
    %convert_element_type3A_217 = arith.extui %eq3A_216 : vector<1024x1xi1> to vector<1024x1xi32>
    %add3A_218 = arith.addi %add3A_208, %convert_element_type3A_217 : vector<1024x1xi32>
    %slice3A_219 = vector.extract_strided_slice %get3A_4 {offsets = [4, 0], sizes = [1, 1024], strides = [1, 1]} : vector<5x1024xi32> to vector<1x1024xi32>
    %slice3A_220 = vector.extract_strided_slice %get3A_4 {offsets = [1, 0], sizes = [1, 1024], strides = [1, 1]} : vector<5x1024xi32> to vector<1x1024xi32>
    %eq3A_221 = arith.cmpi eq, %slice3A_219, %slice3A_220 : vector<1x1024xi32>
    %convert_element_type3A_222 = arith.extui %eq3A_221 : vector<1x1024xi1> to vector<1x1024xi32>
    %add3A_223 = arith.addi %add3A_213, %convert_element_type3A_222 : vector<1x1024xi32>
    %slice3A_224 = vector.extract_strided_slice %get3A_1 {offsets = [0, 4], sizes = [1024, 1], strides = [1, 1]} : vector<1024x5xi32> to vector<1024x1xi32>
    %slice3A_225 = vector.extract_strided_slice %get3A_1 {offsets = [0, 2], sizes = [1024, 1], strides = [1, 1]} : vector<1024x5xi32> to vector<1024x1xi32>
    %eq3A_226 = arith.cmpi eq, %slice3A_224, %slice3A_225 : vector<1024x1xi32>
    %convert_element_type3A_227 = arith.extui %eq3A_226 : vector<1024x1xi1> to vector<1024x1xi32>
    %add3A_228 = arith.addi %add3A_218, %convert_element_type3A_227 : vector<1024x1xi32>
    %slice3A_229 = vector.extract_strided_slice %get3A_4 {offsets = [4, 0], sizes = [1, 1024], strides = [1, 1]} : vector<5x1024xi32> to vector<1x1024xi32>
    %slice3A_230 = vector.extract_strided_slice %get3A_4 {offsets = [2, 0], sizes = [1, 1024], strides = [1, 1]} : vector<5x1024xi32> to vector<1x1024xi32>
    %eq3A_231 = arith.cmpi eq, %slice3A_229, %slice3A_230 : vector<1x1024xi32>
    %convert_element_type3A_232 = arith.extui %eq3A_231 : vector<1x1024xi1> to vector<1x1024xi32>
    %add3A_233 = arith.addi %add3A_223, %convert_element_type3A_232 : vector<1x1024xi32>
    %slice3A_234 = vector.extract_strided_slice %get3A_1 {offsets = [0, 4], sizes = [1024, 1], strides = [1, 1]} : vector<1024x5xi32> to vector<1024x1xi32>
    %slice3A_235 = vector.extract_strided_slice %get3A_1 {offsets = [0, 3], sizes = [1024, 1], strides = [1, 1]} : vector<1024x5xi32> to vector<1024x1xi32>
    %eq3A_236 = arith.cmpi eq, %slice3A_234, %slice3A_235 : vector<1024x1xi32>
    %convert_element_type3A_237 = arith.extui %eq3A_236 : vector<1024x1xi1> to vector<1024x1xi32>
    %add3A_238 = arith.addi %add3A_228, %convert_element_type3A_237 : vector<1024x1xi32>
    %slice3A_239 = vector.extract_strided_slice %get3A_4 {offsets = [4, 0], sizes = [1, 1024], strides = [1, 1]} : vector<5x1024xi32> to vector<1x1024xi32>
    %slice3A_240 = vector.extract_strided_slice %get3A_4 {offsets = [3, 0], sizes = [1, 1024], strides = [1, 1]} : vector<5x1024xi32> to vector<1x1024xi32>
    %eq3A_241 = arith.cmpi eq, %slice3A_239, %slice3A_240 : vector<1x1024xi32>
    %convert_element_type3A_242 = arith.extui %eq3A_241 : vector<1x1024xi1> to vector<1x1024xi32>
    %add3A_243 = arith.addi %add3A_233, %convert_element_type3A_242 : vector<1x1024xi32>
    %slice3A_244 = vector.extract_strided_slice %get3A_1 {offsets = [0, 4], sizes = [1024, 1], strides = [1, 1]} : vector<1024x5xi32> to vector<1024x1xi32>
    %slice3A_245 = vector.extract_strided_slice %get3A_1 {offsets = [0, 4], sizes = [1024, 1], strides = [1, 1]} : vector<1024x5xi32> to vector<1024x1xi32>
    %eq3A_246 = arith.cmpi eq, %slice3A_244, %slice3A_245 : vector<1024x1xi32>
    %convert_element_type3A_247 = arith.extui %eq3A_246 : vector<1024x1xi1> to vector<1024x1xi32>
    %add3A_248 = arith.addi %add3A_238, %convert_element_type3A_247 : vector<1024x1xi32>
    %slice3A_249 = vector.extract_strided_slice %get3A_4 {offsets = [4, 0], sizes = [1, 1024], strides = [1, 1]} : vector<5x1024xi32> to vector<1x1024xi32>
    %slice3A_250 = vector.extract_strided_slice %get3A_4 {offsets = [4, 0], sizes = [1, 1024], strides = [1, 1]} : vector<5x1024xi32> to vector<1x1024xi32>
    %eq3A_251 = arith.cmpi eq, %slice3A_249, %slice3A_250 : vector<1x1024xi32>
    %convert_element_type3A_252 = arith.extui %eq3A_251 : vector<1x1024xi1> to vector<1x1024xi32>
    %add3A_253 = arith.addi %add3A_243, %convert_element_type3A_252 : vector<1x1024xi32>
    %iota3A = tpu.iota {dimensions = array<i32: 0>} : vector<1024x1024xi32>
    %iota3A_254 = tpu.iota {dimensions = array<i32: 1>} : vector<1024x1024xi32>
    %gt3A = vector.broadcast %add3A_253 : vector<1x1024xi32> to vector<1024x1024xi32>
    %gt3A_255 = vector.broadcast %add3A_248 : vector<1024x1xi32> to vector<1024x1024xi32>
    %gt3A_256 = arith.cmpi sgt, %gt3A, %gt3A_255 : vector<1024x1024xi32>
    %eq3A_257 = vector.broadcast %add3A_253 : vector<1x1024xi32> to vector<1024x1024xi32>
    %eq3A_258 = vector.broadcast %add3A_248 : vector<1024x1xi32> to vector<1024x1024xi32>
    %eq3A_259 = arith.cmpi eq, %eq3A_257, %eq3A_258 : vector<1024x1024xi32>
    %lt3A = arith.cmpi slt, %iota3A_254, %iota3A : vector<1024x1024xi32>
    %and3A = arith.andi %eq3A_259, %lt3A : vector<1024x1024xi1>
    %or3A = arith.ori %gt3A_256, %and3A : vector<1024x1024xi1>
    %convert_element_type3A_260 = arith.extui %or3A : vector<1024x1024xi1> to vector<1024x1024xi32>
    %reduce_sum3A = arith.constant dense<0> : vector<1024xi32>
    %reduce_sum3A_261 = vector.multi_reduction <add>, %convert_element_type3A_260, %reduce_sum3A [1] : vector<1024x1024xi32> to vector<1024xi32>
    %broadcast_in_dim3A_262 = vector.shape_cast %reduce_sum3A_261 : vector<1024xi32> to vector<1024x1xi32>
    %get3A_263 = arith.constant 0 : index
    %get3A_264 = arith.constant 0 : index
    %get3A_265 = memref.load %arg0[%get3A_263, %get3A_264] : memref<1x1xi32, #tpu.memory_space<smem>>
    %lt3A_266 = vector.broadcast %get3A_265 : i32 to vector<1024x1xi32>
    %lt3A_267 = arith.cmpi slt, %broadcast_in_dim3A_262, %lt3A_266 : vector<1024x1xi32>
    %jit3A = arith.constant 1.000000e+00 : f32
    %jit3A_268 = arith.constant 5.000000e-01 : f32
    %broadcast_in_dim3A_269 = vector.broadcast %jit3A : f32 to vector<1024x1xf32>
    %broadcast_in_dim3A_270 = vector.broadcast %jit3A_268 : f32 to vector<1024x1xf32>
    %select_n3A = arith.select %lt3A_267, %broadcast_in_dim3A_269, %broadcast_in_dim3A_270 : vector<1024x1xi1>, vector<1024x1xf32>
    %swap3A = arith.constant 0 : index
    %swap3A_271 = arith.constant 0 : index
    %swap3A_272 = vector.load %arg3[%swap3A, %swap3A_271] : memref<1024x1xf32, #tpu.memory_space<vmem>>, vector<1024x1xf32>
    tpu.vector_store %arg3[%swap3A, %swap3A_271], %select_n3A {strides = array<i32>} : memref<1024x1xf32, #tpu.memory_space<vmem>>, vector<1024x1xf32>,
    return
  }
}

module attributes {stable_mosaic.version = 14 : i64} {
  func.func @_tail_kernel(%arg0: memref<1024x160xf32, #tpu.memory_space<vmem>>, %arg1: memref<1024x5xi32, #tpu.memory_space<vmem>>, %arg2: memref<1024x1xf32, #tpu.memory_space<vmem>>, %arg3: memref<1024x1xf32, #tpu.memory_space<vmem>>, %arg4: memref<1024x1xf32, #tpu.memory_space<vmem>>) attributes {dimension_semantics = [], scalar_prefetch = 0 : i64, scratch_operands = 0 : i64, tpu.core_type = #tpu.core_type<tc>} {
    %get3A = arith.constant 0 : index
    %get3A_0 = arith.constant 0 : index
    %get3A_1 = vector.load %arg0[%get3A, %get3A_0] : memref<1024x160xf32, #tpu.memory_space<vmem>>, vector<1024x160xf32>
    %get3A_2 = arith.constant 0 : index
    %get3A_3 = arith.constant 0 : index
    %get3A_4 = vector.load %arg1[%get3A_2, %get3A_3] : memref<1024x5xi32, #tpu.memory_space<vmem>>, vector<1024x5xi32>
    %get3A_5 = arith.constant 0 : index
    %get3A_6 = arith.constant 0 : index
    %get3A_7 = vector.load %arg2[%get3A_5, %get3A_6] : memref<1024x1xf32, #tpu.memory_space<vmem>>, vector<1024x1xf32>
    %mul3A = vector.broadcast %get3A_7 : vector<1024x1xf32> to vector<1024x160xf32>
    %mul3A_8 = arith.mulf %get3A_1, %mul3A : vector<1024x160xf32>
    %exp3A = math.exp %mul3A_8 : vector<1024x160xf32>
    %reduce_sum3A = arith.constant dense<0.000000e+00> : vector<1024xf32>
    %reduce_sum3A_9 = vector.multi_reduction <add>, %exp3A, %reduce_sum3A [1] : vector<1024x160xf32> to vector<1024xf32>
    %broadcast_in_dim3A = vector.shape_cast %reduce_sum3A_9 : vector<1024xf32> to vector<1024x1xf32>
    %swap3A = arith.constant 0 : index
    %swap3A_10 = arith.constant 0 : index
    %swap3A_11 = vector.load %arg3[%swap3A, %swap3A_10] : memref<1024x1xf32, #tpu.memory_space<vmem>>, vector<1024x1xf32>
    tpu.vector_store %arg3[%swap3A, %swap3A_10], %broadcast_in_dim3A {strides = array<i32>} : memref<1024x1xf32, #tpu.memory_space<vmem>>, vector<1024x1xf32>,
    %iota3A = tpu.iota {dimensions = array<i32: 1>} : vector<1024x160xi32>
    %add3A = arith.constant 99840 : i32
    %add3A_12 = vector.broadcast %add3A : i32 to vector<1024x160xi32>
    %add3A_13 = arith.addi %add3A_12, %iota3A : vector<1024x160xi32>
    %broadcast_in_dim3A_14 = arith.constant 0.000000e+00 : f32
    %broadcast_in_dim3A_15 = vector.broadcast %broadcast_in_dim3A_14 : f32 to vector<1024x1xf32>
    %slice3A = vector.extract_strided_slice %get3A_4 {offsets = [0, 0], sizes = [1024, 1], strides = [1, 1]} : vector<1024x5xi32> to vector<1024x1xi32>
    %eq3A = vector.broadcast %slice3A : vector<1024x1xi32> to vector<1024x160xi32>
    %eq3A_16 = arith.cmpi eq, %add3A_13, %eq3A : vector<1024x160xi32>
    %jit3A = arith.constant 0.000000e+00 : f32
    %broadcast_in_dim3A_17 = vector.broadcast %jit3A : f32 to vector<1024x160xf32>
    %select_n3A = arith.select %eq3A_16, %get3A_1, %broadcast_in_dim3A_17 : vector<1024x160xi1>, vector<1024x160xf32>
    %reduce_sum3A_18 = arith.constant dense<0.000000e+00> : vector<1024xf32>
    %reduce_sum3A_19 = vector.multi_reduction <add>, %select_n3A, %reduce_sum3A_18 [1] : vector<1024x160xf32> to vector<1024xf32>
    %broadcast_in_dim3A_20 = vector.shape_cast %reduce_sum3A_19 : vector<1024xf32> to vector<1024x1xf32>
    %add3A_21 = arith.addf %broadcast_in_dim3A_15, %broadcast_in_dim3A_20 : vector<1024x1xf32>
    %slice3A_22 = vector.extract_strided_slice %get3A_4 {offsets = [0, 1], sizes = [1024, 1], strides = [1, 1]} : vector<1024x5xi32> to vector<1024x1xi32>
    %eq3A_23 = vector.broadcast %slice3A_22 : vector<1024x1xi32> to vector<1024x160xi32>
    %eq3A_24 = arith.cmpi eq, %add3A_13, %eq3A_23 : vector<1024x160xi32>
    %jit3A_25 = arith.constant 0.000000e+00 : f32
    %broadcast_in_dim3A_26 = vector.broadcast %jit3A_25 : f32 to vector<1024x160xf32>
    %select_n3A_27 = arith.select %eq3A_24, %get3A_1, %broadcast_in_dim3A_26 : vector<1024x160xi1>, vector<1024x160xf32>
    %reduce_sum3A_28 = arith.constant dense<0.000000e+00> : vector<1024xf32>
    %reduce_sum3A_29 = vector.multi_reduction <add>, %select_n3A_27, %reduce_sum3A_28 [1] : vector<1024x160xf32> to vector<1024xf32>
    %broadcast_in_dim3A_30 = vector.shape_cast %reduce_sum3A_29 : vector<1024xf32> to vector<1024x1xf32>
    %add3A_31 = arith.addf %add3A_21, %broadcast_in_dim3A_30 : vector<1024x1xf32>
    %slice3A_32 = vector.extract_strided_slice %get3A_4 {offsets = [0, 2], sizes = [1024, 1], strides = [1, 1]} : vector<1024x5xi32> to vector<1024x1xi32>
    %eq3A_33 = vector.broadcast %slice3A_32 : vector<1024x1xi32> to vector<1024x160xi32>
    %eq3A_34 = arith.cmpi eq, %add3A_13, %eq3A_33 : vector<1024x160xi32>
    %jit3A_35 = arith.constant 0.000000e+00 : f32
    %broadcast_in_dim3A_36 = vector.broadcast %jit3A_35 : f32 to vector<1024x160xf32>
    %select_n3A_37 = arith.select %eq3A_34, %get3A_1, %broadcast_in_dim3A_36 : vector<1024x160xi1>, vector<1024x160xf32>
    %reduce_sum3A_38 = arith.constant dense<0.000000e+00> : vector<1024xf32>
    %reduce_sum3A_39 = vector.multi_reduction <add>, %select_n3A_37, %reduce_sum3A_38 [1] : vector<1024x160xf32> to vector<1024xf32>
    %broadcast_in_dim3A_40 = vector.shape_cast %reduce_sum3A_39 : vector<1024xf32> to vector<1024x1xf32>
    %add3A_41 = arith.addf %add3A_31, %broadcast_in_dim3A_40 : vector<1024x1xf32>
    %slice3A_42 = vector.extract_strided_slice %get3A_4 {offsets = [0, 3], sizes = [1024, 1], strides = [1, 1]} : vector<1024x5xi32> to vector<1024x1xi32>
    %eq3A_43 = vector.broadcast %slice3A_42 : vector<1024x1xi32> to vector<1024x160xi32>
    %eq3A_44 = arith.cmpi eq, %add3A_13, %eq3A_43 : vector<1024x160xi32>
    %jit3A_45 = arith.constant 0.000000e+00 : f32
    %broadcast_in_dim3A_46 = vector.broadcast %jit3A_45 : f32 to vector<1024x160xf32>
    %select_n3A_47 = arith.select %eq3A_44, %get3A_1, %broadcast_in_dim3A_46 : vector<1024x160xi1>, vector<1024x160xf32>
    %reduce_sum3A_48 = arith.constant dense<0.000000e+00> : vector<1024xf32>
    %reduce_sum3A_49 = vector.multi_reduction <add>, %select_n3A_47, %reduce_sum3A_48 [1] : vector<1024x160xf32> to vector<1024xf32>
    %broadcast_in_dim3A_50 = vector.shape_cast %reduce_sum3A_49 : vector<1024xf32> to vector<1024x1xf32>
    %add3A_51 = arith.addf %add3A_41, %broadcast_in_dim3A_50 : vector<1024x1xf32>
    %slice3A_52 = vector.extract_strided_slice %get3A_4 {offsets = [0, 4], sizes = [1024, 1], strides = [1, 1]} : vector<1024x5xi32> to vector<1024x1xi32>
    %eq3A_53 = vector.broadcast %slice3A_52 : vector<1024x1xi32> to vector<1024x160xi32>
    %eq3A_54 = arith.cmpi eq, %add3A_13, %eq3A_53 : vector<1024x160xi32>
    %jit3A_55 = arith.constant 0.000000e+00 : f32
    %broadcast_in_dim3A_56 = vector.broadcast %jit3A_55 : f32 to vector<1024x160xf32>
    %select_n3A_57 = arith.select %eq3A_54, %get3A_1, %broadcast_in_dim3A_56 : vector<1024x160xi1>, vector<1024x160xf32>
    %reduce_sum3A_58 = arith.constant dense<0.000000e+00> : vector<1024xf32>
    %reduce_sum3A_59 = vector.multi_reduction <add>, %select_n3A_57, %reduce_sum3A_58 [1] : vector<1024x160xf32> to vector<1024xf32>
    %broadcast_in_dim3A_60 = vector.shape_cast %reduce_sum3A_59 : vector<1024xf32> to vector<1024x1xf32>
    %add3A_61 = arith.addf %add3A_51, %broadcast_in_dim3A_60 : vector<1024x1xf32>
    %swap3A_62 = arith.constant 0 : index
    %swap3A_63 = arith.constant 0 : index
    %swap3A_64 = vector.load %arg4[%swap3A_62, %swap3A_63] : memref<1024x1xf32, #tpu.memory_space<vmem>>, vector<1024x1xf32>
    tpu.vector_store %arg4[%swap3A_62, %swap3A_63], %add3A_61 {strides = array<i32>} : memref<1024x1xf32, #tpu.memory_space<vmem>>, vector<1024x1xf32>,
    return
  }
}

module attributes {stable_mosaic.version = 14 : i64} {
  func.func @_combine_kernel(%arg0: memref<1024x16xf32, #tpu.memory_space<vmem>>, %arg1: memref<1024x16xf32, #tpu.memory_space<vmem>>, %arg2: memref<1024x1xf32, #tpu.memory_space<vmem>>, %arg3: memref<1024x1xf32, #tpu.memory_space<vmem>>, %arg4: memref<1024x1xf32, #tpu.memory_space<vmem>>, %arg5: memref<1x1xf32, #tpu.memory_space<vmem>>) attributes {dimension_semantics = [], scalar_prefetch = 0 : i64, scratch_operands = 0 : i64, tpu.core_type = #tpu.core_type<tc>} {
    %get3A = arith.constant 0 : index
    %get3A_0 = arith.constant 0 : index
    %get3A_1 = vector.load %arg0[%get3A, %get3A_0] : memref<1024x16xf32, #tpu.memory_space<vmem>>, vector<1024x16xf32>
    %reduce_sum3A = arith.constant dense<0.000000e+00> : vector<1024xf32>
    %reduce_sum3A_2 = vector.multi_reduction <add>, %get3A_1, %reduce_sum3A [1] : vector<1024x16xf32> to vector<1024xf32>
    %broadcast_in_dim3A = vector.shape_cast %reduce_sum3A_2 : vector<1024xf32> to vector<1024x1xf32>
    %get3A_3 = arith.constant 0 : index
    %get3A_4 = arith.constant 0 : index
    %get3A_5 = vector.load %arg2[%get3A_3, %get3A_4] : memref<1024x1xf32, #tpu.memory_space<vmem>>, vector<1024x1xf32>
    %add3A = arith.addf %broadcast_in_dim3A, %get3A_5 : vector<1024x1xf32>
    %log3A = math.log %add3A : vector<1024x1xf32>
    %get3A_6 = arith.constant 0 : index
    %get3A_7 = arith.constant 0 : index
    %get3A_8 = vector.load %arg1[%get3A_6, %get3A_7] : memref<1024x16xf32, #tpu.memory_space<vmem>>, vector<1024x16xf32>
    %reduce_sum3A_9 = arith.constant dense<0.000000e+00> : vector<1024xf32>
    %reduce_sum3A_10 = vector.multi_reduction <add>, %get3A_8, %reduce_sum3A_9 [1] : vector<1024x16xf32> to vector<1024xf32>
    %broadcast_in_dim3A_11 = vector.shape_cast %reduce_sum3A_10 : vector<1024xf32> to vector<1024x1xf32>
    %get3A_12 = arith.constant 0 : index
    %get3A_13 = arith.constant 0 : index
    %get3A_14 = vector.load %arg3[%get3A_12, %get3A_13] : memref<1024x1xf32, #tpu.memory_space<vmem>>, vector<1024x1xf32>
    %add3A_15 = arith.addf %broadcast_in_dim3A_11, %get3A_14 : vector<1024x1xf32>
    %mul3A = arith.constant 2.000000e-01 : f32
    %mul3A_16 = vector.broadcast %mul3A : f32 to vector<1024x1xf32>
    %mul3A_17 = arith.mulf %add3A_15, %mul3A_16 : vector<1024x1xf32>
    %get3A_18 = arith.constant 0 : index
    %get3A_19 = arith.constant 0 : index
    %get3A_20 = vector.load %arg4[%get3A_18, %get3A_19] : memref<1024x1xf32, #tpu.memory_space<vmem>>, vector<1024x1xf32>
    %mul3A_21 = arith.mulf %get3A_20, %mul3A_17 : vector<1024x1xf32>
    %sub3A = arith.subf %log3A, %mul3A_21 : vector<1024x1xf32>
    %reduce_sum3A_22 = vector.shape_cast %sub3A : vector<1024x1xf32> to vector<1x1024x1xf32>
    %reduce_sum3A_23 = arith.constant dense<0.000000e+00> : vector<1xf32>
    %reduce_sum3A_24 = vector.multi_reduction <add>, %reduce_sum3A_22, %reduce_sum3A_23 [1, 2] : vector<1x1024x1xf32> to vector<1xf32>
    %reduce_sum3A_25 = vector.shape_cast %reduce_sum3A_24 : vector<1xf32> to vector<1x1x1xf32>
    %reduce_sum3A_26 = vector.extract %reduce_sum3A_25[0, 0, 0] : f32 from vector<1x1x1xf32>
    %mul3A_27 = arith.constant 9.765625E-4 : f32
    %mul3A_28 = arith.mulf %reduce_sum3A_26, %mul3A_27 : f32
    %broadcast_in_dim3A_29 = vector.broadcast %mul3A_28 : f32 to vector<1x1xf32>
    %swap3A = arith.constant 0 : index
    %swap3A_30 = arith.constant 0 : index
    %swap3A_31 = vector.load %arg5[%swap3A, %swap3A_30] : memref<1x1xf32, #tpu.memory_space<vmem>>, vector<1x1xf32>
    tpu.vector_store %arg5[%swap3A, %swap3A_30], %broadcast_in_dim3A_29 {strides = array<i32>} : memref<1x1xf32, #tpu.memory_space<vmem>>, vector<1x1xf32>,
    return
  }
}

</mosaic_0001>

<sc_bundles>
// kernel: kernel.6.cloned.1.call-start
scs
__scs_entry_jumppad:
0x0: {  	(pc) =	sbr.rel $0x88, $3  }
0x1: {  	(tag) =	ssettag $0x0;
	lr =	simm.s32 $0x1  }
0x2: {  	[smem:$0x3F9E] =	sst lr;
	_ =	strace $0xD0000000  }
0x3: {  	_ = 	snop  }
0x4: {  	_ = 	snop  }
0x5: {  	_ = 	snop  }
0x6: {  	_ = 	snop  }
0x7: {  	_ = 	snop  }
__scs_overlays_trampoline_lowered:
0x8: {  	[smem:$0x3FAD] =	sst s0  }
0x9: {  	[smem:$0x3FAE] =	sst s1  }
0xa: {  	[smem:$0x3FAF] =	sst s2  }
0xb: {  	[smem:$0x3FB0] =	sst s3  }
0xc: {  	[smem:$0x3FB1] =	sst s4  }
0xd: {  	[smem:$0x3FB2] =	sst s5  }
0xe: {  	[smem:$0x3FB3] =	sst s6  }
0xf: {  	[smem:$0x3FB4] =	sst s7  }
0x10: {  	[smem:$0x3FB5] =	sst s8  }
0x11: {  	[smem:$0x3FB6] =	sst s9;
	s0 =	simm.s32 @!p0 $0x0  }
0x12: {  	s1 =	sld [smem:$0x3F9C];
	s0 =	simm.s32 @p0 $0x1  }
0x13: {  	[smem:$0x3FB7] =	sst s0;
	s0 =	simm.s32 @!p1 $0x0  }
0x14: {  	s2 =	sld [smem:$0x3F9B];
	s0 =	simm.s32 @p1 $0x1  }
0x15: {  	[smem:$0x3FB8] =	sst s0;
	s0 =	simm.s32 @!p2 $0x0  }
0x16: {  	s3 =	sld [smem:$0x3FDB];
	s0 =	simm.s32 @p2 $0x1  }
0x17: {  	s4 =	simm.s32 $0x1BF5;
	[smem:$0x3FBA] =	sst s0  }
0x18: {  	s0 =	sld [smem:$0x3F9D];
	_ =	swait.ge [sflag:s4], $0x0  }
0x19: {  	s7 =	sld [smem:$0x3F9E]  }
0x1a: {  	s8 =	sadd.s32 $0xFFFFE003, lr  }
0x1b: {  	s9 =	sadd.s32 $0xFFFFFEF7, lr;
	s5 =	simm.s32 $0xFFFFFFFF;
	p2 =	slt.u32 s8, $0xFFFFF086  }
0x1c: {  	p1 =	slt.u32 s9, $0xF7A;
	s5 =	simm.s32 @!p2 $0x0  }
0x1d: {  	s5 =	simm.s32 @p1 $0x1;
	p0 =	seq.s32 s7, s2  }
0x1e: {  	s7 =	smul.u32 @!p0 $0xF7A, s2;
	p2 =	seq.s32 @!p0 s5, $0x0  }
0x1f: {  	s9 =	smul.u32 $0xF7A, s1;
	s8 =	simm.s32 @!p0 $0x1BF5;
	p2 =	por !p2, p0  }
0x20: {  	[sflag:s8] =	ssyncset.s32 @!p0 $0xFFFFF086;
	s6 =	sadd.s32 @!p0 s3, s7;
	s7 =	simm.s32 @!p0 $0x108  }
0x21: {  	s3 =	sadd.s32 s3, s9;
	s6 =	sadd.s32 @!p0 $0x88, s6;
	s7 =	simm.s32 @p2 $0x1082  }
0x22: {  	[simem:s7], [sflag:s8] =	dma.local @!p0 [hbm:s6], $0xF7A  }
0x23: {  	s9 =	sor.u32 $0xD0000000, s2;
	s6 =	simm.s32 $0x108;
	_ =	swait.ge @!p0 [sflag:s8], $0x0  }
0x24: {  	s3 =	sadd.s32 $0x88, s3;
	s6 =	simm.s32 @!p1 $0x1082;
	[sflag:s4] =	ssyncset.s32 $0xFFFFF086  }
0x25: {  	[simem:s6], [sflag:s4] =	dma.local [hbm:s3], $0xF7A  }
0x26: {  	[smem:$0x3F9E] =	sst s1;
	(tag) =	ssettag s2;
	_ =	strace s9  }
0x27: {  	s1 =	sld [smem:$0x3FAE]  }
0x28: {  	s2 =	sld [smem:$0x3FAF]  }
0x29: {  	s4 =	sld [smem:$0x3FB1]  }
0x2a: {  	p0 =	seq.s32 s5, $0x0;
	s5 =	sld [smem:$0x3FB2]  }
0x2b: {  	s6 =	sld [smem:$0x3FB3]  }
0x2c: {  	s7 =	sld [smem:$0x3FB4]  }
0x2d: {  	s3 =	simm.s32 $0x108;
	s8 =	sld [smem:$0x3FB5]  }
0x2e: {  	s3 =	simm.s32 @!p0 $0x1082;
	s9 =	sld [smem:$0x3FB6]  }
0x2f: {  	lr =	sadd.s32 s0, s3;
	s0 =	sld [smem:$0x3FAD]  }
0x30: {  	s3 =	sld [smem:$0x3FB0]  }
0x31: {  	[smem:$0x3FB9] =	sst s10  }
0x32: {  	s10 =	sld [smem:$0x3FB7];
	_ =	sdelay $0x3  }
0x33: {  	p0 =	seq.s32 s10, $0x1;
	s10 =	sld [smem:$0x3FB9];
	_ =	sdelay $0x3  }
0x34: {  	[smem:$0x3FB9] =	sst s10  }
0x35: {  	s10 =	sld [smem:$0x3FB8];
	_ =	sdelay $0x3  }
0x36: {  	p1 =	seq.s32 s10, $0x1;
	s10 =	sld [smem:$0x3FB9];
	_ =	sdelay $0x3  }
0x37: {  	[smem:$0x3FB9] =	sst s10  }
0x38: {  	s10 =	sld [smem:$0x3FBA]  }
0x39: {  	_ = 	snop;
	(pc) =	sbr.ind lr, $3  }
0x3a: {  	_ = 	snop  }
0x3b: {  	_ = 	snop  }
0x3c: {  	p2 =	seq.s32 s10, $0x1;
	s10 =	sld [smem:$0x3FB9]  }
0x3d: {  	_ =	shalt  }
0x3e: {  	_ =	shalt  }
0x3f: {  	_ =	shalt  }
0x40: {  	_ =	shalt  }
0x41: {  	_ =	shalt  }
0x42: {  	_ =	shalt  }
0x43: {  	_ =	shalt  }
0x44: {  	_ =	shalt  }
0x45: {  	_ =	shalt  }
0x46: {  	_ =	shalt  }
0x47: {  	_ =	shalt  }
0x48: {  	_ =	shalt  }
0x49: {  	_ =	shalt  }
0x4a: {  	_ =	shalt  }
0x4b: {  	_ =	shalt  }
0x4c: {  	_ =	shalt  }
0x4d: {  	_ =	shalt  }
0x4e: {  	_ =	shalt  }
0x4f: {  	_ =	shalt  }
0x50: {  	_ =	shalt  }
0x51: {  	_ =	shalt  }
0x52: {  	_ =	shalt  }
0x53: {  	_ =	shalt  }
0x54: {  	_ =	shalt  }
0x55: {  	_ =	shalt  }
0x56: {  	_ =	shalt  }
0x57: {  	_ =	shalt  }
0x58: {  	_ =	shalt  }
0x59: {  	_ =	shalt  }
0x5a: {  	_ =	shalt  }
0x5b: {  	_ =	shalt  }
0x5c: {  	_ =	shalt  }
0x5d: {  	_ =	shalt  }
0x5e: {  	_ =	shalt  }
0x5f: {  	_ =	shalt  }
0x60: {  	_ =	shalt  }
0x61: {  	_ =	shalt  }
0x62: {  	_ =	shalt  }
0x63: {  	_ =	shalt  }
0x64: {  	_ =	shalt  }
0x65: {  	_ =	shalt  }
0x66: {  	_ =	shalt  }
0x67: {  	_ =	shalt  }
0x68: {  	_ =	shalt  }
0x69: {  	_ =	shalt  }
0x6a: {  	_ =	shalt  }
0x6b: {  	_ =	shalt  }
0x6c: {  	_ =	shalt  }
0x6d: {  	_ =	shalt  }
0x6e: {  	_ =	shalt  }
0x6f: {  	_ =	shalt  }
0x70: {  	_ =	shalt  }
0x71: {  	_ =	shalt  }
0x72: {  	_ =	shalt  }
0x73: {  	_ =	shalt  }
0x74: {  	_ =	shalt  }
0x75: {  	_ =	shalt  }
0x76: {  	_ =	shalt  }
0x77: {  	_ =	shalt  }
0x78: {  	_ =	shalt  }
0x79: {  	_ =	shalt  }
0x7a: {  	_ =	shalt  }
0x7b: {  	_ =	shalt  }
0x7c: {  	_ =	shalt  }
0x7d: {  	_ =	shalt  }
0x7e: {  	_ =	shalt  }
0x7f: {  	_ =	shalt  }
0x80: {  	_ =	shalt  }
0x81: {  	_ =	shalt  }
0x82: {  	_ =	shalt  }
0x83: {  	_ =	shalt  }
0x84: {  	_ =	shalt  }
0x85: {  	_ =	shalt  }
0x86: {  	_ =	shalt  }
0x87: {  	_ =	shalt  }
.Lfunc_end0:
.L_simem_size_0:
called_computation_lowered:
.L_overlay_start_0:
0x88: {  	s2 =	sld [smem:$0x3FD9]  }
0x89: {  	s3 =	sld [smem:$0x3FFE];
	_ =	sdelay $0x1  }
0x8a: {  	s1 =	srdreg.scid  }
0x8b: {  	s0 =	sand.u32 $0x1, s1  }
0x8c: {  	s16 =	sshll.u32 s0, $0xA;
	s2 =	sadd.s32 s3, s2  }
0x8d: {  	s2 =	sadd.s32 s2, s16  }
0x8e: {  	[smem:$0x3FC5] =	sst s2  }
0x8f: {  	_ = 	snop  }
0x90: {  	(tm) =	ssettm $0x1  }
0x91: {  	s17 =	sld [smem:$0x3FFB];
	_ =	sdelay $0x3  }
0x92: {  	_ =	strace s17  }
0x93: {  	s2 =	sld [smem:$0x3FFC];
	_ =	sdelay $0x3  }
0x94: {  	_ =	strace s2  }
0x95: {  	s2 =	sld [smem:$0x3FFD];
	_ =	sdelay $0x3  }
0x96: {  	_ =	strace s2  }
0x97: {  	_ =	strace $0x8FFFFFFF  }
0x98: {  	s18 =	sld [smem:$0x3FDB];
	_ =	sdelay $0x1  }
0x99: {  	s19 =	simm.s32 $_scs_section_size  }
0x9a: {  	s4 =	simm.s32 $_size__tile_overlayer_lowered;
	s5 =	simm.s32 $_tile_overlayer_lowered  }
0x9b: {  	s22 =	simm.s32 $0x1BFF;
	s21 =	sshll.u32 s5, $0x1;
	s2 =	sadd.s32 s19, s18  }
0x9c: {  	s6 =	simm.s32 $0x0;
	s20 =	sshll.u32 s4, $0x1;
	s4 =	sadd.s32 s21, s2  }
0x9d: {  	[timem:s6], [sflag:s22] =	dma.local [hbm:s4], s20  }
0x9e: {  	_ =	swait.ge [sflag:s22], s20  }
0x9f: {  	s3 =	ssub.s32 $0x0, s20;
	[sflag:s22] =	ssyncset.done $0x0  }
0xa0: {  	[sflag:s22] =	ssyncadd.s32 s3;
	_ =	sdelay $0x1  }
0xa1: {  	s23 =	simm.s32 $0x1B8B  }
0xa2: {  	_ =	swait.ge [sflag:s23], $0x1  }
0xa3: {  	[sflag:s23] =	ssyncset.done $0x0  }
0xa4: {  	s25 =	simm.s32 $0x1B8E;
	s24 =	sld [smem:$0x3FFE];
	[sflag:s23] =	ssyncadd.s32 $0xFFFFFFFF  }
0xa5: {  	s26 =	simm.s32 $execute0_lowered;
	[smem:$0x3FD2] =	sst s25  }
0xa6: {  	s4 =	sshll.u32 s26, $0x1;
	_ =	strace $0x80000046;
	[dreg:$0x1] =	wrdreg $0xFFFFFFFF  }
0xa7: {  	s28 =	simm.s32 $_size_execute0_lowered;
	s2 =	sadd.s32 s2, s4;
	[dreg:$0x0] =	wrdreg $0x0  }
0xa8: {  	s4 =	sshll.u32 s28, $0x1;
	[dreg:$0x2] =	wrdreg s2  }
0xa9: {  	[dreg:$0x3] =	wrdreg s4  }
0xaa: {  	[dreg:$0x4] =	wrdreg $0xC0  }
0xab: {  	_ =	task [dreg:s6], $0x5FFFF  }
0xac: {  	[dreg:$0x1] =	wrdreg $0xFFFFFFFF  }
0xad: {  	[dreg:$0x0] =	wrdreg $0x60  }
0xae: {  	[dreg:$0x2] =	wrdreg s24  }
0xaf: {  	[dreg:$0x3] =	wrdreg $0x9  }
0xb0: {  	_ =	task.clear_ibuf [dreg:s6], $0x4FFFF;
	_ =	strace $0x90000046  }
0xb1: {  	s29 =	simm.s32 $0x9;
	_ =	strace $0x80000048  }
0xb2: {  	_ =	swait.ge [sflag:s29], $0x1  }
0xb3: {  	[sflag:s29] =	ssyncadd.s32 $0xFFFFFFFF  }
0xb4: {  	_ =	strace $0x90000048  }
0xb5: {  	_ =	sfence  }
0xb6: {  	s30 =	sld [smem:$0x0];
	_ =	sdelay $0x2  }
0xb7: {  	s31 =	sshll.u32 s1, $0xD;
	s1 =	sshrl.u32 s1, $0x2  }
0xb8: {  	s3 =	sand.u32 $0x4000, s31;
	s1 =	sadd.s32 s1, s30  }
0xb9: {  	s0 =	sor.u32 s3, s0;
	s1 =	sshll.u32 s1, $0x11  }
0xba: {  	s0 =	sor.u32 s1, s0  }
0xbb: {  	s0 =	sadd.s32 $0x8F2B, s0  }
0xbc: {  	[sflag:s0] =	ssyncadd.remote.s32 $0x1  }
0xbd: {  	_ =	sfence.sel $0xFFFF  }
0xbe: {  	[dreg:$0x0] =	wrdreg $0xFFFFFFFF;
	(pc) =	sbr.abs _section_cstart, $3  }
0xbf: {  	[dreg:$0x1] =	wrdreg $0xFFFFFFFF  }
0xc0: {  	_ =	task.clear_ibuf [dreg:s6], $0x2FFFF;
	_ =	strace $0x9FFFFFFF  }
0xc1: {  	(tm) =	ssettm $0x7FFFFFFF  }
tec
execute0_lowered:
.L_overlay_start_1:
0x0: {  	(tag) =	ssettag $0x1  }
0x1: {  	s5 =	rddreg [dreg:$0x0]  }
0x2: {  	s0 =	rddreg [dreg:$0x1];
	s3 =	srdreg.scid  }
0x3: {  	s1 =	stileid.u32;
	s2 =	simm.s32 $0x0;
	s13 =	simm.s32 $0x1A000  }
0x4: {  	s14 =	simm.s32 $0x3;
	s15 =	simm.s32 $0x1A400;
	s16 =	simm.s32 $0xD000  }
0x5: {  	s17 =	simm.s32 $0x1;
	s18 =	simm.s32 $0x1B400;
	s19 =	simm.s32 $0x1B600  }
0x6: {  	s20 =	simm.s32 $0x2;
	s21 =	simm.s32 $0x0;
	s6 =	sand.u32 $0x1, s3  }
0x7: {  	s30 =	sshll.u32 s1, $0x1;
	[smem:$0x7FF] =	sst s2;
	s3 =	sadd.s32 $0x5000, s5  }
0x8: {  	s9 =	sor.u32 s6, s30;
	_ =	strace $0x80000047;
	s6 =	ssub.s32 $0x2, s6  }
0x9: {  	s4 =	sshll.u32 s9, $0x9;
	s8 =	smul.u32 $0x30E000, s9;
	s10 =	sshll.u32 s9, $0x6  }
.Ltmp0:
0xa: {  	v0 =	vimm.s32 $0x3020100;
	v1 =	vlaneseq.u32;
	s31 =	sshrl.u32 s6, $0x1;
	s7 =	sadd.s32 s4, s5;
	(pc) =	sbr.rel .LBB2_1-.Ltmp0, $4  }
0xb: {  	vm0 =	vcmask $0xF00;
	v2 =	vunpack.c.0.s8.s32 v0;
	v0 =	vimm.f32 $0.0e+00;
	s4 =	sadd.s32 $0xC41000, s5;
	s11 =	sadd.s32 s10, s5;
	s12 =	ssub.s32 s6, s31  }
0xc: {  	v3 =	vor.u32 $0x10, v1;
	v4 =	vor.u32 $0x20, v1;
	v5 =	vor.u32 $0x30, v1;
	s5 =	sshll.u32 s9, $0x5;
	s9 =	sshll.u32 s9, $0x2;
	s8 =	sshrl.u32 s8, $0x3  }
0xd: {  	v6 =	vor.u32 $0x40, v1;
	v7 =	vor.u32 $0x50, v1;
	v8 =	vor.u32 $0x60, v1;
	s7 =	sadd.s32 $0x1000, s7;
	s10 =	sadd.s32 $0xC41200, s11;
	s6 =	sadd.s32 s3, s8  }
0xe: {  	v9 =	vor.u32 $0x70, v1;
	v2 =	vnsel vm0, $0x4, v2;
	vm0 =	vmmov $0x1f;
	s11 =	sadd.s32 $0xC41A00, s11;
	s12 =	smax.u32 s12, $0x1;
	s8 =	sadd.s32 $0x1A00, s6  }
.LBB2_36:
0xf: {  	[hbm4b:s10+s2] =	stream.linear.scatter [tilespmem:s18], [sflag:$0x3], $0x200, $0x38;
	[tilespmem:$0x1B800] =	vst v63  }
0x10: {  	s21 =	sadd.s32 $0x1, s21;
	_ =	swait.ge [sflag:s14], $0x200  }
0x11: {  	p0 =	sne.s32 s21, s12;
	[sflag:s14] =	ssyncset.done $0x0  }
.Ltmp1:
0x12: {  	[sflag:s14] =	ssyncadd.s32 $0xFFFFFE00;
	(pc) =	sbr.rel @!p0 .LBB2_37-.Ltmp1, $4  }
0x13: {  	[hbm4b:s11+s2] =	stream.linear.scatter [tilespmem:s19], [sflag:$0x3], $0x200, $0x38;
	[tilespmem:$0x1B800] =	vst v63  }
0x14: {  	_ =	swait.ge [sflag:s14], $0x200  }
0x15: {  	[sflag:s14] =	ssyncset.done $0x0  }
0x16: {  	[sflag:s14] =	ssyncadd.s32 $0xFFFFFE00  }
.LBB2_1:
0x17: {  	[tilespmem:s13], [sflag:$0x3] =	stream.linear.gather [hbm4b:s4+s2], $0x400, $0x38;
	[tilespmem:$0x1B800] =	vst v63  }
0x18: {  	_ =	swait.ge [sflag:s14], $0x400  }
0x19: {  	[sflag:s14] =	ssyncset.done $0x0  }
0x1a: {  	[sflag:s14] =	ssyncadd.s32 $0xFFFFFC00  }
0x1b: {  	[tilespmem:s15], [sflag:$0x3] =	stream.linear.gather [hbm4b:s7+s2], $0x1000, $0x38;
	[tilespmem:$0x1B800] =	vst v63  }
0x1c: {  	_ =	swait.ge [sflag:s14], $0x1000  }
0x1d: {  	[sflag:s14] =	ssyncset.done $0x0  }
0x1e: {  	[sflag:s14] =	ssyncadd.s32 $0xFFFFF000  }
0x1f: {  	[tilespmem:$0x1B400] =	vst v0  }
0x20: {  	[tilespmem:$0x1B600] =	vst v0  }
0x21: {  	[tilespmem:$0x1B410] =	vst v0  }
0x22: {  	[tilespmem:$0x1B610] =	vst v0  }
0x23: {  	[tilespmem:$0x1B420] =	vst v0  }
0x24: {  	[tilespmem:$0x1B620] =	vst v0  }
0x25: {  	[tilespmem:$0x1B430] =	vst v0  }
0x26: {  	[tilespmem:$0x1B630] =	vst v0  }
0x27: {  	[tilespmem:$0x1B440] =	vst v0  }
0x28: {  	[tilespmem:$0x1B640] =	vst v0  }
0x29: {  	[tilespmem:$0x1B450] =	vst v0  }
0x2a: {  	[tilespmem:$0x1B650] =	vst v0  }
0x2b: {  	[tilespmem:$0x1B460] =	vst v0  }
0x2c: {  	[tilespmem:$0x1B660] =	vst v0  }
0x2d: {  	[tilespmem:$0x1B470] =	vst v0  }
0x2e: {  	[tilespmem:$0x1B670] =	vst v0  }
0x2f: {  	[tilespmem:$0x1B480] =	vst v0  }
0x30: {  	[tilespmem:$0x1B680] =	vst v0  }
0x31: {  	[tilespmem:$0x1B490] =	vst v0  }
0x32: {  	[tilespmem:$0x1B690] =	vst v0  }
0x33: {  	[tilespmem:$0x1B4A0] =	vst v0  }
0x34: {  	[tilespmem:$0x1B6A0] =	vst v0  }
0x35: {  	[tilespmem:$0x1B4B0] =	vst v0  }
0x36: {  	[tilespmem:$0x1B6B0] =	vst v0  }
0x37: {  	[tilespmem:$0x1B4C0] =	vst v0  }
0x38: {  	[tilespmem:$0x1B6C0] =	vst v0  }
0x39: {  	[tilespmem:$0x1B4D0] =	vst v0  }
0x3a: {  	[tilespmem:$0x1B6D0] =	vst v0  }
0x3b: {  	[tilespmem:$0x1B4E0] =	vst v0  }
0x3c: {  	[tilespmem:$0x1B6E0] =	vst v0  }
0x3d: {  	[tilespmem:$0x1B4F0] =	vst v0  }
0x3e: {  	[tilespmem:$0x1B6F0] =	vst v0  }
0x3f: {  	[tilespmem:$0x1B500] =	vst v0  }
0x40: {  	[tilespmem:$0x1B700] =	vst v0  }
0x41: {  	[tilespmem:$0x1B510] =	vst v0  }
0x42: {  	[tilespmem:$0x1B710] =	vst v0  }
0x43: {  	[tilespmem:$0x1B520] =	vst v0  }
0x44: {  	[tilespmem:$0x1B720] =	vst v0  }
0x45: {  	[tilespmem:$0x1B530] =	vst v0  }
0x46: {  	[tilespmem:$0x1B730] =	vst v0  }
0x47: {  	[tilespmem:$0x1B540] =	vst v0  }
0x48: {  	[tilespmem:$0x1B740] =	vst v0  }
0x49: {  	[tilespmem:$0x1B550] =	vst v0  }
0x4a: {  	[tilespmem:$0x1B750] =	vst v0  }
0x4b: {  	[tilespmem:$0x1B560] =	vst v0  }
0x4c: {  	[tilespmem:$0x1B760] =	vst v0  }
0x4d: {  	[tilespmem:$0x1B570] =	vst v0  }
0x4e: {  	[tilespmem:$0x1B770] =	vst v0  }
0x4f: {  	[tilespmem:$0x1B580] =	vst v0  }
0x50: {  	[tilespmem:$0x1B780] =	vst v0  }
0x51: {  	[tilespmem:$0x1B590] =	vst v0  }
0x52: {  	[tilespmem:$0x1B790] =	vst v0  }
0x53: {  	[tilespmem:$0x1B5A0] =	vst v0  }
0x54: {  	[tilespmem:$0x1B7A0] =	vst v0  }
0x55: {  	[tilespmem:$0x1B5B0] =	vst v0  }
0x56: {  	[tilespmem:$0x1B7B0] =	vst v0  }
0x57: {  	[tilespmem:$0x1B5C0] =	vst v0  }
0x58: {  	[tilespmem:$0x1B7C0] =	vst v0  }
0x59: {  	[tilespmem:$0x1B5D0] =	vst v0  }
0x5a: {  	[tilespmem:$0x1B7D0] =	vst v0  }
0x5b: {  	[tilespmem:$0x1B5E0] =	vst v0  }
0x5c: {  	[tilespmem:$0x1B7E0] =	vst v0  }
0x5d: {  	[tilespmem:$0x1B5F0] =	vst v0  }
0x5e: {  	[tilespmem:$0x1B7F0] =	vst v0  }
0x5f: {  	[tilespmem:s2], [sflag:$0x1] =	stream.linear.gather [hbm4b:s6+s2], $0xD000, $0x38;
	[tilespmem:$0x1B800] =	vst v63  }
0x60: {  	s22 =	simm.s32 $0x0  }
0x61: {  	[tilespmem:s16], [sflag:$0x2] =	stream.linear.gather [hbm4b:s8+s2], $0xD000, $0x38;
	[tilespmem:$0x1B800] =	vst v63  }
.LBB2_2:
0x62: {  	s23 =	smul.u32 $0x112, s22;
	_ =	sdelay $0x1  }
0x63: {  	s23 =	sshrl.u32 s23, $0xB  }
0x64: {  	s25 =	sand.u32 $0x1F, s23  }
0x65: {  	s24 =	sshll.u32 s25, $0x3  }
0x66: {  	s29 =	sadd.s32 s5, s24  }
0x67: {  	v10 =	vmov s29  }
0x68: {  	v10 =	vand.u32 $0xFFFFFFF8, v10  }
0x69: {  	v10 =	vbroadcast v10, $0x0  }
0x6a: {  	_ =	swait.ge [sflag:s17], $0xD000  }
0x6b: {  	[sflag:s17] =	ssyncset.done $0x0  }
0x6c: {  	s30 =	simm.s32 $0x0;
	[sflag:s17] =	ssyncadd.s32 $0xFFFF3000  }
0x6d: {  	v11 =	vld [tilespmem:s30+$0x70]  }
0x6e: {  	v12 =	vld [tilespmem:s30+$0x50]  }
0x6f: {  	v10 =	vld.idx.msk [tilespmem:v10+s13+$0x0], $0xffff  }
0x70: {  	v13 =	vld [tilespmem:s30+$0x40]  }
0x71: {  	v14 =	vld [tilespmem:s30+$0x30]  }
0x72: {  	v16 =	vld [tilespmem:s30+$0x10]  }
0x73: {  	v15 =	vld [tilespmem:s30+$0x20]  }
0x74: {  	v17 =	vld [tilespmem:s30+$0x0];
	v11 =	vmul.f32 v11, v10  }
0x75: {  	v18 =	vld [tilespmem:s30+$0x60];
	v12 =	vmul.f32 v12, v10  }
0x76: {  	v13 =	vmul.f32 v13, v10;
	v11 =	vmul.f32 $1.442695020e+00, v11  }
0x77: {  	v14 =	vmul.f32 v14, v10;
	v16 =	vmul.f32 v16, v10  }
0x78: {  	v12 =	vmul.f32 $1.442695020e+00, v12;
	(erf) = vpow2.f32 v11  }
0x79: {  	s31 =	simm.s32 $0x400;
	v11 =	vmul.f32 v15, v10;
	v15 =	vmul.f32 v17, v10  }
0x7a: {  	v18 =	vmul.f32 v18, v10;
	v16 =	vmul.f32 $1.442695020e+00, v16;
	v17 =	vld [tilespmem:s31+$0x70]  }
0x7b: {  	(erf) = vpow2.f32 v12;
	v12 =	vld [tilespmem:s31+$0x50];
	v15 =	vmul.f32 $1.442695020e+00, v15  }
0x7c: {  	v18 =	vmul.f32 $1.442695020e+00, v18;
	v11 =	vmul.f32 $1.442695020e+00, v11  }
0x7d: {  	v14 =	vmul.f32 $1.442695020e+00, v14;
	(erf) = vpow2.f32 v15  }
0x7e: {  	v13 =	vmul.f32 $1.442695020e+00, v13;
	v15 =	vld [tilespmem:s31+$0x20];
	(erf) = vpow2.f32 v11  }
0x7f: {  	v11 =	vmul.f32 v17, v10;
	v17 =	vld [tilespmem:s31+$0x0];
	(erf) = vpow2.f32 v18  }
0x80: {  	v12 =	vmul.f32 v12, v10;
	(erf) = vpow2.f32 v16  }
0x81: {  	v19 =	vld [tilespmem:s31+$0x40];
	v11 =	vmul.f32 $1.442695020e+00, v11;
	(erf) = vpow2.f32 v14  }
0x82: {  	v20 =	vld [tilespmem:s31+$0x30];
	(erf) = vpow2.f32 v13  }
0x83: {  	v21 =	vld [tilespmem:s31+$0x10];
	v13 =	vmul.f32 v15, v10;
	v15 =	vmul.f32 $1.442695020e+00, v12  }
0x84: {  	v16 =	vld [tilespmem:s31+$0x60];
	v17 =	vmul.f32 v17, v10  }
0x85: {  	(erf) = vpow2.f32 v11;
	v11 =	vpop (erf)  }
0x86: {  	v12 =	vpop (erf);
	v17 =	vmul.f32 $1.442695020e+00, v17  }
0x87: {  	s29 =	simm.s32 $0x800;
	v18 =	vmul.f32 v20, v10;
	(erf) = vpow2.f32 v15;
	v15 =	vpop (erf)  }
0x88: {  	v20 =	vld [tilespmem:s29+$0x70];
	v14 =	vmul.f32 v19, v10;
	v19 =	vmul.f32 v21, v10;
	v22 =	vpop (erf)  }
0x89: {  	v21 =	vld [tilespmem:s29+$0x50];
	v23 =	vmul.f32 $1.442695020e+00, v13;
	v16 =	vmul.f32 v16, v10;
	v13 =	vpop (erf)  }
0x8a: {  	(erf) = vpow2.f32 v17;
	v17 =	vpop (erf)  }
0x8b: {  	v24 =	vld [tilespmem:s29+$0x40];
	v18 =	vmul.f32 $1.442695020e+00, v18;
	v16 =	vmul.f32 $1.442695020e+00, v16;
	v15 =	vadd.f32 v17, v15  }
0x8c: {  	v25 =	vld [tilespmem:s29+$0x30];
	v19 =	vmul.f32 $1.442695020e+00, v19;
	(erf) = vpow2.f32 v23  }
0x8d: {  	v23 =	vld [tilespmem:s29+$0x20];
	(erf) = vpow2.f32 v16;
	v17 =	vmul.f32 v20, v10;
	v15 =	vadd.f32 v22, v15  }
0x8e: {  	v20 =	vmul.f32 v21, v10;
	(erf) = vpow2.f32 v19;
	v21 =	vpop (erf);
	v19 =	vld [tilespmem:s29+$0x10]  }
0x8f: {  	v14 =	vmul.f32 $1.442695020e+00, v14;
	v17 =	vmul.f32 $1.442695020e+00, v17;
	v27 =	vadd.f32 v21, v15;
	v21 =	vld [tilespmem:s29+$0x0]  }
0x90: {  	(erf) = vpow2.f32 v18;
	v22 =	vld [tilespmem:s29+$0x60]  }
0x91: {  	s26 =	smul.u32 $0xF, s25;
	v16 =	vmul.f32 v24, v10;
	v26 =	vpop (erf);
	(erf) = vpow2.f32 v14  }
0x92: {  	s23 =	sshll.u32 s22, $0x1;
	v18 =	vmul.f32 v25, v10;
	v14 =	vimm.f32 $0.0e+00;
	(erf) = vpow2.f32 v17;
	v15 =	vpop (erf)  }
0x93: {  	s28 =	simm.s32 $0x3000;
	s26 =	ssub.s32 s23, s26;
	v24 =	vmul.f32 $1.442695020e+00, v20;
	v23 =	vmul.f32 v23, v10;
	v20 =	vadd.f32 v26, v27;
	v17 =	vpop (erf)  }
.LBB2_3:
0x94: {  	s29 =	sshra.s32 s28, $0x2;
	p0 =	sne.s32 s28, $0x33000;
	s28 =	sadd.s32 $0x1000, s28;
	v21 =	vmul.f32 v21, v10;
	v19 =	vmul.f32 v19, v10  }
0x95: {  	v25 =	vld [tilespmem:s29+$0x70];
	v22 =	vmul.f32 v22, v10;
	(erf) = vpow2.f32 v24;
	v24 =	vpop (erf);
	v20 =	vadd.f32 v12, v20  }
0x96: {  	v12 =	vmov v17;
	v26 =	vld [tilespmem:s29+$0x50];
	v29 =	vmul.f32 $1.442695020e+00, v21;
	v27 =	vmul.f32 $1.442695020e+00, v19;
	v28 =	vpop (erf)  }
0x97: {  	v19 =	vmul.f32 $1.442695020e+00, v23;
	v17 =	vld [tilespmem:s29+$0x40];
	v22 =	vmul.f32 $1.442695020e+00, v22;
	v20 =	vadd.f32 v13, v20;
	v13 =	vpop (erf)  }
0x98: {  	v18 =	vmul.f32 $1.442695020e+00, v18;
	v23 =	vld [tilespmem:s29+$0x30];
	(erf) = vpow2.f32 v29;
	v21 =	vpop (erf)  }
0x99: {  	v30 =	vmul.f32 $1.442695020e+00, v16;
	v29 =	vld [tilespmem:s29+$0x20];
	(erf) = vpow2.f32 v19;
	v16 =	vadd.f32 v21, v24;
	v24 =	vpop (erf)  }
0x9a: {  	v32 =	vadd.f32 v11, v20;
	v19 =	vld [tilespmem:s29+$0x10];
	v25 =	vmul.f32 v25, v10;
	(erf) = vpow2.f32 v22;
	v31 =	vpop (erf)  }
.Ltmp2:
0x9b: {  	v21 =	vld [tilespmem:s29+$0x0];
	v20 =	vmul.f32 v26, v10;
	(erf) = vpow2.f32 v27;
	v26 =	vpop (erf);
	v27 =	vadd.f32 v28, v16;
	(pc) =	sbr.rel @p0 .LBB2_3-.Ltmp2, $4  }
0x9c: {  	v11 =	vmovc v15;
	v14 =	vadd.f32 v32, v14;
	v22 =	vld [tilespmem:s29+$0x60];
	v25 =	vmul.f32 $1.442695020e+00, v25;
	(erf) = vpow2.f32 v18;
	v15 =	vmovc v26  }
0x9d: {  	v16 =	vmul.f32 v17, v10;
	(erf) = vpow2.f32 v30;
	v26 =	vadd.f32 v24, v27  }
0x9e: {  	v18 =	vmul.f32 v23, v10;
	(erf) = vpow2.f32 v25;
	v17 =	vpop (erf)  }
0x9f: {  	v24 =	vmul.f32 $1.442695020e+00, v20;
	v23 =	vmul.f32 v29, v10;
	v20 =	vadd.f32 v31, v26  }
0xa0: {  	v21 =	vmul.f32 v21, v10  }
0xa1: {  	v19 =	vmul.f32 v19, v10  }
0xa2: {  	v10 =	vmul.f32 v22, v10;
	v21 =	vmul.f32 $1.442695020e+00, v21  }
0xa3: {  	v22 =	vmul.f32 $1.442695020e+00, v23  }
0xa4: {  	(erf) = vpow2.f32 v24;
	v10 =	vmul.f32 $1.442695020e+00, v10  }
0xa5: {  	v19 =	vmul.f32 $1.442695020e+00, v19;
	(erf) = vpow2.f32 v21  }
0xa6: {  	v21 =	vpop (erf);
	(erf) = vpow2.f32 v22  }
0xa7: {  	v22 =	vpop (erf);
	(erf) = vpow2.f32 v10  }
0xa8: {  	v10 =	vpop (erf);
	(erf) = vpow2.f32 v19  }
0xa9: {  	v18 =	vmul.f32 $1.442695020e+00, v18;
	v19 =	vpop (erf)  }
0xaa: {  	v16 =	vmul.f32 $1.442695020e+00, v16;
	v23 =	vpop (erf)  }
0xab: {  	v24 =	vpop (erf)  }
0xac: {  	v25 =	vpop (erf);
	(erf) = vpow2.f32 v18  }
0xad: {  	v18 =	vpop (erf)  }
0xae: {  	(erf) = vpow2.f32 v16;
	v16 =	vpop (erf)  }
0xaf: {  	v26 =	vpop (erf)  }
0xb0: {  	v19 =	vadd.f32 v19, v21;
	v21 =	vpop (erf)  }
0xb1: {  	v27 =	vpop (erf)  }
0xb2: {  	v19 =	vadd.f32 v22, v19;
	v16 =	vadd.f32 v27, v16;
	_ =	sdelay $0x1  }
0xb3: {  	v19 =	vadd.f32 v23, v19;
	v16 =	vadd.f32 v26, v16  }
0xb4: {  	v12 =	vadd.f32 v12, v20;
	v20 =	vpop (erf)  }
0xb5: {  	v19 =	vadd.f32 v24, v19;
	v16 =	vadd.f32 v20, v16  }
0xb6: {  	s25 =	sshll.u32 s25, $0x7;
	v12 =	vadd.f32 v13, v12;
	v13 =	vpop (erf)  }
0xb7: {  	v17 =	vadd.f32 v17, v19;
	v13 =	vadd.f32 v13, v16;
	v16 =	vmov s25  }
0xb8: {  	v11 =	vadd.f32 v11, v12;
	v12 =	vshrl.u32 v16, $0x7  }
0xb9: {  	v10 =	vadd.f32 v10, v17;
	v13 =	vadd.f32 v18, v13;
	v12 =	vshll.u32 v12, $0x7  }
0xba: {  	v11 =	vadd.f32 v11, v14;
	v12 =	vbroadcast v12, $0x0  }
0xbb: {  	v10 =	vadd.f32 v15, v10;
	v13 =	vadd.f32 v21, v13  }
0xbc: {  	s29 =	sshll.u32 s24, $0x7;
	v12 =	vor.u32 v1, v12  }
0xbd: {  	v10 =	vadd.f32 v10, v11;
	v11 =	vadd.f32 v25, v13;
	v13 =	vor.u32 s29, v2;
	_ =	sdelay $0x1  }
0xbe: {  	v10 =	vadd.f32 v11, v10;
	_ =	sdelay $0x1  }
0xbf: {  	[tilespmem:v12+s18+$0x0] =	vst.idx.add.f32.msk $0xffff, v10  }
0xc0: {  	v11 =	vld.idx.msk [tilespmem:v13+s15+$0x0], $0xffff  }
0xc1: {  	s30 =	sand.u32 $0xFF, s26  }
0xc2: {  	s25 =	smul.u32 $0x1A00, s30;
	_ =	sdelay $0x1  }
0xc3: {  	v10 =	vmov s25  }
0xc4: {  	v11 =	vsub.s32 v11, v10  }
0xc5: {  	vm1 =	vgt.s32 v11, $0x0  }
0xc6: {  	v13 =	vnsel vm1, $0x0, v11  }
0xc7: {  	v13 =	vmin.u32 v13, $0x19FF  }
0xc8: {  	v14 =	vshll.u32 v13, $0x3  }
0xc9: {  	v13 =	vand.u32 $0x7F, v13;
	v14 =	vand.u32 $0xFC00, v14  }
0xca: {  	v13 =	vor.u32 v13, v14;
	_ =	sdelay $0x1  }
0xcb: {  	s25 =	sor.u32 $0x1, s24  }
0xcc: {  	s31 =	sadd.s32 s5, s25  }
0xcd: {  	s28 =	simm.s32 $0x0;
	v14 =	vmov s31  }
0xce: {  	v14 =	vand.u32 $0xFFFFFFF9, v14;
	v13 =	vld.idx.msk [tilespmem:v13+s28+$0x0], $0xffff  }
0xcf: {  	v14 =	vbroadcast v14, $0x0;
	_ =	sdelay $0x1  }
0xd0: {  	vm1 =	vlt.u32 v11, $0x1A00  }
0xd1: {  	vm1 =	vmand vm1, vm0  }
0xd2: {  	v11 =	vnsel vm1, $0x0, v13  }
0xd3: {  	[tilespmem:v12+s19+$0x0] =	vst.idx.add.f32.msk $0xffff, v11  }
0xd4: {  	s29 =	simm.s32 $0x0;
	v11 =	vld.idx.msk [tilespmem:v14+s13+$0x0], $0xffff  }
0xd5: {  	v12 =	vld [tilespmem:s29+$0xF0]  }
0xd6: {  	v13 =	vld [tilespmem:s29+$0xD0]  }
0xd7: {  	v14 =	vld [tilespmem:s29+$0xC0]  }
0xd8: {  	v15 =	vld [tilespmem:s29+$0xB0]  }
0xd9: {  	v17 =	vld [tilespmem:s29+$0x90]  }
0xda: {  	v16 =	vld [tilespmem:s29+$0xA0]  }
0xdb: {  	v18 =	vld [tilespmem:s29+$0x80];
	v12 =	vmul.f32 v12, v11  }
0xdc: {  	v19 =	vld [tilespmem:s29+$0xE0];
	v13 =	vmul.f32 v13, v11  }
0xdd: {  	v14 =	vmul.f32 v14, v11;
	v12 =	vmul.f32 $1.442695020e+00, v12  }
0xde: {  	v15 =	vmul.f32 v15, v11;
	v17 =	vmul.f32 v17, v11  }
0xdf: {  	v13 =	vmul.f32 $1.442695020e+00, v13;
	(erf) = vpow2.f32 v12  }
0xe0: {  	s30 =	simm.s32 $0x400;
	v12 =	vmul.f32 v16, v11;
	v16 =	vmul.f32 v18, v11  }
0xe1: {  	v19 =	vmul.f32 v19, v11;
	v17 =	vmul.f32 $1.442695020e+00, v17;
	v18 =	vld [tilespmem:s30+$0xF0]  }
0xe2: {  	(erf) = vpow2.f32 v13;
	v13 =	vld [tilespmem:s30+$0xD0];
	v16 =	vmul.f32 $1.442695020e+00, v16  }
0xe3: {  	v19 =	vmul.f32 $1.442695020e+00, v19;
	v12 =	vmul.f32 $1.442695020e+00, v12  }
0xe4: {  	v15 =	vmul.f32 $1.442695020e+00, v15;
	(erf) = vpow2.f32 v16  }
0xe5: {  	v14 =	vmul.f32 $1.442695020e+00, v14;
	v16 =	vld [tilespmem:s30+$0xA0];
	(erf) = vpow2.f32 v12  }
0xe6: {  	v12 =	vmul.f32 v18, v11;
	v18 =	vld [tilespmem:s30+$0x80];
	(erf) = vpow2.f32 v19  }
0xe7: {  	v13 =	vmul.f32 v13, v11;
	(erf) = vpow2.f32 v17  }
0xe8: {  	v20 =	vld [tilespmem:s30+$0xC0];
	v12 =	vmul.f32 $1.442695020e+00, v12;
	(erf) = vpow2.f32 v15  }
0xe9: {  	v21 =	vld [tilespmem:s30+$0xB0];
	(erf) = vpow2.f32 v14  }
0xea: {  	v22 =	vld [tilespmem:s30+$0x90];
	v14 =	vmul.f32 v16, v11;
	v16 =	vmul.f32 $1.442695020e+00, v13  }
0xeb: {  	v17 =	vld [tilespmem:s30+$0xE0];
	v18 =	vmul.f32 v18, v11  }
0xec: {  	(erf) = vpow2.f32 v12;
	v12 =	vpop (erf)  }
0xed: {  	v13 =	vpop (erf);
	v18 =	vmul.f32 $1.442695020e+00, v18  }
0xee: {  	s31 =	simm.s32 $0x800;
	v19 =	vmul.f32 v21, v11;
	(erf) = vpow2.f32 v16;
	v16 =	vpop (erf)  }
0xef: {  	v21 =	vld [tilespmem:s31+$0xF0];
	v15 =	vmul.f32 v20, v11;
	v20 =	vmul.f32 v22, v11;
	v23 =	vpop (erf)  }
0xf0: {  	v22 =	vld [tilespmem:s31+$0xD0];
	v24 =	vmul.f32 $1.442695020e+00, v14;
	v17 =	vmul.f32 v17, v11;
	v14 =	vpop (erf)  }
0xf1: {  	(erf) = vpow2.f32 v18;
	v18 =	vpop (erf)  }
0xf2: {  	v25 =	vld [tilespmem:s31+$0xC0];
	v19 =	vmul.f32 $1.442695020e+00, v19;
	v17 =	vmul.f32 $1.442695020e+00, v17;
	v16 =	vadd.f32 v18, v16  }
0xf3: {  	v26 =	vld [tilespmem:s31+$0xB0];
	v20 =	vmul.f32 $1.442695020e+00, v20;
	(erf) = vpow2.f32 v24  }
0xf4: {  	v24 =	vld [tilespmem:s31+$0xA0];
	(erf) = vpow2.f32 v17;
	v18 =	vmul.f32 v21, v11;
	v16 =	vadd.f32 v23, v16  }
0xf5: {  	v21 =	vmul.f32 v22, v11;
	(erf) = vpow2.f32 v20;
	v22 =	vpop (erf);
	v20 =	vld [tilespmem:s31+$0x90]  }
0xf6: {  	v15 =	vmul.f32 $1.442695020e+00, v15;
	v18 =	vmul.f32 $1.442695020e+00, v18;
	v28 =	vadd.f32 v22, v16;
	v22 =	vld [tilespmem:s31+$0x80]  }
0xf7: {  	(erf) = vpow2.f32 v19;
	v23 =	vld [tilespmem:s31+$0xE0]  }
0xf8: {  	v17 =	vmul.f32 v25, v11;
	v27 =	vpop (erf);
	(erf) = vpow2.f32 v15  }
0xf9: {  	v19 =	vmul.f32 v26, v11;
	v15 =	vimm.f32 $0.0e+00;
	(erf) = vpow2.f32 v18;
	v16 =	vpop (erf)  }
0xfa: {  	s26 =	simm.s32 $0x3000;
	v25 =	vmul.f32 $1.442695020e+00, v21;
	v24 =	vmul.f32 v24, v11;
	v21 =	vadd.f32 v27, v28;
	v18 =	vpop (erf)  }
.LBB2_5:
0xfb: {  	s28 =	sshra.s32 s26, $0x2;
	p0 =	sne.s32 s26, $0x33000;
	s26 =	sadd.s32 $0x1000, s26;
	v22 =	vmul.f32 v22, v11;
	v20 =	vmul.f32 v20, v11  }
0xfc: {  	v26 =	vld [tilespmem:s28+$0xF0];
	v23 =	vmul.f32 v23, v11;
	(erf) = vpow2.f32 v25;
	v25 =	vpop (erf);
	v21 =	vadd.f32 v13, v21  }
0xfd: {  	v13 =	vmov v18;
	v27 =	vld [tilespmem:s28+$0xD0];
	v30 =	vmul.f32 $1.442695020e+00, v22;
	v28 =	vmul.f32 $1.442695020e+00, v20;
	v29 =	vpop (erf)  }
0xfe: {  	v20 =	vmul.f32 $1.442695020e+00, v24;
	v18 =	vld [tilespmem:s28+$0xC0];
	v23 =	vmul.f32 $1.442695020e+00, v23;
	v21 =	vadd.f32 v14, v21;
	v14 =	vpop (erf)  }
0xff: {  	v19 =	vmul.f32 $1.442695020e+00, v19;
	v24 =	vld [tilespmem:s28+$0xB0];
	(erf) = vpow2.f32 v30;
	v22 =	vpop (erf)  }
0x100: {  	v31 =	vmul.f32 $1.442695020e+00, v17;
	v30 =	vld [tilespmem:s28+$0xA0];
	(erf) = vpow2.f32 v20;
	v17 =	vadd.f32 v22, v25;
	v25 =	vpop (erf)  }
0x101: {  	v33 =	vadd.f32 v12, v21;
	v20 =	vld [tilespmem:s28+$0x90];
	v26 =	vmul.f32 v26, v11;
	(erf) = vpow2.f32 v23;
	v32 =	vpop (erf)  }
.Ltmp3:
0x102: {  	v22 =	vld [tilespmem:s28+$0x80];
	v21 =	vmul.f32 v27, v11;
	(erf) = vpow2.f32 v28;
	v27 =	vpop (erf);
	v28 =	vadd.f32 v29, v17;
	(pc) =	sbr.rel @p0 .LBB2_5-.Ltmp3, $4  }
0x103: {  	v12 =	vmovc v16;
	v15 =	vadd.f32 v33, v15;
	v23 =	vld [tilespmem:s28+$0xE0];
	v26 =	vmul.f32 $1.442695020e+00, v26;
	(erf) = vpow2.f32 v19;
	v16 =	vmovc v27  }
0x104: {  	v17 =	vmul.f32 v18, v11;
	(erf) = vpow2.f32 v31;
	v27 =	vadd.f32 v25, v28  }
0x105: {  	v19 =	vmul.f32 v24, v11;
	(erf) = vpow2.f32 v26;
	v18 =	vpop (erf)  }
0x106: {  	v25 =	vmul.f32 $1.442695020e+00, v21;
	v24 =	vmul.f32 v30, v11;
	v21 =	vadd.f32 v32, v27  }
0x107: {  	v22 =	vmul.f32 v22, v11  }
0x108: {  	v20 =	vmul.f32 v20, v11  }
0x109: {  	v11 =	vmul.f32 v23, v11;
	v22 =	vmul.f32 $1.442695020e+00, v22  }
0x10a: {  	v23 =	vmul.f32 $1.442695020e+00, v24  }
0x10b: {  	(erf) = vpow2.f32 v25;
	v11 =	vmul.f32 $1.442695020e+00, v11  }
0x10c: {  	v20 =	vmul.f32 $1.442695020e+00, v20;
	(erf) = vpow2.f32 v22  }
0x10d: {  	v22 =	vpop (erf);
	(erf) = vpow2.f32 v23  }
0x10e: {  	v23 =	vpop (erf);
	(erf) = vpow2.f32 v11  }
0x10f: {  	v11 =	vpop (erf);
	(erf) = vpow2.f32 v20  }
0x110: {  	v19 =	vmul.f32 $1.442695020e+00, v19;
	v20 =	vpop (erf)  }
0x111: {  	v17 =	vmul.f32 $1.442695020e+00, v17;
	v24 =	vpop (erf)  }
0x112: {  	v25 =	vpop (erf)  }
0x113: {  	v26 =	vpop (erf);
	(erf) = vpow2.f32 v19  }
0x114: {  	v19 =	vpop (erf)  }
0x115: {  	(erf) = vpow2.f32 v17;
	v17 =	vpop (erf)  }
0x116: {  	v27 =	vpop (erf)  }
0x117: {  	v20 =	vadd.f32 v20, v22;
	v22 =	vpop (erf)  }
0x118: {  	v28 =	vpop (erf)  }
0x119: {  	v20 =	vadd.f32 v23, v20;
	v17 =	vadd.f32 v28, v17;
	_ =	sdelay $0x1  }
0x11a: {  	v20 =	vadd.f32 v24, v20;
	v17 =	vadd.f32 v27, v17  }
0x11b: {  	v13 =	vadd.f32 v13, v21;
	v21 =	vpop (erf)  }
0x11c: {  	v20 =	vadd.f32 v25, v20;
	v17 =	vadd.f32 v21, v17  }
0x11d: {  	s26 =	sshll.u32 s25, $0x4;
	v13 =	vadd.f32 v14, v13;
	v14 =	vpop (erf)  }
0x11e: {  	v18 =	vadd.f32 v18, v20;
	v14 =	vadd.f32 v14, v17;
	v17 =	vmov s26  }
0x11f: {  	v12 =	vadd.f32 v12, v13;
	v13 =	vshrl.u32 v17, $0x7  }
0x120: {  	v11 =	vadd.f32 v11, v18;
	v14 =	vadd.f32 v19, v14;
	v13 =	vshll.u32 v13, $0x7  }
0x121: {  	v12 =	vadd.f32 v12, v15;
	v13 =	vbroadcast v13, $0x0  }
0x122: {  	v11 =	vadd.f32 v16, v11;
	v14 =	vadd.f32 v22, v14  }
0x123: {  	s30 =	sshll.u32 s25, $0x7;
	v13 =	vor.u32 v3, v13  }
0x124: {  	v11 =	vadd.f32 v11, v12;
	v12 =	vadd.f32 v26, v14;
	v14 =	vor.u32 s30, v2;
	_ =	sdelay $0x1  }
0x125: {  	v11 =	vadd.f32 v12, v11;
	_ =	sdelay $0x1  }
0x126: {  	[tilespmem:v13+s18+$0x0] =	vst.idx.add.f32.msk $0xffff, v11  }
0x127: {  	v11 =	vld.idx.msk [tilespmem:v14+s15+$0x0], $0xffff;
	_ =	sdelay $0x4  }
0x128: {  	v11 =	vsub.s32 v11, v10  }
0x129: {  	vm1 =	vgt.s32 v11, $0x0  }
0x12a: {  	v12 =	vnsel vm1, $0x0, v11  }
0x12b: {  	v12 =	vmin.u32 v12, $0x19FF  }
0x12c: {  	v14 =	vshll.u32 v12, $0x3  }
0x12d: {  	v12 =	vand.u32 $0x7F, v12;
	v14 =	vand.u32 $0xFC00, v14  }
0x12e: {  	v12 =	vor.u32 v14, v12  }
0x12f: {  	v12 =	vor.u32 $0x80, v12;
	_ =	sdelay $0x1  }
0x130: {  	s25 =	sor.u32 $0x2, s24  }
0x131: {  	s31 =	sadd.s32 s5, s25  }
0x132: {  	s28 =	simm.s32 $0x0;
	v14 =	vmov s31  }
0x133: {  	v14 =	vand.u32 $0xFFFFFFFA, v14;
	v12 =	vld.idx.msk [tilespmem:v12+s28+$0x0], $0xffff  }
0x134: {  	v14 =	vbroadcast v14, $0x0;
	_ =	sdelay $0x1  }
0x135: {  	vm1 =	vlt.u32 v11, $0x1A00  }
0x136: {  	vm1 =	vmand vm1, vm0  }
0x137: {  	v11 =	vnsel vm1, $0x0, v12  }
0x138: {  	[tilespmem:v13+s19+$0x0] =	vst.idx.add.f32.msk $0xffff, v11  }
0x139: {  	s29 =	simm.s32 $0x0;
	v11 =	vld.idx.msk [tilespmem:v14+s13+$0x0], $0xffff  }
0x13a: {  	v12 =	vld [tilespmem:s29+$0x170]  }
0x13b: {  	v13 =	vld [tilespmem:s29+$0x150]  }
0x13c: {  	v14 =	vld [tilespmem:s29+$0x140]  }
0x13d: {  	v15 =	vld [tilespmem:s29+$0x130]  }
0x13e: {  	v17 =	vld [tilespmem:s29+$0x110]  }
0x13f: {  	v16 =	vld [tilespmem:s29+$0x120]  }
0x140: {  	v18 =	vld [tilespmem:s29+$0x100];
	v12 =	vmul.f32 v12, v11  }
0x141: {  	v19 =	vld [tilespmem:s29+$0x160];
	v13 =	vmul.f32 v13, v11  }
0x142: {  	v14 =	vmul.f32 v14, v11;
	v12 =	vmul.f32 $1.442695020e+00, v12  }
0x143: {  	v15 =	vmul.f32 v15, v11;
	v17 =	vmul.f32 v17, v11  }
0x144: {  	v13 =	vmul.f32 $1.442695020e+00, v13;
	(erf) = vpow2.f32 v12  }
0x145: {  	s30 =	simm.s32 $0x400;
	v12 =	vmul.f32 v16, v11;
	v16 =	vmul.f32 v18, v11  }
0x146: {  	v19 =	vmul.f32 v19, v11;
	v17 =	vmul.f32 $1.442695020e+00, v17;
	v18 =	vld [tilespmem:s30+$0x170]  }
0x147: {  	(erf) = vpow2.f32 v13;
	v13 =	vld [tilespmem:s30+$0x150];
	v16 =	vmul.f32 $1.442695020e+00, v16  }
0x148: {  	v19 =	vmul.f32 $1.442695020e+00, v19;
	v12 =	vmul.f32 $1.442695020e+00, v12  }
0x149: {  	v15 =	vmul.f32 $1.442695020e+00, v15;
	(erf) = vpow2.f32 v16  }
0x14a: {  	v14 =	vmul.f32 $1.442695020e+00, v14;
	v16 =	vld [tilespmem:s30+$0x120];
	(erf) = vpow2.f32 v12  }
0x14b: {  	v12 =	vmul.f32 v18, v11;
	v18 =	vld [tilespmem:s30+$0x100];
	(erf) = vpow2.f32 v19  }
0x14c: {  	v13 =	vmul.f32 v13, v11;
	(erf) = vpow2.f32 v17  }
0x14d: {  	v20 =	vld [tilespmem:s30+$0x140];
	v12 =	vmul.f32 $1.442695020e+00, v12;
	(erf) = vpow2.f32 v15  }
0x14e: {  	v21 =	vld [tilespmem:s30+$0x130];
	(erf) = vpow2.f32 v14  }
0x14f: {  	v22 =	vld [tilespmem:s30+$0x110];
	v14 =	vmul.f32 v16, v11;
	v16 =	vmul.f32 $1.442695020e+00, v13  }
0x150: {  	v17 =	vld [tilespmem:s30+$0x160];
	v18 =	vmul.f32 v18, v11  }
0x151: {  	(erf) = vpow2.f32 v12;
	v12 =	vpop (erf)  }
0x152: {  	v13 =	vpop (erf);
	v18 =	vmul.f32 $1.442695020e+00, v18  }
0x153: {  	s31 =	simm.s32 $0x800;
	v19 =	vmul.f32 v21, v11;
	(erf) = vpow2.f32 v16;
	v16 =	vpop (erf)  }
0x154: {  	v21 =	vld [tilespmem:s31+$0x170];
	v15 =	vmul.f32 v20, v11;
	v20 =	vmul.f32 v22, v11;
	v23 =	vpop (erf)  }
0x155: {  	v22 =	vld [tilespmem:s31+$0x150];
	v24 =	vmul.f32 $1.442695020e+00, v14;
	v17 =	vmul.f32 v17, v11;
	v14 =	vpop (erf)  }
0x156: {  	(erf) = vpow2.f32 v18;
	v18 =	vpop (erf)  }
0x157: {  	v25 =	vld [tilespmem:s31+$0x140];
	v19 =	vmul.f32 $1.442695020e+00, v19;
	v17 =	vmul.f32 $1.442695020e+00, v17;
	v16 =	vadd.f32 v18, v16  }
0x158: {  	v26 =	vld [tilespmem:s31+$0x130];
	v20 =	vmul.f32 $1.442695020e+00, v20;
	(erf) = vpow2.f32 v24  }
0x159: {  	v24 =	vld [tilespmem:s31+$0x120];
	(erf) = vpow2.f32 v17;
	v18 =	vmul.f32 v21, v11;
	v16 =	vadd.f32 v23, v16  }
0x15a: {  	v21 =	vmul.f32 v22, v11;
	(erf) = vpow2.f32 v20;
	v22 =	vpop (erf);
	v20 =	vld [tilespmem:s31+$0x110]  }
0x15b: {  	v15 =	vmul.f32 $1.442695020e+00, v15;
	v18 =	vmul.f32 $1.442695020e+00, v18;
	v63 =	vadd.f32 v22, v16;
	v22 =	vld [tilespmem:s31+$0x100]  }
0x15c: {  	(erf) = vpow2.f32 v19;
	v23 =	vld [tilespmem:s31+$0x160]  }
0x15d: {  	v17 =	vmul.f32 v25, v11;
	v27 =	vpop (erf);
	(erf) = vpow2.f32 v15  }
0x15e: {  	v19 =	vmul.f32 v26, v11;
	v15 =	vimm.f32 $0.0e+00;
	(erf) = vpow2.f32 v18;
	v16 =	vpop (erf)  }
0x15f: {  	s26 =	simm.s32 $0x3000;
	v25 =	vmul.f32 $1.442695020e+00, v21;
	v24 =	vmul.f32 v24, v11;
	v21 =	vadd.f32 v27, v63;
	v18 =	vpop (erf)  }
.LBB2_7:
0x160: {  	s28 =	sshra.s32 s26, $0x2;
	p0 =	sne.s32 s26, $0x33000;
	s26 =	sadd.s32 $0x1000, s26;
	v22 =	vmul.f32 v22, v11;
	v20 =	vmul.f32 v20, v11  }
0x161: {  	v26 =	vld [tilespmem:s28+$0x170];
	v23 =	vmul.f32 v23, v11;
	(erf) = vpow2.f32 v25;
	v25 =	vpop (erf);
	v21 =	vadd.f32 v13, v21  }
0x162: {  	v13 =	vmov v18;
	v27 =	vld [tilespmem:s28+$0x150];
	v30 =	vmul.f32 $1.442695020e+00, v22;
	v28 =	vmul.f32 $1.442695020e+00, v20;
	v29 =	vpop (erf)  }
0x163: {  	v20 =	vmul.f32 $1.442695020e+00, v24;
	v18 =	vld [tilespmem:s28+$0x140];
	v23 =	vmul.f32 $1.442695020e+00, v23;
	v21 =	vadd.f32 v14, v21;
	v14 =	vpop (erf)  }
0x164: {  	v19 =	vmul.f32 $1.442695020e+00, v19;
	v24 =	vld [tilespmem:s28+$0x130];
	(erf) = vpow2.f32 v30;
	v22 =	vpop (erf)  }
0x165: {  	v31 =	vmul.f32 $1.442695020e+00, v17;
	v30 =	vld [tilespmem:s28+$0x120];
	(erf) = vpow2.f32 v20;
	v17 =	vadd.f32 v22, v25;
	v25 =	vpop (erf)  }
0x166: {  	v33 =	vadd.f32 v12, v21;
	v20 =	vld [tilespmem:s28+$0x110];
	v26 =	vmul.f32 v26, v11;
	(erf) = vpow2.f32 v23;
	v32 =	vpop (erf)  }
.Ltmp4:
0x167: {  	v22 =	vld [tilespmem:s28+$0x100];
	v21 =	vmul.f32 v27, v11;
	(erf) = vpow2.f32 v28;
	v27 =	vpop (erf);
	v28 =	vadd.f32 v29, v17;
	(pc) =	sbr.rel @p0 .LBB2_7-.Ltmp4, $4  }
0x168: {  	v12 =	vmovc v16;
	v15 =	vadd.f32 v33, v15;
	v23 =	vld [tilespmem:s28+$0x160];
	v26 =	vmul.f32 $1.442695020e+00, v26;
	(erf) = vpow2.f32 v19;
	v16 =	vmovc v27  }
0x169: {  	v17 =	vmul.f32 v18, v11;
	(erf) = vpow2.f32 v31;
	v27 =	vadd.f32 v25, v28  }
0x16a: {  	v19 =	vmul.f32 v24, v11;
	(erf) = vpow2.f32 v26;
	v18 =	vpop (erf)  }
0x16b: {  	v25 =	vmul.f32 $1.442695020e+00, v21;
	v24 =	vmul.f32 v30, v11;
	v21 =	vadd.f32 v32, v27  }
0x16c: {  	v22 =	vmul.f32 v22, v11  }
0x16d: {  	v20 =	vmul.f32 v20, v11  }
0x16e: {  	v11 =	vmul.f32 v23, v11;
	v22 =	vmul.f32 $1.442695020e+00, v22  }
0x16f: {  	v23 =	vmul.f32 $1.442695020e+00, v24  }
0x170: {  	(erf) = vpow2.f32 v25;
	v11 =	vmul.f32 $1.442695020e+00, v11  }
0x171: {  	v20 =	vmul.f32 $1.442695020e+00, v20;
	(erf) = vpow2.f32 v22  }
0x172: {  	v22 =	vpop (erf);
	(erf) = vpow2.f32 v23  }
0x173: {  	v23 =	vpop (erf);
	(erf) = vpow2.f32 v11  }
0x174: {  	v11 =	vpop (erf);
	(erf) = vpow2.f32 v20  }
0x175: {  	v19 =	vmul.f32 $1.442695020e+00, v19;
	v20 =	vpop (erf)  }
0x176: {  	v17 =	vmul.f32 $1.442695020e+00, v17;
	v24 =	vpop (erf)  }
0x177: {  	v25 =	vpop (erf)  }
0x178: {  	v26 =	vpop (erf);
	(erf) = vpow2.f32 v19  }
0x179: {  	v19 =	vpop (erf)  }
0x17a: {  	(erf) = vpow2.f32 v17;
	v17 =	vpop (erf)  }
0x17b: {  	v27 =	vpop (erf)  }
0x17c: {  	v20 =	vadd.f32 v20, v22;
	v22 =	vpop (erf)  }
0x17d: {  	v28 =	vpop (erf)  }
0x17e: {  	v20 =	vadd.f32 v23, v20;
	v17 =	vadd.f32 v28, v17;
	_ =	sdelay $0x1  }
0x17f: {  	v20 =	vadd.f32 v24, v20;
	v17 =	vadd.f32 v27, v17  }
0x180: {  	v13 =	vadd.f32 v13, v21;
	v21 =	vpop (erf)  }
0x181: {  	v20 =	vadd.f32 v25, v20;
	v17 =	vadd.f32 v21, v17  }
0x182: {  	s26 =	sshll.u32 s25, $0x4;
	v13 =	vadd.f32 v14, v13;
	v14 =	vpop (erf)  }
0x183: {  	v18 =	vadd.f32 v18, v20;
	v14 =	vadd.f32 v14, v17;
	v17 =	vmov s26  }
0x184: {  	v12 =	vadd.f32 v12, v13;
	v13 =	vshrl.u32 v17, $0x7  }
0x185: {  	v11 =	vadd.f32 v11, v18;
	v14 =	vadd.f32 v19, v14;
	v13 =	vshll.u32 v13, $0x7  }
0x186: {  	v12 =	vadd.f32 v12, v15;
	v13 =	vbroadcast v13, $0x0  }
0x187: {  	v11 =	vadd.f32 v16, v11;
	v14 =	vadd.f32 v22, v14  }
0x188: {  	s30 =	sshll.u32 s25, $0x7;
	v13 =	vor.u32 v4, v13  }
0x189: {  	v11 =	vadd.f32 v11, v12;
	v12 =	vadd.f32 v26, v14;
	v14 =	vor.u32 s30, v2;
	_ =	sdelay $0x1  }
0x18a: {  	v11 =	vadd.f32 v12, v11;
	_ =	sdelay $0x1  }
0x18b: {  	[tilespmem:v13+s18+$0x0] =	vst.idx.add.f32.msk $0xffff, v11  }
0x18c: {  	v11 =	vld.idx.msk [tilespmem:v14+s15+$0x0], $0xffff;
	_ =	sdelay $0x4  }
0x18d: {  	v11 =	vsub.s32 v11, v10  }
0x18e: {  	vm1 =	vgt.s32 v11, $0x0  }
0x18f: {  	v12 =	vnsel vm1, $0x0, v11  }
0x190: {  	v12 =	vmin.u32 v12, $0x19FF  }
0x191: {  	v14 =	vshll.u32 v12, $0x3  }
0x192: {  	v12 =	vand.u32 $0x7F, v12;
	v14 =	vand.u32 $0xFC00, v14  }
0x193: {  	v12 =	vor.u32 v14, v12  }
0x194: {  	v12 =	vor.u32 $0x100, v12;
	_ =	sdelay $0x1  }
0x195: {  	s25 =	sor.u32 $0x3, s24  }
0x196: {  	s31 =	sadd.s32 s5, s25  }
0x197: {  	s28 =	simm.s32 $0x0;
	v14 =	vmov s31  }
0x198: {  	v14 =	vand.u32 $0xFFFFFFFB, v14;
	v12 =	vld.idx.msk [tilespmem:v12+s28+$0x0], $0xffff  }
0x199: {  	v14 =	vbroadcast v14, $0x0;
	_ =	sdelay $0x1  }
0x19a: {  	vm1 =	vlt.u32 v11, $0x1A00  }
0x19b: {  	vm1 =	vmand vm1, vm0  }
0x19c: {  	v11 =	vnsel vm1, $0x0, v12  }
0x19d: {  	[tilespmem:v13+s19+$0x0] =	vst.idx.add.f32.msk $0xffff, v11  }
0x19e: {  	s29 =	simm.s32 $0x0;
	v11 =	vld.idx.msk [tilespmem:v14+s13+$0x0], $0xffff  }
0x19f: {  	v12 =	vld [tilespmem:s29+$0x1F0]  }
0x1a0: {  	v13 =	vld [tilespmem:s29+$0x1D0]  }
0x1a1: {  	v14 =	vld [tilespmem:s29+$0x1C0]  }
0x1a2: {  	v15 =	vld [tilespmem:s29+$0x1B0]  }
0x1a3: {  	v17 =	vld [tilespmem:s29+$0x190]  }
0x1a4: {  	v16 =	vld [tilespmem:s29+$0x1A0]  }
0x1a5: {  	v18 =	vld [tilespmem:s29+$0x180];
	v12 =	vmul.f32 v12, v11  }
0x1a6: {  	v19 =	vld [tilespmem:s29+$0x1E0];
	v13 =	vmul.f32 v13, v11  }
0x1a7: {  	v14 =	vmul.f32 v14, v11;
	v12 =	vmul.f32 $1.442695020e+00, v12  }
0x1a8: {  	v15 =	vmul.f32 v15, v11;
	v17 =	vmul.f32 v17, v11  }
0x1a9: {  	v13 =	vmul.f32 $1.442695020e+00, v13;
	(erf) = vpow2.f32 v12  }
0x1aa: {  	s30 =	simm.s32 $0x400;
	v12 =	vmul.f32 v16, v11;
	v16 =	vmul.f32 v18, v11  }
0x1ab: {  	v19 =	vmul.f32 v19, v11;
	v17 =	vmul.f32 $1.442695020e+00, v17;
	v18 =	vld [tilespmem:s30+$0x1F0]  }
0x1ac: {  	(erf) = vpow2.f32 v13;
	v13 =	vld [tilespmem:s30+$0x1D0];
	v16 =	vmul.f32 $1.442695020e+00, v16  }
0x1ad: {  	v19 =	vmul.f32 $1.442695020e+00, v19;
	v12 =	vmul.f32 $1.442695020e+00, v12  }
0x1ae: {  	v15 =	vmul.f32 $1.442695020e+00, v15;
	(erf) = vpow2.f32 v16  }
0x1af: {  	v14 =	vmul.f32 $1.442695020e+00, v14;
	v16 =	vld [tilespmem:s30+$0x1A0];
	(erf) = vpow2.f32 v12  }
0x1b0: {  	v12 =	vmul.f32 v18, v11;
	v18 =	vld [tilespmem:s30+$0x180];
	(erf) = vpow2.f32 v19  }
0x1b1: {  	v13 =	vmul.f32 v13, v11;
	(erf) = vpow2.f32 v17  }
0x1b2: {  	v20 =	vld [tilespmem:s30+$0x1C0];
	v12 =	vmul.f32 $1.442695020e+00, v12;
	(erf) = vpow2.f32 v15  }
0x1b3: {  	v21 =	vld [tilespmem:s30+$0x1B0];
	(erf) = vpow2.f32 v14  }
0x1b4: {  	v22 =	vld [tilespmem:s30+$0x190];
	v14 =	vmul.f32 v16, v11;
	v16 =	vmul.f32 $1.442695020e+00, v13  }
0x1b5: {  	v17 =	vld [tilespmem:s30+$0x1E0];
	v18 =	vmul.f32 v18, v11  }
0x1b6: {  	(erf) = vpow2.f32 v12;
	v12 =	vpop (erf)  }
0x1b7: {  	v13 =	vpop (erf);
	v18 =	vmul.f32 $1.442695020e+00, v18  }
0x1b8: {  	s31 =	simm.s32 $0x800;
	v19 =	vmul.f32 v21, v11;
	(erf) = vpow2.f32 v16;
	v16 =	vpop (erf)  }
0x1b9: {  	v21 =	vld [tilespmem:s31+$0x1F0];
	v15 =	vmul.f32 v20, v11;
	v20 =	vmul.f32 v22, v11;
	v23 =	vpop (erf)  }
0x1ba: {  	v22 =	vld [tilespmem:s31+$0x1D0];
	v24 =	vmul.f32 $1.442695020e+00, v14;
	v17 =	vmul.f32 v17, v11;
	v14 =	vpop (erf)  }
0x1bb: {  	(erf) = vpow2.f32 v18;
	v18 =	vpop (erf)  }
0x1bc: {  	v25 =	vld [tilespmem:s31+$0x1C0];
	v19 =	vmul.f32 $1.442695020e+00, v19;
	v17 =	vmul.f32 $1.442695020e+00, v17;
	v16 =	vadd.f32 v18, v16  }
0x1bd: {  	v26 =	vld [tilespmem:s31+$0x1B0];
	v20 =	vmul.f32 $1.442695020e+00, v20;
	(erf) = vpow2.f32 v24  }
0x1be: {  	v24 =	vld [tilespmem:s31+$0x1A0];
	(erf) = vpow2.f32 v17;
	v18 =	vmul.f32 v21, v11;
	v16 =	vadd.f32 v23, v16  }
0x1bf: {  	v21 =	vmul.f32 v22, v11;
	(erf) = vpow2.f32 v20;
	v22 =	vpop (erf);
	v20 =	vld [tilespmem:s31+$0x190]  }
0x1c0: {  	v15 =	vmul.f32 $1.442695020e+00, v15;
	v18 =	vmul.f32 $1.442695020e+00, v18;
	v63 =	vadd.f32 v22, v16;
	v22 =	vld [tilespmem:s31+$0x180]  }
0x1c1: {  	(erf) = vpow2.f32 v19;
	v23 =	vld [tilespmem:s31+$0x1E0]  }
0x1c2: {  	v17 =	vmul.f32 v25, v11;
	v27 =	vpop (erf);
	(erf) = vpow2.f32 v15  }
0x1c3: {  	v19 =	vmul.f32 v26, v11;
	v15 =	vimm.f32 $0.0e+00;
	(erf) = vpow2.f32 v18;
	v16 =	vpop (erf)  }
0x1c4: {  	s26 =	simm.s32 $0x3000;
	v25 =	vmul.f32 $1.442695020e+00, v21;
	v24 =	vmul.f32 v24, v11;
	v21 =	vadd.f32 v27, v63;
	v18 =	vpop (erf)  }
.LBB2_9:
0x1c5: {  	s28 =	sshra.s32 s26, $0x2;
	p0 =	sne.s32 s26, $0x33000;
	s26 =	sadd.s32 $0x1000, s26;
	v22 =	vmul.f32 v22, v11;
	v20 =	vmul.f32 v20, v11  }
0x1c6: {  	v26 =	vld [tilespmem:s28+$0x1F0];
	v23 =	vmul.f32 v23, v11;
	(erf) = vpow2.f32 v25;
	v25 =	vpop (erf);
	v21 =	vadd.f32 v13, v21  }
0x1c7: {  	v13 =	vmov v18;
	v27 =	vld [tilespmem:s28+$0x1D0];
	v30 =	vmul.f32 $1.442695020e+00, v22;
	v28 =	vmul.f32 $1.442695020e+00, v20;
	v29 =	vpop (erf)  }
0x1c8: {  	v20 =	vmul.f32 $1.442695020e+00, v24;
	v18 =	vld [tilespmem:s28+$0x1C0];
	v23 =	vmul.f32 $1.442695020e+00, v23;
	v21 =	vadd.f32 v14, v21;
	v14 =	vpop (erf)  }
0x1c9: {  	v19 =	vmul.f32 $1.442695020e+00, v19;
	v24 =	vld [tilespmem:s28+$0x1B0];
	(erf) = vpow2.f32 v30;
	v22 =	vpop (erf)  }
0x1ca: {  	v31 =	vmul.f32 $1.442695020e+00, v17;
	v30 =	vld [tilespmem:s28+$0x1A0];
	(erf) = vpow2.f32 v20;
	v17 =	vadd.f32 v22, v25;
	v25 =	vpop (erf)  }
0x1cb: {  	v33 =	vadd.f32 v12, v21;
	v20 =	vld [tilespmem:s28+$0x190];
	v26 =	vmul.f32 v26, v11;
	(erf) = vpow2.f32 v23;
	v32 =	vpop (erf)  }
.Ltmp5:
0x1cc: {  	v22 =	vld [tilespmem:s28+$0x180];
	v21 =	vmul.f32 v27, v11;
	(erf) = vpow2.f32 v28;
	v27 =	vpop (erf);
	v28 =	vadd.f32 v29, v17;
	(pc) =	sbr.rel @p0 .LBB2_9-.Ltmp5, $4  }
0x1cd: {  	v12 =	vmovc v16;
	v15 =	vadd.f32 v33, v15;
	v23 =	vld [tilespmem:s28+$0x1E0];
	v26 =	vmul.f32 $1.442695020e+00, v26;
	(erf) = vpow2.f32 v19;
	v16 =	vmovc v27  }
0x1ce: {  	v17 =	vmul.f32 v18, v11;
	(erf) = vpow2.f32 v31;
	v27 =	vadd.f32 v25, v28  }
0x1cf: {  	v19 =	vmul.f32 v24, v11;
	(erf) = vpow2.f32 v26;
	v18 =	vpop (erf)  }
0x1d0: {  	v25 =	vmul.f32 $1.442695020e+00, v21;
	v24 =	vmul.f32 v30, v11;
	v21 =	vadd.f32 v32, v27  }
0x1d1: {  	v22 =	vmul.f32 v22, v11  }
0x1d2: {  	v20 =	vmul.f32 v20, v11  }
0x1d3: {  	v11 =	vmul.f32 v23, v11;
	v22 =	vmul.f32 $1.442695020e+00, v22  }
0x1d4: {  	v23 =	vmul.f32 $1.442695020e+00, v24  }
0x1d5: {  	(erf) = vpow2.f32 v25;
	v11 =	vmul.f32 $1.442695020e+00, v11  }
0x1d6: {  	v20 =	vmul.f32 $1.442695020e+00, v20;
	(erf) = vpow2.f32 v22  }
0x1d7: {  	v22 =	vpop (erf);
	(erf) = vpow2.f32 v23  }
0x1d8: {  	v23 =	vpop (erf);
	(erf) = vpow2.f32 v11  }
0x1d9: {  	v11 =	vpop (erf);
	(erf) = vpow2.f32 v20  }
0x1da: {  	v19 =	vmul.f32 $1.442695020e+00, v19;
	v20 =	vpop (erf)  }
0x1db: {  	v17 =	vmul.f32 $1.442695020e+00, v17;
	v24 =	vpop (erf)  }
0x1dc: {  	v25 =	vpop (erf)  }
0x1dd: {  	v26 =	vpop (erf);
	(erf) = vpow2.f32 v19  }
0x1de: {  	v19 =	vpop (erf)  }
0x1df: {  	(erf) = vpow2.f32 v17;
	v17 =	vpop (erf)  }
0x1e0: {  	v27 =	vpop (erf)  }
0x1e1: {  	v20 =	vadd.f32 v20, v22;
	v22 =	vpop (erf)  }
0x1e2: {  	v28 =	vpop (erf)  }
0x1e3: {  	v20 =	vadd.f32 v23, v20;
	v17 =	vadd.f32 v28, v17;
	_ =	sdelay $0x1  }
0x1e4: {  	v20 =	vadd.f32 v24, v20;
	v17 =	vadd.f32 v27, v17  }
0x1e5: {  	v13 =	vadd.f32 v13, v21;
	v21 =	vpop (erf)  }
0x1e6: {  	v20 =	vadd.f32 v25, v20;
	v17 =	vadd.f32 v21, v17  }
0x1e7: {  	s26 =	sshll.u32 s25, $0x4;
	v13 =	vadd.f32 v14, v13;
	v14 =	vpop (erf)  }
0x1e8: {  	v18 =	vadd.f32 v18, v20;
	v14 =	vadd.f32 v14, v17;
	v17 =	vmov s26  }
0x1e9: {  	v12 =	vadd.f32 v12, v13;
	v13 =	vshrl.u32 v17, $0x7  }
0x1ea: {  	v11 =	vadd.f32 v11, v18;
	v14 =	vadd.f32 v19, v14;
	v13 =	vshll.u32 v13, $0x7  }
0x1eb: {  	v12 =	vadd.f32 v12, v15;
	v13 =	vbroadcast v13, $0x0  }
0x1ec: {  	v11 =	vadd.f32 v16, v11;
	v14 =	vadd.f32 v22, v14  }
0x1ed: {  	s30 =	sshll.u32 s25, $0x7;
	v13 =	vor.u32 v5, v13  }
0x1ee: {  	v11 =	vadd.f32 v11, v12;
	v12 =	vadd.f32 v26, v14;
	v14 =	vor.u32 s30, v2;
	_ =	sdelay $0x1  }
0x1ef: {  	v11 =	vadd.f32 v12, v11;
	_ =	sdelay $0x1  }
0x1f0: {  	[tilespmem:v13+s18+$0x0] =	vst.idx.add.f32.msk $0xffff, v11  }
0x1f1: {  	v11 =	vld.idx.msk [tilespmem:v14+s15+$0x0], $0xffff;
	_ =	sdelay $0x4  }
0x1f2: {  	v11 =	vsub.s32 v11, v10  }
0x1f3: {  	vm1 =	vgt.s32 v11, $0x0  }
0x1f4: {  	v12 =	vnsel vm1, $0x0, v11  }
0x1f5: {  	v12 =	vmin.u32 v12, $0x19FF  }
0x1f6: {  	v14 =	vshll.u32 v12, $0x3  }
0x1f7: {  	v12 =	vand.u32 $0x7F, v12;
	v14 =	vand.u32 $0xFC00, v14  }
0x1f8: {  	v12 =	vor.u32 v14, v12  }
0x1f9: {  	v12 =	vor.u32 $0x180, v12;
	_ =	sdelay $0x1  }
0x1fa: {  	s25 =	sor.u32 $0x4, s24  }
0x1fb: {  	s31 =	sadd.s32 s5, s25  }
0x1fc: {  	s28 =	simm.s32 $0x0;
	v14 =	vmov s31  }
0x1fd: {  	v14 =	vand.u32 $0xFFFFFFFC, v14;
	v12 =	vld.idx.msk [tilespmem:v12+s28+$0x0], $0xffff  }
0x1fe: {  	v14 =	vbroadcast v14, $0x0;
	_ =	sdelay $0x1  }
0x1ff: {  	vm1 =	vlt.u32 v11, $0x1A00  }
0x200: {  	vm1 =	vmand vm1, vm0  }
0x201: {  	v11 =	vnsel vm1, $0x0, v12  }
0x202: {  	[tilespmem:v13+s19+$0x0] =	vst.idx.add.f32.msk $0xffff, v11  }
0x203: {  	s29 =	simm.s32 $0x0;
	v11 =	vld.idx.msk [tilespmem:v14+s13+$0x0], $0xffff  }
0x204: {  	v12 =	vld [tilespmem:s29+$0x270]  }
0x205: {  	v13 =	vld [tilespmem:s29+$0x250]  }
0x206: {  	v14 =	vld [tilespmem:s29+$0x240]  }
0x207: {  	v15 =	vld [tilespmem:s29+$0x230]  }
0x208: {  	v17 =	vld [tilespmem:s29+$0x210]  }
0x209: {  	v16 =	vld [tilespmem:s29+$0x220]  }
0x20a: {  	v18 =	vld [tilespmem:s29+$0x200];
	v12 =	vmul.f32 v12, v11  }
0x20b: {  	v19 =	vld [tilespmem:s29+$0x260];
	v13 =	vmul.f32 v13, v11  }
0x20c: {  	v14 =	vmul.f32 v14, v11;
	v12 =	vmul.f32 $1.442695020e+00, v12  }
0x20d: {  	v15 =	vmul.f32 v15, v11;
	v17 =	vmul.f32 v17, v11  }
0x20e: {  	v13 =	vmul.f32 $1.442695020e+00, v13;
	(erf) = vpow2.f32 v12  }
0x20f: {  	s30 =	simm.s32 $0x400;
	v12 =	vmul.f32 v16, v11;
	v16 =	vmul.f32 v18, v11  }
0x210: {  	v19 =	vmul.f32 v19, v11;
	v17 =	vmul.f32 $1.442695020e+00, v17;
	v18 =	vld [tilespmem:s30+$0x270]  }
0x211: {  	(erf) = vpow2.f32 v13;
	v13 =	vld [tilespmem:s30+$0x250];
	v16 =	vmul.f32 $1.442695020e+00, v16  }
0x212: {  	v19 =	vmul.f32 $1.442695020e+00, v19;
	v12 =	vmul.f32 $1.442695020e+00, v12  }
0x213: {  	v15 =	vmul.f32 $1.442695020e+00, v15;
	(erf) = vpow2.f32 v16  }
0x214: {  	v14 =	vmul.f32 $1.442695020e+00, v14;
	v16 =	vld [tilespmem:s30+$0x220];
	(erf) = vpow2.f32 v12  }
0x215: {  	v12 =	vmul.f32 v18, v11;
	v18 =	vld [tilespmem:s30+$0x200];
	(erf) = vpow2.f32 v19  }
0x216: {  	v13 =	vmul.f32 v13, v11;
	(erf) = vpow2.f32 v17  }
0x217: {  	v20 =	vld [tilespmem:s30+$0x240];
	v12 =	vmul.f32 $1.442695020e+00, v12;
	(erf) = vpow2.f32 v15  }
0x218: {  	v21 =	vld [tilespmem:s30+$0x230];
	(erf) = vpow2.f32 v14  }
0x219: {  	v22 =	vld [tilespmem:s30+$0x210];
	v14 =	vmul.f32 v16, v11;
	v16 =	vmul.f32 $1.442695020e+00, v13  }
0x21a: {  	v17 =	vld [tilespmem:s30+$0x260];
	v18 =	vmul.f32 v18, v11  }
0x21b: {  	(erf) = vpow2.f32 v12;
	v12 =	vpop (erf)  }
0x21c: {  	v13 =	vpop (erf);
	v18 =	vmul.f32 $1.442695020e+00, v18  }
0x21d: {  	s31 =	simm.s32 $0x800;
	v19 =	vmul.f32 v21, v11;
	(erf) = vpow2.f32 v16;
	v16 =	vpop (erf)  }
0x21e: {  	v21 =	vld [tilespmem:s31+$0x270];
	v15 =	vmul.f32 v20, v11;
	v20 =	vmul.f32 v22, v11;
	v23 =	vpop (erf)  }
0x21f: {  	v22 =	vld [tilespmem:s31+$0x250];
	v24 =	vmul.f32 $1.442695020e+00, v14;
	v17 =	vmul.f32 v17, v11;
	v14 =	vpop (erf)  }
0x220: {  	(erf) = vpow2.f32 v18;
	v18 =	vpop (erf)  }
0x221: {  	v25 =	vld [tilespmem:s31+$0x240];
	v19 =	vmul.f32 $1.442695020e+00, v19;
	v17 =	vmul.f32 $1.442695020e+00, v17;
	v16 =	vadd.f32 v18, v16  }
0x222: {  	v26 =	vld [tilespmem:s31+$0x230];
	v20 =	vmul.f32 $1.442695020e+00, v20;
	(erf) = vpow2.f32 v24  }
0x223: {  	v24 =	vld [tilespmem:s31+$0x220];
	(erf) = vpow2.f32 v17;
	v18 =	vmul.f32 v21, v11;
	v16 =	vadd.f32 v23, v16  }
0x224: {  	v21 =	vmul.f32 v22, v11;
	(erf) = vpow2.f32 v20;
	v22 =	vpop (erf);
	v20 =	vld [tilespmem:s31+$0x210]  }
0x225: {  	v15 =	vmul.f32 $1.442695020e+00, v15;
	v18 =	vmul.f32 $1.442695020e+00, v18;
	v63 =	vadd.f32 v22, v16;
	v22 =	vld [tilespmem:s31+$0x200]  }
0x226: {  	(erf) = vpow2.f32 v19;
	v23 =	vld [tilespmem:s31+$0x260]  }
0x227: {  	v17 =	vmul.f32 v25, v11;
	v27 =	vpop (erf);
	(erf) = vpow2.f32 v15  }
0x228: {  	v19 =	vmul.f32 v26, v11;
	v15 =	vimm.f32 $0.0e+00;
	(erf) = vpow2.f32 v18;
	v16 =	vpop (erf)  }
0x229: {  	s26 =	simm.s32 $0x3000;
	v25 =	vmul.f32 $1.442695020e+00, v21;
	v24 =	vmul.f32 v24, v11;
	v21 =	vadd.f32 v27, v63;
	v18 =	vpop (erf)  }
.LBB2_11:
0x22a: {  	s28 =	sshra.s32 s26, $0x2;
	p0 =	sne.s32 s26, $0x33000;
	s26 =	sadd.s32 $0x1000, s26;
	v22 =	vmul.f32 v22, v11;
	v20 =	vmul.f32 v20, v11  }
0x22b: {  	v26 =	vld [tilespmem:s28+$0x270];
	v23 =	vmul.f32 v23, v11;
	(erf) = vpow2.f32 v25;
	v25 =	vpop (erf);
	v21 =	vadd.f32 v13, v21  }
0x22c: {  	v13 =	vmov v18;
	v27 =	vld [tilespmem:s28+$0x250];
	v30 =	vmul.f32 $1.442695020e+00, v22;
	v28 =	vmul.f32 $1.442695020e+00, v20;
	v29 =	vpop (erf)  }
0x22d: {  	v20 =	vmul.f32 $1.442695020e+00, v24;
	v18 =	vld [tilespmem:s28+$0x240];
	v23 =	vmul.f32 $1.442695020e+00, v23;
	v21 =	vadd.f32 v14, v21;
	v14 =	vpop (erf)  }
0x22e: {  	v19 =	vmul.f32 $1.442695020e+00, v19;
	v24 =	vld [tilespmem:s28+$0x230];
	(erf) = vpow2.f32 v30;
	v22 =	vpop (erf)  }
0x22f: {  	v31 =	vmul.f32 $1.442695020e+00, v17;
	v30 =	vld [tilespmem:s28+$0x220];
	(erf) = vpow2.f32 v20;
	v17 =	vadd.f32 v22, v25;
	v25 =	vpop (erf)  }
0x230: {  	v33 =	vadd.f32 v12, v21;
	v20 =	vld [tilespmem:s28+$0x210];
	v26 =	vmul.f32 v26, v11;
	(erf) = vpow2.f32 v23;
	v32 =	vpop (erf)  }
.Ltmp6:
0x231: {  	v22 =	vld [tilespmem:s28+$0x200];
	v21 =	vmul.f32 v27, v11;
	(erf) = vpow2.f32 v28;
	v27 =	vpop (erf);
	v28 =	vadd.f32 v29, v17;
	(pc) =	sbr.rel @p0 .LBB2_11-.Ltmp6, $4  }
0x232: {  	v12 =	vmovc v16;
	v15 =	vadd.f32 v33, v15;
	v23 =	vld [tilespmem:s28+$0x260];
	v26 =	vmul.f32 $1.442695020e+00, v26;
	(erf) = vpow2.f32 v19;
	v16 =	vmovc v27  }
0x233: {  	v17 =	vmul.f32 v18, v11;
	(erf) = vpow2.f32 v31;
	v27 =	vadd.f32 v25, v28  }
0x234: {  	v19 =	vmul.f32 v24, v11;
	(erf) = vpow2.f32 v26;
	v18 =	vpop (erf)  }
0x235: {  	v25 =	vmul.f32 $1.442695020e+00, v21;
	v24 =	vmul.f32 v30, v11;
	v21 =	vadd.f32 v32, v27  }
0x236: {  	v22 =	vmul.f32 v22, v11  }
0x237: {  	v20 =	vmul.f32 v20, v11  }
0x238: {  	v11 =	vmul.f32 v23, v11;
	v22 =	vmul.f32 $1.442695020e+00, v22  }
0x239: {  	v23 =	vmul.f32 $1.442695020e+00, v24  }
0x23a: {  	(erf) = vpow2.f32 v25;
	v11 =	vmul.f32 $1.442695020e+00, v11  }
0x23b: {  	v20 =	vmul.f32 $1.442695020e+00, v20;
	(erf) = vpow2.f32 v22  }
0x23c: {  	v22 =	vpop (erf);
	(erf) = vpow2.f32 v23  }
0x23d: {  	v23 =	vpop (erf);
	(erf) = vpow2.f32 v11  }
0x23e: {  	v11 =	vpop (erf);
	(erf) = vpow2.f32 v20  }
0x23f: {  	v19 =	vmul.f32 $1.442695020e+00, v19;
	v20 =	vpop (erf)  }
0x240: {  	v17 =	vmul.f32 $1.442695020e+00, v17;
	v24 =	vpop (erf)  }
0x241: {  	v25 =	vpop (erf)  }
0x242: {  	v26 =	vpop (erf);
	(erf) = vpow2.f32 v19  }
0x243: {  	v19 =	vpop (erf)  }
0x244: {  	(erf) = vpow2.f32 v17;
	v17 =	vpop (erf)  }
0x245: {  	v27 =	vpop (erf)  }
0x246: {  	v20 =	vadd.f32 v20, v22;
	v22 =	vpop (erf)  }
0x247: {  	v28 =	vpop (erf)  }
0x248: {  	v20 =	vadd.f32 v23, v20;
	v17 =	vadd.f32 v28, v17;
	_ =	sdelay $0x1  }
0x249: {  	v20 =	vadd.f32 v24, v20;
	v17 =	vadd.f32 v27, v17  }
0x24a: {  	v13 =	vadd.f32 v13, v21;
	v21 =	vpop (erf)  }
0x24b: {  	v20 =	vadd.f32 v25, v20;
	v17 =	vadd.f32 v21, v17  }
0x24c: {  	s26 =	sshll.u32 s25, $0x4;
	v13 =	vadd.f32 v14, v13;
	v14 =	vpop (erf)  }
0x24d: {  	v18 =	vadd.f32 v18, v20;
	v14 =	vadd.f32 v14, v17;
	v17 =	vmov s26  }
0x24e: {  	v12 =	vadd.f32 v12, v13;
	v13 =	vshrl.u32 v17, $0x7  }
0x24f: {  	v11 =	vadd.f32 v11, v18;
	v14 =	vadd.f32 v19, v14;
	v13 =	vshll.u32 v13, $0x7  }
0x250: {  	v12 =	vadd.f32 v12, v15;
	v13 =	vbroadcast v13, $0x0  }
0x251: {  	v11 =	vadd.f32 v16, v11;
	v14 =	vadd.f32 v22, v14  }
0x252: {  	s30 =	sshll.u32 s25, $0x7;
	v13 =	vor.u32 v6, v13  }
0x253: {  	v11 =	vadd.f32 v11, v12;
	v12 =	vadd.f32 v26, v14;
	v14 =	vor.u32 s30, v2;
	_ =	sdelay $0x1  }
0x254: {  	v11 =	vadd.f32 v12, v11;
	_ =	sdelay $0x1  }
0x255: {  	[tilespmem:v13+s18+$0x0] =	vst.idx.add.f32.msk $0xffff, v11  }
0x256: {  	v11 =	vld.idx.msk [tilespmem:v14+s15+$0x0], $0xffff;
	_ =	sdelay $0x4  }
0x257: {  	v11 =	vsub.s32 v11, v10  }
0x258: {  	vm1 =	vgt.s32 v11, $0x0  }
0x259: {  	v12 =	vnsel vm1, $0x0, v11  }
0x25a: {  	v12 =	vmin.u32 v12, $0x19FF  }
0x25b: {  	v14 =	vshll.u32 v12, $0x3  }
0x25c: {  	v12 =	vand.u32 $0x7F, v12;
	v14 =	vand.u32 $0xFC00, v14  }
0x25d: {  	v12 =	vor.u32 v14, v12  }
0x25e: {  	v12 =	vor.u32 $0x200, v12;
	_ =	sdelay $0x1  }
0x25f: {  	s25 =	sor.u32 $0x5, s24  }
0x260: {  	s31 =	sadd.s32 s5, s25  }
0x261: {  	s28 =	simm.s32 $0x0;
	v14 =	vmov s31  }
0x262: {  	v14 =	vand.u32 $0xFFFFFFFD, v14;
	v12 =	vld.idx.msk [tilespmem:v12+s28+$0x0], $0xffff  }
0x263: {  	v14 =	vbroadcast v14, $0x0;
	_ =	sdelay $0x1  }
0x264: {  	vm1 =	vlt.u32 v11, $0x1A00  }
0x265: {  	vm1 =	vmand vm1, vm0  }
0x266: {  	v11 =	vnsel vm1, $0x0, v12  }
0x267: {  	[tilespmem:v13+s19+$0x0] =	vst.idx.add.f32.msk $0xffff, v11  }
0x268: {  	s29 =	simm.s32 $0x0;
	v11 =	vld.idx.msk [tilespmem:v14+s13+$0x0], $0xffff  }
0x269: {  	v12 =	vld [tilespmem:s29+$0x2F0]  }
0x26a: {  	v13 =	vld [tilespmem:s29+$0x2D0]  }
0x26b: {  	v14 =	vld [tilespmem:s29+$0x2C0]  }
0x26c: {  	v15 =	vld [tilespmem:s29+$0x2B0]  }
0x26d: {  	v17 =	vld [tilespmem:s29+$0x290]  }
0x26e: {  	v16 =	vld [tilespmem:s29+$0x2A0]  }
0x26f: {  	v18 =	vld [tilespmem:s29+$0x280];
	v12 =	vmul.f32 v12, v11  }
0x270: {  	v19 =	vld [tilespmem:s29+$0x2E0];
	v13 =	vmul.f32 v13, v11  }
0x271: {  	v14 =	vmul.f32 v14, v11;
	v12 =	vmul.f32 $1.442695020e+00, v12  }
0x272: {  	v15 =	vmul.f32 v15, v11;
	v17 =	vmul.f32 v17, v11  }
0x273: {  	v13 =	vmul.f32 $1.442695020e+00, v13;
	(erf) = vpow2.f32 v12  }
0x274: {  	s30 =	simm.s32 $0x400;
	v12 =	vmul.f32 v16, v11;
	v16 =	vmul.f32 v18, v11  }
0x275: {  	v19 =	vmul.f32 v19, v11;
	v17 =	vmul.f32 $1.442695020e+00, v17;
	v18 =	vld [tilespmem:s30+$0x2F0]  }
0x276: {  	(erf) = vpow2.f32 v13;
	v13 =	vld [tilespmem:s30+$0x2D0];
	v16 =	vmul.f32 $1.442695020e+00, v16  }
0x277: {  	v19 =	vmul.f32 $1.442695020e+00, v19;
	v12 =	vmul.f32 $1.442695020e+00, v12  }
0x278: {  	v15 =	vmul.f32 $1.442695020e+00, v15;
	(erf) = vpow2.f32 v16  }
0x279: {  	v14 =	vmul.f32 $1.442695020e+00, v14;
	v16 =	vld [tilespmem:s30+$0x2A0];
	(erf) = vpow2.f32 v12  }
0x27a: {  	v12 =	vmul.f32 v18, v11;
	v18 =	vld [tilespmem:s30+$0x280];
	(erf) = vpow2.f32 v19  }
0x27b: {  	v13 =	vmul.f32 v13, v11;
	(erf) = vpow2.f32 v17  }
0x27c: {  	v20 =	vld [tilespmem:s30+$0x2C0];
	v12 =	vmul.f32 $1.442695020e+00, v12;
	(erf) = vpow2.f32 v15  }
0x27d: {  	v21 =	vld [tilespmem:s30+$0x2B0];
	(erf) = vpow2.f32 v14  }
0x27e: {  	v22 =	vld [tilespmem:s30+$0x290];
	v14 =	vmul.f32 v16, v11;
	v16 =	vmul.f32 $1.442695020e+00, v13  }
0x27f: {  	v17 =	vld [tilespmem:s30+$0x2E0];
	v18 =	vmul.f32 v18, v11  }
0x280: {  	(erf) = vpow2.f32 v12;
	v12 =	vpop (erf)  }
0x281: {  	v13 =	vpop (erf);
	v18 =	vmul.f32 $1.442695020e+00, v18  }
0x282: {  	s31 =	simm.s32 $0x800;
	v19 =	vmul.f32 v21, v11;
	(erf) = vpow2.f32 v16;
	v16 =	vpop (erf)  }
0x283: {  	v21 =	vld [tilespmem:s31+$0x2F0];
	v15 =	vmul.f32 v20, v11;
	v20 =	vmul.f32 v22, v11;
	v23 =	vpop (erf)  }
0x284: {  	v22 =	vld [tilespmem:s31+$0x2D0];
	v24 =	vmul.f32 $1.442695020e+00, v14;
	v17 =	vmul.f32 v17, v11;
	v14 =	vpop (erf)  }
0x285: {  	(erf) = vpow2.f32 v18;
	v18 =	vpop (erf)  }
0x286: {  	v25 =	vld [tilespmem:s31+$0x2C0];
	v19 =	vmul.f32 $1.442695020e+00, v19;
	v17 =	vmul.f32 $1.442695020e+00, v17;
	v16 =	vadd.f32 v18, v16  }
0x287: {  	v26 =	vld [tilespmem:s31+$0x2B0];
	v20 =	vmul.f32 $1.442695020e+00, v20;
	(erf) = vpow2.f32 v24  }
0x288: {  	v24 =	vld [tilespmem:s31+$0x2A0];
	(erf) = vpow2.f32 v17;
	v18 =	vmul.f32 v21, v11;
	v16 =	vadd.f32 v23, v16  }
0x289: {  	v21 =	vmul.f32 v22, v11;
	(erf) = vpow2.f32 v20;
	v22 =	vpop (erf);
	v20 =	vld [tilespmem:s31+$0x290]  }
0x28a: {  	v15 =	vmul.f32 $1.442695020e+00, v15;
	v18 =	vmul.f32 $1.442695020e+00, v18;
	v63 =	vadd.f32 v22, v16;
	v22 =	vld [tilespmem:s31+$0x280]  }
0x28b: {  	(erf) = vpow2.f32 v19;
	v23 =	vld [tilespmem:s31+$0x2E0]  }
0x28c: {  	v17 =	vmul.f32 v25, v11;
	v27 =	vpop (erf);
	(erf) = vpow2.f32 v15  }
0x28d: {  	v19 =	vmul.f32 v26, v11;
	v15 =	vimm.f32 $0.0e+00;
	(erf) = vpow2.f32 v18;
	v16 =	vpop (erf)  }
0x28e: {  	s26 =	simm.s32 $0x3000;
	v25 =	vmul.f32 $1.442695020e+00, v21;
	v24 =	vmul.f32 v24, v11;
	v21 =	vadd.f32 v27, v63;
	v18 =	vpop (erf)  }
.LBB2_13:
0x28f: {  	s28 =	sshra.s32 s26, $0x2;
	p0 =	sne.s32 s26, $0x33000;
	s26 =	sadd.s32 $0x1000, s26;
	v22 =	vmul.f32 v22, v11;
	v20 =	vmul.f32 v20, v11  }
0x290: {  	v26 =	vld [tilespmem:s28+$0x2F0];
	v23 =	vmul.f32 v23, v11;
	(erf) = vpow2.f32 v25;
	v25 =	vpop (erf);
	v21 =	vadd.f32 v13, v21  }
0x291: {  	v13 =	vmov v18;
	v27 =	vld [tilespmem:s28+$0x2D0];
	v30 =	vmul.f32 $1.442695020e+00, v22;
	v28 =	vmul.f32 $1.442695020e+00, v20;
	v29 =	vpop (erf)  }
0x292: {  	v20 =	vmul.f32 $1.442695020e+00, v24;
	v18 =	vld [tilespmem:s28+$0x2C0];
	v23 =	vmul.f32 $1.442695020e+00, v23;
	v21 =	vadd.f32 v14, v21;
	v14 =	vpop (erf)  }
0x293: {  	v19 =	vmul.f32 $1.442695020e+00, v19;
	v24 =	vld [tilespmem:s28+$0x2B0];
	(erf) = vpow2.f32 v30;
	v22 =	vpop (erf)  }
0x294: {  	v31 =	vmul.f32 $1.442695020e+00, v17;
	v30 =	vld [tilespmem:s28+$0x2A0];
	(erf) = vpow2.f32 v20;
	v17 =	vadd.f32 v22, v25;
	v25 =	vpop (erf)  }
0x295: {  	v33 =	vadd.f32 v12, v21;
	v20 =	vld [tilespmem:s28+$0x290];
	v26 =	vmul.f32 v26, v11;
	(erf) = vpow2.f32 v23;
	v32 =	vpop (erf)  }
.Ltmp7:
0x296: {  	v22 =	vld [tilespmem:s28+$0x280];
	v21 =	vmul.f32 v27, v11;
	(erf) = vpow2.f32 v28;
	v27 =	vpop (erf);
	v28 =	vadd.f32 v29, v17;
	(pc) =	sbr.rel @p0 .LBB2_13-.Ltmp7, $4  }
0x297: {  	v12 =	vmovc v16;
	v15 =	vadd.f32 v33, v15;
	v23 =	vld [tilespmem:s28+$0x2E0];
	v26 =	vmul.f32 $1.442695020e+00, v26;
	(erf) = vpow2.f32 v19;
	v16 =	vmovc v27  }
0x298: {  	v17 =	vmul.f32 v18, v11;
	(erf) = vpow2.f32 v31;
	v27 =	vadd.f32 v25, v28  }
0x299: {  	v19 =	vmul.f32 v24, v11;
	(erf) = vpow2.f32 v26;
	v18 =	vpop (erf)  }
0x29a: {  	v25 =	vmul.f32 $1.442695020e+00, v21;
	v24 =	vmul.f32 v30, v11;
	v21 =	vadd.f32 v32, v27  }
0x29b: {  	v22 =	vmul.f32 v22, v11  }
0x29c: {  	v20 =	vmul.f32 v20, v11  }
0x29d: {  	v11 =	vmul.f32 v23, v11;
	v22 =	vmul.f32 $1.442695020e+00, v22  }
0x29e: {  	v23 =	vmul.f32 $1.442695020e+00, v24  }
0x29f: {  	(erf) = vpow2.f32 v25;
	v11 =	vmul.f32 $1.442695020e+00, v11  }
0x2a0: {  	v20 =	vmul.f32 $1.442695020e+00, v20;
	(erf) = vpow2.f32 v22  }
0x2a1: {  	v22 =	vpop (erf);
	(erf) = vpow2.f32 v23  }
0x2a2: {  	v23 =	vpop (erf);
	(erf) = vpow2.f32 v11  }
0x2a3: {  	v11 =	vpop (erf);
	(erf) = vpow2.f32 v20  }
0x2a4: {  	v19 =	vmul.f32 $1.442695020e+00, v19;
	v20 =	vpop (erf)  }
0x2a5: {  	v17 =	vmul.f32 $1.442695020e+00, v17;
	v24 =	vpop (erf)  }
0x2a6: {  	v25 =	vpop (erf)  }
0x2a7: {  	v26 =	vpop (erf);
	(erf) = vpow2.f32 v19  }
0x2a8: {  	v19 =	vpop (erf)  }
0x2a9: {  	(erf) = vpow2.f32 v17;
	v17 =	vpop (erf)  }
0x2aa: {  	v27 =	vpop (erf)  }
0x2ab: {  	v20 =	vadd.f32 v20, v22;
	v22 =	vpop (erf)  }
0x2ac: {  	v28 =	vpop (erf)  }
0x2ad: {  	v20 =	vadd.f32 v23, v20;
	v17 =	vadd.f32 v28, v17;
	_ =	sdelay $0x1  }
0x2ae: {  	v20 =	vadd.f32 v24, v20;
	v17 =	vadd.f32 v27, v17  }
0x2af: {  	v13 =	vadd.f32 v13, v21;
	v21 =	vpop (erf)  }
0x2b0: {  	v20 =	vadd.f32 v25, v20;
	v17 =	vadd.f32 v21, v17  }
0x2b1: {  	s26 =	sshll.u32 s25, $0x4;
	v13 =	vadd.f32 v14, v13;
	v14 =	vpop (erf)  }
0x2b2: {  	v18 =	vadd.f32 v18, v20;
	v14 =	vadd.f32 v14, v17;
	v17 =	vmov s26  }
0x2b3: {  	v12 =	vadd.f32 v12, v13;
	v13 =	vshrl.u32 v17, $0x7  }
0x2b4: {  	v11 =	vadd.f32 v11, v18;
	v14 =	vadd.f32 v19, v14;
	v13 =	vshll.u32 v13, $0x7  }
0x2b5: {  	v12 =	vadd.f32 v12, v15;
	v13 =	vbroadcast v13, $0x0  }
0x2b6: {  	v11 =	vadd.f32 v16, v11;
	v14 =	vadd.f32 v22, v14  }
0x2b7: {  	s30 =	sshll.u32 s25, $0x7;
	v13 =	vor.u32 v7, v13  }
0x2b8: {  	v11 =	vadd.f32 v11, v12;
	v12 =	vadd.f32 v26, v14;
	v14 =	vor.u32 s30, v2;
	_ =	sdelay $0x1  }
0x2b9: {  	v11 =	vadd.f32 v12, v11;
	_ =	sdelay $0x1  }
0x2ba: {  	[tilespmem:v13+s18+$0x0] =	vst.idx.add.f32.msk $0xffff, v11  }
0x2bb: {  	v11 =	vld.idx.msk [tilespmem:v14+s15+$0x0], $0xffff;
	_ =	sdelay $0x4  }
0x2bc: {  	v11 =	vsub.s32 v11, v10  }
0x2bd: {  	vm1 =	vgt.s32 v11, $0x0  }
0x2be: {  	v12 =	vnsel vm1, $0x0, v11  }
0x2bf: {  	v12 =	vmin.u32 v12, $0x19FF  }
0x2c0: {  	v14 =	vshll.u32 v12, $0x3  }
0x2c1: {  	v12 =	vand.u32 $0x7F, v12;
	v14 =	vand.u32 $0xFC00, v14  }
0x2c2: {  	v12 =	vor.u32 v14, v12  }
0x2c3: {  	v12 =	vor.u32 $0x280, v12;
	_ =	sdelay $0x1  }
0x2c4: {  	s25 =	sor.u32 $0x6, s24  }
0x2c5: {  	s31 =	sadd.s32 s5, s25  }
0x2c6: {  	s28 =	simm.s32 $0x0;
	v14 =	vmov s31  }
0x2c7: {  	v14 =	vand.u32 $0xFFFFFFFE, v14;
	v12 =	vld.idx.msk [tilespmem:v12+s28+$0x0], $0xffff  }
0x2c8: {  	v14 =	vbroadcast v14, $0x0;
	_ =	sdelay $0x1  }
0x2c9: {  	vm1 =	vlt.u32 v11, $0x1A00  }
0x2ca: {  	vm1 =	vmand vm1, vm0  }
0x2cb: {  	v11 =	vnsel vm1, $0x0, v12  }
0x2cc: {  	[tilespmem:v13+s19+$0x0] =	vst.idx.add.f32.msk $0xffff, v11  }
0x2cd: {  	s29 =	simm.s32 $0x0;
	v11 =	vld.idx.msk [tilespmem:v14+s13+$0x0], $0xffff  }
0x2ce: {  	v12 =	vld [tilespmem:s29+$0x370]  }
0x2cf: {  	v13 =	vld [tilespmem:s29+$0x350]  }
0x2d0: {  	v14 =	vld [tilespmem:s29+$0x340]  }
0x2d1: {  	v15 =	vld [tilespmem:s29+$0x330]  }
0x2d2: {  	v17 =	vld [tilespmem:s29+$0x310]  }
0x2d3: {  	v16 =	vld [tilespmem:s29+$0x320]  }
0x2d4: {  	v18 =	vld [tilespmem:s29+$0x300];
	v12 =	vmul.f32 v12, v11  }
0x2d5: {  	v19 =	vld [tilespmem:s29+$0x360];
	v13 =	vmul.f32 v13, v11  }
0x2d6: {  	v14 =	vmul.f32 v14, v11;
	v12 =	vmul.f32 $1.442695020e+00, v12  }
0x2d7: {  	v15 =	vmul.f32 v15, v11;
	v17 =	vmul.f32 v17, v11  }
0x2d8: {  	v13 =	vmul.f32 $1.442695020e+00, v13;
	(erf) = vpow2.f32 v12  }
0x2d9: {  	s30 =	simm.s32 $0x400;
	v12 =	vmul.f32 v16, v11;
	v16 =	vmul.f32 v18, v11  }
0x2da: {  	v19 =	vmul.f32 v19, v11;
	v17 =	vmul.f32 $1.442695020e+00, v17;
	v18 =	vld [tilespmem:s30+$0x370]  }
0x2db: {  	(erf) = vpow2.f32 v13;
	v13 =	vld [tilespmem:s30+$0x350];
	v16 =	vmul.f32 $1.442695020e+00, v16  }
0x2dc: {  	v19 =	vmul.f32 $1.442695020e+00, v19;
	v12 =	vmul.f32 $1.442695020e+00, v12  }
0x2dd: {  	v15 =	vmul.f32 $1.442695020e+00, v15;
	(erf) = vpow2.f32 v16  }
0x2de: {  	v14 =	vmul.f32 $1.442695020e+00, v14;
	v16 =	vld [tilespmem:s30+$0x320];
	(erf) = vpow2.f32 v12  }
0x2df: {  	v12 =	vmul.f32 v18, v11;
	v18 =	vld [tilespmem:s30+$0x300];
	(erf) = vpow2.f32 v19  }
0x2e0: {  	v13 =	vmul.f32 v13, v11;
	(erf) = vpow2.f32 v17  }
0x2e1: {  	v20 =	vld [tilespmem:s30+$0x340];
	v12 =	vmul.f32 $1.442695020e+00, v12;
	(erf) = vpow2.f32 v15  }
0x2e2: {  	v21 =	vld [tilespmem:s30+$0x330];
	(erf) = vpow2.f32 v14  }
0x2e3: {  	v22 =	vld [tilespmem:s30+$0x310];
	v14 =	vmul.f32 v16, v11;
	v16 =	vmul.f32 $1.442695020e+00, v13  }
0x2e4: {  	v17 =	vld [tilespmem:s30+$0x360];
	v18 =	vmul.f32 v18, v11  }
0x2e5: {  	(erf) = vpow2.f32 v12;
	v12 =	vpop (erf)  }
0x2e6: {  	v13 =	vpop (erf);
	v18 =	vmul.f32 $1.442695020e+00, v18  }
0x2e7: {  	s31 =	simm.s32 $0x800;
	v19 =	vmul.f32 v21, v11;
	(erf) = vpow2.f32 v16;
	v16 =	vpop (erf)  }
0x2e8: {  	v21 =	vld [tilespmem:s31+$0x370];
	v15 =	vmul.f32 v20, v11;
	v20 =	vmul.f32 v22, v11;
	v23 =	vpop (erf)  }
0x2e9: {  	v22 =	vld [tilespmem:s31+$0x350];
	v24 =	vmul.f32 $1.442695020e+00, v14;
	v17 =	vmul.f32 v17, v11;
	v14 =	vpop (erf)  }
0x2ea: {  	(erf) = vpow2.f32 v18;
	v18 =	vpop (erf)  }
0x2eb: {  	v25 =	vld [tilespmem:s31+$0x340];
	v19 =	vmul.f32 $1.442695020e+00, v19;
	v17 =	vmul.f32 $1.442695020e+00, v17;
	v16 =	vadd.f32 v18, v16  }
0x2ec: {  	v26 =	vld [tilespmem:s31+$0x330];
	v20 =	vmul.f32 $1.442695020e+00, v20;
	(erf) = vpow2.f32 v24  }
0x2ed: {  	v24 =	vld [tilespmem:s31+$0x320];
	(erf) = vpow2.f32 v17;
	v18 =	vmul.f32 v21, v11;
	v16 =	vadd.f32 v23, v16  }
0x2ee: {  	v21 =	vmul.f32 v22, v11;
	(erf) = vpow2.f32 v20;
	v22 =	vpop (erf);
	v20 =	vld [tilespmem:s31+$0x310]  }
0x2ef: {  	v15 =	vmul.f32 $1.442695020e+00, v15;
	v18 =	vmul.f32 $1.442695020e+00, v18;
	v63 =	vadd.f32 v22, v16;
	v22 =	vld [tilespmem:s31+$0x300]  }
0x2f0: {  	(erf) = vpow2.f32 v19;
	v23 =	vld [tilespmem:s31+$0x360]  }
0x2f1: {  	v17 =	vmul.f32 v25, v11;
	v27 =	vpop (erf);
	(erf) = vpow2.f32 v15  }
0x2f2: {  	v19 =	vmul.f32 v26, v11;
	v15 =	vimm.f32 $0.0e+00;
	(erf) = vpow2.f32 v18;
	v16 =	vpop (erf)  }
0x2f3: {  	s26 =	simm.s32 $0x3000;
	v25 =	vmul.f32 $1.442695020e+00, v21;
	v24 =	vmul.f32 v24, v11;
	v21 =	vadd.f32 v27, v63;
	v18 =	vpop (erf)  }
.LBB2_15:
0x2f4: {  	s28 =	sshra.s32 s26, $0x2;
	p0 =	sne.s32 s26, $0x33000;
	s26 =	sadd.s32 $0x1000, s26;
	v22 =	vmul.f32 v22, v11;
	v20 =	vmul.f32 v20, v11  }
0x2f5: {  	v26 =	vld [tilespmem:s28+$0x370];
	v23 =	vmul.f32 v23, v11;
	(erf) = vpow2.f32 v25;
	v25 =	vpop (erf);
	v21 =	vadd.f32 v13, v21  }
0x2f6: {  	v13 =	vmov v18;
	v27 =	vld [tilespmem:s28+$0x350];
	v30 =	vmul.f32 $1.442695020e+00, v22;
	v28 =	vmul.f32 $1.442695020e+00, v20;
	v29 =	vpop (erf)  }
0x2f7: {  	v20 =	vmul.f32 $1.442695020e+00, v24;
	v18 =	vld [tilespmem:s28+$0x340];
	v23 =	vmul.f32 $1.442695020e+00, v23;
	v21 =	vadd.f32 v14, v21;
	v14 =	vpop (erf)  }
0x2f8: {  	v19 =	vmul.f32 $1.442695020e+00, v19;
	v24 =	vld [tilespmem:s28+$0x330];
	(erf) = vpow2.f32 v30;
	v22 =	vpop (erf)  }
0x2f9: {  	v31 =	vmul.f32 $1.442695020e+00, v17;
	v30 =	vld [tilespmem:s28+$0x320];
	(erf) = vpow2.f32 v20;
	v17 =	vadd.f32 v22, v25;
	v25 =	vpop (erf)  }
0x2fa: {  	v33 =	vadd.f32 v12, v21;
	v20 =	vld [tilespmem:s28+$0x310];
	v26 =	vmul.f32 v26, v11;
	(erf) = vpow2.f32 v23;
	v32 =	vpop (erf)  }
.Ltmp8:
0x2fb: {  	v22 =	vld [tilespmem:s28+$0x300];
	v21 =	vmul.f32 v27, v11;
	(erf) = vpow2.f32 v28;
	v27 =	vpop (erf);
	v28 =	vadd.f32 v29, v17;
	(pc) =	sbr.rel @p0 .LBB2_15-.Ltmp8, $4  }
0x2fc: {  	v12 =	vmovc v16;
	v15 =	vadd.f32 v33, v15;
	v23 =	vld [tilespmem:s28+$0x360];
	v26 =	vmul.f32 $1.442695020e+00, v26;
	(erf) = vpow2.f32 v19;
	v16 =	vmovc v27  }
0x2fd: {  	v17 =	vmul.f32 v18, v11;
	(erf) = vpow2.f32 v31;
	v27 =	vadd.f32 v25, v28  }
0x2fe: {  	v19 =	vmul.f32 v24, v11;
	(erf) = vpow2.f32 v26;
	v18 =	vpop (erf)  }
0x2ff: {  	v25 =	vmul.f32 $1.442695020e+00, v21;
	v24 =	vmul.f32 v30, v11;
	v21 =	vadd.f32 v32, v27  }
0x300: {  	v22 =	vmul.f32 v22, v11  }
0x301: {  	v20 =	vmul.f32 v20, v11  }
0x302: {  	v11 =	vmul.f32 v23, v11;
	v22 =	vmul.f32 $1.442695020e+00, v22  }
0x303: {  	v23 =	vmul.f32 $1.442695020e+00, v24  }
0x304: {  	(erf) = vpow2.f32 v25;
	v11 =	vmul.f32 $1.442695020e+00, v11  }
0x305: {  	v20 =	vmul.f32 $1.442695020e+00, v20;
	(erf) = vpow2.f32 v22  }
0x306: {  	v22 =	vpop (erf);
	(erf) = vpow2.f32 v23  }
0x307: {  	v23 =	vpop (erf);
	(erf) = vpow2.f32 v11  }
0x308: {  	v11 =	vpop (erf);
	(erf) = vpow2.f32 v20  }
0x309: {  	v19 =	vmul.f32 $1.442695020e+00, v19;
	v20 =	vpop (erf)  }
0x30a: {  	v17 =	vmul.f32 $1.442695020e+00, v17;
	v24 =	vpop (erf)  }
0x30b: {  	v25 =	vpop (erf)  }
0x30c: {  	v26 =	vpop (erf);
	(erf) = vpow2.f32 v19  }
0x30d: {  	v19 =	vpop (erf)  }
0x30e: {  	(erf) = vpow2.f32 v17;
	v17 =	vpop (erf)  }
0x30f: {  	v27 =	vpop (erf)  }
0x310: {  	v20 =	vadd.f32 v20, v22;
	v22 =	vpop (erf)  }
0x311: {  	v28 =	vpop (erf)  }
0x312: {  	v20 =	vadd.f32 v23, v20;
	v17 =	vadd.f32 v28, v17;
	_ =	sdelay $0x1  }
0x313: {  	v20 =	vadd.f32 v24, v20;
	v17 =	vadd.f32 v27, v17  }
0x314: {  	v13 =	vadd.f32 v13, v21;
	v21 =	vpop (erf)  }
0x315: {  	v20 =	vadd.f32 v25, v20;
	v17 =	vadd.f32 v21, v17  }
0x316: {  	s26 =	sshll.u32 s25, $0x4;
	v13 =	vadd.f32 v14, v13;
	v14 =	vpop (erf)  }
0x317: {  	v18 =	vadd.f32 v18, v20;
	v14 =	vadd.f32 v14, v17;
	v17 =	vmov s26  }
0x318: {  	v12 =	vadd.f32 v12, v13;
	v13 =	vshrl.u32 v17, $0x7  }
0x319: {  	v11 =	vadd.f32 v11, v18;
	v14 =	vadd.f32 v19, v14;
	v13 =	vshll.u32 v13, $0x7  }
0x31a: {  	v12 =	vadd.f32 v12, v15;
	v13 =	vbroadcast v13, $0x0  }
0x31b: {  	v11 =	vadd.f32 v16, v11;
	v14 =	vadd.f32 v22, v14  }
0x31c: {  	s31 =	sshll.u32 s25, $0x7;
	v13 =	vor.u32 v8, v13  }
0x31d: {  	v11 =	vadd.f32 v11, v12;
	v12 =	vadd.f32 v26, v14;
	v14 =	vor.u32 s31, v2;
	_ =	sdelay $0x1  }
0x31e: {  	v11 =	vadd.f32 v12, v11;
	_ =	sdelay $0x1  }
0x31f: {  	[tilespmem:v13+s18+$0x0] =	vst.idx.add.f32.msk $0xffff, v11  }
0x320: {  	v11 =	vld.idx.msk [tilespmem:v14+s15+$0x0], $0xffff;
	_ =	sdelay $0x4  }
0x321: {  	v11 =	vsub.s32 v11, v10  }
0x322: {  	vm1 =	vgt.s32 v11, $0x0  }
0x323: {  	v12 =	vnsel vm1, $0x0, v11  }
0x324: {  	v12 =	vmin.u32 v12, $0x19FF  }
0x325: {  	v14 =	vshll.u32 v12, $0x3  }
0x326: {  	v12 =	vand.u32 $0x7F, v12;
	v14 =	vand.u32 $0xFC00, v14  }
0x327: {  	v12 =	vor.u32 v14, v12  }
0x328: {  	v12 =	vor.u32 $0x300, v12;
	_ =	sdelay $0x3  }
0x329: {  	s26 =	simm.s32 $0x0  }
0x32a: {  	s24 =	sor.u32 $0x7, s24;
	v12 =	vld.idx.msk [tilespmem:v12+s26+$0x0], $0xffff  }
0x32b: {  	s28 =	sadd.s32 s5, s24  }
0x32c: {  	v14 =	vmov s28  }
0x32d: {  	vm1 =	vlt.u32 v11, $0x1A00  }
0x32e: {  	vm1 =	vmand vm1, vm0  }
0x32f: {  	v11 =	vnsel vm1, $0x0, v12  }
0x330: {  	[tilespmem:v13+s19+$0x0] =	vst.idx.add.f32.msk $0xffff, v11  }
0x331: {  	s29 =	simm.s32 $0x0;
	v11 =	vld.idx.msk [tilespmem:v14+s13+$0x0], $0xffff  }
0x332: {  	v12 =	vld [tilespmem:s29+$0x3F0]  }
0x333: {  	v13 =	vld [tilespmem:s29+$0x3D0]  }
0x334: {  	v14 =	vld [tilespmem:s29+$0x3C0]  }
0x335: {  	v15 =	vld [tilespmem:s29+$0x3B0]  }
0x336: {  	v17 =	vld [tilespmem:s29+$0x390]  }
0x337: {  	v16 =	vld [tilespmem:s29+$0x3A0]  }
0x338: {  	v18 =	vld [tilespmem:s29+$0x380];
	v12 =	vmul.f32 v12, v11  }
0x339: {  	v19 =	vld [tilespmem:s29+$0x3E0];
	v13 =	vmul.f32 v13, v11  }
0x33a: {  	v14 =	vmul.f32 v14, v11;
	v12 =	vmul.f32 $1.442695020e+00, v12  }
0x33b: {  	v15 =	vmul.f32 v15, v11;
	v17 =	vmul.f32 v17, v11  }
0x33c: {  	v13 =	vmul.f32 $1.442695020e+00, v13;
	(erf) = vpow2.f32 v12  }
0x33d: {  	s30 =	simm.s32 $0x400;
	v12 =	vmul.f32 v16, v11;
	v16 =	vmul.f32 v18, v11  }
0x33e: {  	v19 =	vmul.f32 v19, v11;
	v17 =	vmul.f32 $1.442695020e+00, v17;
	v18 =	vld [tilespmem:s30+$0x3F0]  }
0x33f: {  	(erf) = vpow2.f32 v13;
	v13 =	vld [tilespmem:s30+$0x3D0];
	v16 =	vmul.f32 $1.442695020e+00, v16  }
0x340: {  	v19 =	vmul.f32 $1.442695020e+00, v19;
	v12 =	vmul.f32 $1.442695020e+00, v12  }
0x341: {  	v15 =	vmul.f32 $1.442695020e+00, v15;
	(erf) = vpow2.f32 v16  }
0x342: {  	v14 =	vmul.f32 $1.442695020e+00, v14;
	v16 =	vld [tilespmem:s30+$0x3A0];
	(erf) = vpow2.f32 v12  }
0x343: {  	v12 =	vmul.f32 v18, v11;
	v18 =	vld [tilespmem:s30+$0x380];
	(erf) = vpow2.f32 v19  }
0x344: {  	v13 =	vmul.f32 v13, v11;
	(erf) = vpow2.f32 v17  }
0x345: {  	v20 =	vld [tilespmem:s30+$0x3C0];
	v12 =	vmul.f32 $1.442695020e+00, v12;
	(erf) = vpow2.f32 v15  }
0x346: {  	v21 =	vld [tilespmem:s30+$0x3B0];
	(erf) = vpow2.f32 v14  }
0x347: {  	v22 =	vld [tilespmem:s30+$0x390];
	v14 =	vmul.f32 v16, v11;
	v16 =	vmul.f32 $1.442695020e+00, v13  }
0x348: {  	v17 =	vld [tilespmem:s30+$0x3E0];
	v18 =	vmul.f32 v18, v11  }
0x349: {  	(erf) = vpow2.f32 v12;
	v12 =	vpop (erf)  }
0x34a: {  	v13 =	vpop (erf);
	v18 =	vmul.f32 $1.442695020e+00, v18  }
0x34b: {  	s31 =	simm.s32 $0x800;
	v19 =	vmul.f32 v21, v11;
	(erf) = vpow2.f32 v16;
	v16 =	vpop (erf)  }
0x34c: {  	v21 =	vld [tilespmem:s31+$0x3F0];
	v15 =	vmul.f32 v20, v11;
	v20 =	vmul.f32 v22, v11;
	v23 =	vpop (erf)  }
0x34d: {  	v22 =	vld [tilespmem:s31+$0x3D0];
	v24 =	vmul.f32 $1.442695020e+00, v14;
	v17 =	vmul.f32 v17, v11;
	v14 =	vpop (erf)  }
0x34e: {  	(erf) = vpow2.f32 v18;
	v18 =	vpop (erf)  }
0x34f: {  	v25 =	vld [tilespmem:s31+$0x3C0];
	v19 =	vmul.f32 $1.442695020e+00, v19;
	v17 =	vmul.f32 $1.442695020e+00, v17;
	v16 =	vadd.f32 v18, v16  }
0x350: {  	v26 =	vld [tilespmem:s31+$0x3B0];
	v20 =	vmul.f32 $1.442695020e+00, v20;
	(erf) = vpow2.f32 v24  }
0x351: {  	v24 =	vld [tilespmem:s31+$0x3A0];
	(erf) = vpow2.f32 v17;
	v18 =	vmul.f32 v21, v11;
	v16 =	vadd.f32 v23, v16  }
0x352: {  	v21 =	vmul.f32 v22, v11;
	(erf) = vpow2.f32 v20;
	v22 =	vpop (erf);
	v20 =	vld [tilespmem:s31+$0x390]  }
0x353: {  	v15 =	vmul.f32 $1.442695020e+00, v15;
	v18 =	vmul.f32 $1.442695020e+00, v18;
	v63 =	vadd.f32 v22, v16;
	v22 =	vld [tilespmem:s31+$0x380]  }
0x354: {  	(erf) = vpow2.f32 v19;
	v23 =	vld [tilespmem:s31+$0x3E0]  }
0x355: {  	v17 =	vmul.f32 v25, v11;
	v27 =	vpop (erf);
	(erf) = vpow2.f32 v15  }
0x356: {  	v19 =	vmul.f32 v26, v11;
	v15 =	vimm.f32 $0.0e+00;
	(erf) = vpow2.f32 v18;
	v16 =	vpop (erf)  }
0x357: {  	s25 =	simm.s32 $0x3000;
	v25 =	vmul.f32 $1.442695020e+00, v21;
	v24 =	vmul.f32 v24, v11;
	v21 =	vadd.f32 v27, v63;
	v18 =	vpop (erf)  }
.LBB2_17:
0x358: {  	s26 =	sshra.s32 s25, $0x2;
	p0 =	sne.s32 s25, $0x33000;
	s25 =	sadd.s32 $0x1000, s25;
	v22 =	vmul.f32 v22, v11;
	v20 =	vmul.f32 v20, v11  }
0x359: {  	v26 =	vld [tilespmem:s26+$0x3F0];
	v23 =	vmul.f32 v23, v11;
	(erf) = vpow2.f32 v25;
	v25 =	vpop (erf);
	v21 =	vadd.f32 v13, v21  }
0x35a: {  	v13 =	vmov v18;
	v27 =	vld [tilespmem:s26+$0x3D0];
	v30 =	vmul.f32 $1.442695020e+00, v22;
	v28 =	vmul.f32 $1.442695020e+00, v20;
	v29 =	vpop (erf)  }
0x35b: {  	v20 =	vmul.f32 $1.442695020e+00, v24;
	v18 =	vld [tilespmem:s26+$0x3C0];
	v23 =	vmul.f32 $1.442695020e+00, v23;
	v21 =	vadd.f32 v14, v21;
	v14 =	vpop (erf)  }
0x35c: {  	v19 =	vmul.f32 $1.442695020e+00, v19;
	v24 =	vld [tilespmem:s26+$0x3B0];
	(erf) = vpow2.f32 v30;
	v22 =	vpop (erf)  }
0x35d: {  	v31 =	vmul.f32 $1.442695020e+00, v17;
	v30 =	vld [tilespmem:s26+$0x3A0];
	(erf) = vpow2.f32 v20;
	v17 =	vadd.f32 v22, v25;
	v25 =	vpop (erf)  }
0x35e: {  	v33 =	vadd.f32 v12, v21;
	v20 =	vld [tilespmem:s26+$0x390];
	v26 =	vmul.f32 v26, v11;
	(erf) = vpow2.f32 v23;
	v32 =	vpop (erf)  }
.Ltmp9:
0x35f: {  	v22 =	vld [tilespmem:s26+$0x380];
	v21 =	vmul.f32 v27, v11;
	(erf) = vpow2.f32 v28;
	v27 =	vpop (erf);
	v28 =	vadd.f32 v29, v17;
	(pc) =	sbr.rel @p0 .LBB2_17-.Ltmp9, $4  }
0x360: {  	v12 =	vmovc v16;
	v15 =	vadd.f32 v33, v15;
	v23 =	vld [tilespmem:s26+$0x3E0];
	v26 =	vmul.f32 $1.442695020e+00, v26;
	(erf) = vpow2.f32 v19;
	v16 =	vmovc v27  }
0x361: {  	v17 =	vmul.f32 v18, v11;
	(erf) = vpow2.f32 v31;
	v27 =	vadd.f32 v25, v28  }
0x362: {  	v19 =	vmul.f32 v24, v11;
	(erf) = vpow2.f32 v26;
	v18 =	vpop (erf)  }
0x363: {  	v25 =	vmul.f32 $1.442695020e+00, v21;
	v24 =	vmul.f32 v30, v11;
	v21 =	vadd.f32 v32, v27  }
0x364: {  	v22 =	vmul.f32 v22, v11  }
0x365: {  	v20 =	vmul.f32 v20, v11  }
0x366: {  	v11 =	vmul.f32 v23, v11;
	v22 =	vmul.f32 $1.442695020e+00, v22  }
0x367: {  	v23 =	vmul.f32 $1.442695020e+00, v24  }
0x368: {  	(erf) = vpow2.f32 v25;
	v11 =	vmul.f32 $1.442695020e+00, v11  }
0x369: {  	v20 =	vmul.f32 $1.442695020e+00, v20;
	(erf) = vpow2.f32 v22  }
0x36a: {  	v22 =	vpop (erf);
	(erf) = vpow2.f32 v23  }
0x36b: {  	v23 =	vpop (erf);
	(erf) = vpow2.f32 v11  }
0x36c: {  	v11 =	vpop (erf);
	(erf) = vpow2.f32 v20  }
0x36d: {  	v19 =	vmul.f32 $1.442695020e+00, v19;
	v20 =	vpop (erf)  }
0x36e: {  	v17 =	vmul.f32 $1.442695020e+00, v17;
	v24 =	vpop (erf)  }
0x36f: {  	v25 =	vpop (erf)  }
0x370: {  	v26 =	vpop (erf);
	(erf) = vpow2.f32 v19  }
0x371: {  	v19 =	vpop (erf)  }
0x372: {  	(erf) = vpow2.f32 v17;
	v17 =	vpop (erf)  }
0x373: {  	v27 =	vpop (erf)  }
0x374: {  	v20 =	vadd.f32 v20, v22;
	v22 =	vpop (erf)  }
0x375: {  	v28 =	vpop (erf)  }
0x376: {  	v20 =	vadd.f32 v23, v20;
	v17 =	vadd.f32 v28, v17;
	_ =	sdelay $0x1  }
0x377: {  	v20 =	vadd.f32 v24, v20;
	v17 =	vadd.f32 v27, v17  }
0x378: {  	v13 =	vadd.f32 v13, v21;
	v21 =	vpop (erf)  }
0x379: {  	v20 =	vadd.f32 v25, v20;
	v17 =	vadd.f32 v21, v17  }
0x37a: {  	s25 =	sshll.u32 s24, $0x4;
	v13 =	vadd.f32 v14, v13;
	v14 =	vpop (erf)  }
0x37b: {  	v18 =	vadd.f32 v18, v20;
	v14 =	vadd.f32 v14, v17;
	v17 =	vmov s25  }
0x37c: {  	v12 =	vadd.f32 v12, v13;
	v13 =	vshrl.u32 v17, $0x7  }
0x37d: {  	v11 =	vadd.f32 v11, v18;
	v14 =	vadd.f32 v19, v14;
	v13 =	vshll.u32 v13, $0x7  }
0x37e: {  	v12 =	vadd.f32 v12, v15;
	v13 =	vbroadcast v13, $0x0  }
0x37f: {  	v11 =	vadd.f32 v16, v11;
	v14 =	vadd.f32 v22, v14  }
0x380: {  	s30 =	sshll.u32 s24, $0x7;
	v13 =	vor.u32 v9, v13  }
0x381: {  	v11 =	vadd.f32 v11, v12;
	v12 =	vadd.f32 v26, v14;
	v14 =	vor.u32 s30, v2;
	_ =	sdelay $0x1  }
0x382: {  	v11 =	vadd.f32 v12, v11;
	_ =	sdelay $0x1  }
0x383: {  	[tilespmem:v13+s18+$0x0] =	vst.idx.add.f32.msk $0xffff, v11  }
0x384: {  	v11 =	vld.idx.msk [tilespmem:v14+s15+$0x0], $0xffff;
	_ =	sdelay $0x4  }
0x385: {  	v10 =	vsub.s32 v11, v10  }
0x386: {  	vm1 =	vgt.s32 v10, $0x0  }
0x387: {  	v11 =	vnsel vm1, $0x0, v10  }
0x388: {  	v11 =	vmin.u32 v11, $0x19FF  }
0x389: {  	v12 =	vshll.u32 v11, $0x3  }
0x38a: {  	p0 =	seq.s32 s22, $0x1D;
	v11 =	vand.u32 $0x7F, v11;
	v12 =	vand.u32 $0xFC00, v12  }
0x38b: {  	s24 =	sadd.s32 @!p0 $0x2, s23;
	v11 =	vor.u32 v12, v11  }
0x38c: {  	s25 =	smulhi.u32 @!p0 $0x88888889, s24;
	v11 =	vor.u32 $0x380, v11;
	_ =	sdelay $0x1  }
0x38d: {  	s28 =	sshrl.u32 @!p0 s25, $0x3  }
0x38e: {  	s25 =	sor.u32 $0x1, s23;
	s29 =	smul.u32 @!p0 $0xF, s28  }
0x38f: {  	s26 =	smulhi.u32 $0x88888889, s25  }
0x390: {  	s28 =	sadd.s32 @!p0 s9, s28;
	v11 =	vld.idx.msk [tilespmem:v11+s2+$0x0], $0xffff  }
0x391: {  	s28 =	smul.u32 @!p0 $0xC3800, s28;
	s29 =	ssub.s32 @!p0 s24, s29;
	s24 =	sand.u32 $0x7FFFFFF8, s26  }
0x392: {  	s29 =	smul.u32 @!p0 $0xD000, s29;
	s30 =	sadd.s32 s5, s24  }
0x393: {  	vm1 =	vlt.u32 v10, $0x1A00;
	v12 =	vmov s30  }
0x394: {  	s28 =	sadd.s32 @!p0 s29, s28;
	vm1 =	vmand vm1, vm0;
	v10 =	vand.u32 $0xFFFFFFF8, v12  }
0x395: {  	s28 =	sshrl.u32 @!p0 s28, $0x3;
	v10 =	vbroadcast v10, $0x0;
	v11 =	vnsel vm1, $0x0, v11  }
0x396: {  	s29 =	simm.s32 @!p0 $0x0;
	s28 =	sadd.s32 @!p0 s3, s28;
	[tilespmem:v13+s19+$0x0] =	vst.idx.add.f32.msk $0xffff, v11  }
0x397: {  	[tilespmem:s29], [sflag:$0x1] =	stream.linear.gather @!p0 [hbm4b:s28+s29], $0xD000, $0x38;
	[tilespmem:$0x1B800] =	vst v63  }
0x398: {  	_ =	swait.ge [sflag:s20], $0xD000  }
0x399: {  	[sflag:s20] =	ssyncset.done $0x0  }
0x39a: {  	[sflag:s20] =	ssyncadd.s32 $0xFFFF3000  }
0x39b: {  	s28 =	simm.s32 $0x0;
	v10 =	vld.idx.msk [tilespmem:v10+s13+$0x0], $0xffff  }
0x39c: {  	v11 =	vld [tilespmem:s28+$0xD070]  }
0x39d: {  	v12 =	vld [tilespmem:s28+$0xD050]  }
0x39e: {  	v13 =	vld [tilespmem:s28+$0xD040]  }
0x39f: {  	v14 =	vld [tilespmem:s28+$0xD030]  }
0x3a0: {  	v16 =	vld [tilespmem:s28+$0xD010]  }
0x3a1: {  	v15 =	vld [tilespmem:s28+$0xD020]  }
0x3a2: {  	v17 =	vld [tilespmem:s28+$0xD000];
	v11 =	vmul.f32 v11, v10  }
0x3a3: {  	v18 =	vld [tilespmem:s28+$0xD060];
	v12 =	vmul.f32 v12, v10  }
0x3a4: {  	v13 =	vmul.f32 v13, v10;
	v11 =	vmul.f32 $1.442695020e+00, v11  }
0x3a5: {  	v14 =	vmul.f32 v14, v10;
	v16 =	vmul.f32 v16, v10  }
0x3a6: {  	v12 =	vmul.f32 $1.442695020e+00, v12;
	(erf) = vpow2.f32 v11  }
0x3a7: {  	s28 =	simm.s32 $0x400;
	v11 =	vmul.f32 v15, v10;
	v15 =	vmul.f32 v17, v10  }
0x3a8: {  	v18 =	vmul.f32 v18, v10;
	v16 =	vmul.f32 $1.442695020e+00, v16;
	v17 =	vld [tilespmem:s28+$0xD070]  }
0x3a9: {  	(erf) = vpow2.f32 v12;
	v12 =	vld [tilespmem:s28+$0xD050];
	v15 =	vmul.f32 $1.442695020e+00, v15  }
0x3aa: {  	v18 =	vmul.f32 $1.442695020e+00, v18;
	v11 =	vmul.f32 $1.442695020e+00, v11  }
0x3ab: {  	v14 =	vmul.f32 $1.442695020e+00, v14;
	(erf) = vpow2.f32 v15  }
0x3ac: {  	v13 =	vmul.f32 $1.442695020e+00, v13;
	v15 =	vld [tilespmem:s28+$0xD020];
	(erf) = vpow2.f32 v11  }
0x3ad: {  	v11 =	vmul.f32 v17, v10;
	v17 =	vld [tilespmem:s28+$0xD000];
	(erf) = vpow2.f32 v18  }
0x3ae: {  	v12 =	vmul.f32 v12, v10;
	(erf) = vpow2.f32 v16  }
0x3af: {  	v19 =	vld [tilespmem:s28+$0xD040];
	v11 =	vmul.f32 $1.442695020e+00, v11;
	(erf) = vpow2.f32 v14  }
0x3b0: {  	v20 =	vld [tilespmem:s28+$0xD030];
	(erf) = vpow2.f32 v13  }
0x3b1: {  	v21 =	vld [tilespmem:s28+$0xD010];
	v13 =	vmul.f32 v15, v10;
	v15 =	vmul.f32 $1.442695020e+00, v12  }
0x3b2: {  	v16 =	vld [tilespmem:s28+$0xD060];
	v17 =	vmul.f32 v17, v10  }
0x3b3: {  	(erf) = vpow2.f32 v11;
	v11 =	vpop (erf)  }
0x3b4: {  	v12 =	vpop (erf);
	v17 =	vmul.f32 $1.442695020e+00, v17  }
0x3b5: {  	s31 =	simm.s32 $0x800;
	v18 =	vmul.f32 v20, v10;
	(erf) = vpow2.f32 v15;
	v15 =	vpop (erf)  }
0x3b6: {  	v20 =	vld [tilespmem:s31+$0xD070];
	v14 =	vmul.f32 v19, v10;
	v19 =	vmul.f32 v21, v10;
	v22 =	vpop (erf)  }
0x3b7: {  	v21 =	vld [tilespmem:s31+$0xD050];
	v23 =	vmul.f32 $1.442695020e+00, v13;
	v16 =	vmul.f32 v16, v10;
	v13 =	vpop (erf)  }
0x3b8: {  	(erf) = vpow2.f32 v17;
	v17 =	vpop (erf)  }
0x3b9: {  	v24 =	vld [tilespmem:s31+$0xD040];
	v18 =	vmul.f32 $1.442695020e+00, v18;
	v16 =	vmul.f32 $1.442695020e+00, v16;
	v15 =	vadd.f32 v17, v15  }
0x3ba: {  	v25 =	vld [tilespmem:s31+$0xD030];
	v19 =	vmul.f32 $1.442695020e+00, v19;
	(erf) = vpow2.f32 v23  }
0x3bb: {  	v23 =	vld [tilespmem:s31+$0xD020];
	(erf) = vpow2.f32 v16;
	v17 =	vmul.f32 v20, v10;
	v15 =	vadd.f32 v22, v15  }
0x3bc: {  	v20 =	vmul.f32 v21, v10;
	(erf) = vpow2.f32 v19;
	v21 =	vpop (erf);
	v19 =	vld [tilespmem:s31+$0xD010]  }
0x3bd: {  	v14 =	vmul.f32 $1.442695020e+00, v14;
	v17 =	vmul.f32 $1.442695020e+00, v17;
	v27 =	vadd.f32 v21, v15;
	v21 =	vld [tilespmem:s31+$0xD000]  }
0x3be: {  	s26 =	sshrl.u32 s26, $0x3;
	(erf) = vpow2.f32 v18;
	v22 =	vld [tilespmem:s31+$0xD060]  }
0x3bf: {  	s28 =	smul.u32 $0xF, s26;
	v16 =	vmul.f32 v24, v10;
	v26 =	vpop (erf);
	(erf) = vpow2.f32 v14  }
0x3c0: {  	v18 =	vmul.f32 v25, v10;
	v14 =	vimm.f32 $0.0e+00;
	(erf) = vpow2.f32 v17;
	v15 =	vpop (erf)  }
0x3c1: {  	s25 =	ssub.s32 s25, s28;
	s28 =	simm.s32 $0x3000;
	v24 =	vmul.f32 $1.442695020e+00, v20;
	v23 =	vmul.f32 v23, v10;
	v20 =	vadd.f32 v26, v27;
	v17 =	vpop (erf)  }
.LBB2_19:
0x3c2: {  	s29 =	sshra.s32 s28, $0x2;
	p1 =	sne.s32 s28, $0x33000;
	s28 =	sadd.s32 $0x1000, s28;
	v21 =	vmul.f32 v21, v10;
	v19 =	vmul.f32 v19, v10  }
0x3c3: {  	v25 =	vld [tilespmem:s29+$0xD070];
	v22 =	vmul.f32 v22, v10;
	(erf) = vpow2.f32 v24;
	v24 =	vpop (erf);
	v20 =	vadd.f32 v12, v20  }
0x3c4: {  	v12 =	vmov v17;
	v26 =	vld [tilespmem:s29+$0xD050];
	v29 =	vmul.f32 $1.442695020e+00, v21;
	v27 =	vmul.f32 $1.442695020e+00, v19;
	v28 =	vpop (erf)  }
0x3c5: {  	v19 =	vmul.f32 $1.442695020e+00, v23;
	v17 =	vld [tilespmem:s29+$0xD040];
	v22 =	vmul.f32 $1.442695020e+00, v22;
	v20 =	vadd.f32 v13, v20;
	v13 =	vpop (erf)  }
0x3c6: {  	v18 =	vmul.f32 $1.442695020e+00, v18;
	v23 =	vld [tilespmem:s29+$0xD030];
	(erf) = vpow2.f32 v29;
	v21 =	vpop (erf)  }
0x3c7: {  	v30 =	vmul.f32 $1.442695020e+00, v16;
	v29 =	vld [tilespmem:s29+$0xD020];
	(erf) = vpow2.f32 v19;
	v16 =	vadd.f32 v21, v24;
	v24 =	vpop (erf)  }
0x3c8: {  	v32 =	vadd.f32 v11, v20;
	v19 =	vld [tilespmem:s29+$0xD010];
	v25 =	vmul.f32 v25, v10;
	(erf) = vpow2.f32 v22;
	v31 =	vpop (erf)  }
.Ltmp10:
0x3c9: {  	v21 =	vld [tilespmem:s29+$0xD000];
	v20 =	vmul.f32 v26, v10;
	(erf) = vpow2.f32 v27;
	v26 =	vpop (erf);
	v27 =	vadd.f32 v28, v16;
	(pc) =	sbr.rel @p1 .LBB2_19-.Ltmp10, $4  }
0x3ca: {  	v11 =	vmovc v15;
	v14 =	vadd.f32 v32, v14;
	v22 =	vld [tilespmem:s29+$0xD060];
	v25 =	vmul.f32 $1.442695020e+00, v25;
	(erf) = vpow2.f32 v18;
	v15 =	vmovc v26  }
0x3cb: {  	v16 =	vmul.f32 v17, v10;
	(erf) = vpow2.f32 v30;
	v26 =	vadd.f32 v24, v27  }
0x3cc: {  	v18 =	vmul.f32 v23, v10;
	(erf) = vpow2.f32 v25;
	v17 =	vpop (erf)  }
0x3cd: {  	v24 =	vmul.f32 $1.442695020e+00, v20;
	v23 =	vmul.f32 v29, v10;
	v20 =	vadd.f32 v31, v26  }
0x3ce: {  	v21 =	vmul.f32 v21, v10  }
0x3cf: {  	v19 =	vmul.f32 v19, v10  }
0x3d0: {  	v10 =	vmul.f32 v22, v10;
	v21 =	vmul.f32 $1.442695020e+00, v21  }
0x3d1: {  	v22 =	vmul.f32 $1.442695020e+00, v23  }
0x3d2: {  	(erf) = vpow2.f32 v24;
	v10 =	vmul.f32 $1.442695020e+00, v10  }
0x3d3: {  	v19 =	vmul.f32 $1.442695020e+00, v19;
	(erf) = vpow2.f32 v21  }
0x3d4: {  	v21 =	vpop (erf);
	(erf) = vpow2.f32 v22  }
0x3d5: {  	v22 =	vpop (erf);
	(erf) = vpow2.f32 v10  }
0x3d6: {  	v10 =	vpop (erf);
	(erf) = vpow2.f32 v19  }
0x3d7: {  	v18 =	vmul.f32 $1.442695020e+00, v18;
	v19 =	vpop (erf)  }
0x3d8: {  	v16 =	vmul.f32 $1.442695020e+00, v16;
	v23 =	vpop (erf)  }
0x3d9: {  	v24 =	vpop (erf)  }
0x3da: {  	v25 =	vpop (erf);
	(erf) = vpow2.f32 v18  }
0x3db: {  	v18 =	vpop (erf)  }
0x3dc: {  	(erf) = vpow2.f32 v16;
	v16 =	vpop (erf)  }
0x3dd: {  	v26 =	vpop (erf)  }
0x3de: {  	v19 =	vadd.f32 v19, v21;
	v21 =	vpop (erf)  }
0x3df: {  	v27 =	vpop (erf)  }
0x3e0: {  	v19 =	vadd.f32 v22, v19;
	v16 =	vadd.f32 v27, v16;
	_ =	sdelay $0x1  }
0x3e1: {  	v19 =	vadd.f32 v23, v19;
	v16 =	vadd.f32 v26, v16  }
0x3e2: {  	v12 =	vadd.f32 v12, v20;
	v20 =	vpop (erf)  }
0x3e3: {  	v19 =	vadd.f32 v24, v19;
	v16 =	vadd.f32 v20, v16  }
0x3e4: {  	s26 =	sshll.u32 s26, $0x7;
	v12 =	vadd.f32 v13, v12;
	v13 =	vpop (erf)  }
0x3e5: {  	v17 =	vadd.f32 v17, v19;
	v13 =	vadd.f32 v13, v16;
	v16 =	vmov s26  }
0x3e6: {  	v11 =	vadd.f32 v11, v12;
	v12 =	vshrl.u32 v16, $0x7  }
0x3e7: {  	v10 =	vadd.f32 v10, v17;
	v13 =	vadd.f32 v18, v13;
	v12 =	vshll.u32 v12, $0x7  }
0x3e8: {  	v11 =	vadd.f32 v11, v14;
	v12 =	vbroadcast v12, $0x0  }
0x3e9: {  	v10 =	vadd.f32 v15, v10;
	v13 =	vadd.f32 v21, v13  }
0x3ea: {  	s28 =	sshll.u32 s24, $0x7;
	v12 =	vor.u32 v1, v12  }
0x3eb: {  	v10 =	vadd.f32 v10, v11;
	v11 =	vadd.f32 v25, v13;
	v13 =	vor.u32 s28, v2;
	_ =	sdelay $0x1  }
0x3ec: {  	v10 =	vadd.f32 v11, v10;
	_ =	sdelay $0x1  }
0x3ed: {  	[tilespmem:v12+s18+$0x0] =	vst.idx.add.f32.msk $0xffff, v10  }
0x3ee: {  	v11 =	vld.idx.msk [tilespmem:v13+s15+$0x0], $0xffff;
	_ =	sdelay $0x1  }
0x3ef: {  	s25 =	smul.u32 $0x1A00, s25;
	_ =	sdelay $0x1  }
0x3f0: {  	v10 =	vmov s25  }
0x3f1: {  	v11 =	vsub.s32 v11, v10  }
0x3f2: {  	vm1 =	vgt.s32 v11, $0x0  }
0x3f3: {  	v13 =	vnsel vm1, $0x0, v11  }
0x3f4: {  	v13 =	vmin.u32 v13, $0x19FF  }
0x3f5: {  	v14 =	vshll.u32 v13, $0x3  }
0x3f6: {  	v13 =	vand.u32 $0x7F, v13;
	v14 =	vand.u32 $0xFC00, v14  }
0x3f7: {  	v13 =	vor.u32 v13, v14;
	_ =	sdelay $0x1  }
0x3f8: {  	s25 =	sor.u32 $0x1, s24  }
0x3f9: {  	s29 =	sadd.s32 s5, s25  }
0x3fa: {  	v14 =	vmov s29  }
0x3fb: {  	v14 =	vand.u32 $0xFFFFFFF9, v14;
	v13 =	vld.idx.msk [tilespmem:v13+s16+$0x0], $0xffff  }
0x3fc: {  	v14 =	vbroadcast v14, $0x0;
	_ =	sdelay $0x1  }
0x3fd: {  	vm1 =	vlt.u32 v11, $0x1A00  }
0x3fe: {  	vm1 =	vmand vm1, vm0  }
0x3ff: {  	v11 =	vnsel vm1, $0x0, v13  }
0x400: {  	[tilespmem:v12+s19+$0x0] =	vst.idx.add.f32.msk $0xffff, v11  }
0x401: {  	s30 =	simm.s32 $0x0;
	v11 =	vld.idx.msk [tilespmem:v14+s13+$0x0], $0xffff  }
0x402: {  	v12 =	vld [tilespmem:s30+$0xD0F0]  }
0x403: {  	v13 =	vld [tilespmem:s30+$0xD0D0]  }
0x404: {  	v14 =	vld [tilespmem:s30+$0xD0C0]  }
0x405: {  	v15 =	vld [tilespmem:s30+$0xD0B0]  }
0x406: {  	v17 =	vld [tilespmem:s30+$0xD090]  }
0x407: {  	v16 =	vld [tilespmem:s30+$0xD0A0]  }
0x408: {  	v18 =	vld [tilespmem:s30+$0xD080];
	v12 =	vmul.f32 v12, v11  }
0x409: {  	v19 =	vld [tilespmem:s30+$0xD0E0];
	v13 =	vmul.f32 v13, v11  }
0x40a: {  	v14 =	vmul.f32 v14, v11;
	v12 =	vmul.f32 $1.442695020e+00, v12  }
0x40b: {  	v15 =	vmul.f32 v15, v11;
	v17 =	vmul.f32 v17, v11  }
0x40c: {  	v13 =	vmul.f32 $1.442695020e+00, v13;
	(erf) = vpow2.f32 v12  }
0x40d: {  	s31 =	simm.s32 $0x400;
	v12 =	vmul.f32 v16, v11;
	v16 =	vmul.f32 v18, v11  }
0x40e: {  	v19 =	vmul.f32 v19, v11;
	v17 =	vmul.f32 $1.442695020e+00, v17;
	v18 =	vld [tilespmem:s31+$0xD0F0]  }
0x40f: {  	(erf) = vpow2.f32 v13;
	v13 =	vld [tilespmem:s31+$0xD0D0];
	v16 =	vmul.f32 $1.442695020e+00, v16  }
0x410: {  	v19 =	vmul.f32 $1.442695020e+00, v19;
	v12 =	vmul.f32 $1.442695020e+00, v12  }
0x411: {  	v15 =	vmul.f32 $1.442695020e+00, v15;
	(erf) = vpow2.f32 v16  }
0x412: {  	v14 =	vmul.f32 $1.442695020e+00, v14;
	v16 =	vld [tilespmem:s31+$0xD0A0];
	(erf) = vpow2.f32 v12  }
0x413: {  	v12 =	vmul.f32 v18, v11;
	v18 =	vld [tilespmem:s31+$0xD080];
	(erf) = vpow2.f32 v19  }
0x414: {  	v13 =	vmul.f32 v13, v11;
	(erf) = vpow2.f32 v17  }
0x415: {  	v20 =	vld [tilespmem:s31+$0xD0C0];
	v12 =	vmul.f32 $1.442695020e+00, v12;
	(erf) = vpow2.f32 v15  }
0x416: {  	v21 =	vld [tilespmem:s31+$0xD0B0];
	(erf) = vpow2.f32 v14  }
0x417: {  	v22 =	vld [tilespmem:s31+$0xD090];
	v14 =	vmul.f32 v16, v11;
	v16 =	vmul.f32 $1.442695020e+00, v13  }
0x418: {  	v17 =	vld [tilespmem:s31+$0xD0E0];
	v18 =	vmul.f32 v18, v11  }
0x419: {  	(erf) = vpow2.f32 v12;
	v12 =	vpop (erf)  }
0x41a: {  	v13 =	vpop (erf);
	v18 =	vmul.f32 $1.442695020e+00, v18  }
0x41b: {  	s28 =	simm.s32 $0x800;
	v19 =	vmul.f32 v21, v11;
	(erf) = vpow2.f32 v16;
	v16 =	vpop (erf)  }
0x41c: {  	v21 =	vld [tilespmem:s28+$0xD0F0];
	v15 =	vmul.f32 v20, v11;
	v20 =	vmul.f32 v22, v11;
	v23 =	vpop (erf)  }
0x41d: {  	v22 =	vld [tilespmem:s28+$0xD0D0];
	v24 =	vmul.f32 $1.442695020e+00, v14;
	v17 =	vmul.f32 v17, v11;
	v14 =	vpop (erf)  }
0x41e: {  	(erf) = vpow2.f32 v18;
	v18 =	vpop (erf)  }
0x41f: {  	v25 =	vld [tilespmem:s28+$0xD0C0];
	v19 =	vmul.f32 $1.442695020e+00, v19;
	v17 =	vmul.f32 $1.442695020e+00, v17;
	v16 =	vadd.f32 v18, v16  }
0x420: {  	v26 =	vld [tilespmem:s28+$0xD0B0];
	v20 =	vmul.f32 $1.442695020e+00, v20;
	(erf) = vpow2.f32 v24  }
0x421: {  	v24 =	vld [tilespmem:s28+$0xD0A0];
	(erf) = vpow2.f32 v17;
	v18 =	vmul.f32 v21, v11;
	v16 =	vadd.f32 v23, v16  }
0x422: {  	v21 =	vmul.f32 v22, v11;
	(erf) = vpow2.f32 v20;
	v22 =	vpop (erf);
	v20 =	vld [tilespmem:s28+$0xD090]  }
0x423: {  	v15 =	vmul.f32 $1.442695020e+00, v15;
	v18 =	vmul.f32 $1.442695020e+00, v18;
	v28 =	vadd.f32 v22, v16;
	v22 =	vld [tilespmem:s28+$0xD080]  }
0x424: {  	(erf) = vpow2.f32 v19;
	v23 =	vld [tilespmem:s28+$0xD0E0]  }
0x425: {  	v17 =	vmul.f32 v25, v11;
	v27 =	vpop (erf);
	(erf) = vpow2.f32 v15  }
0x426: {  	v19 =	vmul.f32 v26, v11;
	v15 =	vimm.f32 $0.0e+00;
	(erf) = vpow2.f32 v18;
	v16 =	vpop (erf)  }
0x427: {  	s26 =	simm.s32 $0x3000;
	v25 =	vmul.f32 $1.442695020e+00, v21;
	v24 =	vmul.f32 v24, v11;
	v21 =	vadd.f32 v27, v28;
	v18 =	vpop (erf)  }
.LBB2_21:
0x428: {  	s28 =	sshra.s32 s26, $0x2;
	p1 =	sne.s32 s26, $0x33000;
	s26 =	sadd.s32 $0x1000, s26;
	v22 =	vmul.f32 v22, v11;
	v20 =	vmul.f32 v20, v11  }
0x429: {  	v26 =	vld [tilespmem:s28+$0xD0F0];
	v23 =	vmul.f32 v23, v11;
	(erf) = vpow2.f32 v25;
	v25 =	vpop (erf);
	v21 =	vadd.f32 v13, v21  }
0x42a: {  	v13 =	vmov v18;
	v27 =	vld [tilespmem:s28+$0xD0D0];
	v30 =	vmul.f32 $1.442695020e+00, v22;
	v28 =	vmul.f32 $1.442695020e+00, v20;
	v29 =	vpop (erf)  }
0x42b: {  	v20 =	vmul.f32 $1.442695020e+00, v24;
	v18 =	vld [tilespmem:s28+$0xD0C0];
	v23 =	vmul.f32 $1.442695020e+00, v23;
	v21 =	vadd.f32 v14, v21;
	v14 =	vpop (erf)  }
0x42c: {  	v19 =	vmul.f32 $1.442695020e+00, v19;
	v24 =	vld [tilespmem:s28+$0xD0B0];
	(erf) = vpow2.f32 v30;
	v22 =	vpop (erf)  }
0x42d: {  	v31 =	vmul.f32 $1.442695020e+00, v17;
	v30 =	vld [tilespmem:s28+$0xD0A0];
	(erf) = vpow2.f32 v20;
	v17 =	vadd.f32 v22, v25;
	v25 =	vpop (erf)  }
0x42e: {  	v33 =	vadd.f32 v12, v21;
	v20 =	vld [tilespmem:s28+$0xD090];
	v26 =	vmul.f32 v26, v11;
	(erf) = vpow2.f32 v23;
	v32 =	vpop (erf)  }
.Ltmp11:
0x42f: {  	v22 =	vld [tilespmem:s28+$0xD080];
	v21 =	vmul.f32 v27, v11;
	(erf) = vpow2.f32 v28;
	v27 =	vpop (erf);
	v28 =	vadd.f32 v29, v17;
	(pc) =	sbr.rel @p1 .LBB2_21-.Ltmp11, $4  }
0x430: {  	v12 =	vmovc v16;
	v15 =	vadd.f32 v33, v15;
	v23 =	vld [tilespmem:s28+$0xD0E0];
	v26 =	vmul.f32 $1.442695020e+00, v26;
	(erf) = vpow2.f32 v19;
	v16 =	vmovc v27  }
0x431: {  	v17 =	vmul.f32 v18, v11;
	(erf) = vpow2.f32 v31;
	v27 =	vadd.f32 v25, v28  }
0x432: {  	v19 =	vmul.f32 v24, v11;
	(erf) = vpow2.f32 v26;
	v18 =	vpop (erf)  }
0x433: {  	v25 =	vmul.f32 $1.442695020e+00, v21;
	v24 =	vmul.f32 v30, v11;
	v21 =	vadd.f32 v32, v27  }
0x434: {  	v22 =	vmul.f32 v22, v11  }
0x435: {  	v20 =	vmul.f32 v20, v11  }
0x436: {  	v11 =	vmul.f32 v23, v11;
	v22 =	vmul.f32 $1.442695020e+00, v22  }
0x437: {  	v23 =	vmul.f32 $1.442695020e+00, v24  }
0x438: {  	(erf) = vpow2.f32 v25;
	v11 =	vmul.f32 $1.442695020e+00, v11  }
0x439: {  	v20 =	vmul.f32 $1.442695020e+00, v20;
	(erf) = vpow2.f32 v22  }
0x43a: {  	v22 =	vpop (erf);
	(erf) = vpow2.f32 v23  }
0x43b: {  	v23 =	vpop (erf);
	(erf) = vpow2.f32 v11  }
0x43c: {  	v11 =	vpop (erf);
	(erf) = vpow2.f32 v20  }
0x43d: {  	v19 =	vmul.f32 $1.442695020e+00, v19;
	v20 =	vpop (erf)  }
0x43e: {  	v17 =	vmul.f32 $1.442695020e+00, v17;
	v24 =	vpop (erf)  }
0x43f: {  	v25 =	vpop (erf)  }
0x440: {  	v26 =	vpop (erf);
	(erf) = vpow2.f32 v19  }
0x441: {  	v19 =	vpop (erf)  }
0x442: {  	(erf) = vpow2.f32 v17;
	v17 =	vpop (erf)  }
0x443: {  	v27 =	vpop (erf)  }
0x444: {  	v20 =	vadd.f32 v20, v22;
	v22 =	vpop (erf)  }
0x445: {  	v28 =	vpop (erf)  }
0x446: {  	v20 =	vadd.f32 v23, v20;
	v17 =	vadd.f32 v28, v17;
	_ =	sdelay $0x1  }
0x447: {  	v20 =	vadd.f32 v24, v20;
	v17 =	vadd.f32 v27, v17  }
0x448: {  	v13 =	vadd.f32 v13, v21;
	v21 =	vpop (erf)  }
0x449: {  	v20 =	vadd.f32 v25, v20;
	v17 =	vadd.f32 v21, v17  }
0x44a: {  	s26 =	sshll.u32 s25, $0x4;
	v13 =	vadd.f32 v14, v13;
	v14 =	vpop (erf)  }
0x44b: {  	v18 =	vadd.f32 v18, v20;
	v14 =	vadd.f32 v14, v17;
	v17 =	vmov s26  }
0x44c: {  	v12 =	vadd.f32 v12, v13;
	v13 =	vshrl.u32 v17, $0x7  }
0x44d: {  	v11 =	vadd.f32 v11, v18;
	v14 =	vadd.f32 v19, v14;
	v13 =	vshll.u32 v13, $0x7  }
0x44e: {  	v12 =	vadd.f32 v12, v15;
	v13 =	vbroadcast v13, $0x0  }
0x44f: {  	v11 =	vadd.f32 v16, v11;
	v14 =	vadd.f32 v22, v14  }
0x450: {  	s28 =	sshll.u32 s25, $0x7;
	v13 =	vor.u32 v3, v13  }
0x451: {  	v11 =	vadd.f32 v11, v12;
	v12 =	vadd.f32 v26, v14;
	v14 =	vor.u32 s28, v2;
	_ =	sdelay $0x1  }
0x452: {  	v11 =	vadd.f32 v12, v11;
	_ =	sdelay $0x1  }
0x453: {  	[tilespmem:v13+s18+$0x0] =	vst.idx.add.f32.msk $0xffff, v11  }
0x454: {  	v11 =	vld.idx.msk [tilespmem:v14+s15+$0x0], $0xffff;
	_ =	sdelay $0x4  }
0x455: {  	v11 =	vsub.s32 v11, v10  }
0x456: {  	vm1 =	vgt.s32 v11, $0x0  }
0x457: {  	v12 =	vnsel vm1, $0x0, v11  }
0x458: {  	v12 =	vmin.u32 v12, $0x19FF  }
0x459: {  	v14 =	vshll.u32 v12, $0x3  }
0x45a: {  	v12 =	vand.u32 $0x7F, v12;
	v14 =	vand.u32 $0xFC00, v14  }
0x45b: {  	v12 =	vor.u32 v14, v12  }
0x45c: {  	v12 =	vor.u32 $0x80, v12;
	_ =	sdelay $0x1  }
0x45d: {  	s25 =	sor.u32 $0x2, s24  }
0x45e: {  	s29 =	sadd.s32 s5, s25  }
0x45f: {  	v14 =	vmov s29  }
0x460: {  	v14 =	vand.u32 $0xFFFFFFFA, v14;
	v12 =	vld.idx.msk [tilespmem:v12+s16+$0x0], $0xffff  }
0x461: {  	v14 =	vbroadcast v14, $0x0;
	_ =	sdelay $0x1  }
0x462: {  	vm1 =	vlt.u32 v11, $0x1A00  }
0x463: {  	vm1 =	vmand vm1, vm0  }
0x464: {  	v11 =	vnsel vm1, $0x0, v12  }
0x465: {  	[tilespmem:v13+s19+$0x0] =	vst.idx.add.f32.msk $0xffff, v11  }
0x466: {  	s30 =	simm.s32 $0x0;
	v11 =	vld.idx.msk [tilespmem:v14+s13+$0x0], $0xffff  }
0x467: {  	v12 =	vld [tilespmem:s30+$0xD170]  }
0x468: {  	v13 =	vld [tilespmem:s30+$0xD150]  }
0x469: {  	v14 =	vld [tilespmem:s30+$0xD140]  }
0x46a: {  	v15 =	vld [tilespmem:s30+$0xD130]  }
0x46b: {  	v17 =	vld [tilespmem:s30+$0xD110]  }
0x46c: {  	v16 =	vld [tilespmem:s30+$0xD120]  }
0x46d: {  	v18 =	vld [tilespmem:s30+$0xD100];
	v12 =	vmul.f32 v12, v11  }
0x46e: {  	v19 =	vld [tilespmem:s30+$0xD160];
	v13 =	vmul.f32 v13, v11  }
0x46f: {  	v14 =	vmul.f32 v14, v11;
	v12 =	vmul.f32 $1.442695020e+00, v12  }
0x470: {  	v15 =	vmul.f32 v15, v11;
	v17 =	vmul.f32 v17, v11  }
0x471: {  	v13 =	vmul.f32 $1.442695020e+00, v13;
	(erf) = vpow2.f32 v12  }
0x472: {  	s31 =	simm.s32 $0x400;
	v12 =	vmul.f32 v16, v11;
	v16 =	vmul.f32 v18, v11  }
0x473: {  	v19 =	vmul.f32 v19, v11;
	v17 =	vmul.f32 $1.442695020e+00, v17;
	v18 =	vld [tilespmem:s31+$0xD170]  }
0x474: {  	(erf) = vpow2.f32 v13;
	v13 =	vld [tilespmem:s31+$0xD150];
	v16 =	vmul.f32 $1.442695020e+00, v16  }
0x475: {  	v19 =	vmul.f32 $1.442695020e+00, v19;
	v12 =	vmul.f32 $1.442695020e+00, v12  }
0x476: {  	v15 =	vmul.f32 $1.442695020e+00, v15;
	(erf) = vpow2.f32 v16  }
0x477: {  	v14 =	vmul.f32 $1.442695020e+00, v14;
	v16 =	vld [tilespmem:s31+$0xD120];
	(erf) = vpow2.f32 v12  }
0x478: {  	v12 =	vmul.f32 v18, v11;
	v18 =	vld [tilespmem:s31+$0xD100];
	(erf) = vpow2.f32 v19  }
0x479: {  	v13 =	vmul.f32 v13, v11;
	(erf) = vpow2.f32 v17  }
0x47a: {  	v20 =	vld [tilespmem:s31+$0xD140];
	v12 =	vmul.f32 $1.442695020e+00, v12;
	(erf) = vpow2.f32 v15  }
0x47b: {  	v21 =	vld [tilespmem:s31+$0xD130];
	(erf) = vpow2.f32 v14  }
0x47c: {  	v22 =	vld [tilespmem:s31+$0xD110];
	v14 =	vmul.f32 v16, v11;
	v16 =	vmul.f32 $1.442695020e+00, v13  }
0x47d: {  	v17 =	vld [tilespmem:s31+$0xD160];
	v18 =	vmul.f32 v18, v11  }
0x47e: {  	(erf) = vpow2.f32 v12;
	v12 =	vpop (erf)  }
0x47f: {  	v13 =	vpop (erf);
	v18 =	vmul.f32 $1.442695020e+00, v18  }
0x480: {  	s28 =	simm.s32 $0x800;
	v19 =	vmul.f32 v21, v11;
	(erf) = vpow2.f32 v16;
	v16 =	vpop (erf)  }
0x481: {  	v21 =	vld [tilespmem:s28+$0xD170];
	v15 =	vmul.f32 v20, v11;
	v20 =	vmul.f32 v22, v11;
	v23 =	vpop (erf)  }
0x482: {  	v22 =	vld [tilespmem:s28+$0xD150];
	v24 =	vmul.f32 $1.442695020e+00, v14;
	v17 =	vmul.f32 v17, v11;
	v14 =	vpop (erf)  }
0x483: {  	(erf) = vpow2.f32 v18;
	v18 =	vpop (erf)  }
0x484: {  	v25 =	vld [tilespmem:s28+$0xD140];
	v19 =	vmul.f32 $1.442695020e+00, v19;
	v17 =	vmul.f32 $1.442695020e+00, v17;
	v16 =	vadd.f32 v18, v16  }
0x485: {  	v26 =	vld [tilespmem:s28+$0xD130];
	v20 =	vmul.f32 $1.442695020e+00, v20;
	(erf) = vpow2.f32 v24  }
0x486: {  	v24 =	vld [tilespmem:s28+$0xD120];
	(erf) = vpow2.f32 v17;
	v18 =	vmul.f32 v21, v11;
	v16 =	vadd.f32 v23, v16  }
0x487: {  	v21 =	vmul.f32 v22, v11;
	(erf) = vpow2.f32 v20;
	v22 =	vpop (erf);
	v20 =	vld [tilespmem:s28+$0xD110]  }
0x488: {  	v15 =	vmul.f32 $1.442695020e+00, v15;
	v18 =	vmul.f32 $1.442695020e+00, v18;
	v63 =	vadd.f32 v22, v16;
	v22 =	vld [tilespmem:s28+$0xD100]  }
0x489: {  	(erf) = vpow2.f32 v19;
	v23 =	vld [tilespmem:s28+$0xD160]  }
0x48a: {  	v17 =	vmul.f32 v25, v11;
	v27 =	vpop (erf);
	(erf) = vpow2.f32 v15  }
0x48b: {  	v19 =	vmul.f32 v26, v11;
	v15 =	vimm.f32 $0.0e+00;
	(erf) = vpow2.f32 v18;
	v16 =	vpop (erf)  }
0x48c: {  	s26 =	simm.s32 $0x3000;
	v25 =	vmul.f32 $1.442695020e+00, v21;
	v24 =	vmul.f32 v24, v11;
	v21 =	vadd.f32 v27, v63;
	v18 =	vpop (erf)  }
.LBB2_23:
0x48d: {  	s28 =	sshra.s32 s26, $0x2;
	p1 =	sne.s32 s26, $0x33000;
	s26 =	sadd.s32 $0x1000, s26;
	v22 =	vmul.f32 v22, v11;
	v20 =	vmul.f32 v20, v11  }
0x48e: {  	v26 =	vld [tilespmem:s28+$0xD170];
	v23 =	vmul.f32 v23, v11;
	(erf) = vpow2.f32 v25;
	v25 =	vpop (erf);
	v21 =	vadd.f32 v13, v21  }
0x48f: {  	v13 =	vmov v18;
	v27 =	vld [tilespmem:s28+$0xD150];
	v30 =	vmul.f32 $1.442695020e+00, v22;
	v28 =	vmul.f32 $1.442695020e+00, v20;
	v29 =	vpop (erf)  }
0x490: {  	v20 =	vmul.f32 $1.442695020e+00, v24;
	v18 =	vld [tilespmem:s28+$0xD140];
	v23 =	vmul.f32 $1.442695020e+00, v23;
	v21 =	vadd.f32 v14, v21;
	v14 =	vpop (erf)  }
0x491: {  	v19 =	vmul.f32 $1.442695020e+00, v19;
	v24 =	vld [tilespmem:s28+$0xD130];
	(erf) = vpow2.f32 v30;
	v22 =	vpop (erf)  }
0x492: {  	v31 =	vmul.f32 $1.442695020e+00, v17;
	v30 =	vld [tilespmem:s28+$0xD120];
	(erf) = vpow2.f32 v20;
	v17 =	vadd.f32 v22, v25;
	v25 =	vpop (erf)  }
0x493: {  	v33 =	vadd.f32 v12, v21;
	v20 =	vld [tilespmem:s28+$0xD110];
	v26 =	vmul.f32 v26, v11;
	(erf) = vpow2.f32 v23;
	v32 =	vpop (erf)  }
.Ltmp12:
0x494: {  	v22 =	vld [tilespmem:s28+$0xD100];
	v21 =	vmul.f32 v27, v11;
	(erf) = vpow2.f32 v28;
	v27 =	vpop (erf);
	v28 =	vadd.f32 v29, v17;
	(pc) =	sbr.rel @p1 .LBB2_23-.Ltmp12, $4  }
0x495: {  	v12 =	vmovc v16;
	v15 =	vadd.f32 v33, v15;
	v23 =	vld [tilespmem:s28+$0xD160];
	v26 =	vmul.f32 $1.442695020e+00, v26;
	(erf) = vpow2.f32 v19;
	v16 =	vmovc v27  }
0x496: {  	v17 =	vmul.f32 v18, v11;
	(erf) = vpow2.f32 v31;
	v27 =	vadd.f32 v25, v28  }
0x497: {  	v19 =	vmul.f32 v24, v11;
	(erf) = vpow2.f32 v26;
	v18 =	vpop (erf)  }
0x498: {  	v25 =	vmul.f32 $1.442695020e+00, v21;
	v24 =	vmul.f32 v30, v11;
	v21 =	vadd.f32 v32, v27  }
0x499: {  	v22 =	vmul.f32 v22, v11  }
0x49a: {  	v20 =	vmul.f32 v20, v11  }
0x49b: {  	v11 =	vmul.f32 v23, v11;
	v22 =	vmul.f32 $1.442695020e+00, v22  }
0x49c: {  	v23 =	vmul.f32 $1.442695020e+00, v24  }
0x49d: {  	(erf) = vpow2.f32 v25;
	v11 =	vmul.f32 $1.442695020e+00, v11  }
0x49e: {  	v20 =	vmul.f32 $1.442695020e+00, v20;
	(erf) = vpow2.f32 v22  }
0x49f: {  	v22 =	vpop (erf);
	(erf) = vpow2.f32 v23  }
0x4a0: {  	v23 =	vpop (erf);
	(erf) = vpow2.f32 v11  }
0x4a1: {  	v11 =	vpop (erf);
	(erf) = vpow2.f32 v20  }
0x4a2: {  	v19 =	vmul.f32 $1.442695020e+00, v19;
	v20 =	vpop (erf)  }
0x4a3: {  	v17 =	vmul.f32 $1.442695020e+00, v17;
	v24 =	vpop (erf)  }
0x4a4: {  	v25 =	vpop (erf)  }
0x4a5: {  	v26 =	vpop (erf);
	(erf) = vpow2.f32 v19  }
0x4a6: {  	v19 =	vpop (erf)  }
0x4a7: {  	(erf) = vpow2.f32 v17;
	v17 =	vpop (erf)  }
0x4a8: {  	v27 =	vpop (erf)  }
0x4a9: {  	v20 =	vadd.f32 v20, v22;
	v22 =	vpop (erf)  }
0x4aa: {  	v28 =	vpop (erf)  }
0x4ab: {  	v20 =	vadd.f32 v23, v20;
	v17 =	vadd.f32 v28, v17;
	_ =	sdelay $0x1  }
0x4ac: {  	v20 =	vadd.f32 v24, v20;
	v17 =	vadd.f32 v27, v17  }
0x4ad: {  	v13 =	vadd.f32 v13, v21;
	v21 =	vpop (erf)  }
0x4ae: {  	v20 =	vadd.f32 v25, v20;
	v17 =	vadd.f32 v21, v17  }
0x4af: {  	s26 =	sshll.u32 s25, $0x4;
	v13 =	vadd.f32 v14, v13;
	v14 =	vpop (erf)  }
0x4b0: {  	v18 =	vadd.f32 v18, v20;
	v14 =	vadd.f32 v14, v17;
	v17 =	vmov s26  }
0x4b1: {  	v12 =	vadd.f32 v12, v13;
	v13 =	vshrl.u32 v17, $0x7  }
0x4b2: {  	v11 =	vadd.f32 v11, v18;
	v14 =	vadd.f32 v19, v14;
	v13 =	vshll.u32 v13, $0x7  }
0x4b3: {  	v12 =	vadd.f32 v12, v15;
	v13 =	vbroadcast v13, $0x0  }
0x4b4: {  	v11 =	vadd.f32 v16, v11;
	v14 =	vadd.f32 v22, v14  }
0x4b5: {  	s28 =	sshll.u32 s25, $0x7;
	v13 =	vor.u32 v4, v13  }
0x4b6: {  	v11 =	vadd.f32 v11, v12;
	v12 =	vadd.f32 v26, v14;
	v14 =	vor.u32 s28, v2;
	_ =	sdelay $0x1  }
0x4b7: {  	v11 =	vadd.f32 v12, v11;
	_ =	sdelay $0x1  }
0x4b8: {  	[tilespmem:v13+s18+$0x0] =	vst.idx.add.f32.msk $0xffff, v11  }
0x4b9: {  	v11 =	vld.idx.msk [tilespmem:v14+s15+$0x0], $0xffff;
	_ =	sdelay $0x4  }
0x4ba: {  	v11 =	vsub.s32 v11, v10  }
0x4bb: {  	vm1 =	vgt.s32 v11, $0x0  }
0x4bc: {  	v12 =	vnsel vm1, $0x0, v11  }
0x4bd: {  	v12 =	vmin.u32 v12, $0x19FF  }
0x4be: {  	v14 =	vshll.u32 v12, $0x3  }
0x4bf: {  	v12 =	vand.u32 $0x7F, v12;
	v14 =	vand.u32 $0xFC00, v14  }
0x4c0: {  	v12 =	vor.u32 v14, v12  }
0x4c1: {  	v12 =	vor.u32 $0x100, v12;
	_ =	sdelay $0x1  }
0x4c2: {  	s25 =	sor.u32 $0x3, s24  }
0x4c3: {  	s29 =	sadd.s32 s5, s25  }
0x4c4: {  	v14 =	vmov s29  }
0x4c5: {  	v14 =	vand.u32 $0xFFFFFFFB, v14;
	v12 =	vld.idx.msk [tilespmem:v12+s16+$0x0], $0xffff  }
0x4c6: {  	v14 =	vbroadcast v14, $0x0;
	_ =	sdelay $0x1  }
0x4c7: {  	vm1 =	vlt.u32 v11, $0x1A00  }
0x4c8: {  	vm1 =	vmand vm1, vm0  }
0x4c9: {  	v11 =	vnsel vm1, $0x0, v12  }
0x4ca: {  	[tilespmem:v13+s19+$0x0] =	vst.idx.add.f32.msk $0xffff, v11  }
0x4cb: {  	s30 =	simm.s32 $0x0;
	v11 =	vld.idx.msk [tilespmem:v14+s13+$0x0], $0xffff  }
0x4cc: {  	v12 =	vld [tilespmem:s30+$0xD1F0]  }
0x4cd: {  	v13 =	vld [tilespmem:s30+$0xD1D0]  }
0x4ce: {  	v14 =	vld [tilespmem:s30+$0xD1C0]  }
0x4cf: {  	v15 =	vld [tilespmem:s30+$0xD1B0]  }
0x4d0: {  	v17 =	vld [tilespmem:s30+$0xD190]  }
0x4d1: {  	v16 =	vld [tilespmem:s30+$0xD1A0]  }
0x4d2: {  	v18 =	vld [tilespmem:s30+$0xD180];
	v12 =	vmul.f32 v12, v11  }
0x4d3: {  	v19 =	vld [tilespmem:s30+$0xD1E0];
	v13 =	vmul.f32 v13, v11  }
0x4d4: {  	v14 =	vmul.f32 v14, v11;
	v12 =	vmul.f32 $1.442695020e+00, v12  }
0x4d5: {  	v15 =	vmul.f32 v15, v11;
	v17 =	vmul.f32 v17, v11  }
0x4d6: {  	v13 =	vmul.f32 $1.442695020e+00, v13;
	(erf) = vpow2.f32 v12  }
0x4d7: {  	s31 =	simm.s32 $0x400;
	v12 =	vmul.f32 v16, v11;
	v16 =	vmul.f32 v18, v11  }
0x4d8: {  	v19 =	vmul.f32 v19, v11;
	v17 =	vmul.f32 $1.442695020e+00, v17;
	v18 =	vld [tilespmem:s31+$0xD1F0]  }
0x4d9: {  	(erf) = vpow2.f32 v13;
	v13 =	vld [tilespmem:s31+$0xD1D0];
	v16 =	vmul.f32 $1.442695020e+00, v16  }
0x4da: {  	v19 =	vmul.f32 $1.442695020e+00, v19;
	v12 =	vmul.f32 $1.442695020e+00, v12  }
0x4db: {  	v15 =	vmul.f32 $1.442695020e+00, v15;
	(erf) = vpow2.f32 v16  }
0x4dc: {  	v14 =	vmul.f32 $1.442695020e+00, v14;
	v16 =	vld [tilespmem:s31+$0xD1A0];
	(erf) = vpow2.f32 v12  }
0x4dd: {  	v12 =	vmul.f32 v18, v11;
	v18 =	vld [tilespmem:s31+$0xD180];
	(erf) = vpow2.f32 v19  }
0x4de: {  	v13 =	vmul.f32 v13, v11;
	(erf) = vpow2.f32 v17  }
0x4df: {  	v20 =	vld [tilespmem:s31+$0xD1C0];
	v12 =	vmul.f32 $1.442695020e+00, v12;
	(erf) = vpow2.f32 v15  }
0x4e0: {  	v21 =	vld [tilespmem:s31+$0xD1B0];
	(erf) = vpow2.f32 v14  }
0x4e1: {  	v22 =	vld [tilespmem:s31+$0xD190];
	v14 =	vmul.f32 v16, v11;
	v16 =	vmul.f32 $1.442695020e+00, v13  }
0x4e2: {  	v17 =	vld [tilespmem:s31+$0xD1E0];
	v18 =	vmul.f32 v18, v11  }
0x4e3: {  	(erf) = vpow2.f32 v12;
	v12 =	vpop (erf)  }
0x4e4: {  	v13 =	vpop (erf);
	v18 =	vmul.f32 $1.442695020e+00, v18  }
0x4e5: {  	s28 =	simm.s32 $0x800;
	v19 =	vmul.f32 v21, v11;
	(erf) = vpow2.f32 v16;
	v16 =	vpop (erf)  }
0x4e6: {  	v21 =	vld [tilespmem:s28+$0xD1F0];
	v15 =	vmul.f32 v20, v11;
	v20 =	vmul.f32 v22, v11;
	v23 =	vpop (erf)  }
0x4e7: {  	v22 =	vld [tilespmem:s28+$0xD1D0];
	v24 =	vmul.f32 $1.442695020e+00, v14;
	v17 =	vmul.f32 v17, v11;
	v14 =	vpop (erf)  }
0x4e8: {  	(erf) = vpow2.f32 v18;
	v18 =	vpop (erf)  }
0x4e9: {  	v25 =	vld [tilespmem:s28+$0xD1C0];
	v19 =	vmul.f32 $1.442695020e+00, v19;
	v17 =	vmul.f32 $1.442695020e+00, v17;
	v16 =	vadd.f32 v18, v16  }
0x4ea: {  	v26 =	vld [tilespmem:s28+$0xD1B0];
	v20 =	vmul.f32 $1.442695020e+00, v20;
	(erf) = vpow2.f32 v24  }
0x4eb: {  	v24 =	vld [tilespmem:s28+$0xD1A0];
	(erf) = vpow2.f32 v17;
	v18 =	vmul.f32 v21, v11;
	v16 =	vadd.f32 v23, v16  }
0x4ec: {  	v21 =	vmul.f32 v22, v11;
	(erf) = vpow2.f32 v20;
	v22 =	vpop (erf);
	v20 =	vld [tilespmem:s28+$0xD190]  }
0x4ed: {  	v15 =	vmul.f32 $1.442695020e+00, v15;
	v18 =	vmul.f32 $1.442695020e+00, v18;
	v63 =	vadd.f32 v22, v16;
	v22 =	vld [tilespmem:s28+$0xD180]  }
0x4ee: {  	(erf) = vpow2.f32 v19;
	v23 =	vld [tilespmem:s28+$0xD1E0]  }
0x4ef: {  	v17 =	vmul.f32 v25, v11;
	v27 =	vpop (erf);
	(erf) = vpow2.f32 v15  }
0x4f0: {  	v19 =	vmul.f32 v26, v11;
	v15 =	vimm.f32 $0.0e+00;
	(erf) = vpow2.f32 v18;
	v16 =	vpop (erf)  }
0x4f1: {  	s26 =	simm.s32 $0x3000;
	v25 =	vmul.f32 $1.442695020e+00, v21;
	v24 =	vmul.f32 v24, v11;
	v21 =	vadd.f32 v27, v63;
	v18 =	vpop (erf)  }
.LBB2_25:
0x4f2: {  	s28 =	sshra.s32 s26, $0x2;
	p1 =	sne.s32 s26, $0x33000;
	s26 =	sadd.s32 $0x1000, s26;
	v22 =	vmul.f32 v22, v11;
	v20 =	vmul.f32 v20, v11  }
0x4f3: {  	v26 =	vld [tilespmem:s28+$0xD1F0];
	v23 =	vmul.f32 v23, v11;
	(erf) = vpow2.f32 v25;
	v25 =	vpop (erf);
	v21 =	vadd.f32 v13, v21  }
0x4f4: {  	v13 =	vmov v18;
	v27 =	vld [tilespmem:s28+$0xD1D0];
	v30 =	vmul.f32 $1.442695020e+00, v22;
	v28 =	vmul.f32 $1.442695020e+00, v20;
	v29 =	vpop (erf)  }
0x4f5: {  	v20 =	vmul.f32 $1.442695020e+00, v24;
	v18 =	vld [tilespmem:s28+$0xD1C0];
	v23 =	vmul.f32 $1.442695020e+00, v23;
	v21 =	vadd.f32 v14, v21;
	v14 =	vpop (erf)  }
0x4f6: {  	v19 =	vmul.f32 $1.442695020e+00, v19;
	v24 =	vld [tilespmem:s28+$0xD1B0];
	(erf) = vpow2.f32 v30;
	v22 =	vpop (erf)  }
0x4f7: {  	v31 =	vmul.f32 $1.442695020e+00, v17;
	v30 =	vld [tilespmem:s28+$0xD1A0];
	(erf) = vpow2.f32 v20;
	v17 =	vadd.f32 v22, v25;
	v25 =	vpop (erf)  }
0x4f8: {  	v33 =	vadd.f32 v12, v21;
	v20 =	vld [tilespmem:s28+$0xD190];
	v26 =	vmul.f32 v26, v11;
	(erf) = vpow2.f32 v23;
	v32 =	vpop (erf)  }
.Ltmp13:
0x4f9: {  	v22 =	vld [tilespmem:s28+$0xD180];
	v21 =	vmul.f32 v27, v11;
	(erf) = vpow2.f32 v28;
	v27 =	vpop (erf);
	v28 =	vadd.f32 v29, v17;
	(pc) =	sbr.rel @p1 .LBB2_25-.Ltmp13, $4  }
0x4fa: {  	v12 =	vmovc v16;
	v15 =	vadd.f32 v33, v15;
	v23 =	vld [tilespmem:s28+$0xD1E0];
	v26 =	vmul.f32 $1.442695020e+00, v26;
	(erf) = vpow2.f32 v19;
	v16 =	vmovc v27  }
0x4fb: {  	v17 =	vmul.f32 v18, v11;
	(erf) = vpow2.f32 v31;
	v27 =	vadd.f32 v25, v28  }
0x4fc: {  	v19 =	vmul.f32 v24, v11;
	(erf) = vpow2.f32 v26;
	v18 =	vpop (erf)  }
0x4fd: {  	v25 =	vmul.f32 $1.442695020e+00, v21;
	v24 =	vmul.f32 v30, v11;
	v21 =	vadd.f32 v32, v27  }
0x4fe: {  	v22 =	vmul.f32 v22, v11  }
0x4ff: {  	v20 =	vmul.f32 v20, v11  }
0x500: {  	v11 =	vmul.f32 v23, v11;
	v22 =	vmul.f32 $1.442695020e+00, v22  }
0x501: {  	v23 =	vmul.f32 $1.442695020e+00, v24  }
0x502: {  	(erf) = vpow2.f32 v25;
	v11 =	vmul.f32 $1.442695020e+00, v11  }
0x503: {  	v20 =	vmul.f32 $1.442695020e+00, v20;
	(erf) = vpow2.f32 v22  }
0x504: {  	v22 =	vpop (erf);
	(erf) = vpow2.f32 v23  }
0x505: {  	v23 =	vpop (erf);
	(erf) = vpow2.f32 v11  }
0x506: {  	v11 =	vpop (erf);
	(erf) = vpow2.f32 v20  }
0x507: {  	v19 =	vmul.f32 $1.442695020e+00, v19;
	v20 =	vpop (erf)  }
0x508: {  	v17 =	vmul.f32 $1.442695020e+00, v17;
	v24 =	vpop (erf)  }
0x509: {  	v25 =	vpop (erf)  }
0x50a: {  	v26 =	vpop (erf);
	(erf) = vpow2.f32 v19  }
0x50b: {  	v19 =	vpop (erf)  }
0x50c: {  	(erf) = vpow2.f32 v17;
	v17 =	vpop (erf)  }
0x50d: {  	v27 =	vpop (erf)  }
0x50e: {  	v20 =	vadd.f32 v20, v22;
	v22 =	vpop (erf)  }
0x50f: {  	v28 =	vpop (erf)  }
0x510: {  	v20 =	vadd.f32 v23, v20;
	v17 =	vadd.f32 v28, v17;
	_ =	sdelay $0x1  }
0x511: {  	v20 =	vadd.f32 v24, v20;
	v17 =	vadd.f32 v27, v17  }
0x512: {  	v13 =	vadd.f32 v13, v21;
	v21 =	vpop (erf)  }
0x513: {  	v20 =	vadd.f32 v25, v20;
	v17 =	vadd.f32 v21, v17  }
0x514: {  	s26 =	sshll.u32 s25, $0x4;
	v13 =	vadd.f32 v14, v13;
	v14 =	vpop (erf)  }
0x515: {  	v18 =	vadd.f32 v18, v20;
	v14 =	vadd.f32 v14, v17;
	v17 =	vmov s26  }
0x516: {  	v12 =	vadd.f32 v12, v13;
	v13 =	vshrl.u32 v17, $0x7  }
0x517: {  	v11 =	vadd.f32 v11, v18;
	v14 =	vadd.f32 v19, v14;
	v13 =	vshll.u32 v13, $0x7  }
0x518: {  	v12 =	vadd.f32 v12, v15;
	v13 =	vbroadcast v13, $0x0  }
0x519: {  	v11 =	vadd.f32 v16, v11;
	v14 =	vadd.f32 v22, v14  }
0x51a: {  	s28 =	sshll.u32 s25, $0x7;
	v13 =	vor.u32 v5, v13  }
0x51b: {  	v11 =	vadd.f32 v11, v12;
	v12 =	vadd.f32 v26, v14;
	v14 =	vor.u32 s28, v2;
	_ =	sdelay $0x1  }
0x51c: {  	v11 =	vadd.f32 v12, v11;
	_ =	sdelay $0x1  }
0x51d: {  	[tilespmem:v13+s18+$0x0] =	vst.idx.add.f32.msk $0xffff, v11  }
0x51e: {  	v11 =	vld.idx.msk [tilespmem:v14+s15+$0x0], $0xffff;
	_ =	sdelay $0x4  }
0x51f: {  	v11 =	vsub.s32 v11, v10  }
0x520: {  	vm1 =	vgt.s32 v11, $0x0  }
0x521: {  	v12 =	vnsel vm1, $0x0, v11  }
0x522: {  	v12 =	vmin.u32 v12, $0x19FF  }
0x523: {  	v14 =	vshll.u32 v12, $0x3  }
0x524: {  	v12 =	vand.u32 $0x7F, v12;
	v14 =	vand.u32 $0xFC00, v14  }
0x525: {  	v12 =	vor.u32 v14, v12  }
0x526: {  	v12 =	vor.u32 $0x180, v12;
	_ =	sdelay $0x1  }
0x527: {  	s25 =	sor.u32 $0x4, s24  }
0x528: {  	s29 =	sadd.s32 s5, s25  }
0x529: {  	v14 =	vmov s29  }
0x52a: {  	v14 =	vand.u32 $0xFFFFFFFC, v14;
	v12 =	vld.idx.msk [tilespmem:v12+s16+$0x0], $0xffff  }
0x52b: {  	v14 =	vbroadcast v14, $0x0;
	_ =	sdelay $0x1  }
0x52c: {  	vm1 =	vlt.u32 v11, $0x1A00  }
0x52d: {  	vm1 =	vmand vm1, vm0  }
0x52e: {  	v11 =	vnsel vm1, $0x0, v12  }
0x52f: {  	[tilespmem:v13+s19+$0x0] =	vst.idx.add.f32.msk $0xffff, v11  }
0x530: {  	s30 =	simm.s32 $0x0;
	v11 =	vld.idx.msk [tilespmem:v14+s13+$0x0], $0xffff  }
0x531: {  	v12 =	vld [tilespmem:s30+$0xD270]  }
0x532: {  	v13 =	vld [tilespmem:s30+$0xD250]  }
0x533: {  	v14 =	vld [tilespmem:s30+$0xD240]  }
0x534: {  	v15 =	vld [tilespmem:s30+$0xD230]  }
0x535: {  	v17 =	vld [tilespmem:s30+$0xD210]  }
0x536: {  	v16 =	vld [tilespmem:s30+$0xD220]  }
0x537: {  	v18 =	vld [tilespmem:s30+$0xD200];
	v12 =	vmul.f32 v12, v11  }
0x538: {  	v19 =	vld [tilespmem:s30+$0xD260];
	v13 =	vmul.f32 v13, v11  }
0x539: {  	v14 =	vmul.f32 v14, v11;
	v12 =	vmul.f32 $1.442695020e+00, v12  }
0x53a: {  	v15 =	vmul.f32 v15, v11;
	v17 =	vmul.f32 v17, v11  }
0x53b: {  	v13 =	vmul.f32 $1.442695020e+00, v13;
	(erf) = vpow2.f32 v12  }
0x53c: {  	s31 =	simm.s32 $0x400;
	v12 =	vmul.f32 v16, v11;
	v16 =	vmul.f32 v18, v11  }
0x53d: {  	v19 =	vmul.f32 v19, v11;
	v17 =	vmul.f32 $1.442695020e+00, v17;
	v18 =	vld [tilespmem:s31+$0xD270]  }
0x53e: {  	(erf) = vpow2.f32 v13;
	v13 =	vld [tilespmem:s31+$0xD250];
	v16 =	vmul.f32 $1.442695020e+00, v16  }
0x53f: {  	v19 =	vmul.f32 $1.442695020e+00, v19;
	v12 =	vmul.f32 $1.442695020e+00, v12  }
0x540: {  	v15 =	vmul.f32 $1.442695020e+00, v15;
	(erf) = vpow2.f32 v16  }
0x541: {  	v14 =	vmul.f32 $1.442695020e+00, v14;
	v16 =	vld [tilespmem:s31+$0xD220];
	(erf) = vpow2.f32 v12  }
0x542: {  	v12 =	vmul.f32 v18, v11;
	v18 =	vld [tilespmem:s31+$0xD200];
	(erf) = vpow2.f32 v19  }
0x543: {  	v13 =	vmul.f32 v13, v11;
	(erf) = vpow2.f32 v17  }
0x544: {  	v20 =	vld [tilespmem:s31+$0xD240];
	v12 =	vmul.f32 $1.442695020e+00, v12;
	(erf) = vpow2.f32 v15  }
0x545: {  	v21 =	vld [tilespmem:s31+$0xD230];
	(erf) = vpow2.f32 v14  }
0x546: {  	v22 =	vld [tilespmem:s31+$0xD210];
	v14 =	vmul.f32 v16, v11;
	v16 =	vmul.f32 $1.442695020e+00, v13  }
0x547: {  	v17 =	vld [tilespmem:s31+$0xD260];
	v18 =	vmul.f32 v18, v11  }
0x548: {  	(erf) = vpow2.f32 v12;
	v12 =	vpop (erf)  }
0x549: {  	v13 =	vpop (erf);
	v18 =	vmul.f32 $1.442695020e+00, v18  }
0x54a: {  	s28 =	simm.s32 $0x800;
	v19 =	vmul.f32 v21, v11;
	(erf) = vpow2.f32 v16;
	v16 =	vpop (erf)  }
0x54b: {  	v21 =	vld [tilespmem:s28+$0xD270];
	v15 =	vmul.f32 v20, v11;
	v20 =	vmul.f32 v22, v11;
	v23 =	vpop (erf)  }
0x54c: {  	v22 =	vld [tilespmem:s28+$0xD250];
	v24 =	vmul.f32 $1.442695020e+00, v14;
	v17 =	vmul.f32 v17, v11;
	v14 =	vpop (erf)  }
0x54d: {  	(erf) = vpow2.f32 v18;
	v18 =	vpop (erf)  }
0x54e: {  	v25 =	vld [tilespmem:s28+$0xD240];
	v19 =	vmul.f32 $1.442695020e+00, v19;
	v17 =	vmul.f32 $1.442695020e+00, v17;
	v16 =	vadd.f32 v18, v16  }
0x54f: {  	v26 =	vld [tilespmem:s28+$0xD230];
	v20 =	vmul.f32 $1.442695020e+00, v20;
	(erf) = vpow2.f32 v24  }
0x550: {  	v24 =	vld [tilespmem:s28+$0xD220];
	(erf) = vpow2.f32 v17;
	v18 =	vmul.f32 v21, v11;
	v16 =	vadd.f32 v23, v16  }
0x551: {  	v21 =	vmul.f32 v22, v11;
	(erf) = vpow2.f32 v20;
	v22 =	vpop (erf);
	v20 =	vld [tilespmem:s28+$0xD210]  }
0x552: {  	v15 =	vmul.f32 $1.442695020e+00, v15;
	v18 =	vmul.f32 $1.442695020e+00, v18;
	v63 =	vadd.f32 v22, v16;
	v22 =	vld [tilespmem:s28+$0xD200]  }
0x553: {  	(erf) = vpow2.f32 v19;
	v23 =	vld [tilespmem:s28+$0xD260]  }
0x554: {  	v17 =	vmul.f32 v25, v11;
	v27 =	vpop (erf);
	(erf) = vpow2.f32 v15  }
0x555: {  	v19 =	vmul.f32 v26, v11;
	v15 =	vimm.f32 $0.0e+00;
	(erf) = vpow2.f32 v18;
	v16 =	vpop (erf)  }
0x556: {  	s26 =	simm.s32 $0x3000;
	v25 =	vmul.f32 $1.442695020e+00, v21;
	v24 =	vmul.f32 v24, v11;
	v21 =	vadd.f32 v27, v63;
	v18 =	vpop (erf)  }
.LBB2_27:
0x557: {  	s28 =	sshra.s32 s26, $0x2;
	p1 =	sne.s32 s26, $0x33000;
	s26 =	sadd.s32 $0x1000, s26;
	v22 =	vmul.f32 v22, v11;
	v20 =	vmul.f32 v20, v11  }
0x558: {  	v26 =	vld [tilespmem:s28+$0xD270];
	v23 =	vmul.f32 v23, v11;
	(erf) = vpow2.f32 v25;
	v25 =	vpop (erf);
	v21 =	vadd.f32 v13, v21  }
0x559: {  	v13 =	vmov v18;
	v27 =	vld [tilespmem:s28+$0xD250];
	v30 =	vmul.f32 $1.442695020e+00, v22;
	v28 =	vmul.f32 $1.442695020e+00, v20;
	v29 =	vpop (erf)  }
0x55a: {  	v20 =	vmul.f32 $1.442695020e+00, v24;
	v18 =	vld [tilespmem:s28+$0xD240];
	v23 =	vmul.f32 $1.442695020e+00, v23;
	v21 =	vadd.f32 v14, v21;
	v14 =	vpop (erf)  }
0x55b: {  	v19 =	vmul.f32 $1.442695020e+00, v19;
	v24 =	vld [tilespmem:s28+$0xD230];
	(erf) = vpow2.f32 v30;
	v22 =	vpop (erf)  }
0x55c: {  	v31 =	vmul.f32 $1.442695020e+00, v17;
	v30 =	vld [tilespmem:s28+$0xD220];
	(erf) = vpow2.f32 v20;
	v17 =	vadd.f32 v22, v25;
	v25 =	vpop (erf)  }
0x55d: {  	v33 =	vadd.f32 v12, v21;
	v20 =	vld [tilespmem:s28+$0xD210];
	v26 =	vmul.f32 v26, v11;
	(erf) = vpow2.f32 v23;
	v32 =	vpop (erf)  }
.Ltmp14:
0x55e: {  	v22 =	vld [tilespmem:s28+$0xD200];
	v21 =	vmul.f32 v27, v11;
	(erf) = vpow2.f32 v28;
	v27 =	vpop (erf);
	v28 =	vadd.f32 v29, v17;
	(pc) =	sbr.rel @p1 .LBB2_27-.Ltmp14, $4  }
0x55f: {  	v12 =	vmovc v16;
	v15 =	vadd.f32 v33, v15;
	v23 =	vld [tilespmem:s28+$0xD260];
	v26 =	vmul.f32 $1.442695020e+00, v26;
	(erf) = vpow2.f32 v19;
	v16 =	vmovc v27  }
0x560: {  	v17 =	vmul.f32 v18, v11;
	(erf) = vpow2.f32 v31;
	v27 =	vadd.f32 v25, v28  }
0x561: {  	v19 =	vmul.f32 v24, v11;
	(erf) = vpow2.f32 v26;
	v18 =	vpop (erf)  }
0x562: {  	v25 =	vmul.f32 $1.442695020e+00, v21;
	v24 =	vmul.f32 v30, v11;
	v21 =	vadd.f32 v32, v27  }
0x563: {  	v22 =	vmul.f32 v22, v11  }
0x564: {  	v20 =	vmul.f32 v20, v11  }
0x565: {  	v11 =	vmul.f32 v23, v11;
	v22 =	vmul.f32 $1.442695020e+00, v22  }
0x566: {  	v23 =	vmul.f32 $1.442695020e+00, v24  }
0x567: {  	(erf) = vpow2.f32 v25;
	v11 =	vmul.f32 $1.442695020e+00, v11  }
0x568: {  	v20 =	vmul.f32 $1.442695020e+00, v20;
	(erf) = vpow2.f32 v22  }
0x569: {  	v22 =	vpop (erf);
	(erf) = vpow2.f32 v23  }
0x56a: {  	v23 =	vpop (erf);
	(erf) = vpow2.f32 v11  }
0x56b: {  	v11 =	vpop (erf);
	(erf) = vpow2.f32 v20  }
0x56c: {  	v19 =	vmul.f32 $1.442695020e+00, v19;
	v20 =	vpop (erf)  }
0x56d: {  	v17 =	vmul.f32 $1.442695020e+00, v17;
	v24 =	vpop (erf)  }
0x56e: {  	v25 =	vpop (erf)  }
0x56f: {  	v26 =	vpop (erf);
	(erf) = vpow2.f32 v19  }
0x570: {  	v19 =	vpop (erf)  }
0x571: {  	(erf) = vpow2.f32 v17;
	v17 =	vpop (erf)  }
0x572: {  	v27 =	vpop (erf)  }
0x573: {  	v20 =	vadd.f32 v20, v22;
	v22 =	vpop (erf)  }
0x574: {  	v28 =	vpop (erf)  }
0x575: {  	v20 =	vadd.f32 v23, v20;
	v17 =	vadd.f32 v28, v17;
	_ =	sdelay $0x1  }
0x576: {  	v20 =	vadd.f32 v24, v20;
	v17 =	vadd.f32 v27, v17  }
0x577: {  	v13 =	vadd.f32 v13, v21;
	v21 =	vpop (erf)  }
0x578: {  	v20 =	vadd.f32 v25, v20;
	v17 =	vadd.f32 v21, v17  }
0x579: {  	s26 =	sshll.u32 s25, $0x4;
	v13 =	vadd.f32 v14, v13;
	v14 =	vpop (erf)  }
0x57a: {  	v18 =	vadd.f32 v18, v20;
	v14 =	vadd.f32 v14, v17;
	v17 =	vmov s26  }
0x57b: {  	v12 =	vadd.f32 v12, v13;
	v13 =	vshrl.u32 v17, $0x7  }
0x57c: {  	v11 =	vadd.f32 v11, v18;
	v14 =	vadd.f32 v19, v14;
	v13 =	vshll.u32 v13, $0x7  }
0x57d: {  	v12 =	vadd.f32 v12, v15;
	v13 =	vbroadcast v13, $0x0  }
0x57e: {  	v11 =	vadd.f32 v16, v11;
	v14 =	vadd.f32 v22, v14  }
0x57f: {  	s28 =	sshll.u32 s25, $0x7;
	v13 =	vor.u32 v6, v13  }
0x580: {  	v11 =	vadd.f32 v11, v12;
	v12 =	vadd.f32 v26, v14;
	v14 =	vor.u32 s28, v2;
	_ =	sdelay $0x1  }
0x581: {  	v11 =	vadd.f32 v12, v11;
	_ =	sdelay $0x1  }
0x582: {  	[tilespmem:v13+s18+$0x0] =	vst.idx.add.f32.msk $0xffff, v11  }
0x583: {  	v11 =	vld.idx.msk [tilespmem:v14+s15+$0x0], $0xffff;
	_ =	sdelay $0x4  }
0x584: {  	v11 =	vsub.s32 v11, v10  }
0x585: {  	vm1 =	vgt.s32 v11, $0x0  }
0x586: {  	v12 =	vnsel vm1, $0x0, v11  }
0x587: {  	v12 =	vmin.u32 v12, $0x19FF  }
0x588: {  	v14 =	vshll.u32 v12, $0x3  }
0x589: {  	v12 =	vand.u32 $0x7F, v12;
	v14 =	vand.u32 $0xFC00, v14  }
0x58a: {  	v12 =	vor.u32 v14, v12  }
0x58b: {  	v12 =	vor.u32 $0x200, v12;
	_ =	sdelay $0x1  }
0x58c: {  	s25 =	sor.u32 $0x5, s24  }
0x58d: {  	s29 =	sadd.s32 s5, s25  }
0x58e: {  	v14 =	vmov s29  }
0x58f: {  	v14 =	vand.u32 $0xFFFFFFFD, v14;
	v12 =	vld.idx.msk [tilespmem:v12+s16+$0x0], $0xffff  }
0x590: {  	v14 =	vbroadcast v14, $0x0;
	_ =	sdelay $0x1  }
0x591: {  	vm1 =	vlt.u32 v11, $0x1A00  }
0x592: {  	vm1 =	vmand vm1, vm0  }
0x593: {  	v11 =	vnsel vm1, $0x0, v12  }
0x594: {  	[tilespmem:v13+s19+$0x0] =	vst.idx.add.f32.msk $0xffff, v11  }
0x595: {  	s30 =	simm.s32 $0x0;
	v11 =	vld.idx.msk [tilespmem:v14+s13+$0x0], $0xffff  }
0x596: {  	v12 =	vld [tilespmem:s30+$0xD2F0]  }
0x597: {  	v13 =	vld [tilespmem:s30+$0xD2D0]  }
0x598: {  	v14 =	vld [tilespmem:s30+$0xD2C0]  }
0x599: {  	v15 =	vld [tilespmem:s30+$0xD2B0]  }
0x59a: {  	v17 =	vld [tilespmem:s30+$0xD290]  }
0x59b: {  	v16 =	vld [tilespmem:s30+$0xD2A0]  }
0x59c: {  	v18 =	vld [tilespmem:s30+$0xD280];
	v12 =	vmul.f32 v12, v11  }
0x59d: {  	v19 =	vld [tilespmem:s30+$0xD2E0];
	v13 =	vmul.f32 v13, v11  }
0x59e: {  	v14 =	vmul.f32 v14, v11;
	v12 =	vmul.f32 $1.442695020e+00, v12  }
0x59f: {  	v15 =	vmul.f32 v15, v11;
	v17 =	vmul.f32 v17, v11  }
0x5a0: {  	v13 =	vmul.f32 $1.442695020e+00, v13;
	(erf) = vpow2.f32 v12  }
0x5a1: {  	s31 =	simm.s32 $0x400;
	v12 =	vmul.f32 v16, v11;
	v16 =	vmul.f32 v18, v11  }
0x5a2: {  	v19 =	vmul.f32 v19, v11;
	v17 =	vmul.f32 $1.442695020e+00, v17;
	v18 =	vld [tilespmem:s31+$0xD2F0]  }
0x5a3: {  	(erf) = vpow2.f32 v13;
	v13 =	vld [tilespmem:s31+$0xD2D0];
	v16 =	vmul.f32 $1.442695020e+00, v16  }
0x5a4: {  	v19 =	vmul.f32 $1.442695020e+00, v19;
	v12 =	vmul.f32 $1.442695020e+00, v12  }
0x5a5: {  	v15 =	vmul.f32 $1.442695020e+00, v15;
	(erf) = vpow2.f32 v16  }
0x5a6: {  	v14 =	vmul.f32 $1.442695020e+00, v14;
	v16 =	vld [tilespmem:s31+$0xD2A0];
	(erf) = vpow2.f32 v12  }
0x5a7: {  	v12 =	vmul.f32 v18, v11;
	v18 =	vld [tilespmem:s31+$0xD280];
	(erf) = vpow2.f32 v19  }
0x5a8: {  	v13 =	vmul.f32 v13, v11;
	(erf) = vpow2.f32 v17  }
0x5a9: {  	v20 =	vld [tilespmem:s31+$0xD2C0];
	v12 =	vmul.f32 $1.442695020e+00, v12;
	(erf) = vpow2.f32 v15  }
0x5aa: {  	v21 =	vld [tilespmem:s31+$0xD2B0];
	(erf) = vpow2.f32 v14  }
0x5ab: {  	v22 =	vld [tilespmem:s31+$0xD290];
	v14 =	vmul.f32 v16, v11;
	v16 =	vmul.f32 $1.442695020e+00, v13  }
0x5ac: {  	v17 =	vld [tilespmem:s31+$0xD2E0];
	v18 =	vmul.f32 v18, v11  }
0x5ad: {  	(erf) = vpow2.f32 v12;
	v12 =	vpop (erf)  }
0x5ae: {  	v13 =	vpop (erf);
	v18 =	vmul.f32 $1.442695020e+00, v18  }
0x5af: {  	s28 =	simm.s32 $0x800;
	v19 =	vmul.f32 v21, v11;
	(erf) = vpow2.f32 v16;
	v16 =	vpop (erf)  }
0x5b0: {  	v21 =	vld [tilespmem:s28+$0xD2F0];
	v15 =	vmul.f32 v20, v11;
	v20 =	vmul.f32 v22, v11;
	v23 =	vpop (erf)  }
0x5b1: {  	v22 =	vld [tilespmem:s28+$0xD2D0];
	v24 =	vmul.f32 $1.442695020e+00, v14;
	v17 =	vmul.f32 v17, v11;
	v14 =	vpop (erf)  }
0x5b2: {  	(erf) = vpow2.f32 v18;
	v18 =	vpop (erf)  }
0x5b3: {  	v25 =	vld [tilespmem:s28+$0xD2C0];
	v19 =	vmul.f32 $1.442695020e+00, v19;
	v17 =	vmul.f32 $1.442695020e+00, v17;
	v16 =	vadd.f32 v18, v16  }
0x5b4: {  	v26 =	vld [tilespmem:s28+$0xD2B0];
	v20 =	vmul.f32 $1.442695020e+00, v20;
	(erf) = vpow2.f32 v24  }
0x5b5: {  	v24 =	vld [tilespmem:s28+$0xD2A0];
	(erf) = vpow2.f32 v17;
	v18 =	vmul.f32 v21, v11;
	v16 =	vadd.f32 v23, v16  }
0x5b6: {  	v21 =	vmul.f32 v22, v11;
	(erf) = vpow2.f32 v20;
	v22 =	vpop (erf);
	v20 =	vld [tilespmem:s28+$0xD290]  }
0x5b7: {  	v15 =	vmul.f32 $1.442695020e+00, v15;
	v18 =	vmul.f32 $1.442695020e+00, v18;
	v63 =	vadd.f32 v22, v16;
	v22 =	vld [tilespmem:s28+$0xD280]  }
0x5b8: {  	(erf) = vpow2.f32 v19;
	v23 =	vld [tilespmem:s28+$0xD2E0]  }
0x5b9: {  	v17 =	vmul.f32 v25, v11;
	v27 =	vpop (erf);
	(erf) = vpow2.f32 v15  }
0x5ba: {  	v19 =	vmul.f32 v26, v11;
	v15 =	vimm.f32 $0.0e+00;
	(erf) = vpow2.f32 v18;
	v16 =	vpop (erf)  }
0x5bb: {  	s26 =	simm.s32 $0x3000;
	v25 =	vmul.f32 $1.442695020e+00, v21;
	v24 =	vmul.f32 v24, v11;
	v21 =	vadd.f32 v27, v63;
	v18 =	vpop (erf)  }
.LBB2_29:
0x5bc: {  	s28 =	sshra.s32 s26, $0x2;
	p1 =	sne.s32 s26, $0x33000;
	s26 =	sadd.s32 $0x1000, s26;
	v22 =	vmul.f32 v22, v11;
	v20 =	vmul.f32 v20, v11  }
0x5bd: {  	v26 =	vld [tilespmem:s28+$0xD2F0];
	v23 =	vmul.f32 v23, v11;
	(erf) = vpow2.f32 v25;
	v25 =	vpop (erf);
	v21 =	vadd.f32 v13, v21  }
0x5be: {  	v13 =	vmov v18;
	v27 =	vld [tilespmem:s28+$0xD2D0];
	v30 =	vmul.f32 $1.442695020e+00, v22;
	v28 =	vmul.f32 $1.442695020e+00, v20;
	v29 =	vpop (erf)  }
0x5bf: {  	v20 =	vmul.f32 $1.442695020e+00, v24;
	v18 =	vld [tilespmem:s28+$0xD2C0];
	v23 =	vmul.f32 $1.442695020e+00, v23;
	v21 =	vadd.f32 v14, v21;
	v14 =	vpop (erf)  }
0x5c0: {  	v19 =	vmul.f32 $1.442695020e+00, v19;
	v24 =	vld [tilespmem:s28+$0xD2B0];
	(erf) = vpow2.f32 v30;
	v22 =	vpop (erf)  }
0x5c1: {  	v31 =	vmul.f32 $1.442695020e+00, v17;
	v30 =	vld [tilespmem:s28+$0xD2A0];
	(erf) = vpow2.f32 v20;
	v17 =	vadd.f32 v22, v25;
	v25 =	vpop (erf)  }
0x5c2: {  	v33 =	vadd.f32 v12, v21;
	v20 =	vld [tilespmem:s28+$0xD290];
	v26 =	vmul.f32 v26, v11;
	(erf) = vpow2.f32 v23;
	v32 =	vpop (erf)  }
.Ltmp15:
0x5c3: {  	v22 =	vld [tilespmem:s28+$0xD280];
	v21 =	vmul.f32 v27, v11;
	(erf) = vpow2.f32 v28;
	v27 =	vpop (erf);
	v28 =	vadd.f32 v29, v17;
	(pc) =	sbr.rel @p1 .LBB2_29-.Ltmp15, $4  }
0x5c4: {  	v12 =	vmovc v16;
	v15 =	vadd.f32 v33, v15;
	v23 =	vld [tilespmem:s28+$0xD2E0];
	v26 =	vmul.f32 $1.442695020e+00, v26;
	(erf) = vpow2.f32 v19;
	v16 =	vmovc v27  }
0x5c5: {  	v17 =	vmul.f32 v18, v11;
	(erf) = vpow2.f32 v31;
	v27 =	vadd.f32 v25, v28  }
0x5c6: {  	v19 =	vmul.f32 v24, v11;
	(erf) = vpow2.f32 v26;
	v18 =	vpop (erf)  }
0x5c7: {  	v25 =	vmul.f32 $1.442695020e+00, v21;
	v24 =	vmul.f32 v30, v11;
	v21 =	vadd.f32 v32, v27  }
0x5c8: {  	v22 =	vmul.f32 v22, v11  }
0x5c9: {  	v20 =	vmul.f32 v20, v11  }
0x5ca: {  	v11 =	vmul.f32 v23, v11;
	v22 =	vmul.f32 $1.442695020e+00, v22  }
0x5cb: {  	v23 =	vmul.f32 $1.442695020e+00, v24  }
0x5cc: {  	(erf) = vpow2.f32 v25;
	v11 =	vmul.f32 $1.442695020e+00, v11  }
0x5cd: {  	v20 =	vmul.f32 $1.442695020e+00, v20;
	(erf) = vpow2.f32 v22  }
0x5ce: {  	v22 =	vpop (erf);
	(erf) = vpow2.f32 v23  }
0x5cf: {  	v23 =	vpop (erf);
	(erf) = vpow2.f32 v11  }
0x5d0: {  	v11 =	vpop (erf);
	(erf) = vpow2.f32 v20  }
0x5d1: {  	v19 =	vmul.f32 $1.442695020e+00, v19;
	v20 =	vpop (erf)  }
0x5d2: {  	v17 =	vmul.f32 $1.442695020e+00, v17;
	v24 =	vpop (erf)  }
0x5d3: {  	v25 =	vpop (erf)  }
0x5d4: {  	v26 =	vpop (erf);
	(erf) = vpow2.f32 v19  }
0x5d5: {  	v19 =	vpop (erf)  }
0x5d6: {  	(erf) = vpow2.f32 v17;
	v17 =	vpop (erf)  }
0x5d7: {  	v27 =	vpop (erf)  }
0x5d8: {  	v20 =	vadd.f32 v20, v22;
	v22 =	vpop (erf)  }
0x5d9: {  	v28 =	vpop (erf)  }
0x5da: {  	v20 =	vadd.f32 v23, v20;
	v17 =	vadd.f32 v28, v17;
	_ =	sdelay $0x1  }
0x5db: {  	v20 =	vadd.f32 v24, v20;
	v17 =	vadd.f32 v27, v17  }
0x5dc: {  	v13 =	vadd.f32 v13, v21;
	v21 =	vpop (erf)  }
0x5dd: {  	v20 =	vadd.f32 v25, v20;
	v17 =	vadd.f32 v21, v17  }
0x5de: {  	s26 =	sshll.u32 s25, $0x4;
	v13 =	vadd.f32 v14, v13;
	v14 =	vpop (erf)  }
0x5df: {  	v18 =	vadd.f32 v18, v20;
	v14 =	vadd.f32 v14, v17;
	v17 =	vmov s26  }
0x5e0: {  	v12 =	vadd.f32 v12, v13;
	v13 =	vshrl.u32 v17, $0x7  }
0x5e1: {  	v11 =	vadd.f32 v11, v18;
	v14 =	vadd.f32 v19, v14;
	v13 =	vshll.u32 v13, $0x7  }
0x5e2: {  	v12 =	vadd.f32 v12, v15;
	v13 =	vbroadcast v13, $0x0  }
0x5e3: {  	v11 =	vadd.f32 v16, v11;
	v14 =	vadd.f32 v22, v14  }
0x5e4: {  	s28 =	sshll.u32 s25, $0x7;
	v13 =	vor.u32 v7, v13  }
0x5e5: {  	v11 =	vadd.f32 v11, v12;
	v12 =	vadd.f32 v26, v14;
	v14 =	vor.u32 s28, v2;
	_ =	sdelay $0x1  }
0x5e6: {  	v11 =	vadd.f32 v12, v11;
	_ =	sdelay $0x1  }
0x5e7: {  	[tilespmem:v13+s18+$0x0] =	vst.idx.add.f32.msk $0xffff, v11  }
0x5e8: {  	v11 =	vld.idx.msk [tilespmem:v14+s15+$0x0], $0xffff;
	_ =	sdelay $0x4  }
0x5e9: {  	v11 =	vsub.s32 v11, v10  }
0x5ea: {  	vm1 =	vgt.s32 v11, $0x0  }
0x5eb: {  	v12 =	vnsel vm1, $0x0, v11  }
0x5ec: {  	v12 =	vmin.u32 v12, $0x19FF  }
0x5ed: {  	v14 =	vshll.u32 v12, $0x3  }
0x5ee: {  	v12 =	vand.u32 $0x7F, v12;
	v14 =	vand.u32 $0xFC00, v14  }
0x5ef: {  	v12 =	vor.u32 v14, v12  }
0x5f0: {  	v12 =	vor.u32 $0x280, v12;
	_ =	sdelay $0x1  }
0x5f1: {  	s25 =	sor.u32 $0x6, s24  }
0x5f2: {  	s29 =	sadd.s32 s5, s25  }
0x5f3: {  	v14 =	vmov s29  }
0x5f4: {  	v14 =	vand.u32 $0xFFFFFFFE, v14;
	v12 =	vld.idx.msk [tilespmem:v12+s16+$0x0], $0xffff  }
0x5f5: {  	v14 =	vbroadcast v14, $0x0;
	_ =	sdelay $0x1  }
0x5f6: {  	vm1 =	vlt.u32 v11, $0x1A00  }
0x5f7: {  	vm1 =	vmand vm1, vm0  }
0x5f8: {  	v11 =	vnsel vm1, $0x0, v12  }
0x5f9: {  	[tilespmem:v13+s19+$0x0] =	vst.idx.add.f32.msk $0xffff, v11  }
0x5fa: {  	s30 =	simm.s32 $0x0;
	v11 =	vld.idx.msk [tilespmem:v14+s13+$0x0], $0xffff  }
0x5fb: {  	v12 =	vld [tilespmem:s30+$0xD370]  }
0x5fc: {  	v13 =	vld [tilespmem:s30+$0xD350]  }
0x5fd: {  	v14 =	vld [tilespmem:s30+$0xD340]  }
0x5fe: {  	v15 =	vld [tilespmem:s30+$0xD330]  }
0x5ff: {  	v17 =	vld [tilespmem:s30+$0xD310]  }
0x600: {  	v16 =	vld [tilespmem:s30+$0xD320]  }
0x601: {  	v18 =	vld [tilespmem:s30+$0xD300];
	v12 =	vmul.f32 v12, v11  }
0x602: {  	v19 =	vld [tilespmem:s30+$0xD360];
	v13 =	vmul.f32 v13, v11  }
0x603: {  	v14 =	vmul.f32 v14, v11;
	v12 =	vmul.f32 $1.442695020e+00, v12  }
0x604: {  	v15 =	vmul.f32 v15, v11;
	v17 =	vmul.f32 v17, v11  }
0x605: {  	v13 =	vmul.f32 $1.442695020e+00, v13;
	(erf) = vpow2.f32 v12  }
0x606: {  	s31 =	simm.s32 $0x400;
	v12 =	vmul.f32 v16, v11;
	v16 =	vmul.f32 v18, v11  }
0x607: {  	v19 =	vmul.f32 v19, v11;
	v17 =	vmul.f32 $1.442695020e+00, v17;
	v18 =	vld [tilespmem:s31+$0xD370]  }
0x608: {  	(erf) = vpow2.f32 v13;
	v13 =	vld [tilespmem:s31+$0xD350];
	v16 =	vmul.f32 $1.442695020e+00, v16  }
0x609: {  	v19 =	vmul.f32 $1.442695020e+00, v19;
	v12 =	vmul.f32 $1.442695020e+00, v12  }
0x60a: {  	v15 =	vmul.f32 $1.442695020e+00, v15;
	(erf) = vpow2.f32 v16  }
0x60b: {  	v14 =	vmul.f32 $1.442695020e+00, v14;
	v16 =	vld [tilespmem:s31+$0xD320];
	(erf) = vpow2.f32 v12  }
0x60c: {  	v12 =	vmul.f32 v18, v11;
	v18 =	vld [tilespmem:s31+$0xD300];
	(erf) = vpow2.f32 v19  }
0x60d: {  	v13 =	vmul.f32 v13, v11;
	(erf) = vpow2.f32 v17  }
0x60e: {  	v20 =	vld [tilespmem:s31+$0xD340];
	v12 =	vmul.f32 $1.442695020e+00, v12;
	(erf) = vpow2.f32 v15  }
0x60f: {  	v21 =	vld [tilespmem:s31+$0xD330];
	(erf) = vpow2.f32 v14  }
0x610: {  	v22 =	vld [tilespmem:s31+$0xD310];
	v14 =	vmul.f32 v16, v11;
	v16 =	vmul.f32 $1.442695020e+00, v13  }
0x611: {  	v17 =	vld [tilespmem:s31+$0xD360];
	v18 =	vmul.f32 v18, v11  }
0x612: {  	(erf) = vpow2.f32 v12;
	v12 =	vpop (erf)  }
0x613: {  	v13 =	vpop (erf);
	v18 =	vmul.f32 $1.442695020e+00, v18  }
0x614: {  	s28 =	simm.s32 $0x800;
	v19 =	vmul.f32 v21, v11;
	(erf) = vpow2.f32 v16;
	v16 =	vpop (erf)  }
0x615: {  	v21 =	vld [tilespmem:s28+$0xD370];
	v15 =	vmul.f32 v20, v11;
	v20 =	vmul.f32 v22, v11;
	v23 =	vpop (erf)  }
0x616: {  	v22 =	vld [tilespmem:s28+$0xD350];
	v24 =	vmul.f32 $1.442695020e+00, v14;
	v17 =	vmul.f32 v17, v11;
	v14 =	vpop (erf)  }
0x617: {  	(erf) = vpow2.f32 v18;
	v18 =	vpop (erf)  }
0x618: {  	v25 =	vld [tilespmem:s28+$0xD340];
	v19 =	vmul.f32 $1.442695020e+00, v19;
	v17 =	vmul.f32 $1.442695020e+00, v17;
	v16 =	vadd.f32 v18, v16  }
0x619: {  	v26 =	vld [tilespmem:s28+$0xD330];
	v20 =	vmul.f32 $1.442695020e+00, v20;
	(erf) = vpow2.f32 v24  }
0x61a: {  	v24 =	vld [tilespmem:s28+$0xD320];
	(erf) = vpow2.f32 v17;
	v18 =	vmul.f32 v21, v11;
	v16 =	vadd.f32 v23, v16  }
0x61b: {  	v21 =	vmul.f32 v22, v11;
	(erf) = vpow2.f32 v20;
	v22 =	vpop (erf);
	v20 =	vld [tilespmem:s28+$0xD310]  }
0x61c: {  	v15 =	vmul.f32 $1.442695020e+00, v15;
	v18 =	vmul.f32 $1.442695020e+00, v18;
	v63 =	vadd.f32 v22, v16;
	v22 =	vld [tilespmem:s28+$0xD300]  }
0x61d: {  	(erf) = vpow2.f32 v19;
	v23 =	vld [tilespmem:s28+$0xD360]  }
0x61e: {  	v17 =	vmul.f32 v25, v11;
	v27 =	vpop (erf);
	(erf) = vpow2.f32 v15  }
0x61f: {  	v19 =	vmul.f32 v26, v11;
	v15 =	vimm.f32 $0.0e+00;
	(erf) = vpow2.f32 v18;
	v16 =	vpop (erf)  }
0x620: {  	s26 =	simm.s32 $0x3000;
	v25 =	vmul.f32 $1.442695020e+00, v21;
	v24 =	vmul.f32 v24, v11;
	v21 =	vadd.f32 v27, v63;
	v18 =	vpop (erf)  }
.LBB2_31:
0x621: {  	s28 =	sshra.s32 s26, $0x2;
	p1 =	sne.s32 s26, $0x33000;
	s26 =	sadd.s32 $0x1000, s26;
	v22 =	vmul.f32 v22, v11;
	v20 =	vmul.f32 v20, v11  }
0x622: {  	v26 =	vld [tilespmem:s28+$0xD370];
	v23 =	vmul.f32 v23, v11;
	(erf) = vpow2.f32 v25;
	v25 =	vpop (erf);
	v21 =	vadd.f32 v13, v21  }
0x623: {  	v13 =	vmov v18;
	v27 =	vld [tilespmem:s28+$0xD350];
	v30 =	vmul.f32 $1.442695020e+00, v22;
	v28 =	vmul.f32 $1.442695020e+00, v20;
	v29 =	vpop (erf)  }
0x624: {  	v20 =	vmul.f32 $1.442695020e+00, v24;
	v18 =	vld [tilespmem:s28+$0xD340];
	v23 =	vmul.f32 $1.442695020e+00, v23;
	v21 =	vadd.f32 v14, v21;
	v14 =	vpop (erf)  }
0x625: {  	v19 =	vmul.f32 $1.442695020e+00, v19;
	v24 =	vld [tilespmem:s28+$0xD330];
	(erf) = vpow2.f32 v30;
	v22 =	vpop (erf)  }
0x626: {  	v31 =	vmul.f32 $1.442695020e+00, v17;
	v30 =	vld [tilespmem:s28+$0xD320];
	(erf) = vpow2.f32 v20;
	v17 =	vadd.f32 v22, v25;
	v25 =	vpop (erf)  }
0x627: {  	v33 =	vadd.f32 v12, v21;
	v20 =	vld [tilespmem:s28+$0xD310];
	v26 =	vmul.f32 v26, v11;
	(erf) = vpow2.f32 v23;
	v32 =	vpop (erf)  }
.Ltmp16:
0x628: {  	v22 =	vld [tilespmem:s28+$0xD300];
	v21 =	vmul.f32 v27, v11;
	(erf) = vpow2.f32 v28;
	v27 =	vpop (erf);
	v28 =	vadd.f32 v29, v17;
	(pc) =	sbr.rel @p1 .LBB2_31-.Ltmp16, $4  }
0x629: {  	v12 =	vmovc v16;
	v15 =	vadd.f32 v33, v15;
	v23 =	vld [tilespmem:s28+$0xD360];
	v26 =	vmul.f32 $1.442695020e+00, v26;
	(erf) = vpow2.f32 v19;
	v16 =	vmovc v27  }
0x62a: {  	v17 =	vmul.f32 v18, v11;
	(erf) = vpow2.f32 v31;
	v27 =	vadd.f32 v25, v28  }
0x62b: {  	v19 =	vmul.f32 v24, v11;
	(erf) = vpow2.f32 v26;
	v18 =	vpop (erf)  }
0x62c: {  	v25 =	vmul.f32 $1.442695020e+00, v21;
	v24 =	vmul.f32 v30, v11;
	v21 =	vadd.f32 v32, v27  }
0x62d: {  	v22 =	vmul.f32 v22, v11  }
0x62e: {  	v20 =	vmul.f32 v20, v11  }
0x62f: {  	v11 =	vmul.f32 v23, v11;
	v22 =	vmul.f32 $1.442695020e+00, v22  }
0x630: {  	v23 =	vmul.f32 $1.442695020e+00, v24  }
0x631: {  	(erf) = vpow2.f32 v25;
	v11 =	vmul.f32 $1.442695020e+00, v11  }
0x632: {  	v20 =	vmul.f32 $1.442695020e+00, v20;
	(erf) = vpow2.f32 v22  }
0x633: {  	v22 =	vpop (erf);
	(erf) = vpow2.f32 v23  }
0x634: {  	v23 =	vpop (erf);
	(erf) = vpow2.f32 v11  }
0x635: {  	v11 =	vpop (erf);
	(erf) = vpow2.f32 v20  }
0x636: {  	v19 =	vmul.f32 $1.442695020e+00, v19;
	v20 =	vpop (erf)  }
0x637: {  	v17 =	vmul.f32 $1.442695020e+00, v17;
	v24 =	vpop (erf)  }
0x638: {  	v25 =	vpop (erf)  }
0x639: {  	v26 =	vpop (erf);
	(erf) = vpow2.f32 v19  }
0x63a: {  	v19 =	vpop (erf)  }
0x63b: {  	(erf) = vpow2.f32 v17;
	v17 =	vpop (erf)  }
0x63c: {  	v27 =	vpop (erf)  }
0x63d: {  	v20 =	vadd.f32 v20, v22;
	v22 =	vpop (erf)  }
0x63e: {  	v28 =	vpop (erf)  }
0x63f: {  	v20 =	vadd.f32 v23, v20;
	v17 =	vadd.f32 v28, v17;
	_ =	sdelay $0x1  }
0x640: {  	v20 =	vadd.f32 v24, v20;
	v17 =	vadd.f32 v27, v17  }
0x641: {  	v13 =	vadd.f32 v13, v21;
	v21 =	vpop (erf)  }
0x642: {  	v20 =	vadd.f32 v25, v20;
	v17 =	vadd.f32 v21, v17  }
0x643: {  	s26 =	sshll.u32 s25, $0x4;
	v13 =	vadd.f32 v14, v13;
	v14 =	vpop (erf)  }
0x644: {  	v18 =	vadd.f32 v18, v20;
	v14 =	vadd.f32 v14, v17;
	v17 =	vmov s26  }
0x645: {  	v12 =	vadd.f32 v12, v13;
	v13 =	vshrl.u32 v17, $0x7  }
0x646: {  	v11 =	vadd.f32 v11, v18;
	v14 =	vadd.f32 v19, v14;
	v13 =	vshll.u32 v13, $0x7  }
0x647: {  	v12 =	vadd.f32 v12, v15;
	v13 =	vbroadcast v13, $0x0  }
0x648: {  	v11 =	vadd.f32 v16, v11;
	v14 =	vadd.f32 v22, v14  }
0x649: {  	s26 =	sshll.u32 s25, $0x7;
	v13 =	vor.u32 v8, v13  }
0x64a: {  	v11 =	vadd.f32 v11, v12;
	v12 =	vadd.f32 v26, v14;
	v14 =	vor.u32 s26, v2;
	_ =	sdelay $0x1  }
0x64b: {  	v11 =	vadd.f32 v12, v11;
	_ =	sdelay $0x1  }
0x64c: {  	[tilespmem:v13+s18+$0x0] =	vst.idx.add.f32.msk $0xffff, v11  }
0x64d: {  	v11 =	vld.idx.msk [tilespmem:v14+s15+$0x0], $0xffff;
	_ =	sdelay $0x4  }
0x64e: {  	v11 =	vsub.s32 v11, v10  }
0x64f: {  	vm1 =	vgt.s32 v11, $0x0  }
0x650: {  	v12 =	vnsel vm1, $0x0, v11  }
0x651: {  	v12 =	vmin.u32 v12, $0x19FF  }
0x652: {  	v14 =	vshll.u32 v12, $0x3  }
0x653: {  	v12 =	vand.u32 $0x7F, v12;
	v14 =	vand.u32 $0xFC00, v14  }
0x654: {  	v12 =	vor.u32 v14, v12  }
0x655: {  	v12 =	vor.u32 $0x300, v12;
	_ =	sdelay $0x4  }
0x656: {  	s24 =	sor.u32 $0x7, s24;
	v12 =	vld.idx.msk [tilespmem:v12+s16+$0x0], $0xffff  }
0x657: {  	s28 =	sadd.s32 s5, s24  }
0x658: {  	v14 =	vmov s28  }
0x659: {  	vm1 =	vlt.u32 v11, $0x1A00  }
0x65a: {  	vm1 =	vmand vm1, vm0  }
0x65b: {  	v11 =	vnsel vm1, $0x0, v12  }
0x65c: {  	[tilespmem:v13+s19+$0x0] =	vst.idx.add.f32.msk $0xffff, v11  }
0x65d: {  	s29 =	simm.s32 $0x0;
	v11 =	vld.idx.msk [tilespmem:v14+s13+$0x0], $0xffff  }
0x65e: {  	v12 =	vld [tilespmem:s29+$0xD3F0]  }
0x65f: {  	v13 =	vld [tilespmem:s29+$0xD3D0]  }
0x660: {  	v14 =	vld [tilespmem:s29+$0xD3C0]  }
0x661: {  	v15 =	vld [tilespmem:s29+$0xD3B0]  }
0x662: {  	v17 =	vld [tilespmem:s29+$0xD390]  }
0x663: {  	v16 =	vld [tilespmem:s29+$0xD3A0]  }
0x664: {  	v18 =	vld [tilespmem:s29+$0xD380];
	v12 =	vmul.f32 v12, v11  }
0x665: {  	v19 =	vld [tilespmem:s29+$0xD3E0];
	v13 =	vmul.f32 v13, v11  }
0x666: {  	v14 =	vmul.f32 v14, v11;
	v12 =	vmul.f32 $1.442695020e+00, v12  }
0x667: {  	v15 =	vmul.f32 v15, v11;
	v17 =	vmul.f32 v17, v11  }
0x668: {  	v13 =	vmul.f32 $1.442695020e+00, v13;
	(erf) = vpow2.f32 v12  }
0x669: {  	s30 =	simm.s32 $0x400;
	v12 =	vmul.f32 v16, v11;
	v16 =	vmul.f32 v18, v11  }
0x66a: {  	v19 =	vmul.f32 v19, v11;
	v17 =	vmul.f32 $1.442695020e+00, v17;
	v18 =	vld [tilespmem:s30+$0xD3F0]  }
0x66b: {  	(erf) = vpow2.f32 v13;
	v13 =	vld [tilespmem:s30+$0xD3D0];
	v16 =	vmul.f32 $1.442695020e+00, v16  }
0x66c: {  	v19 =	vmul.f32 $1.442695020e+00, v19;
	v12 =	vmul.f32 $1.442695020e+00, v12  }
0x66d: {  	v15 =	vmul.f32 $1.442695020e+00, v15;
	(erf) = vpow2.f32 v16  }
0x66e: {  	v14 =	vmul.f32 $1.442695020e+00, v14;
	v16 =	vld [tilespmem:s30+$0xD3A0];
	(erf) = vpow2.f32 v12  }
0x66f: {  	v12 =	vmul.f32 v18, v11;
	v18 =	vld [tilespmem:s30+$0xD380];
	(erf) = vpow2.f32 v19  }
0x670: {  	v13 =	vmul.f32 v13, v11;
	(erf) = vpow2.f32 v17  }
0x671: {  	v20 =	vld [tilespmem:s30+$0xD3C0];
	v12 =	vmul.f32 $1.442695020e+00, v12;
	(erf) = vpow2.f32 v15  }
0x672: {  	v21 =	vld [tilespmem:s30+$0xD3B0];
	(erf) = vpow2.f32 v14  }
0x673: {  	v22 =	vld [tilespmem:s30+$0xD390];
	v14 =	vmul.f32 v16, v11;
	v16 =	vmul.f32 $1.442695020e+00, v13  }
0x674: {  	v17 =	vld [tilespmem:s30+$0xD3E0];
	v18 =	vmul.f32 v18, v11  }
0x675: {  	(erf) = vpow2.f32 v12;
	v12 =	vpop (erf)  }
0x676: {  	v13 =	vpop (erf);
	v18 =	vmul.f32 $1.442695020e+00, v18  }
0x677: {  	s31 =	simm.s32 $0x800;
	v19 =	vmul.f32 v21, v11;
	(erf) = vpow2.f32 v16;
	v16 =	vpop (erf)  }
0x678: {  	v21 =	vld [tilespmem:s31+$0xD3F0];
	v15 =	vmul.f32 v20, v11;
	v20 =	vmul.f32 v22, v11;
	v23 =	vpop (erf)  }
0x679: {  	v22 =	vld [tilespmem:s31+$0xD3D0];
	v24 =	vmul.f32 $1.442695020e+00, v14;
	v17 =	vmul.f32 v17, v11;
	v14 =	vpop (erf)  }
0x67a: {  	(erf) = vpow2.f32 v18;
	v18 =	vpop (erf)  }
0x67b: {  	v25 =	vld [tilespmem:s31+$0xD3C0];
	v19 =	vmul.f32 $1.442695020e+00, v19;
	v17 =	vmul.f32 $1.442695020e+00, v17;
	v16 =	vadd.f32 v18, v16  }
0x67c: {  	v26 =	vld [tilespmem:s31+$0xD3B0];
	v20 =	vmul.f32 $1.442695020e+00, v20;
	(erf) = vpow2.f32 v24  }
0x67d: {  	v24 =	vld [tilespmem:s31+$0xD3A0];
	(erf) = vpow2.f32 v17;
	v18 =	vmul.f32 v21, v11;
	v16 =	vadd.f32 v23, v16  }
0x67e: {  	v21 =	vmul.f32 v22, v11;
	(erf) = vpow2.f32 v20;
	v22 =	vpop (erf);
	v20 =	vld [tilespmem:s31+$0xD390]  }
0x67f: {  	v15 =	vmul.f32 $1.442695020e+00, v15;
	v18 =	vmul.f32 $1.442695020e+00, v18;
	v63 =	vadd.f32 v22, v16;
	v22 =	vld [tilespmem:s31+$0xD380]  }
0x680: {  	(erf) = vpow2.f32 v19;
	v23 =	vld [tilespmem:s31+$0xD3E0]  }
0x681: {  	v17 =	vmul.f32 v25, v11;
	v27 =	vpop (erf);
	(erf) = vpow2.f32 v15  }
0x682: {  	v19 =	vmul.f32 v26, v11;
	v15 =	vimm.f32 $0.0e+00;
	(erf) = vpow2.f32 v18;
	v16 =	vpop (erf)  }
0x683: {  	s25 =	simm.s32 $0x3000;
	v25 =	vmul.f32 $1.442695020e+00, v21;
	v24 =	vmul.f32 v24, v11;
	v21 =	vadd.f32 v27, v63;
	v18 =	vpop (erf)  }
.LBB2_33:
0x684: {  	s26 =	sshra.s32 s25, $0x2;
	p1 =	sne.s32 s25, $0x33000;
	s25 =	sadd.s32 $0x1000, s25;
	v22 =	vmul.f32 v22, v11;
	v20 =	vmul.f32 v20, v11  }
0x685: {  	v26 =	vld [tilespmem:s26+$0xD3F0];
	v23 =	vmul.f32 v23, v11;
	(erf) = vpow2.f32 v25;
	v25 =	vpop (erf);
	v21 =	vadd.f32 v13, v21  }
0x686: {  	v13 =	vmov v18;
	v27 =	vld [tilespmem:s26+$0xD3D0];
	v30 =	vmul.f32 $1.442695020e+00, v22;
	v28 =	vmul.f32 $1.442695020e+00, v20;
	v29 =	vpop (erf)  }
0x687: {  	v20 =	vmul.f32 $1.442695020e+00, v24;
	v18 =	vld [tilespmem:s26+$0xD3C0];
	v23 =	vmul.f32 $1.442695020e+00, v23;
	v21 =	vadd.f32 v14, v21;
	v14 =	vpop (erf)  }
0x688: {  	v19 =	vmul.f32 $1.442695020e+00, v19;
	v24 =	vld [tilespmem:s26+$0xD3B0];
	(erf) = vpow2.f32 v30;
	v22 =	vpop (erf)  }
0x689: {  	v31 =	vmul.f32 $1.442695020e+00, v17;
	v30 =	vld [tilespmem:s26+$0xD3A0];
	(erf) = vpow2.f32 v20;
	v17 =	vadd.f32 v22, v25;
	v25 =	vpop (erf)  }
0x68a: {  	v33 =	vadd.f32 v12, v21;
	v20 =	vld [tilespmem:s26+$0xD390];
	v26 =	vmul.f32 v26, v11;
	(erf) = vpow2.f32 v23;
	v32 =	vpop (erf)  }
.Ltmp17:
0x68b: {  	v22 =	vld [tilespmem:s26+$0xD380];
	v21 =	vmul.f32 v27, v11;
	(erf) = vpow2.f32 v28;
	v27 =	vpop (erf);
	v28 =	vadd.f32 v29, v17;
	(pc) =	sbr.rel @p1 .LBB2_33-.Ltmp17, $4  }
0x68c: {  	v12 =	vmovc v16;
	v15 =	vadd.f32 v33, v15;
	v23 =	vld [tilespmem:s26+$0xD3E0];
	v26 =	vmul.f32 $1.442695020e+00, v26;
	(erf) = vpow2.f32 v19;
	v16 =	vmovc v27  }
0x68d: {  	v17 =	vmul.f32 v18, v11;
	(erf) = vpow2.f32 v31;
	v27 =	vadd.f32 v25, v28  }
0x68e: {  	v19 =	vmul.f32 v24, v11;
	(erf) = vpow2.f32 v26;
	v18 =	vpop (erf)  }
0x68f: {  	v25 =	vmul.f32 $1.442695020e+00, v21;
	v24 =	vmul.f32 v30, v11;
	v21 =	vadd.f32 v32, v27  }
0x690: {  	v22 =	vmul.f32 v22, v11  }
0x691: {  	v20 =	vmul.f32 v20, v11;
	v11 =	vmul.f32 v23, v11  }
0x692: {  	(erf) = vpow2.f32 v25;
	v22 =	vmul.f32 $1.442695020e+00, v22  }
0x693: {  	v48 =	vmul.f32 $1.442695020e+00, v24;
	v11 =	vmul.f32 $1.442695020e+00, v11  }
0x694: {  	(erf) = vpow2.f32 v22  }
0x695: {  	v49 =	vpop (erf);
	v20 =	vmul.f32 $1.442695020e+00, v20;
	(erf) = vpow2.f32 v48  }
0x696: {  	v50 =	vpop (erf);
	(erf) = vpow2.f32 v11  }
0x697: {  	v11 =	vpop (erf);
	(erf) = vpow2.f32 v20  }
0x698: {  	v51 =	vpop (erf)  }
0x699: {  	v19 =	vmul.f32 $1.442695020e+00, v19;
	v52 =	vpop (erf)  }
0x69a: {  	v53 =	vpop (erf)  }
0x69b: {  	v17 =	vmul.f32 $1.442695020e+00, v17;
	(erf) = vpow2.f32 v19;
	v26 =	vpop (erf)  }
0x69c: {  	v54 =	vpop (erf)  }
0x69d: {  	(erf) = vpow2.f32 v17;
	v55 =	vpop (erf)  }
0x69e: {  	v27 =	vpop (erf)  }
0x69f: {  	v20 =	vadd.f32 v51, v49;
	v56 =	vpop (erf)  }
0x6a0: {  	v28 =	vpop (erf)  }
0x6a1: {  	v20 =	vadd.f32 v50, v20;
	v17 =	vadd.f32 v28, v55;
	_ =	sdelay $0x1  }
0x6a2: {  	v20 =	vadd.f32 v52, v20;
	v17 =	vadd.f32 v27, v17  }
0x6a3: {  	v13 =	vadd.f32 v13, v21;
	v57 =	vpop (erf)  }
0x6a4: {  	v20 =	vadd.f32 v53, v20;
	v17 =	vadd.f32 v57, v17  }
0x6a5: {  	s25 =	sshll.u32 s24, $0x4;
	v13 =	vadd.f32 v14, v13;
	v58 =	vpop (erf)  }
0x6a6: {  	v59 =	vmov s25;
	v18 =	vadd.f32 v18, v20;
	v14 =	vadd.f32 v58, v17  }
0x6a7: {  	v60 =	vshrl.u32 v59, $0x7;
	v12 =	vadd.f32 v12, v13  }
0x6a8: {  	v13 =	vshll.u32 v60, $0x7;
	v11 =	vadd.f32 v11, v18;
	v14 =	vadd.f32 v54, v14  }
0x6a9: {  	v13 =	vbroadcast v13, $0x0;
	v12 =	vadd.f32 v12, v15  }
0x6aa: {  	v11 =	vadd.f32 v16, v11;
	v14 =	vadd.f32 v56, v14  }
0x6ab: {  	s31 =	sshll.u32 s24, $0x7;
	v13 =	vor.u32 v9, v13  }
0x6ac: {  	v62 =	vor.u32 s31, v2;
	v11 =	vadd.f32 v11, v12;
	v61 =	vadd.f32 v26, v14;
	_ =	sdelay $0x1  }
0x6ad: {  	v11 =	vadd.f32 v61, v11;
	_ =	sdelay $0x1  }
0x6ae: {  	[tilespmem:v13+s18+$0x0] =	vst.idx.add.f32.msk $0xffff, v11  }
0x6af: {  	v11 =	vld.idx.msk [tilespmem:v62+s15+$0x0], $0xffff;
	_ =	sdelay $0x4  }
0x6b0: {  	v10 =	vsub.s32 v11, v10  }
0x6b1: {  	vm1 =	vgt.s32 v10, $0x0  }
0x6b2: {  	v11 =	vnsel vm1, $0x0, v10  }
0x6b3: {  	v11 =	vmin.u32 v11, $0x19FF  }
0x6b4: {  	v63 =	vshll.u32 v11, $0x3  }
0x6b5: {  	v11 =	vand.u32 $0x7F, v11;
	v12 =	vand.u32 $0xFC00, v63  }
0x6b6: {  	v11 =	vor.u32 v12, v11  }
0x6b7: {  	v11 =	vor.u32 $0x380, v11;
	_ =	sdelay $0x4  }
0x6b8: {  	v11 =	vld.idx.msk [tilespmem:v11+s16+$0x0], $0xffff;
	_ =	sdelay $0x1  }
.Ltmp18:
0x6b9: {  	_ = 	snop;
	(pc) =	sbr.rel @p0 .LBB2_36-.Ltmp18, $4  }
0x6ba: {  	vm1 =	vlt.u32 v10, $0x1A00  }
0x6bb: {  	vm1 =	vmand vm1, vm0  }
0x6bc: {  	v10 =	vnsel vm1, $0x0, v11  }
0x6bd: {  	[tilespmem:v13+s19+$0x0] =	vst.idx.add.f32.msk $0xffff, v10  }
0x6be: {  	s23 =	sadd.s32 $0x3, s23  }
0x6bf: {  	s24 =	smulhi.u32 $0x88888889, s23;
	_ =	sdelay $0x1  }
0x6c0: {  	s24 =	sshrl.u32 s24, $0x3  }
0x6c1: {  	s25 =	smul.u32 $0xF, s24  }
0x6c2: {  	s24 =	sadd.s32 s9, s24  }
0x6c3: {  	s24 =	smul.u32 $0xC3800, s24;
	s23 =	ssub.s32 s23, s25  }
0x6c4: {  	s23 =	smul.u32 $0xD000, s23  }
.Ltmp19:
0x6c5: {  	_ = 	snop;
	(pc) =	sbr.rel .LBB2_2-.Ltmp19, $4  }
0x6c6: {  	s23 =	sadd.s32 s23, s24  }
0x6c7: {  	s23 =	sshrl.u32 s23, $0x3  }
0x6c8: {  	s22 =	sadd.s32 $0x1, s22;
	s23 =	sadd.s32 s3, s23  }
0x6c9: {  	[tilespmem:s16], [sflag:$0x2] =	stream.linear.gather [hbm4b:s23+s2], $0xD000, $0x38;
	[tilespmem:$0x1B800] =	vst v63  }
.LBB2_37:
0x6ca: {  	_ =	sfence.sel $0x180000  }
0x6cb: {  	[bflag:$0x0] =	sbarrier.arrive $0xFFFF  }
0x6cc: {  	p0 =	sne.s32 s1, $0x0;
	_ =	strace $0x90000047  }
0x6cd: {  	s0 =	sadd.s32 @!p0 $0x100000, s0;
	[bflag:$0x2] =	sbarrier.arrive $0xFFFF  }
0x6ce: {  	[sflag:s0] =	ssyncadd.tile.s32 @!p0 $0x1;
	_ =	shalt  }
.Lfunc_end2:
_tile_overlayer_lowered:
.L_overlay_start_2:
0x6cf: {  	(tag) =	ssettag $0x2  }
0x6d0: {  	s0 =	rddreg [dreg:$0x0];
	s2 =	stileid.u32  }
0x6d1: {  	s1 =	rddreg [dreg:$0x1];
	p0 =	sne.s32 s2, $0x0  }
0x6d2: {  	s3 =	rddreg [dreg:$0x2];
	[bflag:$0x3] =	sbarrier.arrive $0xFFFF;
	s2 =	simm.s32 @!p0 $0x1C03  }
0x6d3: {  	[timem:s3], [sflag:s2] =	dma.local @!p0 [hbm:s0], s1  }
0x6d4: {  	s0 =	simm.s32 @!p0 $0x3  }
0x6d5: {  	_ =	swait.ge @!p0 [sflag:s0], s1  }
0x6d6: {  	s1 =	ssub.s32 @!p0 $0x0, s1;
	[sflag:s0] =	ssyncset.done @!p0 $0x0  }
0x6d7: {  	[sflag:s0] =	ssyncadd.s32 @!p0 s1  }
0x6d8: {  	[bflag:$0x3] =	sbarrier.arrive $0xFFFF  }
0x6d9: {  	_ =	shalt  }

</sc_bundles>
